<compile_context>
chip_gen: v7x
topology: tpu7x:2x2x1
jax: 0.10.2.dev20260603
libtpu: 0.0.44.dev20260713+nightly
codegen_flags: <defaults>
</compile_context>

<pallas_src>
import functools

import jax
import jax.numpy as jnp
from jax import lax
from jax.experimental import pallas as pl
from jax.experimental.pallas import tpu as pltpu
from jax.experimental.pallas import tpu_sc as plsc

N = 10000
E = 320000
H = 128
DE = 4
L = 3
DLAT = 64
G = 64

NW = 32
EBLK = 128
NFULL = (E // NW) // EBLK
TAIL = E // NW - NFULL * EBLK
EMAIN = NW * NFULL * EBLK
RPS = 624

BE = 2000
BN = 2000


def _ln(x, g, b, eps=1e-05):
    mu = jnp.mean(x, axis=-1, keepdims=True)
    var = jnp.mean((x - mu) ** 2, axis=-1, keepdims=True)
    return (x - mu) / jnp.sqrt(var + eps) * g + b


def _silu(x):
    return x * jax.nn.sigmoid(x)



@functools.lru_cache(maxsize=None)
def _sc_gather_kernel():
    mesh = plsc.VectorSubcoreMesh(core_axis_name="c", subcore_axis_name="s")

    @functools.partial(
        pl.kernel,
        out_type=(
            jax.ShapeDtypeStruct((E, H), jnp.float32),
            jax.ShapeDtypeStruct((E, H), jnp.float32),
        ),
        mesh=mesh,
        scratch_types=[
            pltpu.VMEM((NFULL, EBLK), jnp.int32),
            pltpu.VMEM((NFULL, EBLK), jnp.int32),
            pltpu.VMEM((EBLK, H), jnp.float32),
            pltpu.VMEM((EBLK, H), jnp.float32),
            pltpu.VMEM((EBLK, H), jnp.float32),
            pltpu.VMEM((EBLK, H), jnp.float32),
            pltpu.VMEM((TAIL,), jnp.int32),
            pltpu.VMEM((TAIL,), jnp.int32),
            pltpu.VMEM((TAIL, H), jnp.float32),
            pltpu.VMEM((TAIL, H), jnp.float32),
        ] + [pltpu.SemaphoreType.DMA] * 8,
    )
    def k(h_hbm, src3_hbm, dst3_hbm, src_hbm, dst_hbm, os_hbm, od_hbm,
          is2, id2, bs0, bd0, bs1, bd1, si_t, di_t, sr_t, dr_t,
          gs0, gd0, gs1, gd1, ws0, wd0, ws1, wd1):
        wid = lax.axis_index("c") * 16 + lax.axis_index("s")
        base = wid * (NFULL * EBLK)
        pltpu.sync_copy(src3_hbm.at[wid], is2)
        pltpu.sync_copy(dst3_hbm.at[wid], id2)

        @pl.loop(0, NFULL // 2)
        def _(p):
            b0 = 2 * p
            b1 = b0 + 1
            o0 = base + b0 * EBLK
            o1 = base + b1 * EBLK

            @pl.when(p > 0)
            def _():
                pltpu.make_async_copy(bs0, os_hbm.at[pl.ds(o0 - 2 * EBLK, EBLK)],
                                      ws0).wait()
                pltpu.make_async_copy(bd0, od_hbm.at[pl.ds(o0 - 2 * EBLK, EBLK)],
                                      wd0).wait()

            g0 = pltpu.async_copy(h_hbm.at[is2.at[b0]], bs0, gs0)
            g1 = pltpu.async_copy(h_hbm.at[id2.at[b0]], bd0, gd0)

            @pl.when(p > 0)
            def _():
                pltpu.make_async_copy(bs1, os_hbm.at[pl.ds(o1 - 2 * EBLK, EBLK)],
                                      ws1).wait()
                pltpu.make_async_copy(bd1, od_hbm.at[pl.ds(o1 - 2 * EBLK, EBLK)],
                                      wd1).wait()

            g2 = pltpu.async_copy(h_hbm.at[is2.at[b1]], bs1, gs1)
            g3 = pltpu.async_copy(h_hbm.at[id2.at[b1]], bd1, gd1)
            g0.wait()
            g1.wait()
            pltpu.async_copy(bs0, os_hbm.at[pl.ds(o0, EBLK)], ws0)
            pltpu.async_copy(bd0, od_hbm.at[pl.ds(o0, EBLK)], wd0)
            g2.wait()
            g3.wait()
            pltpu.async_copy(bs1, os_hbm.at[pl.ds(o1, EBLK)], ws1)
            pltpu.async_copy(bd1, od_hbm.at[pl.ds(o1, EBLK)], wd1)

        lo0 = base + (NFULL - 2) * EBLK
        lo1 = base + (NFULL - 1) * EBLK
        pltpu.make_async_copy(bs0, os_hbm.at[pl.ds(lo0, EBLK)], ws0).wait()
        pltpu.make_async_copy(bd0, od_hbm.at[pl.ds(lo0, EBLK)], wd0).wait()
        pltpu.make_async_copy(bs1, os_hbm.at[pl.ds(lo1, EBLK)], ws1).wait()
        pltpu.make_async_copy(bd1, od_hbm.at[pl.ds(lo1, EBLK)], wd1).wait()

        tin = EMAIN + wid * TAIL
        pltpu.sync_copy(src_hbm.at[pl.ds(tin, TAIL)], si_t)
        pltpu.sync_copy(dst_hbm.at[pl.ds(tin, TAIL)], di_t)
        pltpu.sync_copy(h_hbm.at[si_t], sr_t)
        pltpu.sync_copy(h_hbm.at[di_t], dr_t)
        pltpu.sync_copy(sr_t, os_hbm.at[pl.ds(tin, TAIL)])
        pltpu.sync_copy(dr_t, od_hbm.at[pl.ds(tin, TAIL)])

    return k


def _sc_gather(h, src3, dst3, src, dst):
    return _sc_gather_kernel()(h, src3, dst3, src, dst)



@functools.lru_cache(maxsize=None)
def _sc_scatter_kernel():
    mesh = plsc.VectorSubcoreMesh(core_axis_name="c", subcore_axis_name="s")

    @functools.partial(
        pl.kernel,
        out_type=jax.ShapeDtypeStruct((2, N, H), jnp.float32),
        mesh=mesh,
        scratch_types=[
            pltpu.VMEM((NFULL, EBLK), jnp.int32),
            pltpu.VMEM((EBLK, H), jnp.float32),
            pltpu.VMEM((EBLK, H), jnp.float32),
            pltpu.VMEM((TAIL,), jnp.int32),
            pltpu.VMEM((TAIL, H), jnp.float32),
            pltpu.VMEM_SHARED((N, H), jnp.float32),
        ] + [pltpu.SemaphoreType.DMA] * 2,
    )
    def k(m_hbm, dst3_hbm, dst_hbm, z_hbm, out_hbm,
          id2, ba, bb, di_t, mr_t, acc_sh, sa, sb):
        cid = lax.axis_index("c")
        sid = lax.axis_index("s")
        wid = cid * 16 + sid
        r0 = sid * RPS

        @pl.when(sid < 15)
        def _():
            pltpu.sync_copy(z_hbm.at[pl.ds(r0, RPS)], acc_sh.at[pl.ds(r0, RPS)])

        @pl.when(sid == 15)
        def _():
            pltpu.sync_copy(z_hbm.at[pl.ds(15 * RPS, N - 15 * RPS)],
                            acc_sh.at[pl.ds(15 * RPS, N - 15 * RPS)])

        pltpu.sync_copy(dst3_hbm.at[wid], id2)
        plsc.subcore_barrier()

        base = wid * (NFULL * EBLK)
        pltpu.async_copy(m_hbm.at[pl.ds(base, EBLK)], ba, sa).wait()

        @pl.loop(0, NFULL // 2)
        def _(p):
            b0 = 2 * p
            o1 = base + (b0 + 1) * EBLK
            lb = pltpu.async_copy(m_hbm.at[pl.ds(o1, EBLK)], bb, sb)
            pltpu.sync_copy(ba, acc_sh.at[id2.at[b0]], add=True)
            lb.wait()

            @pl.when(p < NFULL // 2 - 1)
            def _():
                o2 = base + (b0 + 2) * EBLK
                la = pltpu.async_copy(m_hbm.at[pl.ds(o2, EBLK)], ba, sa)
                pltpu.sync_copy(bb, acc_sh.at[id2.at[b0 + 1]], add=True)
                la.wait()

            @pl.when(p == NFULL // 2 - 1)
            def _():
                pltpu.sync_copy(bb, acc_sh.at[id2.at[b0 + 1]], add=True)

        tin = EMAIN + wid * TAIL
        pltpu.sync_copy(dst_hbm.at[pl.ds(tin, TAIL)], di_t)
        pltpu.sync_copy(m_hbm.at[pl.ds(tin, TAIL)], mr_t)
        pltpu.sync_copy(mr_t, acc_sh.at[di_t], add=True)

        plsc.subcore_barrier()

        @pl.when(sid < 15)
        def _():
            pltpu.sync_copy(acc_sh.at[pl.ds(r0, RPS)],
                            out_hbm.at[cid, pl.ds(r0, RPS)])

        @pl.when(sid == 15)
        def _():
            pltpu.sync_copy(acc_sh.at[pl.ds(15 * RPS, N - 15 * RPS)],
                            out_hbm.at[cid, pl.ds(15 * RPS, N - 15 * RPS)])

    return k


def _sc_scatter(m, dst3, dst, zeros_nh):
    return _sc_scatter_kernel()(m, dst3, dst, zeros_nh)



def _embed(xp, Wp, b, g, be):
    def body(x_ref, W_ref, b_ref, g_ref, be_ref, o_ref):
        h = jnp.dot(x_ref[...], W_ref[...], preferred_element_type=jnp.float32)
        h = h + b_ref[...]
        o_ref[...] = _silu(_ln(h, g_ref[...], be_ref[...]))

    return pl.pallas_call(
        body,
        grid=(N // BN,),
        in_specs=[
            pl.BlockSpec((BN, 8), lambda i: (i, 0)),
            pl.BlockSpec((8, H), lambda i: (0, 0)),
            pl.BlockSpec((1, H), lambda i: (0, 0)),
            pl.BlockSpec((1, H), lambda i: (0, 0)),
            pl.BlockSpec((1, H), lambda i: (0, 0)),
        ],
        out_specs=pl.BlockSpec((BN, H), lambda i: (i, 0)),
        out_shape=jax.ShapeDtypeStruct((N, H), jnp.float32),
    )(xp, Wp, b, g, be)


def _edge_mlp(hd, hs, ea, W1d, W1s, W1e, b1, W2, b2):
    def body(hd_ref, hs_ref, ea_ref, W1d_ref, W1s_ref, W1e_ref, b1_ref,
             W2_ref, b2_ref, o_ref):
        bf16 = jnp.bfloat16
        z = jnp.dot(hd_ref[...].astype(bf16), W1d_ref[...],
                    preferred_element_type=jnp.float32)
        z = z + jnp.dot(hs_ref[...].astype(bf16), W1s_ref[...],
                        preferred_element_type=jnp.float32)
        z = z + jnp.dot(ea_ref[...], W1e_ref[...],
                        preferred_element_type=jnp.float32)
        z = _silu(z + b1_ref[...]).astype(bf16)
        o_ref[...] = jnp.dot(z, W2_ref[...], preferred_element_type=jnp.float32) + b2_ref[...]

    return pl.pallas_call(
        body,
        grid=(E // BE,),
        in_specs=[
            pl.BlockSpec((BE, H), lambda i: (i, 0)),
            pl.BlockSpec((BE, H), lambda i: (i, 0)),
            pl.BlockSpec((BE, 8), lambda i: (i, 0)),
            pl.BlockSpec((H, 2 * H), lambda i: (0, 0)),
            pl.BlockSpec((H, 2 * H), lambda i: (0, 0)),
            pl.BlockSpec((8, 2 * H), lambda i: (0, 0)),
            pl.BlockSpec((1, 2 * H), lambda i: (0, 0)),
            pl.BlockSpec((2 * H, H), lambda i: (0, 0)),
            pl.BlockSpec((1, H), lambda i: (0, 0)),
        ],
        out_specs=pl.BlockSpec((BE, H), lambda i: (i, 0)),
        out_shape=jax.ShapeDtypeStruct((E, H), jnp.float32),
    )(hd, hs, ea, W1d, W1s, W1e, b1, W2, b2)


def _node_update(h, a0, a1, Wgh, Wga, bg, g, b):
    def body(h_ref, a0_ref, a1_ref, Wgh_ref, Wga_ref, bg_ref,
             g_ref, b_ref, o_ref):
        h = h_ref[...]
        a = a0_ref[...] + a1_ref[...]
        gate = jnp.dot(h, Wgh_ref[...], preferred_element_type=jnp.float32)
        gate = gate + jnp.dot(a, Wga_ref[...], preferred_element_type=jnp.float32)
        gate = jax.nn.sigmoid(gate + bg_ref[...])
        h_new = gate * a + (1.0 - gate) * h
        o_ref[...] = _ln(h + h_new, g_ref[...], b_ref[...])

    return pl.pallas_call(
        body,
        grid=(N // BN,),
        in_specs=[
            pl.BlockSpec((BN, H), lambda i: (i, 0)),
            pl.BlockSpec((BN, H), lambda i: (i, 0)),
            pl.BlockSpec((BN, H), lambda i: (i, 0)),
            pl.BlockSpec((H, H), lambda i: (0, 0)),
            pl.BlockSpec((H, H), lambda i: (0, 0)),
            pl.BlockSpec((1, H), lambda i: (0, 0)),
            pl.BlockSpec((1, H), lambda i: (0, 0)),
            pl.BlockSpec((1, H), lambda i: (0, 0)),
        ],
        out_specs=pl.BlockSpec((BN, H), lambda i: (i, 0)),
        out_shape=jax.ShapeDtypeStruct((N, H), jnp.float32),
    )(h, a0, a1, Wgh, Wga, bg, g, b)


def _pool_head(h, a0, a1, Wgh, Wga, bg, g, b,
               batch3, Wp1, bp1, gp1, bp1_ln, Wp2, bp2, gp2, bp2_ln):
    nsteps = N // BN

    def body(h_ref, a0_ref, a1_ref, Wgh_ref, Wga_ref, bg_ref, g_ref, b_ref,
             b3_ref, Wp1_ref, bp1_ref, gp1_ref, bp1ln_ref,
             Wp2_ref, bp2_ref, gp2_ref, bp2ln_ref, zz_ref, xg_ref,
             s_acc, c_acc):
        i = pl.program_id(0)

        @pl.when(i == 0)
        def _():
            s_acc[...] = jnp.zeros_like(s_acc)
            c_acc[...] = jnp.zeros_like(c_acc)

        hh = h_ref[...]
        a = a0_ref[...] + a1_ref[...]
        gate = jnp.dot(hh, Wgh_ref[...], preferred_element_type=jnp.float32)
        gate = gate + jnp.dot(a, Wga_ref[...], preferred_element_type=jnp.float32)
        gate = jax.nn.sigmoid(gate + bg_ref[...])
        h_new = gate * a + (1.0 - gate) * hh
        hn = _ln(hh + h_new, g_ref[...], b_ref[...])

        bvals = b3_ref[0]
        onehotT = (lax.broadcasted_iota(jnp.int32, (G, BN), 0)
                   == jnp.broadcast_to(bvals, (G, BN))).astype(jnp.float32)
        s_acc[...] += jnp.dot(onehotT, hn, preferred_element_type=jnp.float32)
        c_acc[...] += jnp.broadcast_to(
            jnp.sum(onehotT, axis=1, keepdims=True), (G, H))

        @pl.when(i == nsteps - 1)
        def _():
            s = s_acc[...]
            cnt = c_acc[...][:, 0:1]
            x_mean = s / jnp.maximum(cnt, 1.0)
            x_add = s / (cnt + 1e-06)
            xg = x_mean + x_add
            z1 = jnp.dot(xg, Wp1_ref[...], preferred_element_type=jnp.float32)
            z1 = _silu(_ln(z1 + bp1_ref[...], gp1_ref[...], bp1ln_ref[...]))
            zz = jnp.dot(z1, Wp2_ref[...], preferred_element_type=jnp.float32)
            zz = _ln(zz + bp2_ref[...], gp2_ref[...], bp2ln_ref[...])
            zz_ref[...] = zz
            xg_ref[...] = xg

    return pl.pallas_call(
        body,
        grid=(nsteps,),
        in_specs=[
            pl.BlockSpec((BN, H), lambda i: (i, 0)),
            pl.BlockSpec((BN, H), lambda i: (i, 0)),
            pl.BlockSpec((BN, H), lambda i: (i, 0)),
            pl.BlockSpec((H, H), lambda i: (0, 0)),
            pl.BlockSpec((H, H), lambda i: (0, 0)),
            pl.BlockSpec((1, H), lambda i: (0, 0)),
            pl.BlockSpec((1, H), lambda i: (0, 0)),
            pl.BlockSpec((1, H), lambda i: (0, 0)),
            pl.BlockSpec((1, 1, BN), lambda i: (i, 0, 0)),
            pl.BlockSpec((H, H), lambda i: (0, 0)),
            pl.BlockSpec((1, H), lambda i: (0, 0)),
            pl.BlockSpec((1, H), lambda i: (0, 0)),
            pl.BlockSpec((1, H), lambda i: (0, 0)),
            pl.BlockSpec((H, DLAT), lambda i: (0, 0)),
            pl.BlockSpec((1, DLAT), lambda i: (0, 0)),
            pl.BlockSpec((1, DLAT), lambda i: (0, 0)),
            pl.BlockSpec((1, DLAT), lambda i: (0, 0)),
        ],
        out_specs=[
            pl.BlockSpec((G, DLAT), lambda i: (0, 0)),
            pl.BlockSpec((G, H), lambda i: (0, 0)),
        ],
        out_shape=[
            jax.ShapeDtypeStruct((G, DLAT), jnp.float32),
            jax.ShapeDtypeStruct((G, H), jnp.float32),
        ],
        scratch_shapes=[
            pltpu.VMEM((G, H), jnp.float32),
            pltpu.VMEM((G, H), jnp.float32),
        ],
    )(h, a0, a1, Wgh, Wga, bg, g, b,
      batch3, Wp1, bp1, gp1, bp1_ln, Wp2, bp2, gp2, bp2_ln)



def kernel(x, edge_index, edge_attr, batch, W_emb, b_emb, g_emb, be_emb,
           Wm1, bm1, Wm2, bm2, Wg, bg, g_ln, b_ln, Wp1, bp1, gp1, bp1_ln,
           Wp2, bp2, gp2, bp2_ln):
    f32 = jnp.float32
    bf16 = jnp.bfloat16
    src = edge_index[0]
    dst = edge_index[1]

    xp = jnp.pad(x, ((0, 0), (0, 8 - x.shape[1])))
    Wp = jnp.pad(W_emb, ((0, 8 - W_emb.shape[0]), (0, 0)))
    eapb = jnp.pad(edge_attr, ((0, 0), (0, 8 - DE))).astype(bf16)
    zeros_nh = jnp.zeros((N, H), f32)

    r = lambda v: v.reshape(1, -1)

    src3 = src[:EMAIN].reshape(NW, NFULL, EBLK)
    dst3 = dst[:EMAIN].reshape(NW, NFULL, EBLK)

    h = _embed(xp, Wp, r(b_emb), r(g_emb), r(be_emb))

    p = None
    for l in range(L):
        hs, hd = _sc_gather(h, src3, dst3, src, dst)
        W1d = Wm1[l, :H].astype(bf16)
        W1s = Wm1[l, H:2 * H].astype(bf16)
        W1e = jnp.pad(Wm1[l, 2 * H:], ((0, 8 - DE), (0, 0))).astype(bf16)
        m = _edge_mlp(hd, hs, eapb, W1d, W1s, W1e, r(bm1[l]),
                      Wm2[l].astype(bf16), r(bm2[l]))
        p = _sc_scatter(m, dst3, dst, zeros_nh)
        if l < L - 1:
            h = _node_update(h, p[0], p[1], Wg[l, :H], Wg[l, H:],
                             r(bg[l]), r(g_ln[l]), r(b_ln[l]))

    batch3 = batch.reshape(N // BN, 1, BN)
    zz, xg = _pool_head(h, p[0], p[1], Wg[L - 1, :H], Wg[L - 1, H:],
                        r(bg[L - 1]), r(g_ln[L - 1]), r(b_ln[L - 1]),
                        batch3, Wp1, r(bp1), r(gp1), r(bp1_ln),
                        Wp2, r(bp2), r(gp2), r(bp2_ln))
    return (zz, xg)

# --- scband reference (transcript-rebuilt; emitter-appended) ---
"""Pipeline reference for scband-physics-informed-encoder-62843961475163 (READ-ONLY COPY).

The authoritative reference and input builder live on the scoring server;
editing this copy changes nothing except your own understanding.
"""

import jax, jax.numpy as jnp
import numpy as np

N = 10000
E = 320000
H = 128
DE = 4
DN = 3
L = 3
DLAT = 64
G = 64


def layer_norm(x, g, b, eps=1e-05):
    mu = jnp.mean(x, axis=-1, keepdims=True)
    var = jnp.mean((x - mu) ** 2, axis=-1, keepdims=True)
    return (x - mu) / jnp.sqrt(var + eps) * g + b


def setup_inputs(seed: int = 0):
    key = jax.random.key(seed)
    ks = jax.random.split(key, 16)
    def w(k, shape):
        return jax.random.normal(k, shape, dtype=jnp.float32) * 0.02
    inp = {}
    inp['x'] = jax.random.normal(ks[0], (N, DN), dtype=jnp.float32)
    inp['edge_index'] = jax.random.randint(ks[1], (2, E), 0, N, dtype=jnp.int32)
    inp['edge_attr'] = jax.random.normal(ks[2], (E, DE), dtype=jnp.float32)
    inp['batch'] = jnp.sort(jax.random.randint(ks[3], (N,), 0, G, dtype=jnp.int32))
    inp['W_emb'] = w(ks[4], (DN, H)); inp['b_emb'] = jnp.zeros((H,), jnp.float32)
    inp['g_emb'] = jnp.ones((H,), jnp.float32); inp['be_emb'] = jnp.zeros((H,), jnp.float32)
    inp['Wm1'] = w(ks[5], (L, 2 * H + DE, 2 * H)); inp['bm1'] = jnp.zeros((L, 2 * H), jnp.float32)
    inp['Wm2'] = w(ks[6], (L, 2 * H, H)); inp['bm2'] = jnp.zeros((L, H), jnp.float32)
    inp['Wg'] = w(ks[7], (L, 2 * H, H)); inp['bg'] = jnp.zeros((L, H), jnp.float32)
    inp['g_ln'] = jnp.ones((L, H), jnp.float32); inp['b_ln'] = jnp.zeros((L, H), jnp.float32)
    inp['Wp1'] = w(ks[8], (H, H)); inp['bp1'] = jnp.zeros((H,), jnp.float32)
    inp['gp1'] = jnp.ones((H,), jnp.float32); inp['bp1_ln'] = jnp.zeros((H,), jnp.float32)
    inp['Wp2'] = w(ks[9], (H, DLAT)); inp['bp2'] = jnp.zeros((DLAT,), jnp.float32)
    inp['gp2'] = jnp.ones((DLAT,), jnp.float32); inp['bp2_ln'] = jnp.zeros((DLAT,), jnp.float32)
    return inp


def _forward(x, edge_attr, W_emb, b_emb, g_emb, be_emb, Wm1, bm1, Wm2, bm2, Wg, bg, g_ln, b_ln, Wp1, bp1, gp1, bp1_ln, Wp2, bp2, gp2, bp2_ln, edge_index, batch):
    src = edge_index[0]
    dst = edge_index[1]
    h = jax.nn.silu(layer_norm(x @ W_emb + b_emb, g_emb, be_emb))
    for l in range(L):
        x_i = h[dst]
        x_j = h[src]
        z = jnp.concatenate([x_i, x_j, edge_attr], axis=-1)
        m = jax.nn.silu(z @ Wm1[l] + bm1[l]) @ Wm2[l] + bm2[l]
        aggr = jax.ops.segment_sum(m, dst, num_segments=h.shape[0])
        gate = jax.nn.sigmoid(jnp.concatenate([h, aggr], axis=-1) @ Wg[l] + bg[l])
        h_new = gate * aggr + (1.0 - gate) * h
        h = layer_norm(h + h_new, g_ln[l], b_ln[l])
    counts = jnp.bincount(batch, length=G).astype(h.dtype)[:, None]
    s = jax.ops.segment_sum(h, batch, num_segments=G)
    x_mean = s / jnp.maximum(counts, 1.0)
    x_add = s / (counts + 1e-06)
    x_global = x_mean + x_add
    z1 = jax.nn.silu(layer_norm(x_global @ Wp1 + bp1, gp1, bp1_ln))
    zz = layer_norm(z1 @ Wp2 + bp2, gp2, bp2_ln)
    return (zz, x_global)


def reference(x, edge_index, edge_attr, batch, W_emb, b_emb, g_emb, be_emb, Wm1, bm1, Wm2, bm2, Wg, bg, g_ln, b_ln, Wp1, bp1, gp1, bp1_ln, Wp2, bp2, gp2, bp2_ln):
    return _forward(x, edge_attr, W_emb, b_emb, g_emb, be_emb, Wm1, bm1, Wm2, bm2, Wg, bg, g_ln, b_ln, Wp1, bp1, gp1, bp1_ln, Wp2, bp2, gp2, bp2_ln, edge_index, batch)

if __name__ == "__main__":
    import jax
    _d = setup_inputs()
    print(jax.jit(kernel)(*tuple(_d.values())))

</pallas_src>

<mosaic_0001>
#map = affine_map<(d0, d1) -> (0, 0)>
#map1 = affine_map<(d0, d1) -> (0, 0, 0)>
#map2 = affine_map<(d0, d1) -> (0)>
module attributes {stable_mosaic.version = 14 : i64} {
  func.func @k(%arg0: i32, %arg1: i32, %arg2: memref<10000x128xf32, #tpu.memory_space<hbm>>, %arg3: memref<32x78x128xi32, #tpu.memory_space<hbm>>, %arg4: memref<32x78x128xi32, #tpu.memory_space<hbm>>, %arg5: memref<320000xi32, #tpu.memory_space<hbm>>, %arg6: memref<320000xi32, #tpu.memory_space<hbm>>, %arg7: memref<320000x128xf32, #tpu.memory_space<hbm>>, %arg8: memref<320000x128xf32, #tpu.memory_space<hbm>>, %arg9: memref<78x128xi32, #tpu.memory_space<vmem>>, %arg10: memref<78x128xi32, #tpu.memory_space<vmem>>, %arg11: memref<128x128xf32, #tpu.memory_space<vmem>>, %arg12: memref<128x128xf32, #tpu.memory_space<vmem>>, %arg13: memref<128x128xf32, #tpu.memory_space<vmem>>, %arg14: memref<128x128xf32, #tpu.memory_space<vmem>>, %arg15: memref<16xi32, #tpu.memory_space<vmem>>, %arg16: memref<16xi32, #tpu.memory_space<vmem>>, %arg17: memref<16x128xf32, #tpu.memory_space<vmem>>, %arg18: memref<16x128xf32, #tpu.memory_space<vmem>>, %arg19: memref<!tpu.dma_semaphore, #tpu.memory_space<semaphore_mem>>, %arg20: memref<!tpu.dma_semaphore, #tpu.memory_space<semaphore_mem>>, %arg21: memref<!tpu.dma_semaphore, #tpu.memory_space<semaphore_mem>>, %arg22: memref<!tpu.dma_semaphore, #tpu.memory_space<semaphore_mem>>, %arg23: memref<!tpu.dma_semaphore, #tpu.memory_space<semaphore_mem>>, %arg24: memref<!tpu.dma_semaphore, #tpu.memory_space<semaphore_mem>>, %arg25: memref<!tpu.dma_semaphore, #tpu.memory_space<semaphore_mem>>, %arg26: memref<!tpu.dma_semaphore, #tpu.memory_space<semaphore_mem>>) attributes {dimension_semantics = [#tpu.dimension_semantics<core_parallel>, #tpu.dimension_semantics<subcore_parallel>], iteration_bounds = array<i64: 2, 16>, scalar_prefetch = 0 : i64, scratch_operands = 18 : i64, tpu.core_type = #tpu.core_type<sc_vector_subcore>, window_params = [{transform_indices = #map}, {transform_indices = #map1}, {transform_indices = #map1}, {transform_indices = #map2}, {transform_indices = #map2}, {transform_indices = #map}, {transform_indices = #map}]} {
    %mul3A = arith.constant 16 : i32
    %mul3A_0 = arith.muli %arg0, %mul3A : i32
    %add3A = arith.addi %mul3A_0, %arg1 : i32
    %mul3A_1 = arith.constant 9984 : i32
    %mul3A_2 = arith.muli %add3A, %mul3A_1 : i32
    "tpu.region"() ({
      %run_scoped3A = tpu.sem_alloc : memref<!tpu.dma_semaphore, #tpu.memory_space<semaphore_mem>>
      %dma_start3A = arith.constant 0 : i32
      %dma_start3A_30 = arith.constant 0 : i32
      %dma_start3A_31 = tpu.memref_slice %arg3[%add3A, %dma_start3A, %dma_start3A_30] : memref<32x78x128xi32, #tpu.memory_space<hbm>> -> memref<1x78x128xi32, #tpu.memory_space<hbm>>
      %dma_start3A_32 = tpu.memref_squeeze %dma_start3A_31 : memref<1x78x128xi32, #tpu.memory_space<hbm>> -> memref<78x128xi32, #tpu.memory_space<hbm>>
      %dma_start3A_33 = arith.constant 0 : i32
      %dma_start3A_34 = arith.constant 0 : i32
      %dma_start3A_35 = tpu.memref_slice %arg3[%add3A, %dma_start3A_33, %dma_start3A_34] : memref<32x78x128xi32, #tpu.memory_space<hbm>> -> memref<1x78x128xi32, #tpu.memory_space<hbm>>
      %dma_start3A_36 = tpu.memref_squeeze %dma_start3A_35 : memref<1x78x128xi32, #tpu.memory_space<hbm>> -> memref<78x128xi32, #tpu.memory_space<hbm>>
      tpu.enqueue_dma source(%dma_start3A_36 : memref<78x128xi32, #tpu.memory_space<hbm>>) target(%arg9 : memref<78x128xi32, #tpu.memory_space<vmem>>) target_semaphore(%run_scoped3A : memref<!tpu.dma_semaphore, #tpu.memory_space<semaphore_mem>>)
      %dma_wait3A_37 = arith.constant 0 : i32
      %dma_wait3A_38 = arith.constant 0 : i32
      %dma_wait3A_39 = tpu.memref_slice %arg3[%add3A, %dma_wait3A_37, %dma_wait3A_38] : memref<32x78x128xi32, #tpu.memory_space<hbm>> -> memref<1x78x128xi32, #tpu.memory_space<hbm>>
      %dma_wait3A_40 = tpu.memref_squeeze %dma_wait3A_39 : memref<1x78x128xi32, #tpu.memory_space<hbm>> -> memref<78x128xi32, #tpu.memory_space<hbm>>
      %dma_wait3A_41 = arith.constant 0 : i32
      %dma_wait3A_42 = arith.constant 0 : i32
      %dma_wait3A_43 = tpu.memref_slice %arg3[%add3A, %dma_wait3A_41, %dma_wait3A_42] : memref<32x78x128xi32, #tpu.memory_space<hbm>> -> memref<1x78x128xi32, #tpu.memory_space<hbm>>
      %dma_wait3A_44 = tpu.memref_squeeze %dma_wait3A_43 : memref<1x78x128xi32, #tpu.memory_space<hbm>> -> memref<78x128xi32, #tpu.memory_space<hbm>>
      tpu.wait_dma2 semaphore(%run_scoped3A : memref<!tpu.dma_semaphore, #tpu.memory_space<semaphore_mem>>) src(%dma_wait3A_44 : memref<78x128xi32, #tpu.memory_space<hbm>>) dst(%arg9 : memref<78x128xi32, #tpu.memory_space<vmem>>)
      tpu.yield
    }) : () -> ()
    "tpu.region"() ({
      %run_scoped3A = tpu.sem_alloc : memref<!tpu.dma_semaphore, #tpu.memory_space<semaphore_mem>>
      %dma_start3A = arith.constant 0 : i32
      %dma_start3A_30 = arith.constant 0 : i32
      %dma_start3A_31 = tpu.memref_slice %arg4[%add3A, %dma_start3A, %dma_start3A_30] : memref<32x78x128xi32, #tpu.memory_space<hbm>> -> memref<1x78x128xi32, #tpu.memory_space<hbm>>
      %dma_start3A_32 = tpu.memref_squeeze %dma_start3A_31 : memref<1x78x128xi32, #tpu.memory_space<hbm>> -> memref<78x128xi32, #tpu.memory_space<hbm>>
      %dma_start3A_33 = arith.constant 0 : i32
      %dma_start3A_34 = arith.constant 0 : i32
      %dma_start3A_35 = tpu.memref_slice %arg4[%add3A, %dma_start3A_33, %dma_start3A_34] : memref<32x78x128xi32, #tpu.memory_space<hbm>> -> memref<1x78x128xi32, #tpu.memory_space<hbm>>
      %dma_start3A_36 = tpu.memref_squeeze %dma_start3A_35 : memref<1x78x128xi32, #tpu.memory_space<hbm>> -> memref<78x128xi32, #tpu.memory_space<hbm>>
      tpu.enqueue_dma source(%dma_start3A_36 : memref<78x128xi32, #tpu.memory_space<hbm>>) target(%arg10 : memref<78x128xi32, #tpu.memory_space<vmem>>) target_semaphore(%run_scoped3A : memref<!tpu.dma_semaphore, #tpu.memory_space<semaphore_mem>>)
      %dma_wait3A_37 = arith.constant 0 : i32
      %dma_wait3A_38 = arith.constant 0 : i32
      %dma_wait3A_39 = tpu.memref_slice %arg4[%add3A, %dma_wait3A_37, %dma_wait3A_38] : memref<32x78x128xi32, #tpu.memory_space<hbm>> -> memref<1x78x128xi32, #tpu.memory_space<hbm>>
      %dma_wait3A_40 = tpu.memref_squeeze %dma_wait3A_39 : memref<1x78x128xi32, #tpu.memory_space<hbm>> -> memref<78x128xi32, #tpu.memory_space<hbm>>
      %dma_wait3A_41 = arith.constant 0 : i32
      %dma_wait3A_42 = arith.constant 0 : i32
      %dma_wait3A_43 = tpu.memref_slice %arg4[%add3A, %dma_wait3A_41, %dma_wait3A_42] : memref<32x78x128xi32, #tpu.memory_space<hbm>> -> memref<1x78x128xi32, #tpu.memory_space<hbm>>
      %dma_wait3A_44 = tpu.memref_squeeze %dma_wait3A_43 : memref<1x78x128xi32, #tpu.memory_space<hbm>> -> memref<78x128xi32, #tpu.memory_space<hbm>>
      tpu.wait_dma2 semaphore(%run_scoped3A : memref<!tpu.dma_semaphore, #tpu.memory_space<semaphore_mem>>) src(%dma_wait3A_44 : memref<78x128xi32, #tpu.memory_space<hbm>>) dst(%arg10 : memref<78x128xi32, #tpu.memory_space<vmem>>)
      tpu.yield
    }) : () -> ()
    %scan3A = arith.constant 0 : i32
    %scan3A_3 = arith.constant 39 : i32
    %scan3A_4 = arith.addi %scan3A, %scan3A_3 : i32
    %scan3A_5 = arith.constant 1 : i32
    scf.for %scan3A_30 = %scan3A to %scan3A_4 step %scan3A_5  : i32 {
      %mul3A_31 = arith.constant 1 : i32
      %mul3A_32 = arith.muli %scan3A_30, %mul3A_31 : i32
      %add3A_33 = arith.constant 0 : i32
      %add3A_34 = arith.addi %add3A_33, %mul3A_32 : i32
      %mul3A_35 = arith.constant 2 : i32
      %mul3A_36 = arith.muli %mul3A_35, %add3A_34 : i32
      %add3A_37 = arith.constant 1 : i32
      %add3A_38 = arith.addi %mul3A_36, %add3A_37 : i32
      %mul3A_39 = arith.constant 128 : i32
      %mul3A_40 = arith.muli %mul3A_36, %mul3A_39 : i32
      %add3A_41 = arith.addi %mul3A_2, %mul3A_40 : i32
      %mul3A_42 = arith.constant 128 : i32
      %mul3A_43 = arith.muli %add3A_38, %mul3A_42 : i32
      %add3A_44 = arith.addi %mul3A_2, %mul3A_43 : i32
      %gt3A = arith.constant 0 : i32
      %gt3A_45 = arith.cmpi sgt, %add3A_34, %gt3A : i32
      %convert_element_type3A = arith.extui %gt3A_45 : i1 to i32
      %cond3A = arith.constant 0 : i32
      %cond3A_46 = arith.cmpi ne, %convert_element_type3A, %cond3A : i32
      scf.if %cond3A_46 {
        %sub3A = arith.constant 256 : i32
        %sub3A_115 = arith.subi %add3A_41, %sub3A : i32
        %dma_wait3A_116 = arith.constant 0 : i32
        %dma_wait3A_117 = tpu.memref_slice %arg7[%sub3A_115, %dma_wait3A_116] : memref<320000x128xf32, #tpu.memory_space<hbm>> -> memref<128x128xf32, #tpu.memory_space<hbm>>
        %dma_wait3A_118 = arith.constant 0 : i32
        %dma_wait3A_119 = tpu.memref_slice %arg7[%sub3A_115, %dma_wait3A_118] : memref<320000x128xf32, #tpu.memory_space<hbm>> -> memref<128x128xf32, #tpu.memory_space<hbm>>
        tpu.wait_dma2 semaphore(%arg23 : memref<!tpu.dma_semaphore, #tpu.memory_space<semaphore_mem>>) src(%arg11 : memref<128x128xf32, #tpu.memory_space<vmem>>) dst(%dma_wait3A_119 : memref<128x128xf32, #tpu.memory_space<hbm>>)
        %sub3A_120 = arith.constant 256 : i32
        %sub3A_121 = arith.subi %add3A_41, %sub3A_120 : i32
        %dma_wait3A_122 = arith.constant 0 : i32
        %dma_wait3A_123 = tpu.memref_slice %arg8[%sub3A_121, %dma_wait3A_122] : memref<320000x128xf32, #tpu.memory_space<hbm>> -> memref<128x128xf32, #tpu.memory_space<hbm>>
        %dma_wait3A_124 = arith.constant 0 : i32
        %dma_wait3A_125 = tpu.memref_slice %arg8[%sub3A_121, %dma_wait3A_124] : memref<320000x128xf32, #tpu.memory_space<hbm>> -> memref<128x128xf32, #tpu.memory_space<hbm>>
        tpu.wait_dma2 semaphore(%arg24 : memref<!tpu.dma_semaphore, #tpu.memory_space<semaphore_mem>>) src(%arg12 : memref<128x128xf32, #tpu.memory_space<vmem>>) dst(%dma_wait3A_125 : memref<128x128xf32, #tpu.memory_space<hbm>>)
      } else {
      }
      %dma_start3A = arith.constant 0 : i32
      %dma_start3A_47 = tpu.memref_slice %arg9[%mul3A_36, %dma_start3A] : memref<78x128xi32, #tpu.memory_space<vmem>> -> memref<1x128xi32, #tpu.memory_space<vmem>>
      %dma_start3A_48 = tpu.memref_squeeze %dma_start3A_47 : memref<1x128xi32, #tpu.memory_space<vmem>> -> memref<128xi32, #tpu.memory_space<vmem>>
      %dma_start3A_49 = arith.constant 0 : i32
      %dma_start3A_50 = arith.constant 0 : i32
      %dma_start3A_51 = tpu.memref_slice %arg2[%dma_start3A_49, %dma_start3A_50] : memref<10000x128xf32, #tpu.memory_space<hbm>> -> memref<10000x128xf32, #tpu.memory_space<hbm>>
      tpu.enqueue_indirect_dma source(%dma_start3A_51 : memref<10000x128xf32, #tpu.memory_space<hbm>>) target(%arg11 : memref<128x128xf32, #tpu.memory_space<vmem>>) offsets(%dma_start3A_48 : memref<128xi32, #tpu.memory_space<vmem>>) semaphore(%arg19 : memref<!tpu.dma_semaphore, #tpu.memory_space<semaphore_mem>>)
      %dma_start3A_52 = arith.constant 0 : i32
      %dma_start3A_53 = tpu.memref_slice %arg10[%mul3A_36, %dma_start3A_52] : memref<78x128xi32, #tpu.memory_space<vmem>> -> memref<1x128xi32, #tpu.memory_space<vmem>>
      %dma_start3A_54 = tpu.memref_squeeze %dma_start3A_53 : memref<1x128xi32, #tpu.memory_space<vmem>> -> memref<128xi32, #tpu.memory_space<vmem>>
      %dma_start3A_55 = arith.constant 0 : i32
      %dma_start3A_56 = arith.constant 0 : i32
      %dma_start3A_57 = tpu.memref_slice %arg2[%dma_start3A_55, %dma_start3A_56] : memref<10000x128xf32, #tpu.memory_space<hbm>> -> memref<10000x128xf32, #tpu.memory_space<hbm>>
      tpu.enqueue_indirect_dma source(%dma_start3A_57 : memref<10000x128xf32, #tpu.memory_space<hbm>>) target(%arg12 : memref<128x128xf32, #tpu.memory_space<vmem>>) offsets(%dma_start3A_54 : memref<128xi32, #tpu.memory_space<vmem>>) semaphore(%arg20 : memref<!tpu.dma_semaphore, #tpu.memory_space<semaphore_mem>>)
      %gt3A_58 = arith.constant 0 : i32
      %gt3A_59 = arith.cmpi sgt, %add3A_34, %gt3A_58 : i32
      %convert_element_type3A_60 = arith.extui %gt3A_59 : i1 to i32
      %cond3A_61 = arith.constant 0 : i32
      %cond3A_62 = arith.cmpi ne, %convert_element_type3A_60, %cond3A_61 : i32
      scf.if %cond3A_62 {
        %sub3A = arith.constant 256 : i32
        %sub3A_115 = arith.subi %add3A_44, %sub3A : i32
        %dma_wait3A_116 = arith.constant 0 : i32
        %dma_wait3A_117 = tpu.memref_slice %arg7[%sub3A_115, %dma_wait3A_116] : memref<320000x128xf32, #tpu.memory_space<hbm>> -> memref<128x128xf32, #tpu.memory_space<hbm>>
        %dma_wait3A_118 = arith.constant 0 : i32
        %dma_wait3A_119 = tpu.memref_slice %arg7[%sub3A_115, %dma_wait3A_118] : memref<320000x128xf32, #tpu.memory_space<hbm>> -> memref<128x128xf32, #tpu.memory_space<hbm>>
        tpu.wait_dma2 semaphore(%arg25 : memref<!tpu.dma_semaphore, #tpu.memory_space<semaphore_mem>>) src(%arg13 : memref<128x128xf32, #tpu.memory_space<vmem>>) dst(%dma_wait3A_119 : memref<128x128xf32, #tpu.memory_space<hbm>>)
        %sub3A_120 = arith.constant 256 : i32
        %sub3A_121 = arith.subi %add3A_44, %sub3A_120 : i32
        %dma_wait3A_122 = arith.constant 0 : i32
        %dma_wait3A_123 = tpu.memref_slice %arg8[%sub3A_121, %dma_wait3A_122] : memref<320000x128xf32, #tpu.memory_space<hbm>> -> memref<128x128xf32, #tpu.memory_space<hbm>>
        %dma_wait3A_124 = arith.constant 0 : i32
        %dma_wait3A_125 = tpu.memref_slice %arg8[%sub3A_121, %dma_wait3A_124] : memref<320000x128xf32, #tpu.memory_space<hbm>> -> memref<128x128xf32, #tpu.memory_space<hbm>>
        tpu.wait_dma2 semaphore(%arg26 : memref<!tpu.dma_semaphore, #tpu.memory_space<semaphore_mem>>) src(%arg14 : memref<128x128xf32, #tpu.memory_space<vmem>>) dst(%dma_wait3A_125 : memref<128x128xf32, #tpu.memory_space<hbm>>)
      } else {
      }
      %dma_start3A_63 = arith.constant 0 : i32
      %dma_start3A_64 = tpu.memref_slice %arg9[%add3A_38, %dma_start3A_63] : memref<78x128xi32, #tpu.memory_space<vmem>> -> memref<1x128xi32, #tpu.memory_space<vmem>>
      %dma_start3A_65 = tpu.memref_squeeze %dma_start3A_64 : memref<1x128xi32, #tpu.memory_space<vmem>> -> memref<128xi32, #tpu.memory_space<vmem>>
      %dma_start3A_66 = arith.constant 0 : i32
      %dma_start3A_67 = arith.constant 0 : i32
      %dma_start3A_68 = tpu.memref_slice %arg2[%dma_start3A_66, %dma_start3A_67] : memref<10000x128xf32, #tpu.memory_space<hbm>> -> memref<10000x128xf32, #tpu.memory_space<hbm>>
      tpu.enqueue_indirect_dma source(%dma_start3A_68 : memref<10000x128xf32, #tpu.memory_space<hbm>>) target(%arg13 : memref<128x128xf32, #tpu.memory_space<vmem>>) offsets(%dma_start3A_65 : memref<128xi32, #tpu.memory_space<vmem>>) semaphore(%arg21 : memref<!tpu.dma_semaphore, #tpu.memory_space<semaphore_mem>>)
      %dma_start3A_69 = arith.constant 0 : i32
      %dma_start3A_70 = tpu.memref_slice %arg10[%add3A_38, %dma_start3A_69] : memref<78x128xi32, #tpu.memory_space<vmem>> -> memref<1x128xi32, #tpu.memory_space<vmem>>
      %dma_start3A_71 = tpu.memref_squeeze %dma_start3A_70 : memref<1x128xi32, #tpu.memory_space<vmem>> -> memref<128xi32, #tpu.memory_space<vmem>>
      %dma_start3A_72 = arith.constant 0 : i32
      %dma_start3A_73 = arith.constant 0 : i32
      %dma_start3A_74 = tpu.memref_slice %arg2[%dma_start3A_72, %dma_start3A_73] : memref<10000x128xf32, #tpu.memory_space<hbm>> -> memref<10000x128xf32, #tpu.memory_space<hbm>>
      tpu.enqueue_indirect_dma source(%dma_start3A_74 : memref<10000x128xf32, #tpu.memory_space<hbm>>) target(%arg14 : memref<128x128xf32, #tpu.memory_space<vmem>>) offsets(%dma_start3A_71 : memref<128xi32, #tpu.memory_space<vmem>>) semaphore(%arg22 : memref<!tpu.dma_semaphore, #tpu.memory_space<semaphore_mem>>)
      %dma_wait3A_75 = arith.constant 0 : i32
      %dma_wait3A_76 = tpu.memref_slice %arg9[%mul3A_36, %dma_wait3A_75] : memref<78x128xi32, #tpu.memory_space<vmem>> -> memref<1x128xi32, #tpu.memory_space<vmem>>
      %dma_wait3A_77 = tpu.memref_squeeze %dma_wait3A_76 : memref<1x128xi32, #tpu.memory_space<vmem>> -> memref<128xi32, #tpu.memory_space<vmem>>
      %dma_wait3A_78 = arith.constant 0 : i32
      %dma_wait3A_79 = arith.constant 0 : i32
      %dma_wait3A_80 = tpu.memref_slice %arg2[%dma_wait3A_78, %dma_wait3A_79] : memref<10000x128xf32, #tpu.memory_space<hbm>> -> memref<10000x128xf32, #tpu.memory_space<hbm>>
      tpu.wait_indirect_dma semaphore(%arg19 : memref<!tpu.dma_semaphore, #tpu.memory_space<semaphore_mem>>) src(%dma_wait3A_80 : memref<10000x128xf32, #tpu.memory_space<hbm>>) dst(%arg11 : memref<128x128xf32, #tpu.memory_space<vmem>>)
      %dma_wait3A_81 = arith.constant 0 : i32
      %dma_wait3A_82 = tpu.memref_slice %arg10[%mul3A_36, %dma_wait3A_81] : memref<78x128xi32, #tpu.memory_space<vmem>> -> memref<1x128xi32, #tpu.memory_space<vmem>>
      %dma_wait3A_83 = tpu.memref_squeeze %dma_wait3A_82 : memref<1x128xi32, #tpu.memory_space<vmem>> -> memref<128xi32, #tpu.memory_space<vmem>>
      %dma_wait3A_84 = arith.constant 0 : i32
      %dma_wait3A_85 = arith.constant 0 : i32
      %dma_wait3A_86 = tpu.memref_slice %arg2[%dma_wait3A_84, %dma_wait3A_85] : memref<10000x128xf32, #tpu.memory_space<hbm>> -> memref<10000x128xf32, #tpu.memory_space<hbm>>
      tpu.wait_indirect_dma semaphore(%arg20 : memref<!tpu.dma_semaphore, #tpu.memory_space<semaphore_mem>>) src(%dma_wait3A_86 : memref<10000x128xf32, #tpu.memory_space<hbm>>) dst(%arg12 : memref<128x128xf32, #tpu.memory_space<vmem>>)
      %dma_start3A_87 = arith.constant 0 : i32
      %dma_start3A_88 = tpu.memref_slice %arg7[%add3A_41, %dma_start3A_87] : memref<320000x128xf32, #tpu.memory_space<hbm>> -> memref<128x128xf32, #tpu.memory_space<hbm>>
      %dma_start3A_89 = arith.constant 0 : i32
      %dma_start3A_90 = tpu.memref_slice %arg7[%add3A_41, %dma_start3A_89] : memref<320000x128xf32, #tpu.memory_space<hbm>> -> memref<128x128xf32, #tpu.memory_space<hbm>>
      tpu.enqueue_dma source(%arg11 : memref<128x128xf32, #tpu.memory_space<vmem>>) target(%dma_start3A_90 : memref<128x128xf32, #tpu.memory_space<hbm>>) target_semaphore(%arg23 : memref<!tpu.dma_semaphore, #tpu.memory_space<semaphore_mem>>)
      %dma_start3A_91 = arith.constant 0 : i32
      %dma_start3A_92 = tpu.memref_slice %arg8[%add3A_41, %dma_start3A_91] : memref<320000x128xf32, #tpu.memory_space<hbm>> -> memref<128x128xf32, #tpu.memory_space<hbm>>
      %dma_start3A_93 = arith.constant 0 : i32
      %dma_start3A_94 = tpu.memref_slice %arg8[%add3A_41, %dma_start3A_93] : memref<320000x128xf32, #tpu.memory_space<hbm>> -> memref<128x128xf32, #tpu.memory_space<hbm>>
      tpu.enqueue_dma source(%arg12 : memref<128x128xf32, #tpu.memory_space<vmem>>) target(%dma_start3A_94 : memref<128x128xf32, #tpu.memory_space<hbm>>) target_semaphore(%arg24 : memref<!tpu.dma_semaphore, #tpu.memory_space<semaphore_mem>>)
      %dma_wait3A_95 = arith.constant 0 : i32
      %dma_wait3A_96 = tpu.memref_slice %arg9[%add3A_38, %dma_wait3A_95] : memref<78x128xi32, #tpu.memory_space<vmem>> -> memref<1x128xi32, #tpu.memory_space<vmem>>
      %dma_wait3A_97 = tpu.memref_squeeze %dma_wait3A_96 : memref<1x128xi32, #tpu.memory_space<vmem>> -> memref<128xi32, #tpu.memory_space<vmem>>
      %dma_wait3A_98 = arith.constant 0 : i32
      %dma_wait3A_99 = arith.constant 0 : i32
      %dma_wait3A_100 = tpu.memref_slice %arg2[%dma_wait3A_98, %dma_wait3A_99] : memref<10000x128xf32, #tpu.memory_space<hbm>> -> memref<10000x128xf32, #tpu.memory_space<hbm>>
      tpu.wait_indirect_dma semaphore(%arg21 : memref<!tpu.dma_semaphore, #tpu.memory_space<semaphore_mem>>) src(%dma_wait3A_100 : memref<10000x128xf32, #tpu.memory_space<hbm>>) dst(%arg13 : memref<128x128xf32, #tpu.memory_space<vmem>>)
      %dma_wait3A_101 = arith.constant 0 : i32
      %dma_wait3A_102 = tpu.memref_slice %arg10[%add3A_38, %dma_wait3A_101] : memref<78x128xi32, #tpu.memory_space<vmem>> -> memref<1x128xi32, #tpu.memory_space<vmem>>
      %dma_wait3A_103 = tpu.memref_squeeze %dma_wait3A_102 : memref<1x128xi32, #tpu.memory_space<vmem>> -> memref<128xi32, #tpu.memory_space<vmem>>
      %dma_wait3A_104 = arith.constant 0 : i32
      %dma_wait3A_105 = arith.constant 0 : i32
      %dma_wait3A_106 = tpu.memref_slice %arg2[%dma_wait3A_104, %dma_wait3A_105] : memref<10000x128xf32, #tpu.memory_space<hbm>> -> memref<10000x128xf32, #tpu.memory_space<hbm>>
      tpu.wait_indirect_dma semaphore(%arg22 : memref<!tpu.dma_semaphore, #tpu.memory_space<semaphore_mem>>) src(%dma_wait3A_106 : memref<10000x128xf32, #tpu.memory_space<hbm>>) dst(%arg14 : memref<128x128xf32, #tpu.memory_space<vmem>>)
      %dma_start3A_107 = arith.constant 0 : i32
      %dma_start3A_108 = tpu.memref_slice %arg7[%add3A_44, %dma_start3A_107] : memref<320000x128xf32, #tpu.memory_space<hbm>> -> memref<128x128xf32, #tpu.memory_space<hbm>>
      %dma_start3A_109 = arith.constant 0 : i32
      %dma_start3A_110 = tpu.memref_slice %arg7[%add3A_44, %dma_start3A_109] : memref<320000x128xf32, #tpu.memory_space<hbm>> -> memref<128x128xf32, #tpu.memory_space<hbm>>
      tpu.enqueue_dma source(%arg13 : memref<128x128xf32, #tpu.memory_space<vmem>>) target(%dma_start3A_110 : memref<128x128xf32, #tpu.memory_space<hbm>>) target_semaphore(%arg25 : memref<!tpu.dma_semaphore, #tpu.memory_space<semaphore_mem>>)
      %dma_start3A_111 = arith.constant 0 : i32
      %dma_start3A_112 = tpu.memref_slice %arg8[%add3A_44, %dma_start3A_111] : memref<320000x128xf32, #tpu.memory_space<hbm>> -> memref<128x128xf32, #tpu.memory_space<hbm>>
      %dma_start3A_113 = arith.constant 0 : i32
      %dma_start3A_114 = tpu.memref_slice %arg8[%add3A_44, %dma_start3A_113] : memref<320000x128xf32, #tpu.memory_space<hbm>> -> memref<128x128xf32, #tpu.memory_space<hbm>>
      tpu.enqueue_dma source(%arg14 : memref<128x128xf32, #tpu.memory_space<vmem>>) target(%dma_start3A_114 : memref<128x128xf32, #tpu.memory_space<hbm>>) target_semaphore(%arg26 : memref<!tpu.dma_semaphore, #tpu.memory_space<semaphore_mem>>)
    }
    %scan3A_6 = arith.constant 39 : i32
    %add3A_7 = arith.constant 9728 : i32
    %add3A_8 = arith.addi %mul3A_2, %add3A_7 : i32
    %add3A_9 = arith.constant 9856 : i32
    %add3A_10 = arith.addi %mul3A_2, %add3A_9 : i32
    %dma_wait3A = arith.constant 0 : i32
    %dma_wait3A_11 = tpu.memref_slice %arg7[%add3A_8, %dma_wait3A] : memref<320000x128xf32, #tpu.memory_space<hbm>> -> memref<128x128xf32, #tpu.memory_space<hbm>>
    %dma_wait3A_12 = arith.constant 0 : i32
    %dma_wait3A_13 = tpu.memref_slice %arg7[%add3A_8, %dma_wait3A_12] : memref<320000x128xf32, #tpu.memory_space<hbm>> -> memref<128x128xf32, #tpu.memory_space<hbm>>
    tpu.wait_dma2 semaphore(%arg23 : memref<!tpu.dma_semaphore, #tpu.memory_space<semaphore_mem>>) src(%arg11 : memref<128x128xf32, #tpu.memory_space<vmem>>) dst(%dma_wait3A_13 : memref<128x128xf32, #tpu.memory_space<hbm>>)
    %dma_wait3A_14 = arith.constant 0 : i32
    %dma_wait3A_15 = tpu.memref_slice %arg8[%add3A_8, %dma_wait3A_14] : memref<320000x128xf32, #tpu.memory_space<hbm>> -> memref<128x128xf32, #tpu.memory_space<hbm>>
    %dma_wait3A_16 = arith.constant 0 : i32
    %dma_wait3A_17 = tpu.memref_slice %arg8[%add3A_8, %dma_wait3A_16] : memref<320000x128xf32, #tpu.memory_space<hbm>> -> memref<128x128xf32, #tpu.memory_space<hbm>>
    tpu.wait_dma2 semaphore(%arg24 : memref<!tpu.dma_semaphore, #tpu.memory_space<semaphore_mem>>) src(%arg12 : memref<128x128xf32, #tpu.memory_space<vmem>>) dst(%dma_wait3A_17 : memref<128x128xf32, #tpu.memory_space<hbm>>)
    %dma_wait3A_18 = arith.constant 0 : i32
    %dma_wait3A_19 = tpu.memref_slice %arg7[%add3A_10, %dma_wait3A_18] : memref<320000x128xf32, #tpu.memory_space<hbm>> -> memref<128x128xf32, #tpu.memory_space<hbm>>
    %dma_wait3A_20 = arith.constant 0 : i32
    %dma_wait3A_21 = tpu.memref_slice %arg7[%add3A_10, %dma_wait3A_20] : memref<320000x128xf32, #tpu.memory_space<hbm>> -> memref<128x128xf32, #tpu.memory_space<hbm>>
    tpu.wait_dma2 semaphore(%arg25 : memref<!tpu.dma_semaphore, #tpu.memory_space<semaphore_mem>>) src(%arg13 : memref<128x128xf32, #tpu.memory_space<vmem>>) dst(%dma_wait3A_21 : memref<128x128xf32, #tpu.memory_space<hbm>>)
    %dma_wait3A_22 = arith.constant 0 : i32
    %dma_wait3A_23 = tpu.memref_slice %arg8[%add3A_10, %dma_wait3A_22] : memref<320000x128xf32, #tpu.memory_space<hbm>> -> memref<128x128xf32, #tpu.memory_space<hbm>>
    %dma_wait3A_24 = arith.constant 0 : i32
    %dma_wait3A_25 = tpu.memref_slice %arg8[%add3A_10, %dma_wait3A_24] : memref<320000x128xf32, #tpu.memory_space<hbm>> -> memref<128x128xf32, #tpu.memory_space<hbm>>
    tpu.wait_dma2 semaphore(%arg26 : memref<!tpu.dma_semaphore, #tpu.memory_space<semaphore_mem>>) src(%arg14 : memref<128x128xf32, #tpu.memory_space<vmem>>) dst(%dma_wait3A_25 : memref<128x128xf32, #tpu.memory_space<hbm>>)
    %mul3A_26 = arith.constant 16 : i32
    %mul3A_27 = arith.muli %add3A, %mul3A_26 : i32
    %add3A_28 = arith.constant 319488 : i32
    %add3A_29 = arith.addi %add3A_28, %mul3A_27 : i32
    "tpu.region"() ({
      %run_scoped3A = tpu.sem_alloc : memref<!tpu.dma_semaphore, #tpu.memory_space<semaphore_mem>>
      %dma_start3A = tpu.memref_slice %arg5[%add3A_29] : memref<320000xi32, #tpu.memory_space<hbm>> -> memref<16xi32, #tpu.memory_space<hbm>>
      %dma_start3A_30 = tpu.memref_slice %arg5[%add3A_29] : memref<320000xi32, #tpu.memory_space<hbm>> -> memref<16xi32, #tpu.memory_space<hbm>>
      tpu.enqueue_dma source(%dma_start3A_30 : memref<16xi32, #tpu.memory_space<hbm>>) target(%arg15 : memref<16xi32, #tpu.memory_space<vmem>>) target_semaphore(%run_scoped3A : memref<!tpu.dma_semaphore, #tpu.memory_space<semaphore_mem>>)
      %dma_wait3A_31 = tpu.memref_slice %arg5[%add3A_29] : memref<320000xi32, #tpu.memory_space<hbm>> -> memref<16xi32, #tpu.memory_space<hbm>>
      %dma_wait3A_32 = tpu.memref_slice %arg5[%add3A_29] : memref<320000xi32, #tpu.memory_space<hbm>> -> memref<16xi32, #tpu.memory_space<hbm>>
      tpu.wait_dma2 semaphore(%run_scoped3A : memref<!tpu.dma_semaphore, #tpu.memory_space<semaphore_mem>>) src(%dma_wait3A_32 : memref<16xi32, #tpu.memory_space<hbm>>) dst(%arg15 : memref<16xi32, #tpu.memory_space<vmem>>)
      tpu.yield
    }) : () -> ()
    "tpu.region"() ({
      %run_scoped3A = tpu.sem_alloc : memref<!tpu.dma_semaphore, #tpu.memory_space<semaphore_mem>>
      %dma_start3A = tpu.memref_slice %arg6[%add3A_29] : memref<320000xi32, #tpu.memory_space<hbm>> -> memref<16xi32, #tpu.memory_space<hbm>>
      %dma_start3A_30 = tpu.memref_slice %arg6[%add3A_29] : memref<320000xi32, #tpu.memory_space<hbm>> -> memref<16xi32, #tpu.memory_space<hbm>>
      tpu.enqueue_dma source(%dma_start3A_30 : memref<16xi32, #tpu.memory_space<hbm>>) target(%arg16 : memref<16xi32, #tpu.memory_space<vmem>>) target_semaphore(%run_scoped3A : memref<!tpu.dma_semaphore, #tpu.memory_space<semaphore_mem>>)
      %dma_wait3A_31 = tpu.memref_slice %arg6[%add3A_29] : memref<320000xi32, #tpu.memory_space<hbm>> -> memref<16xi32, #tpu.memory_space<hbm>>
      %dma_wait3A_32 = tpu.memref_slice %arg6[%add3A_29] : memref<320000xi32, #tpu.memory_space<hbm>> -> memref<16xi32, #tpu.memory_space<hbm>>
      tpu.wait_dma2 semaphore(%run_scoped3A : memref<!tpu.dma_semaphore, #tpu.memory_space<semaphore_mem>>) src(%dma_wait3A_32 : memref<16xi32, #tpu.memory_space<hbm>>) dst(%arg16 : memref<16xi32, #tpu.memory_space<vmem>>)
      tpu.yield
    }) : () -> ()
    "tpu.region"() ({
      %run_scoped3A = tpu.sem_alloc : memref<!tpu.dma_semaphore, #tpu.memory_space<semaphore_mem>>
      %dma_start3A = arith.constant 0 : i32
      %dma_start3A_30 = arith.constant 0 : i32
      %dma_start3A_31 = tpu.memref_slice %arg2[%dma_start3A, %dma_start3A_30] : memref<10000x128xf32, #tpu.memory_space<hbm>> -> memref<10000x128xf32, #tpu.memory_space<hbm>>
      tpu.enqueue_indirect_dma source(%dma_start3A_31 : memref<10000x128xf32, #tpu.memory_space<hbm>>) target(%arg17 : memref<16x128xf32, #tpu.memory_space<vmem>>) offsets(%arg15 : memref<16xi32, #tpu.memory_space<vmem>>) semaphore(%run_scoped3A : memref<!tpu.dma_semaphore, #tpu.memory_space<semaphore_mem>>)
      %dma_wait3A_32 = arith.constant 0 : i32
      %dma_wait3A_33 = arith.constant 0 : i32
      %dma_wait3A_34 = tpu.memref_slice %arg2[%dma_wait3A_32, %dma_wait3A_33] : memref<10000x128xf32, #tpu.memory_space<hbm>> -> memref<10000x128xf32, #tpu.memory_space<hbm>>
      tpu.wait_indirect_dma semaphore(%run_scoped3A : memref<!tpu.dma_semaphore, #tpu.memory_space<semaphore_mem>>) src(%dma_wait3A_34 : memref<10000x128xf32, #tpu.memory_space<hbm>>) dst(%arg17 : memref<16x128xf32, #tpu.memory_space<vmem>>)
      tpu.yield
    }) : () -> ()
    "tpu.region"() ({
      %run_scoped3A = tpu.sem_alloc : memref<!tpu.dma_semaphore, #tpu.memory_space<semaphore_mem>>
      %dma_start3A = arith.constant 0 : i32
      %dma_start3A_30 = arith.constant 0 : i32
      %dma_start3A_31 = tpu.memref_slice %arg2[%dma_start3A, %dma_start3A_30] : memref<10000x128xf32, #tpu.memory_space<hbm>> -> memref<10000x128xf32, #tpu.memory_space<hbm>>
      tpu.enqueue_indirect_dma source(%dma_start3A_31 : memref<10000x128xf32, #tpu.memory_space<hbm>>) target(%arg18 : memref<16x128xf32, #tpu.memory_space<vmem>>) offsets(%arg16 : memref<16xi32, #tpu.memory_space<vmem>>) semaphore(%run_scoped3A : memref<!tpu.dma_semaphore, #tpu.memory_space<semaphore_mem>>)
      %dma_wait3A_32 = arith.constant 0 : i32
      %dma_wait3A_33 = arith.constant 0 : i32
      %dma_wait3A_34 = tpu.memref_slice %arg2[%dma_wait3A_32, %dma_wait3A_33] : memref<10000x128xf32, #tpu.memory_space<hbm>> -> memref<10000x128xf32, #tpu.memory_space<hbm>>
      tpu.wait_indirect_dma semaphore(%run_scoped3A : memref<!tpu.dma_semaphore, #tpu.memory_space<semaphore_mem>>) src(%dma_wait3A_34 : memref<10000x128xf32, #tpu.memory_space<hbm>>) dst(%arg18 : memref<16x128xf32, #tpu.memory_space<vmem>>)
      tpu.yield
    }) : () -> ()
    "tpu.region"() ({
      %run_scoped3A = tpu.sem_alloc : memref<!tpu.dma_semaphore, #tpu.memory_space<semaphore_mem>>
      %dma_start3A = arith.constant 0 : i32
      %dma_start3A_30 = tpu.memref_slice %arg7[%add3A_29, %dma_start3A] : memref<320000x128xf32, #tpu.memory_space<hbm>> -> memref<16x128xf32, #tpu.memory_space<hbm>>
      %dma_start3A_31 = arith.constant 0 : i32
      %dma_start3A_32 = tpu.memref_slice %arg7[%add3A_29, %dma_start3A_31] : memref<320000x128xf32, #tpu.memory_space<hbm>> -> memref<16x128xf32, #tpu.memory_space<hbm>>
      tpu.enqueue_dma source(%arg17 : memref<16x128xf32, #tpu.memory_space<vmem>>) target(%dma_start3A_32 : memref<16x128xf32, #tpu.memory_space<hbm>>) target_semaphore(%run_scoped3A : memref<!tpu.dma_semaphore, #tpu.memory_space<semaphore_mem>>)
      %dma_wait3A_33 = arith.constant 0 : i32
      %dma_wait3A_34 = tpu.memref_slice %arg7[%add3A_29, %dma_wait3A_33] : memref<320000x128xf32, #tpu.memory_space<hbm>> -> memref<16x128xf32, #tpu.memory_space<hbm>>
      %dma_wait3A_35 = arith.constant 0 : i32
      %dma_wait3A_36 = tpu.memref_slice %arg7[%add3A_29, %dma_wait3A_35] : memref<320000x128xf32, #tpu.memory_space<hbm>> -> memref<16x128xf32, #tpu.memory_space<hbm>>
      tpu.wait_dma2 semaphore(%run_scoped3A : memref<!tpu.dma_semaphore, #tpu.memory_space<semaphore_mem>>) src(%arg17 : memref<16x128xf32, #tpu.memory_space<vmem>>) dst(%dma_wait3A_36 : memref<16x128xf32, #tpu.memory_space<hbm>>)
      tpu.yield
    }) : () -> ()
    "tpu.region"() ({
      %run_scoped3A = tpu.sem_alloc : memref<!tpu.dma_semaphore, #tpu.memory_space<semaphore_mem>>
      %dma_start3A = arith.constant 0 : i32
      %dma_start3A_30 = tpu.memref_slice %arg8[%add3A_29, %dma_start3A] : memref<320000x128xf32, #tpu.memory_space<hbm>> -> memref<16x128xf32, #tpu.memory_space<hbm>>
      %dma_start3A_31 = arith.constant 0 : i32
      %dma_start3A_32 = tpu.memref_slice %arg8[%add3A_29, %dma_start3A_31] : memref<320000x128xf32, #tpu.memory_space<hbm>> -> memref<16x128xf32, #tpu.memory_space<hbm>>
      tpu.enqueue_dma source(%arg18 : memref<16x128xf32, #tpu.memory_space<vmem>>) target(%dma_start3A_32 : memref<16x128xf32, #tpu.memory_space<hbm>>) target_semaphore(%run_scoped3A : memref<!tpu.dma_semaphore, #tpu.memory_space<semaphore_mem>>)
      %dma_wait3A_33 = arith.constant 0 : i32
      %dma_wait3A_34 = tpu.memref_slice %arg8[%add3A_29, %dma_wait3A_33] : memref<320000x128xf32, #tpu.memory_space<hbm>> -> memref<16x128xf32, #tpu.memory_space<hbm>>
      %dma_wait3A_35 = arith.constant 0 : i32
      %dma_wait3A_36 = tpu.memref_slice %arg8[%add3A_29, %dma_wait3A_35] : memref<320000x128xf32, #tpu.memory_space<hbm>> -> memref<16x128xf32, #tpu.memory_space<hbm>>
      tpu.wait_dma2 semaphore(%run_scoped3A : memref<!tpu.dma_semaphore, #tpu.memory_space<semaphore_mem>>) src(%arg18 : memref<16x128xf32, #tpu.memory_space<vmem>>) dst(%dma_wait3A_36 : memref<16x128xf32, #tpu.memory_space<hbm>>)
      tpu.yield
    }) : () -> ()
    return
  }
}

#map = affine_map<(d0, d1) -> (0, 0)>
#map1 = affine_map<(d0, d1) -> (0, 0, 0)>
#map2 = affine_map<(d0, d1) -> (0)>
module attributes {stable_mosaic.version = 14 : i64} {
  func.func @k(%arg0: i32, %arg1: i32, %arg2: memref<320000x128xf32, #tpu.memory_space<hbm>>, %arg3: memref<32x78x128xi32, #tpu.memory_space<hbm>>, %arg4: memref<320000xi32, #tpu.memory_space<hbm>>, %arg5: memref<10000x128xf32, #tpu.memory_space<hbm>>, %arg6: memref<2x10000x128xf32, #tpu.memory_space<hbm>>, %arg7: memref<78x128xi32, #tpu.memory_space<vmem>>, %arg8: memref<128x128xf32, #tpu.memory_space<vmem>>, %arg9: memref<128x128xf32, #tpu.memory_space<vmem>>, %arg10: memref<16xi32, #tpu.memory_space<vmem>>, %arg11: memref<16x128xf32, #tpu.memory_space<vmem>>, %arg12: memref<10000x128xf32, #tpu.memory_space<vmem_shared>>, %arg13: memref<!tpu.dma_semaphore, #tpu.memory_space<semaphore_mem>>, %arg14: memref<!tpu.dma_semaphore, #tpu.memory_space<semaphore_mem>>) attributes {dimension_semantics = [#tpu.dimension_semantics<core_parallel>, #tpu.dimension_semantics<subcore_parallel>], iteration_bounds = array<i64: 2, 16>, scalar_prefetch = 0 : i64, scratch_operands = 8 : i64, tpu.core_type = #tpu.core_type<sc_vector_subcore>, window_params = [{transform_indices = #map}, {transform_indices = #map1}, {transform_indices = #map2}, {transform_indices = #map}, {transform_indices = #map1}]} {
    %mul3A = arith.constant 16 : i32
    %mul3A_0 = arith.muli %arg0, %mul3A : i32
    %add3A = arith.addi %mul3A_0, %arg1 : i32
    %mul3A_1 = arith.constant 624 : i32
    %mul3A_2 = arith.muli %arg1, %mul3A_1 : i32
    %lt3A = arith.constant 15 : i32
    %lt3A_3 = arith.cmpi slt, %arg1, %lt3A : i32
    %convert_element_type3A = arith.extui %lt3A_3 : i1 to i32
    %cond3A = arith.constant 0 : i32
    %cond3A_4 = arith.cmpi ne, %convert_element_type3A, %cond3A : i32
    scf.if %cond3A_4 {
      "tpu.region"() ({
        %run_scoped3A = tpu.sem_alloc : memref<!tpu.dma_semaphore, #tpu.memory_space<semaphore_mem>>
        %dma_start3A_36 = arith.constant 0 : i32
        %dma_start3A_37 = tpu.memref_slice %arg12[%mul3A_2, %dma_start3A_36] : memref<10000x128xf32, #tpu.memory_space<vmem_shared>> -> memref<624x128xf32, #tpu.memory_space<vmem_shared>>
        %dma_start3A_38 = arith.constant 0 : i32
        %dma_start3A_39 = tpu.memref_slice %arg5[%mul3A_2, %dma_start3A_38] : memref<10000x128xf32, #tpu.memory_space<hbm>> -> memref<624x128xf32, #tpu.memory_space<hbm>>
        tpu.enqueue_dma source(%dma_start3A_39 : memref<624x128xf32, #tpu.memory_space<hbm>>) target(%dma_start3A_37 : memref<624x128xf32, #tpu.memory_space<vmem_shared>>) target_semaphore(%run_scoped3A : memref<!tpu.dma_semaphore, #tpu.memory_space<semaphore_mem>>)
        %dma_wait3A_40 = arith.constant 0 : i32
        %dma_wait3A_41 = tpu.memref_slice %arg12[%mul3A_2, %dma_wait3A_40] : memref<10000x128xf32, #tpu.memory_space<vmem_shared>> -> memref<624x128xf32, #tpu.memory_space<vmem_shared>>
        %dma_wait3A_42 = arith.constant 0 : i32
        %dma_wait3A_43 = tpu.memref_slice %arg5[%mul3A_2, %dma_wait3A_42] : memref<10000x128xf32, #tpu.memory_space<hbm>> -> memref<624x128xf32, #tpu.memory_space<hbm>>
        tpu.wait_dma2 semaphore(%run_scoped3A : memref<!tpu.dma_semaphore, #tpu.memory_space<semaphore_mem>>) src(%dma_wait3A_43 : memref<624x128xf32, #tpu.memory_space<hbm>>) dst(%dma_wait3A_41 : memref<624x128xf32, #tpu.memory_space<vmem_shared>>)
        tpu.yield
      }) : () -> ()
    } else {
    }
    %eq3A = arith.constant 15 : i32
    %eq3A_5 = arith.cmpi eq, %arg1, %eq3A : i32
    %convert_element_type3A_6 = arith.extui %eq3A_5 : i1 to i32
    %cond3A_7 = arith.constant 0 : i32
    %cond3A_8 = arith.cmpi ne, %convert_element_type3A_6, %cond3A_7 : i32
    scf.if %cond3A_8 {
      "tpu.region"() ({
        %run_scoped3A = tpu.sem_alloc : memref<!tpu.dma_semaphore, #tpu.memory_space<semaphore_mem>>
        %dma_start3A_36 = arith.constant 9360 : i32
        %dma_start3A_37 = arith.constant 0 : i32
        %dma_start3A_38 = tpu.memref_slice %arg12[%dma_start3A_36, %dma_start3A_37] : memref<10000x128xf32, #tpu.memory_space<vmem_shared>> -> memref<640x128xf32, #tpu.memory_space<vmem_shared>>
        %dma_start3A_39 = arith.constant 9360 : i32
        %dma_start3A_40 = arith.constant 0 : i32
        %dma_start3A_41 = tpu.memref_slice %arg5[%dma_start3A_39, %dma_start3A_40] : memref<10000x128xf32, #tpu.memory_space<hbm>> -> memref<640x128xf32, #tpu.memory_space<hbm>>
        tpu.enqueue_dma source(%dma_start3A_41 : memref<640x128xf32, #tpu.memory_space<hbm>>) target(%dma_start3A_38 : memref<640x128xf32, #tpu.memory_space<vmem_shared>>) target_semaphore(%run_scoped3A : memref<!tpu.dma_semaphore, #tpu.memory_space<semaphore_mem>>)
        %dma_wait3A_42 = arith.constant 9360 : i32
        %dma_wait3A_43 = arith.constant 0 : i32
        %dma_wait3A_44 = tpu.memref_slice %arg12[%dma_wait3A_42, %dma_wait3A_43] : memref<10000x128xf32, #tpu.memory_space<vmem_shared>> -> memref<640x128xf32, #tpu.memory_space<vmem_shared>>
        %dma_wait3A_45 = arith.constant 9360 : i32
        %dma_wait3A_46 = arith.constant 0 : i32
        %dma_wait3A_47 = tpu.memref_slice %arg5[%dma_wait3A_45, %dma_wait3A_46] : memref<10000x128xf32, #tpu.memory_space<hbm>> -> memref<640x128xf32, #tpu.memory_space<hbm>>
        tpu.wait_dma2 semaphore(%run_scoped3A : memref<!tpu.dma_semaphore, #tpu.memory_space<semaphore_mem>>) src(%dma_wait3A_47 : memref<640x128xf32, #tpu.memory_space<hbm>>) dst(%dma_wait3A_44 : memref<640x128xf32, #tpu.memory_space<vmem_shared>>)
        tpu.yield
      }) : () -> ()
    } else {
    }
    "tpu.region"() ({
      %run_scoped3A = tpu.sem_alloc : memref<!tpu.dma_semaphore, #tpu.memory_space<semaphore_mem>>
      %dma_start3A_36 = arith.constant 0 : i32
      %dma_start3A_37 = arith.constant 0 : i32
      %dma_start3A_38 = tpu.memref_slice %arg3[%add3A, %dma_start3A_36, %dma_start3A_37] : memref<32x78x128xi32, #tpu.memory_space<hbm>> -> memref<1x78x128xi32, #tpu.memory_space<hbm>>
      %dma_start3A_39 = tpu.memref_squeeze %dma_start3A_38 : memref<1x78x128xi32, #tpu.memory_space<hbm>> -> memref<78x128xi32, #tpu.memory_space<hbm>>
      %dma_start3A_40 = arith.constant 0 : i32
      %dma_start3A_41 = arith.constant 0 : i32
      %dma_start3A_42 = tpu.memref_slice %arg3[%add3A, %dma_start3A_40, %dma_start3A_41] : memref<32x78x128xi32, #tpu.memory_space<hbm>> -> memref<1x78x128xi32, #tpu.memory_space<hbm>>
      %dma_start3A_43 = tpu.memref_squeeze %dma_start3A_42 : memref<1x78x128xi32, #tpu.memory_space<hbm>> -> memref<78x128xi32, #tpu.memory_space<hbm>>
      tpu.enqueue_dma source(%dma_start3A_43 : memref<78x128xi32, #tpu.memory_space<hbm>>) target(%arg7 : memref<78x128xi32, #tpu.memory_space<vmem>>) target_semaphore(%run_scoped3A : memref<!tpu.dma_semaphore, #tpu.memory_space<semaphore_mem>>)
      %dma_wait3A_44 = arith.constant 0 : i32
      %dma_wait3A_45 = arith.constant 0 : i32
      %dma_wait3A_46 = tpu.memref_slice %arg3[%add3A, %dma_wait3A_44, %dma_wait3A_45] : memref<32x78x128xi32, #tpu.memory_space<hbm>> -> memref<1x78x128xi32, #tpu.memory_space<hbm>>
      %dma_wait3A_47 = tpu.memref_squeeze %dma_wait3A_46 : memref<1x78x128xi32, #tpu.memory_space<hbm>> -> memref<78x128xi32, #tpu.memory_space<hbm>>
      %dma_wait3A_48 = arith.constant 0 : i32
      %dma_wait3A_49 = arith.constant 0 : i32
      %dma_wait3A_50 = tpu.memref_slice %arg3[%add3A, %dma_wait3A_48, %dma_wait3A_49] : memref<32x78x128xi32, #tpu.memory_space<hbm>> -> memref<1x78x128xi32, #tpu.memory_space<hbm>>
      %dma_wait3A_51 = tpu.memref_squeeze %dma_wait3A_50 : memref<1x78x128xi32, #tpu.memory_space<hbm>> -> memref<78x128xi32, #tpu.memory_space<hbm>>
      tpu.wait_dma2 semaphore(%run_scoped3A : memref<!tpu.dma_semaphore, #tpu.memory_space<semaphore_mem>>) src(%dma_wait3A_51 : memref<78x128xi32, #tpu.memory_space<hbm>>) dst(%arg7 : memref<78x128xi32, #tpu.memory_space<vmem>>)
      tpu.yield
    }) : () -> ()
    %barrier3A = arith.constant 0 : index
    tpu.barrier barrier_id(%barrier3A)
    %mul3A_9 = arith.constant 9984 : i32
    %mul3A_10 = arith.muli %add3A, %mul3A_9 : i32
    %dma_start3A = arith.constant 0 : i32
    %dma_start3A_11 = tpu.memref_slice %arg2[%mul3A_10, %dma_start3A] : memref<320000x128xf32, #tpu.memory_space<hbm>> -> memref<128x128xf32, #tpu.memory_space<hbm>>
    %dma_start3A_12 = arith.constant 0 : i32
    %dma_start3A_13 = tpu.memref_slice %arg2[%mul3A_10, %dma_start3A_12] : memref<320000x128xf32, #tpu.memory_space<hbm>> -> memref<128x128xf32, #tpu.memory_space<hbm>>
    tpu.enqueue_dma source(%dma_start3A_13 : memref<128x128xf32, #tpu.memory_space<hbm>>) target(%arg8 : memref<128x128xf32, #tpu.memory_space<vmem>>) target_semaphore(%arg13 : memref<!tpu.dma_semaphore, #tpu.memory_space<semaphore_mem>>)
    %dma_wait3A = arith.constant 0 : i32
    %dma_wait3A_14 = tpu.memref_slice %arg2[%mul3A_10, %dma_wait3A] : memref<320000x128xf32, #tpu.memory_space<hbm>> -> memref<128x128xf32, #tpu.memory_space<hbm>>
    %dma_wait3A_15 = arith.constant 0 : i32
    %dma_wait3A_16 = tpu.memref_slice %arg2[%mul3A_10, %dma_wait3A_15] : memref<320000x128xf32, #tpu.memory_space<hbm>> -> memref<128x128xf32, #tpu.memory_space<hbm>>
    tpu.wait_dma2 semaphore(%arg13 : memref<!tpu.dma_semaphore, #tpu.memory_space<semaphore_mem>>) src(%dma_wait3A_16 : memref<128x128xf32, #tpu.memory_space<hbm>>) dst(%arg8 : memref<128x128xf32, #tpu.memory_space<vmem>>)
    %scan3A = arith.constant 0 : i32
    %scan3A_17 = arith.constant 39 : i32
    %scan3A_18 = arith.addi %scan3A, %scan3A_17 : i32
    %scan3A_19 = arith.constant 1 : i32
    scf.for %scan3A_36 = %scan3A to %scan3A_18 step %scan3A_19  : i32 {
      %mul3A_37 = arith.constant 1 : i32
      %mul3A_38 = arith.muli %scan3A_36, %mul3A_37 : i32
      %add3A_39 = arith.constant 0 : i32
      %add3A_40 = arith.addi %add3A_39, %mul3A_38 : i32
      %mul3A_41 = arith.constant 2 : i32
      %mul3A_42 = arith.muli %mul3A_41, %add3A_40 : i32
      %add3A_43 = arith.constant 1 : i32
      %add3A_44 = arith.addi %mul3A_42, %add3A_43 : i32
      %mul3A_45 = arith.constant 128 : i32
      %mul3A_46 = arith.muli %add3A_44, %mul3A_45 : i32
      %add3A_47 = arith.addi %mul3A_10, %mul3A_46 : i32
      %dma_start3A_48 = arith.constant 0 : i32
      %dma_start3A_49 = tpu.memref_slice %arg2[%add3A_47, %dma_start3A_48] : memref<320000x128xf32, #tpu.memory_space<hbm>> -> memref<128x128xf32, #tpu.memory_space<hbm>>
      %dma_start3A_50 = arith.constant 0 : i32
      %dma_start3A_51 = tpu.memref_slice %arg2[%add3A_47, %dma_start3A_50] : memref<320000x128xf32, #tpu.memory_space<hbm>> -> memref<128x128xf32, #tpu.memory_space<hbm>>
      tpu.enqueue_dma source(%dma_start3A_51 : memref<128x128xf32, #tpu.memory_space<hbm>>) target(%arg9 : memref<128x128xf32, #tpu.memory_space<vmem>>) target_semaphore(%arg14 : memref<!tpu.dma_semaphore, #tpu.memory_space<semaphore_mem>>)
      "tpu.region"() ({
        %run_scoped3A = tpu.sem_alloc : memref<!tpu.dma_semaphore, #tpu.memory_space<semaphore_mem>>
        %dma_start3A_66 = arith.constant 0 : i32
        %dma_start3A_67 = tpu.memref_slice %arg7[%mul3A_42, %dma_start3A_66] : memref<78x128xi32, #tpu.memory_space<vmem>> -> memref<1x128xi32, #tpu.memory_space<vmem>>
        %dma_start3A_68 = tpu.memref_squeeze %dma_start3A_67 : memref<1x128xi32, #tpu.memory_space<vmem>> -> memref<128xi32, #tpu.memory_space<vmem>>
        %dma_start3A_69 = arith.constant 0 : i32
        %dma_start3A_70 = arith.constant 0 : i32
        %dma_start3A_71 = tpu.memref_slice %arg12[%dma_start3A_69, %dma_start3A_70] : memref<10000x128xf32, #tpu.memory_space<vmem_shared>> -> memref<10000x128xf32, #tpu.memory_space<vmem_shared>>
        tpu.enqueue_indirect_dma source(%arg8 : memref<128x128xf32, #tpu.memory_space<vmem>>) target(%dma_start3A_71 : memref<10000x128xf32, #tpu.memory_space<vmem_shared>>) offsets(%dma_start3A_68 : memref<128xi32, #tpu.memory_space<vmem>>) semaphore(%run_scoped3A : memref<!tpu.dma_semaphore, #tpu.memory_space<semaphore_mem>>) {add = true}
        %dma_wait3A_72 = arith.constant 0 : i32
        %dma_wait3A_73 = tpu.memref_slice %arg7[%mul3A_42, %dma_wait3A_72] : memref<78x128xi32, #tpu.memory_space<vmem>> -> memref<1x128xi32, #tpu.memory_space<vmem>>
        %dma_wait3A_74 = tpu.memref_squeeze %dma_wait3A_73 : memref<1x128xi32, #tpu.memory_space<vmem>> -> memref<128xi32, #tpu.memory_space<vmem>>
        %dma_wait3A_75 = arith.constant 0 : i32
        %dma_wait3A_76 = arith.constant 0 : i32
        %dma_wait3A_77 = tpu.memref_slice %arg12[%dma_wait3A_75, %dma_wait3A_76] : memref<10000x128xf32, #tpu.memory_space<vmem_shared>> -> memref<10000x128xf32, #tpu.memory_space<vmem_shared>>
        tpu.wait_indirect_dma semaphore(%run_scoped3A : memref<!tpu.dma_semaphore, #tpu.memory_space<semaphore_mem>>) src(%arg8 : memref<128x128xf32, #tpu.memory_space<vmem>>) dst(%dma_wait3A_77 : memref<10000x128xf32, #tpu.memory_space<vmem_shared>>)
        tpu.yield
      }) : () -> ()
      %dma_wait3A_52 = arith.constant 0 : i32
      %dma_wait3A_53 = tpu.memref_slice %arg2[%add3A_47, %dma_wait3A_52] : memref<320000x128xf32, #tpu.memory_space<hbm>> -> memref<128x128xf32, #tpu.memory_space<hbm>>
      %dma_wait3A_54 = arith.constant 0 : i32
      %dma_wait3A_55 = tpu.memref_slice %arg2[%add3A_47, %dma_wait3A_54] : memref<320000x128xf32, #tpu.memory_space<hbm>> -> memref<128x128xf32, #tpu.memory_space<hbm>>
      tpu.wait_dma2 semaphore(%arg14 : memref<!tpu.dma_semaphore, #tpu.memory_space<semaphore_mem>>) src(%dma_wait3A_55 : memref<128x128xf32, #tpu.memory_space<hbm>>) dst(%arg9 : memref<128x128xf32, #tpu.memory_space<vmem>>)
      %lt3A_56 = arith.constant 38 : i32
      %lt3A_57 = arith.cmpi slt, %add3A_40, %lt3A_56 : i32
      %convert_element_type3A_58 = arith.extui %lt3A_57 : i1 to i32
      %cond3A_59 = arith.constant 0 : i32
      %cond3A_60 = arith.cmpi ne, %convert_element_type3A_58, %cond3A_59 : i32
      scf.if %cond3A_60 {
        %add3A_66 = arith.constant 2 : i32
        %add3A_67 = arith.addi %mul3A_42, %add3A_66 : i32
        %mul3A_68 = arith.constant 128 : i32
        %mul3A_69 = arith.muli %add3A_67, %mul3A_68 : i32
        %add3A_70 = arith.addi %mul3A_10, %mul3A_69 : i32
        %dma_start3A_71 = arith.constant 0 : i32
        %dma_start3A_72 = tpu.memref_slice %arg2[%add3A_70, %dma_start3A_71] : memref<320000x128xf32, #tpu.memory_space<hbm>> -> memref<128x128xf32, #tpu.memory_space<hbm>>
        %dma_start3A_73 = arith.constant 0 : i32
        %dma_start3A_74 = tpu.memref_slice %arg2[%add3A_70, %dma_start3A_73] : memref<320000x128xf32, #tpu.memory_space<hbm>> -> memref<128x128xf32, #tpu.memory_space<hbm>>
        tpu.enqueue_dma source(%dma_start3A_74 : memref<128x128xf32, #tpu.memory_space<hbm>>) target(%arg8 : memref<128x128xf32, #tpu.memory_space<vmem>>) target_semaphore(%arg13 : memref<!tpu.dma_semaphore, #tpu.memory_space<semaphore_mem>>)
        %add3A_75 = arith.constant 1 : i32
        %add3A_76 = arith.addi %mul3A_42, %add3A_75 : i32
        "tpu.region"() ({
          %run_scoped3A = tpu.sem_alloc : memref<!tpu.dma_semaphore, #tpu.memory_space<semaphore_mem>>
          %dma_start3A_81 = arith.constant 0 : i32
          %dma_start3A_82 = tpu.memref_slice %arg7[%add3A_76, %dma_start3A_81] : memref<78x128xi32, #tpu.memory_space<vmem>> -> memref<1x128xi32, #tpu.memory_space<vmem>>
          %dma_start3A_83 = tpu.memref_squeeze %dma_start3A_82 : memref<1x128xi32, #tpu.memory_space<vmem>> -> memref<128xi32, #tpu.memory_space<vmem>>
          %dma_start3A_84 = arith.constant 0 : i32
          %dma_start3A_85 = arith.constant 0 : i32
          %dma_start3A_86 = tpu.memref_slice %arg12[%dma_start3A_84, %dma_start3A_85] : memref<10000x128xf32, #tpu.memory_space<vmem_shared>> -> memref<10000x128xf32, #tpu.memory_space<vmem_shared>>
          tpu.enqueue_indirect_dma source(%arg9 : memref<128x128xf32, #tpu.memory_space<vmem>>) target(%dma_start3A_86 : memref<10000x128xf32, #tpu.memory_space<vmem_shared>>) offsets(%dma_start3A_83 : memref<128xi32, #tpu.memory_space<vmem>>) semaphore(%run_scoped3A : memref<!tpu.dma_semaphore, #tpu.memory_space<semaphore_mem>>) {add = true}
          %dma_wait3A_87 = arith.constant 0 : i32
          %dma_wait3A_88 = tpu.memref_slice %arg7[%add3A_76, %dma_wait3A_87] : memref<78x128xi32, #tpu.memory_space<vmem>> -> memref<1x128xi32, #tpu.memory_space<vmem>>
          %dma_wait3A_89 = tpu.memref_squeeze %dma_wait3A_88 : memref<1x128xi32, #tpu.memory_space<vmem>> -> memref<128xi32, #tpu.memory_space<vmem>>
          %dma_wait3A_90 = arith.constant 0 : i32
          %dma_wait3A_91 = arith.constant 0 : i32
          %dma_wait3A_92 = tpu.memref_slice %arg12[%dma_wait3A_90, %dma_wait3A_91] : memref<10000x128xf32, #tpu.memory_space<vmem_shared>> -> memref<10000x128xf32, #tpu.memory_space<vmem_shared>>
          tpu.wait_indirect_dma semaphore(%run_scoped3A : memref<!tpu.dma_semaphore, #tpu.memory_space<semaphore_mem>>) src(%arg9 : memref<128x128xf32, #tpu.memory_space<vmem>>) dst(%dma_wait3A_92 : memref<10000x128xf32, #tpu.memory_space<vmem_shared>>)
          tpu.yield
        }) : () -> ()
        %dma_wait3A_77 = arith.constant 0 : i32
        %dma_wait3A_78 = tpu.memref_slice %arg2[%add3A_70, %dma_wait3A_77] : memref<320000x128xf32, #tpu.memory_space<hbm>> -> memref<128x128xf32, #tpu.memory_space<hbm>>
        %dma_wait3A_79 = arith.constant 0 : i32
        %dma_wait3A_80 = tpu.memref_slice %arg2[%add3A_70, %dma_wait3A_79] : memref<320000x128xf32, #tpu.memory_space<hbm>> -> memref<128x128xf32, #tpu.memory_space<hbm>>
        tpu.wait_dma2 semaphore(%arg13 : memref<!tpu.dma_semaphore, #tpu.memory_space<semaphore_mem>>) src(%dma_wait3A_80 : memref<128x128xf32, #tpu.memory_space<hbm>>) dst(%arg8 : memref<128x128xf32, #tpu.memory_space<vmem>>)
      } else {
      }
      %eq3A_61 = arith.constant 38 : i32
      %eq3A_62 = arith.cmpi eq, %add3A_40, %eq3A_61 : i32
      %convert_element_type3A_63 = arith.extui %eq3A_62 : i1 to i32
      %cond3A_64 = arith.constant 0 : i32
      %cond3A_65 = arith.cmpi ne, %convert_element_type3A_63, %cond3A_64 : i32
      scf.if %cond3A_65 {
        %add3A_66 = arith.constant 1 : i32
        %add3A_67 = arith.addi %mul3A_42, %add3A_66 : i32
        "tpu.region"() ({
          %run_scoped3A = tpu.sem_alloc : memref<!tpu.dma_semaphore, #tpu.memory_space<semaphore_mem>>
          %dma_start3A_68 = arith.constant 0 : i32
          %dma_start3A_69 = tpu.memref_slice %arg7[%add3A_67, %dma_start3A_68] : memref<78x128xi32, #tpu.memory_space<vmem>> -> memref<1x128xi32, #tpu.memory_space<vmem>>
          %dma_start3A_70 = tpu.memref_squeeze %dma_start3A_69 : memref<1x128xi32, #tpu.memory_space<vmem>> -> memref<128xi32, #tpu.memory_space<vmem>>
          %dma_start3A_71 = arith.constant 0 : i32
          %dma_start3A_72 = arith.constant 0 : i32
          %dma_start3A_73 = tpu.memref_slice %arg12[%dma_start3A_71, %dma_start3A_72] : memref<10000x128xf32, #tpu.memory_space<vmem_shared>> -> memref<10000x128xf32, #tpu.memory_space<vmem_shared>>
          tpu.enqueue_indirect_dma source(%arg9 : memref<128x128xf32, #tpu.memory_space<vmem>>) target(%dma_start3A_73 : memref<10000x128xf32, #tpu.memory_space<vmem_shared>>) offsets(%dma_start3A_70 : memref<128xi32, #tpu.memory_space<vmem>>) semaphore(%run_scoped3A : memref<!tpu.dma_semaphore, #tpu.memory_space<semaphore_mem>>) {add = true}
          %dma_wait3A_74 = arith.constant 0 : i32
          %dma_wait3A_75 = tpu.memref_slice %arg7[%add3A_67, %dma_wait3A_74] : memref<78x128xi32, #tpu.memory_space<vmem>> -> memref<1x128xi32, #tpu.memory_space<vmem>>
          %dma_wait3A_76 = tpu.memref_squeeze %dma_wait3A_75 : memref<1x128xi32, #tpu.memory_space<vmem>> -> memref<128xi32, #tpu.memory_space<vmem>>
          %dma_wait3A_77 = arith.constant 0 : i32
          %dma_wait3A_78 = arith.constant 0 : i32
          %dma_wait3A_79 = tpu.memref_slice %arg12[%dma_wait3A_77, %dma_wait3A_78] : memref<10000x128xf32, #tpu.memory_space<vmem_shared>> -> memref<10000x128xf32, #tpu.memory_space<vmem_shared>>
          tpu.wait_indirect_dma semaphore(%run_scoped3A : memref<!tpu.dma_semaphore, #tpu.memory_space<semaphore_mem>>) src(%arg9 : memref<128x128xf32, #tpu.memory_space<vmem>>) dst(%dma_wait3A_79 : memref<10000x128xf32, #tpu.memory_space<vmem_shared>>)
          tpu.yield
        }) : () -> ()
      } else {
      }
    }
    %scan3A_20 = arith.constant 39 : i32
    %mul3A_21 = arith.constant 16 : i32
    %mul3A_22 = arith.muli %add3A, %mul3A_21 : i32
    %add3A_23 = arith.constant 319488 : i32
    %add3A_24 = arith.addi %add3A_23, %mul3A_22 : i32
    "tpu.region"() ({
      %run_scoped3A = tpu.sem_alloc : memref<!tpu.dma_semaphore, #tpu.memory_space<semaphore_mem>>
      %dma_start3A_36 = tpu.memref_slice %arg4[%add3A_24] : memref<320000xi32, #tpu.memory_space<hbm>> -> memref<16xi32, #tpu.memory_space<hbm>>
      %dma_start3A_37 = tpu.memref_slice %arg4[%add3A_24] : memref<320000xi32, #tpu.memory_space<hbm>> -> memref<16xi32, #tpu.memory_space<hbm>>
      tpu.enqueue_dma source(%dma_start3A_37 : memref<16xi32, #tpu.memory_space<hbm>>) target(%arg10 : memref<16xi32, #tpu.memory_space<vmem>>) target_semaphore(%run_scoped3A : memref<!tpu.dma_semaphore, #tpu.memory_space<semaphore_mem>>)
      %dma_wait3A_38 = tpu.memref_slice %arg4[%add3A_24] : memref<320000xi32, #tpu.memory_space<hbm>> -> memref<16xi32, #tpu.memory_space<hbm>>
      %dma_wait3A_39 = tpu.memref_slice %arg4[%add3A_24] : memref<320000xi32, #tpu.memory_space<hbm>> -> memref<16xi32, #tpu.memory_space<hbm>>
      tpu.wait_dma2 semaphore(%run_scoped3A : memref<!tpu.dma_semaphore, #tpu.memory_space<semaphore_mem>>) src(%dma_wait3A_39 : memref<16xi32, #tpu.memory_space<hbm>>) dst(%arg10 : memref<16xi32, #tpu.memory_space<vmem>>)
      tpu.yield
    }) : () -> ()
    "tpu.region"() ({
      %run_scoped3A = tpu.sem_alloc : memref<!tpu.dma_semaphore, #tpu.memory_space<semaphore_mem>>
      %dma_start3A_36 = arith.constant 0 : i32
      %dma_start3A_37 = tpu.memref_slice %arg2[%add3A_24, %dma_start3A_36] : memref<320000x128xf32, #tpu.memory_space<hbm>> -> memref<16x128xf32, #tpu.memory_space<hbm>>
      %dma_start3A_38 = arith.constant 0 : i32
      %dma_start3A_39 = tpu.memref_slice %arg2[%add3A_24, %dma_start3A_38] : memref<320000x128xf32, #tpu.memory_space<hbm>> -> memref<16x128xf32, #tpu.memory_space<hbm>>
      tpu.enqueue_dma source(%dma_start3A_39 : memref<16x128xf32, #tpu.memory_space<hbm>>) target(%arg11 : memref<16x128xf32, #tpu.memory_space<vmem>>) target_semaphore(%run_scoped3A : memref<!tpu.dma_semaphore, #tpu.memory_space<semaphore_mem>>)
      %dma_wait3A_40 = arith.constant 0 : i32
      %dma_wait3A_41 = tpu.memref_slice %arg2[%add3A_24, %dma_wait3A_40] : memref<320000x128xf32, #tpu.memory_space<hbm>> -> memref<16x128xf32, #tpu.memory_space<hbm>>
      %dma_wait3A_42 = arith.constant 0 : i32
      %dma_wait3A_43 = tpu.memref_slice %arg2[%add3A_24, %dma_wait3A_42] : memref<320000x128xf32, #tpu.memory_space<hbm>> -> memref<16x128xf32, #tpu.memory_space<hbm>>
      tpu.wait_dma2 semaphore(%run_scoped3A : memref<!tpu.dma_semaphore, #tpu.memory_space<semaphore_mem>>) src(%dma_wait3A_43 : memref<16x128xf32, #tpu.memory_space<hbm>>) dst(%arg11 : memref<16x128xf32, #tpu.memory_space<vmem>>)
      tpu.yield
    }) : () -> ()
    "tpu.region"() ({
      %run_scoped3A = tpu.sem_alloc : memref<!tpu.dma_semaphore, #tpu.memory_space<semaphore_mem>>
      %dma_start3A_36 = arith.constant 0 : i32
      %dma_start3A_37 = arith.constant 0 : i32
      %dma_start3A_38 = tpu.memref_slice %arg12[%dma_start3A_36, %dma_start3A_37] : memref<10000x128xf32, #tpu.memory_space<vmem_shared>> -> memref<10000x128xf32, #tpu.memory_space<vmem_shared>>
      tpu.enqueue_indirect_dma source(%arg11 : memref<16x128xf32, #tpu.memory_space<vmem>>) target(%dma_start3A_38 : memref<10000x128xf32, #tpu.memory_space<vmem_shared>>) offsets(%arg10 : memref<16xi32, #tpu.memory_space<vmem>>) semaphore(%run_scoped3A : memref<!tpu.dma_semaphore, #tpu.memory_space<semaphore_mem>>) {add = true}
      %dma_wait3A_39 = arith.constant 0 : i32
      %dma_wait3A_40 = arith.constant 0 : i32
      %dma_wait3A_41 = tpu.memref_slice %arg12[%dma_wait3A_39, %dma_wait3A_40] : memref<10000x128xf32, #tpu.memory_space<vmem_shared>> -> memref<10000x128xf32, #tpu.memory_space<vmem_shared>>
      tpu.wait_indirect_dma semaphore(%run_scoped3A : memref<!tpu.dma_semaphore, #tpu.memory_space<semaphore_mem>>) src(%arg11 : memref<16x128xf32, #tpu.memory_space<vmem>>) dst(%dma_wait3A_41 : memref<10000x128xf32, #tpu.memory_space<vmem_shared>>)
      tpu.yield
    }) : () -> ()
    %barrier3A_25 = arith.constant 0 : index
    tpu.barrier barrier_id(%barrier3A_25)
    %lt3A_26 = arith.constant 15 : i32
    %lt3A_27 = arith.cmpi slt, %arg1, %lt3A_26 : i32
    %convert_element_type3A_28 = arith.extui %lt3A_27 : i1 to i32
    %cond3A_29 = arith.constant 0 : i32
    %cond3A_30 = arith.cmpi ne, %convert_element_type3A_28, %cond3A_29 : i32
    scf.if %cond3A_30 {
      "tpu.region"() ({
        %run_scoped3A = tpu.sem_alloc : memref<!tpu.dma_semaphore, #tpu.memory_space<semaphore_mem>>
        %dma_start3A_36 = arith.constant 0 : i32
        %dma_start3A_37 = tpu.memref_slice %arg6[%arg0, %mul3A_2, %dma_start3A_36] : memref<2x10000x128xf32, #tpu.memory_space<hbm>> -> memref<1x624x128xf32, #tpu.memory_space<hbm>>
        %dma_start3A_38 = tpu.memref_squeeze %dma_start3A_37 : memref<1x624x128xf32, #tpu.memory_space<hbm>> -> memref<624x128xf32, #tpu.memory_space<hbm>>
        %dma_start3A_39 = arith.constant 0 : i32
        %dma_start3A_40 = tpu.memref_slice %arg12[%mul3A_2, %dma_start3A_39] : memref<10000x128xf32, #tpu.memory_space<vmem_shared>> -> memref<624x128xf32, #tpu.memory_space<vmem_shared>>
        tpu.enqueue_dma source(%dma_start3A_40 : memref<624x128xf32, #tpu.memory_space<vmem_shared>>) target(%dma_start3A_38 : memref<624x128xf32, #tpu.memory_space<hbm>>) target_semaphore(%run_scoped3A : memref<!tpu.dma_semaphore, #tpu.memory_space<semaphore_mem>>)
        %dma_wait3A_41 = arith.constant 0 : i32
        %dma_wait3A_42 = tpu.memref_slice %arg6[%arg0, %mul3A_2, %dma_wait3A_41] : memref<2x10000x128xf32, #tpu.memory_space<hbm>> -> memref<1x624x128xf32, #tpu.memory_space<hbm>>
        %dma_wait3A_43 = tpu.memref_squeeze %dma_wait3A_42 : memref<1x624x128xf32, #tpu.memory_space<hbm>> -> memref<624x128xf32, #tpu.memory_space<hbm>>
        %dma_wait3A_44 = arith.constant 0 : i32
        %dma_wait3A_45 = tpu.memref_slice %arg12[%mul3A_2, %dma_wait3A_44] : memref<10000x128xf32, #tpu.memory_space<vmem_shared>> -> memref<624x128xf32, #tpu.memory_space<vmem_shared>>
        tpu.wait_dma2 semaphore(%run_scoped3A : memref<!tpu.dma_semaphore, #tpu.memory_space<semaphore_mem>>) src(%dma_wait3A_45 : memref<624x128xf32, #tpu.memory_space<vmem_shared>>) dst(%dma_wait3A_43 : memref<624x128xf32, #tpu.memory_space<hbm>>)
        tpu.yield
      }) : () -> ()
    } else {
    }
    %eq3A_31 = arith.constant 15 : i32
    %eq3A_32 = arith.cmpi eq, %arg1, %eq3A_31 : i32
    %convert_element_type3A_33 = arith.extui %eq3A_32 : i1 to i32
    %cond3A_34 = arith.constant 0 : i32
    %cond3A_35 = arith.cmpi ne, %convert_element_type3A_33, %cond3A_34 : i32
    scf.if %cond3A_35 {
      "tpu.region"() ({
        %run_scoped3A = tpu.sem_alloc : memref<!tpu.dma_semaphore, #tpu.memory_space<semaphore_mem>>
        %dma_start3A_36 = arith.constant 9360 : i32
        %dma_start3A_37 = arith.constant 0 : i32
        %dma_start3A_38 = tpu.memref_slice %arg6[%arg0, %dma_start3A_36, %dma_start3A_37] : memref<2x10000x128xf32, #tpu.memory_space<hbm>> -> memref<1x640x128xf32, #tpu.memory_space<hbm>>
        %dma_start3A_39 = tpu.memref_squeeze %dma_start3A_38 : memref<1x640x128xf32, #tpu.memory_space<hbm>> -> memref<640x128xf32, #tpu.memory_space<hbm>>
        %dma_start3A_40 = arith.constant 9360 : i32
        %dma_start3A_41 = arith.constant 0 : i32
        %dma_start3A_42 = tpu.memref_slice %arg12[%dma_start3A_40, %dma_start3A_41] : memref<10000x128xf32, #tpu.memory_space<vmem_shared>> -> memref<640x128xf32, #tpu.memory_space<vmem_shared>>
        tpu.enqueue_dma source(%dma_start3A_42 : memref<640x128xf32, #tpu.memory_space<vmem_shared>>) target(%dma_start3A_39 : memref<640x128xf32, #tpu.memory_space<hbm>>) target_semaphore(%run_scoped3A : memref<!tpu.dma_semaphore, #tpu.memory_space<semaphore_mem>>)
        %dma_wait3A_43 = arith.constant 9360 : i32
        %dma_wait3A_44 = arith.constant 0 : i32
        %dma_wait3A_45 = tpu.memref_slice %arg6[%arg0, %dma_wait3A_43, %dma_wait3A_44] : memref<2x10000x128xf32, #tpu.memory_space<hbm>> -> memref<1x640x128xf32, #tpu.memory_space<hbm>>
        %dma_wait3A_46 = tpu.memref_squeeze %dma_wait3A_45 : memref<1x640x128xf32, #tpu.memory_space<hbm>> -> memref<640x128xf32, #tpu.memory_space<hbm>>
        %dma_wait3A_47 = arith.constant 9360 : i32
        %dma_wait3A_48 = arith.constant 0 : i32
        %dma_wait3A_49 = tpu.memref_slice %arg12[%dma_wait3A_47, %dma_wait3A_48] : memref<10000x128xf32, #tpu.memory_space<vmem_shared>> -> memref<640x128xf32, #tpu.memory_space<vmem_shared>>
        tpu.wait_dma2 semaphore(%run_scoped3A : memref<!tpu.dma_semaphore, #tpu.memory_space<semaphore_mem>>) src(%dma_wait3A_49 : memref<640x128xf32, #tpu.memory_space<vmem_shared>>) dst(%dma_wait3A_46 : memref<640x128xf32, #tpu.memory_space<hbm>>)
        tpu.yield
      }) : () -> ()
    } else {
    }
    return
  }
}

#map = affine_map<(d0, d1) -> (0, 0)>
#map1 = affine_map<(d0, d1) -> (0, 0, 0)>
#map2 = affine_map<(d0, d1) -> (0)>
module attributes {stable_mosaic.version = 14 : i64} {
  func.func @k(%arg0: i32, %arg1: i32, %arg2: memref<10000x128xf32, #tpu.memory_space<hbm>>, %arg3: memref<32x78x128xi32, #tpu.memory_space<hbm>>, %arg4: memref<32x78x128xi32, #tpu.memory_space<hbm>>, %arg5: memref<320000xi32, #tpu.memory_space<hbm>>, %arg6: memref<320000xi32, #tpu.memory_space<hbm>>, %arg7: memref<320000x128xf32, #tpu.memory_space<hbm>>, %arg8: memref<320000x128xf32, #tpu.memory_space<hbm>>, %arg9: memref<78x128xi32, #tpu.memory_space<vmem>>, %arg10: memref<78x128xi32, #tpu.memory_space<vmem>>, %arg11: memref<128x128xf32, #tpu.memory_space<vmem>>, %arg12: memref<128x128xf32, #tpu.memory_space<vmem>>, %arg13: memref<128x128xf32, #tpu.memory_space<vmem>>, %arg14: memref<128x128xf32, #tpu.memory_space<vmem>>, %arg15: memref<16xi32, #tpu.memory_space<vmem>>, %arg16: memref<16xi32, #tpu.memory_space<vmem>>, %arg17: memref<16x128xf32, #tpu.memory_space<vmem>>, %arg18: memref<16x128xf32, #tpu.memory_space<vmem>>, %arg19: memref<!tpu.dma_semaphore, #tpu.memory_space<semaphore_mem>>, %arg20: memref<!tpu.dma_semaphore, #tpu.memory_space<semaphore_mem>>, %arg21: memref<!tpu.dma_semaphore, #tpu.memory_space<semaphore_mem>>, %arg22: memref<!tpu.dma_semaphore, #tpu.memory_space<semaphore_mem>>, %arg23: memref<!tpu.dma_semaphore, #tpu.memory_space<semaphore_mem>>, %arg24: memref<!tpu.dma_semaphore, #tpu.memory_space<semaphore_mem>>, %arg25: memref<!tpu.dma_semaphore, #tpu.memory_space<semaphore_mem>>, %arg26: memref<!tpu.dma_semaphore, #tpu.memory_space<semaphore_mem>>) attributes {dimension_semantics = [#tpu.dimension_semantics<core_parallel>, #tpu.dimension_semantics<subcore_parallel>], iteration_bounds = array<i64: 2, 16>, scalar_prefetch = 0 : i64, scratch_operands = 18 : i64, tpu.core_type = #tpu.core_type<sc_vector_subcore>, window_params = [{transform_indices = #map}, {transform_indices = #map1}, {transform_indices = #map1}, {transform_indices = #map2}, {transform_indices = #map2}, {transform_indices = #map}, {transform_indices = #map}]} {
    %mul3A = arith.constant 16 : i32
    %mul3A_0 = arith.muli %arg0, %mul3A : i32
    %add3A = arith.addi %mul3A_0, %arg1 : i32
    %mul3A_1 = arith.constant 9984 : i32
    %mul3A_2 = arith.muli %add3A, %mul3A_1 : i32
    "tpu.region"() ({
      %run_scoped3A = tpu.sem_alloc : memref<!tpu.dma_semaphore, #tpu.memory_space<semaphore_mem>>
      %dma_start3A = arith.constant 0 : i32
      %dma_start3A_30 = arith.constant 0 : i32
      %dma_start3A_31 = tpu.memref_slice %arg3[%add3A, %dma_start3A, %dma_start3A_30] : memref<32x78x128xi32, #tpu.memory_space<hbm>> -> memref<1x78x128xi32, #tpu.memory_space<hbm>>
      %dma_start3A_32 = tpu.memref_squeeze %dma_start3A_31 : memref<1x78x128xi32, #tpu.memory_space<hbm>> -> memref<78x128xi32, #tpu.memory_space<hbm>>
      %dma_start3A_33 = arith.constant 0 : i32
      %dma_start3A_34 = arith.constant 0 : i32
      %dma_start3A_35 = tpu.memref_slice %arg3[%add3A, %dma_start3A_33, %dma_start3A_34] : memref<32x78x128xi32, #tpu.memory_space<hbm>> -> memref<1x78x128xi32, #tpu.memory_space<hbm>>
      %dma_start3A_36 = tpu.memref_squeeze %dma_start3A_35 : memref<1x78x128xi32, #tpu.memory_space<hbm>> -> memref<78x128xi32, #tpu.memory_space<hbm>>
      tpu.enqueue_dma source(%dma_start3A_36 : memref<78x128xi32, #tpu.memory_space<hbm>>) target(%arg9 : memref<78x128xi32, #tpu.memory_space<vmem>>) target_semaphore(%run_scoped3A : memref<!tpu.dma_semaphore, #tpu.memory_space<semaphore_mem>>)
      %dma_wait3A_37 = arith.constant 0 : i32
      %dma_wait3A_38 = arith.constant 0 : i32
      %dma_wait3A_39 = tpu.memref_slice %arg3[%add3A, %dma_wait3A_37, %dma_wait3A_38] : memref<32x78x128xi32, #tpu.memory_space<hbm>> -> memref<1x78x128xi32, #tpu.memory_space<hbm>>
      %dma_wait3A_40 = tpu.memref_squeeze %dma_wait3A_39 : memref<1x78x128xi32, #tpu.memory_space<hbm>> -> memref<78x128xi32, #tpu.memory_space<hbm>>
      %dma_wait3A_41 = arith.constant 0 : i32
      %dma_wait3A_42 = arith.constant 0 : i32
      %dma_wait3A_43 = tpu.memref_slice %arg3[%add3A, %dma_wait3A_41, %dma_wait3A_42] : memref<32x78x128xi32, #tpu.memory_space<hbm>> -> memref<1x78x128xi32, #tpu.memory_space<hbm>>
      %dma_wait3A_44 = tpu.memref_squeeze %dma_wait3A_43 : memref<1x78x128xi32, #tpu.memory_space<hbm>> -> memref<78x128xi32, #tpu.memory_space<hbm>>
      tpu.wait_dma2 semaphore(%run_scoped3A : memref<!tpu.dma_semaphore, #tpu.memory_space<semaphore_mem>>) src(%dma_wait3A_44 : memref<78x128xi32, #tpu.memory_space<hbm>>) dst(%arg9 : memref<78x128xi32, #tpu.memory_space<vmem>>)
      tpu.yield
    }) : () -> ()
    "tpu.region"() ({
      %run_scoped3A = tpu.sem_alloc : memref<!tpu.dma_semaphore, #tpu.memory_space<semaphore_mem>>
      %dma_start3A = arith.constant 0 : i32
      %dma_start3A_30 = arith.constant 0 : i32
      %dma_start3A_31 = tpu.memref_slice %arg4[%add3A, %dma_start3A, %dma_start3A_30] : memref<32x78x128xi32, #tpu.memory_space<hbm>> -> memref<1x78x128xi32, #tpu.memory_space<hbm>>
      %dma_start3A_32 = tpu.memref_squeeze %dma_start3A_31 : memref<1x78x128xi32, #tpu.memory_space<hbm>> -> memref<78x128xi32, #tpu.memory_space<hbm>>
      %dma_start3A_33 = arith.constant 0 : i32
      %dma_start3A_34 = arith.constant 0 : i32
      %dma_start3A_35 = tpu.memref_slice %arg4[%add3A, %dma_start3A_33, %dma_start3A_34] : memref<32x78x128xi32, #tpu.memory_space<hbm>> -> memref<1x78x128xi32, #tpu.memory_space<hbm>>
      %dma_start3A_36 = tpu.memref_squeeze %dma_start3A_35 : memref<1x78x128xi32, #tpu.memory_space<hbm>> -> memref<78x128xi32, #tpu.memory_space<hbm>>
      tpu.enqueue_dma source(%dma_start3A_36 : memref<78x128xi32, #tpu.memory_space<hbm>>) target(%arg10 : memref<78x128xi32, #tpu.memory_space<vmem>>) target_semaphore(%run_scoped3A : memref<!tpu.dma_semaphore, #tpu.memory_space<semaphore_mem>>)
      %dma_wait3A_37 = arith.constant 0 : i32
      %dma_wait3A_38 = arith.constant 0 : i32
      %dma_wait3A_39 = tpu.memref_slice %arg4[%add3A, %dma_wait3A_37, %dma_wait3A_38] : memref<32x78x128xi32, #tpu.memory_space<hbm>> -> memref<1x78x128xi32, #tpu.memory_space<hbm>>
      %dma_wait3A_40 = tpu.memref_squeeze %dma_wait3A_39 : memref<1x78x128xi32, #tpu.memory_space<hbm>> -> memref<78x128xi32, #tpu.memory_space<hbm>>
      %dma_wait3A_41 = arith.constant 0 : i32
      %dma_wait3A_42 = arith.constant 0 : i32
      %dma_wait3A_43 = tpu.memref_slice %arg4[%add3A, %dma_wait3A_41, %dma_wait3A_42] : memref<32x78x128xi32, #tpu.memory_space<hbm>> -> memref<1x78x128xi32, #tpu.memory_space<hbm>>
      %dma_wait3A_44 = tpu.memref_squeeze %dma_wait3A_43 : memref<1x78x128xi32, #tpu.memory_space<hbm>> -> memref<78x128xi32, #tpu.memory_space<hbm>>
      tpu.wait_dma2 semaphore(%run_scoped3A : memref<!tpu.dma_semaphore, #tpu.memory_space<semaphore_mem>>) src(%dma_wait3A_44 : memref<78x128xi32, #tpu.memory_space<hbm>>) dst(%arg10 : memref<78x128xi32, #tpu.memory_space<vmem>>)
      tpu.yield
    }) : () -> ()
    %scan3A = arith.constant 0 : i32
    %scan3A_3 = arith.constant 39 : i32
    %scan3A_4 = arith.addi %scan3A, %scan3A_3 : i32
    %scan3A_5 = arith.constant 1 : i32
    scf.for %scan3A_30 = %scan3A to %scan3A_4 step %scan3A_5  : i32 {
      %mul3A_31 = arith.constant 1 : i32
      %mul3A_32 = arith.muli %scan3A_30, %mul3A_31 : i32
      %add3A_33 = arith.constant 0 : i32
      %add3A_34 = arith.addi %add3A_33, %mul3A_32 : i32
      %mul3A_35 = arith.constant 2 : i32
      %mul3A_36 = arith.muli %mul3A_35, %add3A_34 : i32
      %add3A_37 = arith.constant 1 : i32
      %add3A_38 = arith.addi %mul3A_36, %add3A_37 : i32
      %mul3A_39 = arith.constant 128 : i32
      %mul3A_40 = arith.muli %mul3A_36, %mul3A_39 : i32
      %add3A_41 = arith.addi %mul3A_2, %mul3A_40 : i32
      %mul3A_42 = arith.constant 128 : i32
      %mul3A_43 = arith.muli %add3A_38, %mul3A_42 : i32
      %add3A_44 = arith.addi %mul3A_2, %mul3A_43 : i32
      %gt3A = arith.constant 0 : i32
      %gt3A_45 = arith.cmpi sgt, %add3A_34, %gt3A : i32
      %convert_element_type3A = arith.extui %gt3A_45 : i1 to i32
      %cond3A = arith.constant 0 : i32
      %cond3A_46 = arith.cmpi ne, %convert_element_type3A, %cond3A : i32
      scf.if %cond3A_46 {
        %sub3A = arith.constant 256 : i32
        %sub3A_115 = arith.subi %add3A_41, %sub3A : i32
        %dma_wait3A_116 = arith.constant 0 : i32
        %dma_wait3A_117 = tpu.memref_slice %arg7[%sub3A_115, %dma_wait3A_116] : memref<320000x128xf32, #tpu.memory_space<hbm>> -> memref<128x128xf32, #tpu.memory_space<hbm>>
        %dma_wait3A_118 = arith.constant 0 : i32
        %dma_wait3A_119 = tpu.memref_slice %arg7[%sub3A_115, %dma_wait3A_118] : memref<320000x128xf32, #tpu.memory_space<hbm>> -> memref<128x128xf32, #tpu.memory_space<hbm>>
        tpu.wait_dma2 semaphore(%arg23 : memref<!tpu.dma_semaphore, #tpu.memory_space<semaphore_mem>>) src(%arg11 : memref<128x128xf32, #tpu.memory_space<vmem>>) dst(%dma_wait3A_119 : memref<128x128xf32, #tpu.memory_space<hbm>>)
        %sub3A_120 = arith.constant 256 : i32
        %sub3A_121 = arith.subi %add3A_41, %sub3A_120 : i32
        %dma_wait3A_122 = arith.constant 0 : i32
        %dma_wait3A_123 = tpu.memref_slice %arg8[%sub3A_121, %dma_wait3A_122] : memref<320000x128xf32, #tpu.memory_space<hbm>> -> memref<128x128xf32, #tpu.memory_space<hbm>>
        %dma_wait3A_124 = arith.constant 0 : i32
        %dma_wait3A_125 = tpu.memref_slice %arg8[%sub3A_121, %dma_wait3A_124] : memref<320000x128xf32, #tpu.memory_space<hbm>> -> memref<128x128xf32, #tpu.memory_space<hbm>>
        tpu.wait_dma2 semaphore(%arg24 : memref<!tpu.dma_semaphore, #tpu.memory_space<semaphore_mem>>) src(%arg12 : memref<128x128xf32, #tpu.memory_space<vmem>>) dst(%dma_wait3A_125 : memref<128x128xf32, #tpu.memory_space<hbm>>)
      } else {
      }
      %dma_start3A = arith.constant 0 : i32
      %dma_start3A_47 = tpu.memref_slice %arg9[%mul3A_36, %dma_start3A] : memref<78x128xi32, #tpu.memory_space<vmem>> -> memref<1x128xi32, #tpu.memory_space<vmem>>
      %dma_start3A_48 = tpu.memref_squeeze %dma_start3A_47 : memref<1x128xi32, #tpu.memory_space<vmem>> -> memref<128xi32, #tpu.memory_space<vmem>>
      %dma_start3A_49 = arith.constant 0 : i32
      %dma_start3A_50 = arith.constant 0 : i32
      %dma_start3A_51 = tpu.memref_slice %arg2[%dma_start3A_49, %dma_start3A_50] : memref<10000x128xf32, #tpu.memory_space<hbm>> -> memref<10000x128xf32, #tpu.memory_space<hbm>>
      tpu.enqueue_indirect_dma source(%dma_start3A_51 : memref<10000x128xf32, #tpu.memory_space<hbm>>) target(%arg11 : memref<128x128xf32, #tpu.memory_space<vmem>>) offsets(%dma_start3A_48 : memref<128xi32, #tpu.memory_space<vmem>>) semaphore(%arg19 : memref<!tpu.dma_semaphore, #tpu.memory_space<semaphore_mem>>)
      %dma_start3A_52 = arith.constant 0 : i32
      %dma_start3A_53 = tpu.memref_slice %arg10[%mul3A_36, %dma_start3A_52] : memref<78x128xi32, #tpu.memory_space<vmem>> -> memref<1x128xi32, #tpu.memory_space<vmem>>
      %dma_start3A_54 = tpu.memref_squeeze %dma_start3A_53 : memref<1x128xi32, #tpu.memory_space<vmem>> -> memref<128xi32, #tpu.memory_space<vmem>>
      %dma_start3A_55 = arith.constant 0 : i32
      %dma_start3A_56 = arith.constant 0 : i32
      %dma_start3A_57 = tpu.memref_slice %arg2[%dma_start3A_55, %dma_start3A_56] : memref<10000x128xf32, #tpu.memory_space<hbm>> -> memref<10000x128xf32, #tpu.memory_space<hbm>>
      tpu.enqueue_indirect_dma source(%dma_start3A_57 : memref<10000x128xf32, #tpu.memory_space<hbm>>) target(%arg12 : memref<128x128xf32, #tpu.memory_space<vmem>>) offsets(%dma_start3A_54 : memref<128xi32, #tpu.memory_space<vmem>>) semaphore(%arg20 : memref<!tpu.dma_semaphore, #tpu.memory_space<semaphore_mem>>)
      %gt3A_58 = arith.constant 0 : i32
      %gt3A_59 = arith.cmpi sgt, %add3A_34, %gt3A_58 : i32
      %convert_element_type3A_60 = arith.extui %gt3A_59 : i1 to i32
      %cond3A_61 = arith.constant 0 : i32
      %cond3A_62 = arith.cmpi ne, %convert_element_type3A_60, %cond3A_61 : i32
      scf.if %cond3A_62 {
        %sub3A = arith.constant 256 : i32
        %sub3A_115 = arith.subi %add3A_44, %sub3A : i32
        %dma_wait3A_116 = arith.constant 0 : i32
        %dma_wait3A_117 = tpu.memref_slice %arg7[%sub3A_115, %dma_wait3A_116] : memref<320000x128xf32, #tpu.memory_space<hbm>> -> memref<128x128xf32, #tpu.memory_space<hbm>>
        %dma_wait3A_118 = arith.constant 0 : i32
        %dma_wait3A_119 = tpu.memref_slice %arg7[%sub3A_115, %dma_wait3A_118] : memref<320000x128xf32, #tpu.memory_space<hbm>> -> memref<128x128xf32, #tpu.memory_space<hbm>>
        tpu.wait_dma2 semaphore(%arg25 : memref<!tpu.dma_semaphore, #tpu.memory_space<semaphore_mem>>) src(%arg13 : memref<128x128xf32, #tpu.memory_space<vmem>>) dst(%dma_wait3A_119 : memref<128x128xf32, #tpu.memory_space<hbm>>)
        %sub3A_120 = arith.constant 256 : i32
        %sub3A_121 = arith.subi %add3A_44, %sub3A_120 : i32
        %dma_wait3A_122 = arith.constant 0 : i32
        %dma_wait3A_123 = tpu.memref_slice %arg8[%sub3A_121, %dma_wait3A_122] : memref<320000x128xf32, #tpu.memory_space<hbm>> -> memref<128x128xf32, #tpu.memory_space<hbm>>
        %dma_wait3A_124 = arith.constant 0 : i32
        %dma_wait3A_125 = tpu.memref_slice %arg8[%sub3A_121, %dma_wait3A_124] : memref<320000x128xf32, #tpu.memory_space<hbm>> -> memref<128x128xf32, #tpu.memory_space<hbm>>
        tpu.wait_dma2 semaphore(%arg26 : memref<!tpu.dma_semaphore, #tpu.memory_space<semaphore_mem>>) src(%arg14 : memref<128x128xf32, #tpu.memory_space<vmem>>) dst(%dma_wait3A_125 : memref<128x128xf32, #tpu.memory_space<hbm>>)
      } else {
      }
      %dma_start3A_63 = arith.constant 0 : i32
      %dma_start3A_64 = tpu.memref_slice %arg9[%add3A_38, %dma_start3A_63] : memref<78x128xi32, #tpu.memory_space<vmem>> -> memref<1x128xi32, #tpu.memory_space<vmem>>
      %dma_start3A_65 = tpu.memref_squeeze %dma_start3A_64 : memref<1x128xi32, #tpu.memory_space<vmem>> -> memref<128xi32, #tpu.memory_space<vmem>>
      %dma_start3A_66 = arith.constant 0 : i32
      %dma_start3A_67 = arith.constant 0 : i32
      %dma_start3A_68 = tpu.memref_slice %arg2[%dma_start3A_66, %dma_start3A_67] : memref<10000x128xf32, #tpu.memory_space<hbm>> -> memref<10000x128xf32, #tpu.memory_space<hbm>>
      tpu.enqueue_indirect_dma source(%dma_start3A_68 : memref<10000x128xf32, #tpu.memory_space<hbm>>) target(%arg13 : memref<128x128xf32, #tpu.memory_space<vmem>>) offsets(%dma_start3A_65 : memref<128xi32, #tpu.memory_space<vmem>>) semaphore(%arg21 : memref<!tpu.dma_semaphore, #tpu.memory_space<semaphore_mem>>)
      %dma_start3A_69 = arith.constant 0 : i32
      %dma_start3A_70 = tpu.memref_slice %arg10[%add3A_38, %dma_start3A_69] : memref<78x128xi32, #tpu.memory_space<vmem>> -> memref<1x128xi32, #tpu.memory_space<vmem>>
      %dma_start3A_71 = tpu.memref_squeeze %dma_start3A_70 : memref<1x128xi32, #tpu.memory_space<vmem>> -> memref<128xi32, #tpu.memory_space<vmem>>
      %dma_start3A_72 = arith.constant 0 : i32
      %dma_start3A_73 = arith.constant 0 : i32
      %dma_start3A_74 = tpu.memref_slice %arg2[%dma_start3A_72, %dma_start3A_73] : memref<10000x128xf32, #tpu.memory_space<hbm>> -> memref<10000x128xf32, #tpu.memory_space<hbm>>
      tpu.enqueue_indirect_dma source(%dma_start3A_74 : memref<10000x128xf32, #tpu.memory_space<hbm>>) target(%arg14 : memref<128x128xf32, #tpu.memory_space<vmem>>) offsets(%dma_start3A_71 : memref<128xi32, #tpu.memory_space<vmem>>) semaphore(%arg22 : memref<!tpu.dma_semaphore, #tpu.memory_space<semaphore_mem>>)
      %dma_wait3A_75 = arith.constant 0 : i32
      %dma_wait3A_76 = tpu.memref_slice %arg9[%mul3A_36, %dma_wait3A_75] : memref<78x128xi32, #tpu.memory_space<vmem>> -> memref<1x128xi32, #tpu.memory_space<vmem>>
      %dma_wait3A_77 = tpu.memref_squeeze %dma_wait3A_76 : memref<1x128xi32, #tpu.memory_space<vmem>> -> memref<128xi32, #tpu.memory_space<vmem>>
      %dma_wait3A_78 = arith.constant 0 : i32
      %dma_wait3A_79 = arith.constant 0 : i32
      %dma_wait3A_80 = tpu.memref_slice %arg2[%dma_wait3A_78, %dma_wait3A_79] : memref<10000x128xf32, #tpu.memory_space<hbm>> -> memref<10000x128xf32, #tpu.memory_space<hbm>>
      tpu.wait_indirect_dma semaphore(%arg19 : memref<!tpu.dma_semaphore, #tpu.memory_space<semaphore_mem>>) src(%dma_wait3A_80 : memref<10000x128xf32, #tpu.memory_space<hbm>>) dst(%arg11 : memref<128x128xf32, #tpu.memory_space<vmem>>)
      %dma_wait3A_81 = arith.constant 0 : i32
      %dma_wait3A_82 = tpu.memref_slice %arg10[%mul3A_36, %dma_wait3A_81] : memref<78x128xi32, #tpu.memory_space<vmem>> -> memref<1x128xi32, #tpu.memory_space<vmem>>
      %dma_wait3A_83 = tpu.memref_squeeze %dma_wait3A_82 : memref<1x128xi32, #tpu.memory_space<vmem>> -> memref<128xi32, #tpu.memory_space<vmem>>
      %dma_wait3A_84 = arith.constant 0 : i32
      %dma_wait3A_85 = arith.constant 0 : i32
      %dma_wait3A_86 = tpu.memref_slice %arg2[%dma_wait3A_84, %dma_wait3A_85] : memref<10000x128xf32, #tpu.memory_space<hbm>> -> memref<10000x128xf32, #tpu.memory_space<hbm>>
      tpu.wait_indirect_dma semaphore(%arg20 : memref<!tpu.dma_semaphore, #tpu.memory_space<semaphore_mem>>) src(%dma_wait3A_86 : memref<10000x128xf32, #tpu.memory_space<hbm>>) dst(%arg12 : memref<128x128xf32, #tpu.memory_space<vmem>>)
      %dma_start3A_87 = arith.constant 0 : i32
      %dma_start3A_88 = tpu.memref_slice %arg7[%add3A_41, %dma_start3A_87] : memref<320000x128xf32, #tpu.memory_space<hbm>> -> memref<128x128xf32, #tpu.memory_space<hbm>>
      %dma_start3A_89 = arith.constant 0 : i32
      %dma_start3A_90 = tpu.memref_slice %arg7[%add3A_41, %dma_start3A_89] : memref<320000x128xf32, #tpu.memory_space<hbm>> -> memref<128x128xf32, #tpu.memory_space<hbm>>
      tpu.enqueue_dma source(%arg11 : memref<128x128xf32, #tpu.memory_space<vmem>>) target(%dma_start3A_90 : memref<128x128xf32, #tpu.memory_space<hbm>>) target_semaphore(%arg23 : memref<!tpu.dma_semaphore, #tpu.memory_space<semaphore_mem>>)
      %dma_start3A_91 = arith.constant 0 : i32
      %dma_start3A_92 = tpu.memref_slice %arg8[%add3A_41, %dma_start3A_91] : memref<320000x128xf32, #tpu.memory_space<hbm>> -> memref<128x128xf32, #tpu.memory_space<hbm>>
      %dma_start3A_93 = arith.constant 0 : i32
      %dma_start3A_94 = tpu.memref_slice %arg8[%add3A_41, %dma_start3A_93] : memref<320000x128xf32, #tpu.memory_space<hbm>> -> memref<128x128xf32, #tpu.memory_space<hbm>>
      tpu.enqueue_dma source(%arg12 : memref<128x128xf32, #tpu.memory_space<vmem>>) target(%dma_start3A_94 : memref<128x128xf32, #tpu.memory_space<hbm>>) target_semaphore(%arg24 : memref<!tpu.dma_semaphore, #tpu.memory_space<semaphore_mem>>)
      %dma_wait3A_95 = arith.constant 0 : i32
      %dma_wait3A_96 = tpu.memref_slice %arg9[%add3A_38, %dma_wait3A_95] : memref<78x128xi32, #tpu.memory_space<vmem>> -> memref<1x128xi32, #tpu.memory_space<vmem>>
      %dma_wait3A_97 = tpu.memref_squeeze %dma_wait3A_96 : memref<1x128xi32, #tpu.memory_space<vmem>> -> memref<128xi32, #tpu.memory_space<vmem>>
      %dma_wait3A_98 = arith.constant 0 : i32
      %dma_wait3A_99 = arith.constant 0 : i32
      %dma_wait3A_100 = tpu.memref_slice %arg2[%dma_wait3A_98, %dma_wait3A_99] : memref<10000x128xf32, #tpu.memory_space<hbm>> -> memref<10000x128xf32, #tpu.memory_space<hbm>>
      tpu.wait_indirect_dma semaphore(%arg21 : memref<!tpu.dma_semaphore, #tpu.memory_space<semaphore_mem>>) src(%dma_wait3A_100 : memref<10000x128xf32, #tpu.memory_space<hbm>>) dst(%arg13 : memref<128x128xf32, #tpu.memory_space<vmem>>)
      %dma_wait3A_101 = arith.constant 0 : i32
      %dma_wait3A_102 = tpu.memref_slice %arg10[%add3A_38, %dma_wait3A_101] : memref<78x128xi32, #tpu.memory_space<vmem>> -> memref<1x128xi32, #tpu.memory_space<vmem>>
      %dma_wait3A_103 = tpu.memref_squeeze %dma_wait3A_102 : memref<1x128xi32, #tpu.memory_space<vmem>> -> memref<128xi32, #tpu.memory_space<vmem>>
      %dma_wait3A_104 = arith.constant 0 : i32
      %dma_wait3A_105 = arith.constant 0 : i32
      %dma_wait3A_106 = tpu.memref_slice %arg2[%dma_wait3A_104, %dma_wait3A_105] : memref<10000x128xf32, #tpu.memory_space<hbm>> -> memref<10000x128xf32, #tpu.memory_space<hbm>>
      tpu.wait_indirect_dma semaphore(%arg22 : memref<!tpu.dma_semaphore, #tpu.memory_space<semaphore_mem>>) src(%dma_wait3A_106 : memref<10000x128xf32, #tpu.memory_space<hbm>>) dst(%arg14 : memref<128x128xf32, #tpu.memory_space<vmem>>)
      %dma_start3A_107 = arith.constant 0 : i32
      %dma_start3A_108 = tpu.memref_slice %arg7[%add3A_44, %dma_start3A_107] : memref<320000x128xf32, #tpu.memory_space<hbm>> -> memref<128x128xf32, #tpu.memory_space<hbm>>
      %dma_start3A_109 = arith.constant 0 : i32
      %dma_start3A_110 = tpu.memref_slice %arg7[%add3A_44, %dma_start3A_109] : memref<320000x128xf32, #tpu.memory_space<hbm>> -> memref<128x128xf32, #tpu.memory_space<hbm>>
      tpu.enqueue_dma source(%arg13 : memref<128x128xf32, #tpu.memory_space<vmem>>) target(%dma_start3A_110 : memref<128x128xf32, #tpu.memory_space<hbm>>) target_semaphore(%arg25 : memref<!tpu.dma_semaphore, #tpu.memory_space<semaphore_mem>>)
      %dma_start3A_111 = arith.constant 0 : i32
      %dma_start3A_112 = tpu.memref_slice %arg8[%add3A_44, %dma_start3A_111] : memref<320000x128xf32, #tpu.memory_space<hbm>> -> memref<128x128xf32, #tpu.memory_space<hbm>>
      %dma_start3A_113 = arith.constant 0 : i32
      %dma_start3A_114 = tpu.memref_slice %arg8[%add3A_44, %dma_start3A_113] : memref<320000x128xf32, #tpu.memory_space<hbm>> -> memref<128x128xf32, #tpu.memory_space<hbm>>
      tpu.enqueue_dma source(%arg14 : memref<128x128xf32, #tpu.memory_space<vmem>>) target(%dma_start3A_114 : memref<128x128xf32, #tpu.memory_space<hbm>>) target_semaphore(%arg26 : memref<!tpu.dma_semaphore, #tpu.memory_space<semaphore_mem>>)
    }
    %scan3A_6 = arith.constant 39 : i32
    %add3A_7 = arith.constant 9728 : i32
    %add3A_8 = arith.addi %mul3A_2, %add3A_7 : i32
    %add3A_9 = arith.constant 9856 : i32
    %add3A_10 = arith.addi %mul3A_2, %add3A_9 : i32
    %dma_wait3A = arith.constant 0 : i32
    %dma_wait3A_11 = tpu.memref_slice %arg7[%add3A_8, %dma_wait3A] : memref<320000x128xf32, #tpu.memory_space<hbm>> -> memref<128x128xf32, #tpu.memory_space<hbm>>
    %dma_wait3A_12 = arith.constant 0 : i32
    %dma_wait3A_13 = tpu.memref_slice %arg7[%add3A_8, %dma_wait3A_12] : memref<320000x128xf32, #tpu.memory_space<hbm>> -> memref<128x128xf32, #tpu.memory_space<hbm>>
    tpu.wait_dma2 semaphore(%arg23 : memref<!tpu.dma_semaphore, #tpu.memory_space<semaphore_mem>>) src(%arg11 : memref<128x128xf32, #tpu.memory_space<vmem>>) dst(%dma_wait3A_13 : memref<128x128xf32, #tpu.memory_space<hbm>>)
    %dma_wait3A_14 = arith.constant 0 : i32
    %dma_wait3A_15 = tpu.memref_slice %arg8[%add3A_8, %dma_wait3A_14] : memref<320000x128xf32, #tpu.memory_space<hbm>> -> memref<128x128xf32, #tpu.memory_space<hbm>>
    %dma_wait3A_16 = arith.constant 0 : i32
    %dma_wait3A_17 = tpu.memref_slice %arg8[%add3A_8, %dma_wait3A_16] : memref<320000x128xf32, #tpu.memory_space<hbm>> -> memref<128x128xf32, #tpu.memory_space<hbm>>
    tpu.wait_dma2 semaphore(%arg24 : memref<!tpu.dma_semaphore, #tpu.memory_space<semaphore_mem>>) src(%arg12 : memref<128x128xf32, #tpu.memory_space<vmem>>) dst(%dma_wait3A_17 : memref<128x128xf32, #tpu.memory_space<hbm>>)
    %dma_wait3A_18 = arith.constant 0 : i32
    %dma_wait3A_19 = tpu.memref_slice %arg7[%add3A_10, %dma_wait3A_18] : memref<320000x128xf32, #tpu.memory_space<hbm>> -> memref<128x128xf32, #tpu.memory_space<hbm>>
    %dma_wait3A_20 = arith.constant 0 : i32
    %dma_wait3A_21 = tpu.memref_slice %arg7[%add3A_10, %dma_wait3A_20] : memref<320000x128xf32, #tpu.memory_space<hbm>> -> memref<128x128xf32, #tpu.memory_space<hbm>>
    tpu.wait_dma2 semaphore(%arg25 : memref<!tpu.dma_semaphore, #tpu.memory_space<semaphore_mem>>) src(%arg13 : memref<128x128xf32, #tpu.memory_space<vmem>>) dst(%dma_wait3A_21 : memref<128x128xf32, #tpu.memory_space<hbm>>)
    %dma_wait3A_22 = arith.constant 0 : i32
    %dma_wait3A_23 = tpu.memref_slice %arg8[%add3A_10, %dma_wait3A_22] : memref<320000x128xf32, #tpu.memory_space<hbm>> -> memref<128x128xf32, #tpu.memory_space<hbm>>
    %dma_wait3A_24 = arith.constant 0 : i32
    %dma_wait3A_25 = tpu.memref_slice %arg8[%add3A_10, %dma_wait3A_24] : memref<320000x128xf32, #tpu.memory_space<hbm>> -> memref<128x128xf32, #tpu.memory_space<hbm>>
    tpu.wait_dma2 semaphore(%arg26 : memref<!tpu.dma_semaphore, #tpu.memory_space<semaphore_mem>>) src(%arg14 : memref<128x128xf32, #tpu.memory_space<vmem>>) dst(%dma_wait3A_25 : memref<128x128xf32, #tpu.memory_space<hbm>>)
    %mul3A_26 = arith.constant 16 : i32
    %mul3A_27 = arith.muli %add3A, %mul3A_26 : i32
    %add3A_28 = arith.constant 319488 : i32
    %add3A_29 = arith.addi %add3A_28, %mul3A_27 : i32
    "tpu.region"() ({
      %run_scoped3A = tpu.sem_alloc : memref<!tpu.dma_semaphore, #tpu.memory_space<semaphore_mem>>
      %dma_start3A = tpu.memref_slice %arg5[%add3A_29] : memref<320000xi32, #tpu.memory_space<hbm>> -> memref<16xi32, #tpu.memory_space<hbm>>
      %dma_start3A_30 = tpu.memref_slice %arg5[%add3A_29] : memref<320000xi32, #tpu.memory_space<hbm>> -> memref<16xi32, #tpu.memory_space<hbm>>
      tpu.enqueue_dma source(%dma_start3A_30 : memref<16xi32, #tpu.memory_space<hbm>>) target(%arg15 : memref<16xi32, #tpu.memory_space<vmem>>) target_semaphore(%run_scoped3A : memref<!tpu.dma_semaphore, #tpu.memory_space<semaphore_mem>>)
      %dma_wait3A_31 = tpu.memref_slice %arg5[%add3A_29] : memref<320000xi32, #tpu.memory_space<hbm>> -> memref<16xi32, #tpu.memory_space<hbm>>
      %dma_wait3A_32 = tpu.memref_slice %arg5[%add3A_29] : memref<320000xi32, #tpu.memory_space<hbm>> -> memref<16xi32, #tpu.memory_space<hbm>>
      tpu.wait_dma2 semaphore(%run_scoped3A : memref<!tpu.dma_semaphore, #tpu.memory_space<semaphore_mem>>) src(%dma_wait3A_32 : memref<16xi32, #tpu.memory_space<hbm>>) dst(%arg15 : memref<16xi32, #tpu.memory_space<vmem>>)
      tpu.yield
    }) : () -> ()
    "tpu.region"() ({
      %run_scoped3A = tpu.sem_alloc : memref<!tpu.dma_semaphore, #tpu.memory_space<semaphore_mem>>
      %dma_start3A = tpu.memref_slice %arg6[%add3A_29] : memref<320000xi32, #tpu.memory_space<hbm>> -> memref<16xi32, #tpu.memory_space<hbm>>
      %dma_start3A_30 = tpu.memref_slice %arg6[%add3A_29] : memref<320000xi32, #tpu.memory_space<hbm>> -> memref<16xi32, #tpu.memory_space<hbm>>
      tpu.enqueue_dma source(%dma_start3A_30 : memref<16xi32, #tpu.memory_space<hbm>>) target(%arg16 : memref<16xi32, #tpu.memory_space<vmem>>) target_semaphore(%run_scoped3A : memref<!tpu.dma_semaphore, #tpu.memory_space<semaphore_mem>>)
      %dma_wait3A_31 = tpu.memref_slice %arg6[%add3A_29] : memref<320000xi32, #tpu.memory_space<hbm>> -> memref<16xi32, #tpu.memory_space<hbm>>
      %dma_wait3A_32 = tpu.memref_slice %arg6[%add3A_29] : memref<320000xi32, #tpu.memory_space<hbm>> -> memref<16xi32, #tpu.memory_space<hbm>>
      tpu.wait_dma2 semaphore(%run_scoped3A : memref<!tpu.dma_semaphore, #tpu.memory_space<semaphore_mem>>) src(%dma_wait3A_32 : memref<16xi32, #tpu.memory_space<hbm>>) dst(%arg16 : memref<16xi32, #tpu.memory_space<vmem>>)
      tpu.yield
    }) : () -> ()
    "tpu.region"() ({
      %run_scoped3A = tpu.sem_alloc : memref<!tpu.dma_semaphore, #tpu.memory_space<semaphore_mem>>
      %dma_start3A = arith.constant 0 : i32
      %dma_start3A_30 = arith.constant 0 : i32
      %dma_start3A_31 = tpu.memref_slice %arg2[%dma_start3A, %dma_start3A_30] : memref<10000x128xf32, #tpu.memory_space<hbm>> -> memref<10000x128xf32, #tpu.memory_space<hbm>>
      tpu.enqueue_indirect_dma source(%dma_start3A_31 : memref<10000x128xf32, #tpu.memory_space<hbm>>) target(%arg17 : memref<16x128xf32, #tpu.memory_space<vmem>>) offsets(%arg15 : memref<16xi32, #tpu.memory_space<vmem>>) semaphore(%run_scoped3A : memref<!tpu.dma_semaphore, #tpu.memory_space<semaphore_mem>>)
      %dma_wait3A_32 = arith.constant 0 : i32
      %dma_wait3A_33 = arith.constant 0 : i32
      %dma_wait3A_34 = tpu.memref_slice %arg2[%dma_wait3A_32, %dma_wait3A_33] : memref<10000x128xf32, #tpu.memory_space<hbm>> -> memref<10000x128xf32, #tpu.memory_space<hbm>>
      tpu.wait_indirect_dma semaphore(%run_scoped3A : memref<!tpu.dma_semaphore, #tpu.memory_space<semaphore_mem>>) src(%dma_wait3A_34 : memref<10000x128xf32, #tpu.memory_space<hbm>>) dst(%arg17 : memref<16x128xf32, #tpu.memory_space<vmem>>)
      tpu.yield
    }) : () -> ()
    "tpu.region"() ({
      %run_scoped3A = tpu.sem_alloc : memref<!tpu.dma_semaphore, #tpu.memory_space<semaphore_mem>>
      %dma_start3A = arith.constant 0 : i32
      %dma_start3A_30 = arith.constant 0 : i32
      %dma_start3A_31 = tpu.memref_slice %arg2[%dma_start3A, %dma_start3A_30] : memref<10000x128xf32, #tpu.memory_space<hbm>> -> memref<10000x128xf32, #tpu.memory_space<hbm>>
      tpu.enqueue_indirect_dma source(%dma_start3A_31 : memref<10000x128xf32, #tpu.memory_space<hbm>>) target(%arg18 : memref<16x128xf32, #tpu.memory_space<vmem>>) offsets(%arg16 : memref<16xi32, #tpu.memory_space<vmem>>) semaphore(%run_scoped3A : memref<!tpu.dma_semaphore, #tpu.memory_space<semaphore_mem>>)
      %dma_wait3A_32 = arith.constant 0 : i32
      %dma_wait3A_33 = arith.constant 0 : i32
      %dma_wait3A_34 = tpu.memref_slice %arg2[%dma_wait3A_32, %dma_wait3A_33] : memref<10000x128xf32, #tpu.memory_space<hbm>> -> memref<10000x128xf32, #tpu.memory_space<hbm>>
      tpu.wait_indirect_dma semaphore(%run_scoped3A : memref<!tpu.dma_semaphore, #tpu.memory_space<semaphore_mem>>) src(%dma_wait3A_34 : memref<10000x128xf32, #tpu.memory_space<hbm>>) dst(%arg18 : memref<16x128xf32, #tpu.memory_space<vmem>>)
      tpu.yield
    }) : () -> ()
    "tpu.region"() ({
      %run_scoped3A = tpu.sem_alloc : memref<!tpu.dma_semaphore, #tpu.memory_space<semaphore_mem>>
      %dma_start3A = arith.constant 0 : i32
      %dma_start3A_30 = tpu.memref_slice %arg7[%add3A_29, %dma_start3A] : memref<320000x128xf32, #tpu.memory_space<hbm>> -> memref<16x128xf32, #tpu.memory_space<hbm>>
      %dma_start3A_31 = arith.constant 0 : i32
      %dma_start3A_32 = tpu.memref_slice %arg7[%add3A_29, %dma_start3A_31] : memref<320000x128xf32, #tpu.memory_space<hbm>> -> memref<16x128xf32, #tpu.memory_space<hbm>>
      tpu.enqueue_dma source(%arg17 : memref<16x128xf32, #tpu.memory_space<vmem>>) target(%dma_start3A_32 : memref<16x128xf32, #tpu.memory_space<hbm>>) target_semaphore(%run_scoped3A : memref<!tpu.dma_semaphore, #tpu.memory_space<semaphore_mem>>)
      %dma_wait3A_33 = arith.constant 0 : i32
      %dma_wait3A_34 = tpu.memref_slice %arg7[%add3A_29, %dma_wait3A_33] : memref<320000x128xf32, #tpu.memory_space<hbm>> -> memref<16x128xf32, #tpu.memory_space<hbm>>
      %dma_wait3A_35 = arith.constant 0 : i32
      %dma_wait3A_36 = tpu.memref_slice %arg7[%add3A_29, %dma_wait3A_35] : memref<320000x128xf32, #tpu.memory_space<hbm>> -> memref<16x128xf32, #tpu.memory_space<hbm>>
      tpu.wait_dma2 semaphore(%run_scoped3A : memref<!tpu.dma_semaphore, #tpu.memory_space<semaphore_mem>>) src(%arg17 : memref<16x128xf32, #tpu.memory_space<vmem>>) dst(%dma_wait3A_36 : memref<16x128xf32, #tpu.memory_space<hbm>>)
      tpu.yield
    }) : () -> ()
    "tpu.region"() ({
      %run_scoped3A = tpu.sem_alloc : memref<!tpu.dma_semaphore, #tpu.memory_space<semaphore_mem>>
      %dma_start3A = arith.constant 0 : i32
      %dma_start3A_30 = tpu.memref_slice %arg8[%add3A_29, %dma_start3A] : memref<320000x128xf32, #tpu.memory_space<hbm>> -> memref<16x128xf32, #tpu.memory_space<hbm>>
      %dma_start3A_31 = arith.constant 0 : i32
      %dma_start3A_32 = tpu.memref_slice %arg8[%add3A_29, %dma_start3A_31] : memref<320000x128xf32, #tpu.memory_space<hbm>> -> memref<16x128xf32, #tpu.memory_space<hbm>>
      tpu.enqueue_dma source(%arg18 : memref<16x128xf32, #tpu.memory_space<vmem>>) target(%dma_start3A_32 : memref<16x128xf32, #tpu.memory_space<hbm>>) target_semaphore(%run_scoped3A : memref<!tpu.dma_semaphore, #tpu.memory_space<semaphore_mem>>)
      %dma_wait3A_33 = arith.constant 0 : i32
      %dma_wait3A_34 = tpu.memref_slice %arg8[%add3A_29, %dma_wait3A_33] : memref<320000x128xf32, #tpu.memory_space<hbm>> -> memref<16x128xf32, #tpu.memory_space<hbm>>
      %dma_wait3A_35 = arith.constant 0 : i32
      %dma_wait3A_36 = tpu.memref_slice %arg8[%add3A_29, %dma_wait3A_35] : memref<320000x128xf32, #tpu.memory_space<hbm>> -> memref<16x128xf32, #tpu.memory_space<hbm>>
      tpu.wait_dma2 semaphore(%run_scoped3A : memref<!tpu.dma_semaphore, #tpu.memory_space<semaphore_mem>>) src(%arg18 : memref<16x128xf32, #tpu.memory_space<vmem>>) dst(%dma_wait3A_36 : memref<16x128xf32, #tpu.memory_space<hbm>>)
      tpu.yield
    }) : () -> ()
    return
  }
}

#map = affine_map<(d0, d1) -> (0, 0)>
#map1 = affine_map<(d0, d1) -> (0, 0, 0)>
#map2 = affine_map<(d0, d1) -> (0)>
module attributes {stable_mosaic.version = 14 : i64} {
  func.func @k(%arg0: i32, %arg1: i32, %arg2: memref<320000x128xf32, #tpu.memory_space<hbm>>, %arg3: memref<32x78x128xi32, #tpu.memory_space<hbm>>, %arg4: memref<320000xi32, #tpu.memory_space<hbm>>, %arg5: memref<10000x128xf32, #tpu.memory_space<hbm>>, %arg6: memref<2x10000x128xf32, #tpu.memory_space<hbm>>, %arg7: memref<78x128xi32, #tpu.memory_space<vmem>>, %arg8: memref<128x128xf32, #tpu.memory_space<vmem>>, %arg9: memref<128x128xf32, #tpu.memory_space<vmem>>, %arg10: memref<16xi32, #tpu.memory_space<vmem>>, %arg11: memref<16x128xf32, #tpu.memory_space<vmem>>, %arg12: memref<10000x128xf32, #tpu.memory_space<vmem_shared>>, %arg13: memref<!tpu.dma_semaphore, #tpu.memory_space<semaphore_mem>>, %arg14: memref<!tpu.dma_semaphore, #tpu.memory_space<semaphore_mem>>) attributes {dimension_semantics = [#tpu.dimension_semantics<core_parallel>, #tpu.dimension_semantics<subcore_parallel>], iteration_bounds = array<i64: 2, 16>, scalar_prefetch = 0 : i64, scratch_operands = 8 : i64, tpu.core_type = #tpu.core_type<sc_vector_subcore>, window_params = [{transform_indices = #map}, {transform_indices = #map1}, {transform_indices = #map2}, {transform_indices = #map}, {transform_indices = #map1}]} {
    %mul3A = arith.constant 16 : i32
    %mul3A_0 = arith.muli %arg0, %mul3A : i32
    %add3A = arith.addi %mul3A_0, %arg1 : i32
    %mul3A_1 = arith.constant 624 : i32
    %mul3A_2 = arith.muli %arg1, %mul3A_1 : i32
    %lt3A = arith.constant 15 : i32
    %lt3A_3 = arith.cmpi slt, %arg1, %lt3A : i32
    %convert_element_type3A = arith.extui %lt3A_3 : i1 to i32
    %cond3A = arith.constant 0 : i32
    %cond3A_4 = arith.cmpi ne, %convert_element_type3A, %cond3A : i32
    scf.if %cond3A_4 {
      "tpu.region"() ({
        %run_scoped3A = tpu.sem_alloc : memref<!tpu.dma_semaphore, #tpu.memory_space<semaphore_mem>>
        %dma_start3A_36 = arith.constant 0 : i32
        %dma_start3A_37 = tpu.memref_slice %arg12[%mul3A_2, %dma_start3A_36] : memref<10000x128xf32, #tpu.memory_space<vmem_shared>> -> memref<624x128xf32, #tpu.memory_space<vmem_shared>>
        %dma_start3A_38 = arith.constant 0 : i32
        %dma_start3A_39 = tpu.memref_slice %arg5[%mul3A_2, %dma_start3A_38] : memref<10000x128xf32, #tpu.memory_space<hbm>> -> memref<624x128xf32, #tpu.memory_space<hbm>>
        tpu.enqueue_dma source(%dma_start3A_39 : memref<624x128xf32, #tpu.memory_space<hbm>>) target(%dma_start3A_37 : memref<624x128xf32, #tpu.memory_space<vmem_shared>>) target_semaphore(%run_scoped3A : memref<!tpu.dma_semaphore, #tpu.memory_space<semaphore_mem>>)
        %dma_wait3A_40 = arith.constant 0 : i32
        %dma_wait3A_41 = tpu.memref_slice %arg12[%mul3A_2, %dma_wait3A_40] : memref<10000x128xf32, #tpu.memory_space<vmem_shared>> -> memref<624x128xf32, #tpu.memory_space<vmem_shared>>
        %dma_wait3A_42 = arith.constant 0 : i32
        %dma_wait3A_43 = tpu.memref_slice %arg5[%mul3A_2, %dma_wait3A_42] : memref<10000x128xf32, #tpu.memory_space<hbm>> -> memref<624x128xf32, #tpu.memory_space<hbm>>
        tpu.wait_dma2 semaphore(%run_scoped3A : memref<!tpu.dma_semaphore, #tpu.memory_space<semaphore_mem>>) src(%dma_wait3A_43 : memref<624x128xf32, #tpu.memory_space<hbm>>) dst(%dma_wait3A_41 : memref<624x128xf32, #tpu.memory_space<vmem_shared>>)
        tpu.yield
      }) : () -> ()
    } else {
    }
    %eq3A = arith.constant 15 : i32
    %eq3A_5 = arith.cmpi eq, %arg1, %eq3A : i32
    %convert_element_type3A_6 = arith.extui %eq3A_5 : i1 to i32
    %cond3A_7 = arith.constant 0 : i32
    %cond3A_8 = arith.cmpi ne, %convert_element_type3A_6, %cond3A_7 : i32
    scf.if %cond3A_8 {
      "tpu.region"() ({
        %run_scoped3A = tpu.sem_alloc : memref<!tpu.dma_semaphore, #tpu.memory_space<semaphore_mem>>
        %dma_start3A_36 = arith.constant 9360 : i32
        %dma_start3A_37 = arith.constant 0 : i32
        %dma_start3A_38 = tpu.memref_slice %arg12[%dma_start3A_36, %dma_start3A_37] : memref<10000x128xf32, #tpu.memory_space<vmem_shared>> -> memref<640x128xf32, #tpu.memory_space<vmem_shared>>
        %dma_start3A_39 = arith.constant 9360 : i32
        %dma_start3A_40 = arith.constant 0 : i32
        %dma_start3A_41 = tpu.memref_slice %arg5[%dma_start3A_39, %dma_start3A_40] : memref<10000x128xf32, #tpu.memory_space<hbm>> -> memref<640x128xf32, #tpu.memory_space<hbm>>
        tpu.enqueue_dma source(%dma_start3A_41 : memref<640x128xf32, #tpu.memory_space<hbm>>) target(%dma_start3A_38 : memref<640x128xf32, #tpu.memory_space<vmem_shared>>) target_semaphore(%run_scoped3A : memref<!tpu.dma_semaphore, #tpu.memory_space<semaphore_mem>>)
        %dma_wait3A_42 = arith.constant 9360 : i32
        %dma_wait3A_43 = arith.constant 0 : i32
        %dma_wait3A_44 = tpu.memref_slice %arg12[%dma_wait3A_42, %dma_wait3A_43] : memref<10000x128xf32, #tpu.memory_space<vmem_shared>> -> memref<640x128xf32, #tpu.memory_space<vmem_shared>>
        %dma_wait3A_45 = arith.constant 9360 : i32
        %dma_wait3A_46 = arith.constant 0 : i32
        %dma_wait3A_47 = tpu.memref_slice %arg5[%dma_wait3A_45, %dma_wait3A_46] : memref<10000x128xf32, #tpu.memory_space<hbm>> -> memref<640x128xf32, #tpu.memory_space<hbm>>
        tpu.wait_dma2 semaphore(%run_scoped3A : memref<!tpu.dma_semaphore, #tpu.memory_space<semaphore_mem>>) src(%dma_wait3A_47 : memref<640x128xf32, #tpu.memory_space<hbm>>) dst(%dma_wait3A_44 : memref<640x128xf32, #tpu.memory_space<vmem_shared>>)
        tpu.yield
      }) : () -> ()
    } else {
    }
    "tpu.region"() ({
      %run_scoped3A = tpu.sem_alloc : memref<!tpu.dma_semaphore, #tpu.memory_space<semaphore_mem>>
      %dma_start3A_36 = arith.constant 0 : i32
      %dma_start3A_37 = arith.constant 0 : i32
      %dma_start3A_38 = tpu.memref_slice %arg3[%add3A, %dma_start3A_36, %dma_start3A_37] : memref<32x78x128xi32, #tpu.memory_space<hbm>> -> memref<1x78x128xi32, #tpu.memory_space<hbm>>
      %dma_start3A_39 = tpu.memref_squeeze %dma_start3A_38 : memref<1x78x128xi32, #tpu.memory_space<hbm>> -> memref<78x128xi32, #tpu.memory_space<hbm>>
      %dma_start3A_40 = arith.constant 0 : i32
      %dma_start3A_41 = arith.constant 0 : i32
      %dma_start3A_42 = tpu.memref_slice %arg3[%add3A, %dma_start3A_40, %dma_start3A_41] : memref<32x78x128xi32, #tpu.memory_space<hbm>> -> memref<1x78x128xi32, #tpu.memory_space<hbm>>
      %dma_start3A_43 = tpu.memref_squeeze %dma_start3A_42 : memref<1x78x128xi32, #tpu.memory_space<hbm>> -> memref<78x128xi32, #tpu.memory_space<hbm>>
      tpu.enqueue_dma source(%dma_start3A_43 : memref<78x128xi32, #tpu.memory_space<hbm>>) target(%arg7 : memref<78x128xi32, #tpu.memory_space<vmem>>) target_semaphore(%run_scoped3A : memref<!tpu.dma_semaphore, #tpu.memory_space<semaphore_mem>>)
      %dma_wait3A_44 = arith.constant 0 : i32
      %dma_wait3A_45 = arith.constant 0 : i32
      %dma_wait3A_46 = tpu.memref_slice %arg3[%add3A, %dma_wait3A_44, %dma_wait3A_45] : memref<32x78x128xi32, #tpu.memory_space<hbm>> -> memref<1x78x128xi32, #tpu.memory_space<hbm>>
      %dma_wait3A_47 = tpu.memref_squeeze %dma_wait3A_46 : memref<1x78x128xi32, #tpu.memory_space<hbm>> -> memref<78x128xi32, #tpu.memory_space<hbm>>
      %dma_wait3A_48 = arith.constant 0 : i32
      %dma_wait3A_49 = arith.constant 0 : i32
      %dma_wait3A_50 = tpu.memref_slice %arg3[%add3A, %dma_wait3A_48, %dma_wait3A_49] : memref<32x78x128xi32, #tpu.memory_space<hbm>> -> memref<1x78x128xi32, #tpu.memory_space<hbm>>
      %dma_wait3A_51 = tpu.memref_squeeze %dma_wait3A_50 : memref<1x78x128xi32, #tpu.memory_space<hbm>> -> memref<78x128xi32, #tpu.memory_space<hbm>>
      tpu.wait_dma2 semaphore(%run_scoped3A : memref<!tpu.dma_semaphore, #tpu.memory_space<semaphore_mem>>) src(%dma_wait3A_51 : memref<78x128xi32, #tpu.memory_space<hbm>>) dst(%arg7 : memref<78x128xi32, #tpu.memory_space<vmem>>)
      tpu.yield
    }) : () -> ()
    %barrier3A = arith.constant 0 : index
    tpu.barrier barrier_id(%barrier3A)
    %mul3A_9 = arith.constant 9984 : i32
    %mul3A_10 = arith.muli %add3A, %mul3A_9 : i32
    %dma_start3A = arith.constant 0 : i32
    %dma_start3A_11 = tpu.memref_slice %arg2[%mul3A_10, %dma_start3A] : memref<320000x128xf32, #tpu.memory_space<hbm>> -> memref<128x128xf32, #tpu.memory_space<hbm>>
    %dma_start3A_12 = arith.constant 0 : i32
    %dma_start3A_13 = tpu.memref_slice %arg2[%mul3A_10, %dma_start3A_12] : memref<320000x128xf32, #tpu.memory_space<hbm>> -> memref<128x128xf32, #tpu.memory_space<hbm>>
    tpu.enqueue_dma source(%dma_start3A_13 : memref<128x128xf32, #tpu.memory_space<hbm>>) target(%arg8 : memref<128x128xf32, #tpu.memory_space<vmem>>) target_semaphore(%arg13 : memref<!tpu.dma_semaphore, #tpu.memory_space<semaphore_mem>>)
    %dma_wait3A = arith.constant 0 : i32
    %dma_wait3A_14 = tpu.memref_slice %arg2[%mul3A_10, %dma_wait3A] : memref<320000x128xf32, #tpu.memory_space<hbm>> -> memref<128x128xf32, #tpu.memory_space<hbm>>
    %dma_wait3A_15 = arith.constant 0 : i32
    %dma_wait3A_16 = tpu.memref_slice %arg2[%mul3A_10, %dma_wait3A_15] : memref<320000x128xf32, #tpu.memory_space<hbm>> -> memref<128x128xf32, #tpu.memory_space<hbm>>
    tpu.wait_dma2 semaphore(%arg13 : memref<!tpu.dma_semaphore, #tpu.memory_space<semaphore_mem>>) src(%dma_wait3A_16 : memref<128x128xf32, #tpu.memory_space<hbm>>) dst(%arg8 : memref<128x128xf32, #tpu.memory_space<vmem>>)
    %scan3A = arith.constant 0 : i32
    %scan3A_17 = arith.constant 39 : i32
    %scan3A_18 = arith.addi %scan3A, %scan3A_17 : i32
    %scan3A_19 = arith.constant 1 : i32
    scf.for %scan3A_36 = %scan3A to %scan3A_18 step %scan3A_19  : i32 {
      %mul3A_37 = arith.constant 1 : i32
      %mul3A_38 = arith.muli %scan3A_36, %mul3A_37 : i32
      %add3A_39 = arith.constant 0 : i32
      %add3A_40 = arith.addi %add3A_39, %mul3A_38 : i32
      %mul3A_41 = arith.constant 2 : i32
      %mul3A_42 = arith.muli %mul3A_41, %add3A_40 : i32
      %add3A_43 = arith.constant 1 : i32
      %add3A_44 = arith.addi %mul3A_42, %add3A_43 : i32
      %mul3A_45 = arith.constant 128 : i32
      %mul3A_46 = arith.muli %add3A_44, %mul3A_45 : i32
      %add3A_47 = arith.addi %mul3A_10, %mul3A_46 : i32
      %dma_start3A_48 = arith.constant 0 : i32
      %dma_start3A_49 = tpu.memref_slice %arg2[%add3A_47, %dma_start3A_48] : memref<320000x128xf32, #tpu.memory_space<hbm>> -> memref<128x128xf32, #tpu.memory_space<hbm>>
      %dma_start3A_50 = arith.constant 0 : i32
      %dma_start3A_51 = tpu.memref_slice %arg2[%add3A_47, %dma_start3A_50] : memref<320000x128xf32, #tpu.memory_space<hbm>> -> memref<128x128xf32, #tpu.memory_space<hbm>>
      tpu.enqueue_dma source(%dma_start3A_51 : memref<128x128xf32, #tpu.memory_space<hbm>>) target(%arg9 : memref<128x128xf32, #tpu.memory_space<vmem>>) target_semaphore(%arg14 : memref<!tpu.dma_semaphore, #tpu.memory_space<semaphore_mem>>)
      "tpu.region"() ({
        %run_scoped3A = tpu.sem_alloc : memref<!tpu.dma_semaphore, #tpu.memory_space<semaphore_mem>>
        %dma_start3A_66 = arith.constant 0 : i32
        %dma_start3A_67 = tpu.memref_slice %arg7[%mul3A_42, %dma_start3A_66] : memref<78x128xi32, #tpu.memory_space<vmem>> -> memref<1x128xi32, #tpu.memory_space<vmem>>
        %dma_start3A_68 = tpu.memref_squeeze %dma_start3A_67 : memref<1x128xi32, #tpu.memory_space<vmem>> -> memref<128xi32, #tpu.memory_space<vmem>>
        %dma_start3A_69 = arith.constant 0 : i32
        %dma_start3A_70 = arith.constant 0 : i32
        %dma_start3A_71 = tpu.memref_slice %arg12[%dma_start3A_69, %dma_start3A_70] : memref<10000x128xf32, #tpu.memory_space<vmem_shared>> -> memref<10000x128xf32, #tpu.memory_space<vmem_shared>>
        tpu.enqueue_indirect_dma source(%arg8 : memref<128x128xf32, #tpu.memory_space<vmem>>) target(%dma_start3A_71 : memref<10000x128xf32, #tpu.memory_space<vmem_shared>>) offsets(%dma_start3A_68 : memref<128xi32, #tpu.memory_space<vmem>>) semaphore(%run_scoped3A : memref<!tpu.dma_semaphore, #tpu.memory_space<semaphore_mem>>) {add = true}
        %dma_wait3A_72 = arith.constant 0 : i32
        %dma_wait3A_73 = tpu.memref_slice %arg7[%mul3A_42, %dma_wait3A_72] : memref<78x128xi32, #tpu.memory_space<vmem>> -> memref<1x128xi32, #tpu.memory_space<vmem>>
        %dma_wait3A_74 = tpu.memref_squeeze %dma_wait3A_73 : memref<1x128xi32, #tpu.memory_space<vmem>> -> memref<128xi32, #tpu.memory_space<vmem>>
        %dma_wait3A_75 = arith.constant 0 : i32
        %dma_wait3A_76 = arith.constant 0 : i32
        %dma_wait3A_77 = tpu.memref_slice %arg12[%dma_wait3A_75, %dma_wait3A_76] : memref<10000x128xf32, #tpu.memory_space<vmem_shared>> -> memref<10000x128xf32, #tpu.memory_space<vmem_shared>>
        tpu.wait_indirect_dma semaphore(%run_scoped3A : memref<!tpu.dma_semaphore, #tpu.memory_space<semaphore_mem>>) src(%arg8 : memref<128x128xf32, #tpu.memory_space<vmem>>) dst(%dma_wait3A_77 : memref<10000x128xf32, #tpu.memory_space<vmem_shared>>)
        tpu.yield
      }) : () -> ()
      %dma_wait3A_52 = arith.constant 0 : i32
      %dma_wait3A_53 = tpu.memref_slice %arg2[%add3A_47, %dma_wait3A_52] : memref<320000x128xf32, #tpu.memory_space<hbm>> -> memref<128x128xf32, #tpu.memory_space<hbm>>
      %dma_wait3A_54 = arith.constant 0 : i32
      %dma_wait3A_55 = tpu.memref_slice %arg2[%add3A_47, %dma_wait3A_54] : memref<320000x128xf32, #tpu.memory_space<hbm>> -> memref<128x128xf32, #tpu.memory_space<hbm>>
      tpu.wait_dma2 semaphore(%arg14 : memref<!tpu.dma_semaphore, #tpu.memory_space<semaphore_mem>>) src(%dma_wait3A_55 : memref<128x128xf32, #tpu.memory_space<hbm>>) dst(%arg9 : memref<128x128xf32, #tpu.memory_space<vmem>>)
      %lt3A_56 = arith.constant 38 : i32
      %lt3A_57 = arith.cmpi slt, %add3A_40, %lt3A_56 : i32
      %convert_element_type3A_58 = arith.extui %lt3A_57 : i1 to i32
      %cond3A_59 = arith.constant 0 : i32
      %cond3A_60 = arith.cmpi ne, %convert_element_type3A_58, %cond3A_59 : i32
      scf.if %cond3A_60 {
        %add3A_66 = arith.constant 2 : i32
        %add3A_67 = arith.addi %mul3A_42, %add3A_66 : i32
        %mul3A_68 = arith.constant 128 : i32
        %mul3A_69 = arith.muli %add3A_67, %mul3A_68 : i32
        %add3A_70 = arith.addi %mul3A_10, %mul3A_69 : i32
        %dma_start3A_71 = arith.constant 0 : i32
        %dma_start3A_72 = tpu.memref_slice %arg2[%add3A_70, %dma_start3A_71] : memref<320000x128xf32, #tpu.memory_space<hbm>> -> memref<128x128xf32, #tpu.memory_space<hbm>>
        %dma_start3A_73 = arith.constant 0 : i32
        %dma_start3A_74 = tpu.memref_slice %arg2[%add3A_70, %dma_start3A_73] : memref<320000x128xf32, #tpu.memory_space<hbm>> -> memref<128x128xf32, #tpu.memory_space<hbm>>
        tpu.enqueue_dma source(%dma_start3A_74 : memref<128x128xf32, #tpu.memory_space<hbm>>) target(%arg8 : memref<128x128xf32, #tpu.memory_space<vmem>>) target_semaphore(%arg13 : memref<!tpu.dma_semaphore, #tpu.memory_space<semaphore_mem>>)
        %add3A_75 = arith.constant 1 : i32
        %add3A_76 = arith.addi %mul3A_42, %add3A_75 : i32
        "tpu.region"() ({
          %run_scoped3A = tpu.sem_alloc : memref<!tpu.dma_semaphore, #tpu.memory_space<semaphore_mem>>
          %dma_start3A_81 = arith.constant 0 : i32
          %dma_start3A_82 = tpu.memref_slice %arg7[%add3A_76, %dma_start3A_81] : memref<78x128xi32, #tpu.memory_space<vmem>> -> memref<1x128xi32, #tpu.memory_space<vmem>>
          %dma_start3A_83 = tpu.memref_squeeze %dma_start3A_82 : memref<1x128xi32, #tpu.memory_space<vmem>> -> memref<128xi32, #tpu.memory_space<vmem>>
          %dma_start3A_84 = arith.constant 0 : i32
          %dma_start3A_85 = arith.constant 0 : i32
          %dma_start3A_86 = tpu.memref_slice %arg12[%dma_start3A_84, %dma_start3A_85] : memref<10000x128xf32, #tpu.memory_space<vmem_shared>> -> memref<10000x128xf32, #tpu.memory_space<vmem_shared>>
          tpu.enqueue_indirect_dma source(%arg9 : memref<128x128xf32, #tpu.memory_space<vmem>>) target(%dma_start3A_86 : memref<10000x128xf32, #tpu.memory_space<vmem_shared>>) offsets(%dma_start3A_83 : memref<128xi32, #tpu.memory_space<vmem>>) semaphore(%run_scoped3A : memref<!tpu.dma_semaphore, #tpu.memory_space<semaphore_mem>>) {add = true}
          %dma_wait3A_87 = arith.constant 0 : i32
          %dma_wait3A_88 = tpu.memref_slice %arg7[%add3A_76, %dma_wait3A_87] : memref<78x128xi32, #tpu.memory_space<vmem>> -> memref<1x128xi32, #tpu.memory_space<vmem>>
          %dma_wait3A_89 = tpu.memref_squeeze %dma_wait3A_88 : memref<1x128xi32, #tpu.memory_space<vmem>> -> memref<128xi32, #tpu.memory_space<vmem>>
          %dma_wait3A_90 = arith.constant 0 : i32
          %dma_wait3A_91 = arith.constant 0 : i32
          %dma_wait3A_92 = tpu.memref_slice %arg12[%dma_wait3A_90, %dma_wait3A_91] : memref<10000x128xf32, #tpu.memory_space<vmem_shared>> -> memref<10000x128xf32, #tpu.memory_space<vmem_shared>>
          tpu.wait_indirect_dma semaphore(%run_scoped3A : memref<!tpu.dma_semaphore, #tpu.memory_space<semaphore_mem>>) src(%arg9 : memref<128x128xf32, #tpu.memory_space<vmem>>) dst(%dma_wait3A_92 : memref<10000x128xf32, #tpu.memory_space<vmem_shared>>)
          tpu.yield
        }) : () -> ()
        %dma_wait3A_77 = arith.constant 0 : i32
        %dma_wait3A_78 = tpu.memref_slice %arg2[%add3A_70, %dma_wait3A_77] : memref<320000x128xf32, #tpu.memory_space<hbm>> -> memref<128x128xf32, #tpu.memory_space<hbm>>
        %dma_wait3A_79 = arith.constant 0 : i32
        %dma_wait3A_80 = tpu.memref_slice %arg2[%add3A_70, %dma_wait3A_79] : memref<320000x128xf32, #tpu.memory_space<hbm>> -> memref<128x128xf32, #tpu.memory_space<hbm>>
        tpu.wait_dma2 semaphore(%arg13 : memref<!tpu.dma_semaphore, #tpu.memory_space<semaphore_mem>>) src(%dma_wait3A_80 : memref<128x128xf32, #tpu.memory_space<hbm>>) dst(%arg8 : memref<128x128xf32, #tpu.memory_space<vmem>>)
      } else {
      }
      %eq3A_61 = arith.constant 38 : i32
      %eq3A_62 = arith.cmpi eq, %add3A_40, %eq3A_61 : i32
      %convert_element_type3A_63 = arith.extui %eq3A_62 : i1 to i32
      %cond3A_64 = arith.constant 0 : i32
      %cond3A_65 = arith.cmpi ne, %convert_element_type3A_63, %cond3A_64 : i32
      scf.if %cond3A_65 {
        %add3A_66 = arith.constant 1 : i32
        %add3A_67 = arith.addi %mul3A_42, %add3A_66 : i32
        "tpu.region"() ({
          %run_scoped3A = tpu.sem_alloc : memref<!tpu.dma_semaphore, #tpu.memory_space<semaphore_mem>>
          %dma_start3A_68 = arith.constant 0 : i32
          %dma_start3A_69 = tpu.memref_slice %arg7[%add3A_67, %dma_start3A_68] : memref<78x128xi32, #tpu.memory_space<vmem>> -> memref<1x128xi32, #tpu.memory_space<vmem>>
          %dma_start3A_70 = tpu.memref_squeeze %dma_start3A_69 : memref<1x128xi32, #tpu.memory_space<vmem>> -> memref<128xi32, #tpu.memory_space<vmem>>
          %dma_start3A_71 = arith.constant 0 : i32
          %dma_start3A_72 = arith.constant 0 : i32
          %dma_start3A_73 = tpu.memref_slice %arg12[%dma_start3A_71, %dma_start3A_72] : memref<10000x128xf32, #tpu.memory_space<vmem_shared>> -> memref<10000x128xf32, #tpu.memory_space<vmem_shared>>
          tpu.enqueue_indirect_dma source(%arg9 : memref<128x128xf32, #tpu.memory_space<vmem>>) target(%dma_start3A_73 : memref<10000x128xf32, #tpu.memory_space<vmem_shared>>) offsets(%dma_start3A_70 : memref<128xi32, #tpu.memory_space<vmem>>) semaphore(%run_scoped3A : memref<!tpu.dma_semaphore, #tpu.memory_space<semaphore_mem>>) {add = true}
          %dma_wait3A_74 = arith.constant 0 : i32
          %dma_wait3A_75 = tpu.memref_slice %arg7[%add3A_67, %dma_wait3A_74] : memref<78x128xi32, #tpu.memory_space<vmem>> -> memref<1x128xi32, #tpu.memory_space<vmem>>
          %dma_wait3A_76 = tpu.memref_squeeze %dma_wait3A_75 : memref<1x128xi32, #tpu.memory_space<vmem>> -> memref<128xi32, #tpu.memory_space<vmem>>
          %dma_wait3A_77 = arith.constant 0 : i32
          %dma_wait3A_78 = arith.constant 0 : i32
          %dma_wait3A_79 = tpu.memref_slice %arg12[%dma_wait3A_77, %dma_wait3A_78] : memref<10000x128xf32, #tpu.memory_space<vmem_shared>> -> memref<10000x128xf32, #tpu.memory_space<vmem_shared>>
          tpu.wait_indirect_dma semaphore(%run_scoped3A : memref<!tpu.dma_semaphore, #tpu.memory_space<semaphore_mem>>) src(%arg9 : memref<128x128xf32, #tpu.memory_space<vmem>>) dst(%dma_wait3A_79 : memref<10000x128xf32, #tpu.memory_space<vmem_shared>>)
          tpu.yield
        }) : () -> ()
      } else {
      }
    }
    %scan3A_20 = arith.constant 39 : i32
    %mul3A_21 = arith.constant 16 : i32
    %mul3A_22 = arith.muli %add3A, %mul3A_21 : i32
    %add3A_23 = arith.constant 319488 : i32
    %add3A_24 = arith.addi %add3A_23, %mul3A_22 : i32
    "tpu.region"() ({
      %run_scoped3A = tpu.sem_alloc : memref<!tpu.dma_semaphore, #tpu.memory_space<semaphore_mem>>
      %dma_start3A_36 = tpu.memref_slice %arg4[%add3A_24] : memref<320000xi32, #tpu.memory_space<hbm>> -> memref<16xi32, #tpu.memory_space<hbm>>
      %dma_start3A_37 = tpu.memref_slice %arg4[%add3A_24] : memref<320000xi32, #tpu.memory_space<hbm>> -> memref<16xi32, #tpu.memory_space<hbm>>
      tpu.enqueue_dma source(%dma_start3A_37 : memref<16xi32, #tpu.memory_space<hbm>>) target(%arg10 : memref<16xi32, #tpu.memory_space<vmem>>) target_semaphore(%run_scoped3A : memref<!tpu.dma_semaphore, #tpu.memory_space<semaphore_mem>>)
      %dma_wait3A_38 = tpu.memref_slice %arg4[%add3A_24] : memref<320000xi32, #tpu.memory_space<hbm>> -> memref<16xi32, #tpu.memory_space<hbm>>
      %dma_wait3A_39 = tpu.memref_slice %arg4[%add3A_24] : memref<320000xi32, #tpu.memory_space<hbm>> -> memref<16xi32, #tpu.memory_space<hbm>>
      tpu.wait_dma2 semaphore(%run_scoped3A : memref<!tpu.dma_semaphore, #tpu.memory_space<semaphore_mem>>) src(%dma_wait3A_39 : memref<16xi32, #tpu.memory_space<hbm>>) dst(%arg10 : memref<16xi32, #tpu.memory_space<vmem>>)
      tpu.yield
    }) : () -> ()
    "tpu.region"() ({
      %run_scoped3A = tpu.sem_alloc : memref<!tpu.dma_semaphore, #tpu.memory_space<semaphore_mem>>
      %dma_start3A_36 = arith.constant 0 : i32
      %dma_start3A_37 = tpu.memref_slice %arg2[%add3A_24, %dma_start3A_36] : memref<320000x128xf32, #tpu.memory_space<hbm>> -> memref<16x128xf32, #tpu.memory_space<hbm>>
      %dma_start3A_38 = arith.constant 0 : i32
      %dma_start3A_39 = tpu.memref_slice %arg2[%add3A_24, %dma_start3A_38] : memref<320000x128xf32, #tpu.memory_space<hbm>> -> memref<16x128xf32, #tpu.memory_space<hbm>>
      tpu.enqueue_dma source(%dma_start3A_39 : memref<16x128xf32, #tpu.memory_space<hbm>>) target(%arg11 : memref<16x128xf32, #tpu.memory_space<vmem>>) target_semaphore(%run_scoped3A : memref<!tpu.dma_semaphore, #tpu.memory_space<semaphore_mem>>)
      %dma_wait3A_40 = arith.constant 0 : i32
      %dma_wait3A_41 = tpu.memref_slice %arg2[%add3A_24, %dma_wait3A_40] : memref<320000x128xf32, #tpu.memory_space<hbm>> -> memref<16x128xf32, #tpu.memory_space<hbm>>
      %dma_wait3A_42 = arith.constant 0 : i32
      %dma_wait3A_43 = tpu.memref_slice %arg2[%add3A_24, %dma_wait3A_42] : memref<320000x128xf32, #tpu.memory_space<hbm>> -> memref<16x128xf32, #tpu.memory_space<hbm>>
      tpu.wait_dma2 semaphore(%run_scoped3A : memref<!tpu.dma_semaphore, #tpu.memory_space<semaphore_mem>>) src(%dma_wait3A_43 : memref<16x128xf32, #tpu.memory_space<hbm>>) dst(%arg11 : memref<16x128xf32, #tpu.memory_space<vmem>>)
      tpu.yield
    }) : () -> ()
    "tpu.region"() ({
      %run_scoped3A = tpu.sem_alloc : memref<!tpu.dma_semaphore, #tpu.memory_space<semaphore_mem>>
      %dma_start3A_36 = arith.constant 0 : i32
      %dma_start3A_37 = arith.constant 0 : i32
      %dma_start3A_38 = tpu.memref_slice %arg12[%dma_start3A_36, %dma_start3A_37] : memref<10000x128xf32, #tpu.memory_space<vmem_shared>> -> memref<10000x128xf32, #tpu.memory_space<vmem_shared>>
      tpu.enqueue_indirect_dma source(%arg11 : memref<16x128xf32, #tpu.memory_space<vmem>>) target(%dma_start3A_38 : memref<10000x128xf32, #tpu.memory_space<vmem_shared>>) offsets(%arg10 : memref<16xi32, #tpu.memory_space<vmem>>) semaphore(%run_scoped3A : memref<!tpu.dma_semaphore, #tpu.memory_space<semaphore_mem>>) {add = true}
      %dma_wait3A_39 = arith.constant 0 : i32
      %dma_wait3A_40 = arith.constant 0 : i32
      %dma_wait3A_41 = tpu.memref_slice %arg12[%dma_wait3A_39, %dma_wait3A_40] : memref<10000x128xf32, #tpu.memory_space<vmem_shared>> -> memref<10000x128xf32, #tpu.memory_space<vmem_shared>>
      tpu.wait_indirect_dma semaphore(%run_scoped3A : memref<!tpu.dma_semaphore, #tpu.memory_space<semaphore_mem>>) src(%arg11 : memref<16x128xf32, #tpu.memory_space<vmem>>) dst(%dma_wait3A_41 : memref<10000x128xf32, #tpu.memory_space<vmem_shared>>)
      tpu.yield
    }) : () -> ()
    %barrier3A_25 = arith.constant 0 : index
    tpu.barrier barrier_id(%barrier3A_25)
    %lt3A_26 = arith.constant 15 : i32
    %lt3A_27 = arith.cmpi slt, %arg1, %lt3A_26 : i32
    %convert_element_type3A_28 = arith.extui %lt3A_27 : i1 to i32
    %cond3A_29 = arith.constant 0 : i32
    %cond3A_30 = arith.cmpi ne, %convert_element_type3A_28, %cond3A_29 : i32
    scf.if %cond3A_30 {
      "tpu.region"() ({
        %run_scoped3A = tpu.sem_alloc : memref<!tpu.dma_semaphore, #tpu.memory_space<semaphore_mem>>
        %dma_start3A_36 = arith.constant 0 : i32
        %dma_start3A_37 = tpu.memref_slice %arg6[%arg0, %mul3A_2, %dma_start3A_36] : memref<2x10000x128xf32, #tpu.memory_space<hbm>> -> memref<1x624x128xf32, #tpu.memory_space<hbm>>
        %dma_start3A_38 = tpu.memref_squeeze %dma_start3A_37 : memref<1x624x128xf32, #tpu.memory_space<hbm>> -> memref<624x128xf32, #tpu.memory_space<hbm>>
        %dma_start3A_39 = arith.constant 0 : i32
        %dma_start3A_40 = tpu.memref_slice %arg12[%mul3A_2, %dma_start3A_39] : memref<10000x128xf32, #tpu.memory_space<vmem_shared>> -> memref<624x128xf32, #tpu.memory_space<vmem_shared>>
        tpu.enqueue_dma source(%dma_start3A_40 : memref<624x128xf32, #tpu.memory_space<vmem_shared>>) target(%dma_start3A_38 : memref<624x128xf32, #tpu.memory_space<hbm>>) target_semaphore(%run_scoped3A : memref<!tpu.dma_semaphore, #tpu.memory_space<semaphore_mem>>)
        %dma_wait3A_41 = arith.constant 0 : i32
        %dma_wait3A_42 = tpu.memref_slice %arg6[%arg0, %mul3A_2, %dma_wait3A_41] : memref<2x10000x128xf32, #tpu.memory_space<hbm>> -> memref<1x624x128xf32, #tpu.memory_space<hbm>>
        %dma_wait3A_43 = tpu.memref_squeeze %dma_wait3A_42 : memref<1x624x128xf32, #tpu.memory_space<hbm>> -> memref<624x128xf32, #tpu.memory_space<hbm>>
        %dma_wait3A_44 = arith.constant 0 : i32
        %dma_wait3A_45 = tpu.memref_slice %arg12[%mul3A_2, %dma_wait3A_44] : memref<10000x128xf32, #tpu.memory_space<vmem_shared>> -> memref<624x128xf32, #tpu.memory_space<vmem_shared>>
        tpu.wait_dma2 semaphore(%run_scoped3A : memref<!tpu.dma_semaphore, #tpu.memory_space<semaphore_mem>>) src(%dma_wait3A_45 : memref<624x128xf32, #tpu.memory_space<vmem_shared>>) dst(%dma_wait3A_43 : memref<624x128xf32, #tpu.memory_space<hbm>>)
        tpu.yield
      }) : () -> ()
    } else {
    }
    %eq3A_31 = arith.constant 15 : i32
    %eq3A_32 = arith.cmpi eq, %arg1, %eq3A_31 : i32
    %convert_element_type3A_33 = arith.extui %eq3A_32 : i1 to i32
    %cond3A_34 = arith.constant 0 : i32
    %cond3A_35 = arith.cmpi ne, %convert_element_type3A_33, %cond3A_34 : i32
    scf.if %cond3A_35 {
      "tpu.region"() ({
        %run_scoped3A = tpu.sem_alloc : memref<!tpu.dma_semaphore, #tpu.memory_space<semaphore_mem>>
        %dma_start3A_36 = arith.constant 9360 : i32
        %dma_start3A_37 = arith.constant 0 : i32
        %dma_start3A_38 = tpu.memref_slice %arg6[%arg0, %dma_start3A_36, %dma_start3A_37] : memref<2x10000x128xf32, #tpu.memory_space<hbm>> -> memref<1x640x128xf32, #tpu.memory_space<hbm>>
        %dma_start3A_39 = tpu.memref_squeeze %dma_start3A_38 : memref<1x640x128xf32, #tpu.memory_space<hbm>> -> memref<640x128xf32, #tpu.memory_space<hbm>>
        %dma_start3A_40 = arith.constant 9360 : i32
        %dma_start3A_41 = arith.constant 0 : i32
        %dma_start3A_42 = tpu.memref_slice %arg12[%dma_start3A_40, %dma_start3A_41] : memref<10000x128xf32, #tpu.memory_space<vmem_shared>> -> memref<640x128xf32, #tpu.memory_space<vmem_shared>>
        tpu.enqueue_dma source(%dma_start3A_42 : memref<640x128xf32, #tpu.memory_space<vmem_shared>>) target(%dma_start3A_39 : memref<640x128xf32, #tpu.memory_space<hbm>>) target_semaphore(%run_scoped3A : memref<!tpu.dma_semaphore, #tpu.memory_space<semaphore_mem>>)
        %dma_wait3A_43 = arith.constant 9360 : i32
        %dma_wait3A_44 = arith.constant 0 : i32
        %dma_wait3A_45 = tpu.memref_slice %arg6[%arg0, %dma_wait3A_43, %dma_wait3A_44] : memref<2x10000x128xf32, #tpu.memory_space<hbm>> -> memref<1x640x128xf32, #tpu.memory_space<hbm>>
        %dma_wait3A_46 = tpu.memref_squeeze %dma_wait3A_45 : memref<1x640x128xf32, #tpu.memory_space<hbm>> -> memref<640x128xf32, #tpu.memory_space<hbm>>
        %dma_wait3A_47 = arith.constant 9360 : i32
        %dma_wait3A_48 = arith.constant 0 : i32
        %dma_wait3A_49 = tpu.memref_slice %arg12[%dma_wait3A_47, %dma_wait3A_48] : memref<10000x128xf32, #tpu.memory_space<vmem_shared>> -> memref<640x128xf32, #tpu.memory_space<vmem_shared>>
        tpu.wait_dma2 semaphore(%run_scoped3A : memref<!tpu.dma_semaphore, #tpu.memory_space<semaphore_mem>>) src(%dma_wait3A_49 : memref<640x128xf32, #tpu.memory_space<vmem_shared>>) dst(%dma_wait3A_46 : memref<640x128xf32, #tpu.memory_space<hbm>>)
        tpu.yield
      }) : () -> ()
    } else {
    }
    return
  }
}

#map = affine_map<(d0, d1) -> (0, 0)>
#map1 = affine_map<(d0, d1) -> (0, 0, 0)>
#map2 = affine_map<(d0, d1) -> (0)>
module attributes {stable_mosaic.version = 14 : i64} {
  func.func @k(%arg0: i32, %arg1: i32, %arg2: memref<10000x128xf32, #tpu.memory_space<hbm>>, %arg3: memref<32x78x128xi32, #tpu.memory_space<hbm>>, %arg4: memref<32x78x128xi32, #tpu.memory_space<hbm>>, %arg5: memref<320000xi32, #tpu.memory_space<hbm>>, %arg6: memref<320000xi32, #tpu.memory_space<hbm>>, %arg7: memref<320000x128xf32, #tpu.memory_space<hbm>>, %arg8: memref<320000x128xf32, #tpu.memory_space<hbm>>, %arg9: memref<78x128xi32, #tpu.memory_space<vmem>>, %arg10: memref<78x128xi32, #tpu.memory_space<vmem>>, %arg11: memref<128x128xf32, #tpu.memory_space<vmem>>, %arg12: memref<128x128xf32, #tpu.memory_space<vmem>>, %arg13: memref<128x128xf32, #tpu.memory_space<vmem>>, %arg14: memref<128x128xf32, #tpu.memory_space<vmem>>, %arg15: memref<16xi32, #tpu.memory_space<vmem>>, %arg16: memref<16xi32, #tpu.memory_space<vmem>>, %arg17: memref<16x128xf32, #tpu.memory_space<vmem>>, %arg18: memref<16x128xf32, #tpu.memory_space<vmem>>, %arg19: memref<!tpu.dma_semaphore, #tpu.memory_space<semaphore_mem>>, %arg20: memref<!tpu.dma_semaphore, #tpu.memory_space<semaphore_mem>>, %arg21: memref<!tpu.dma_semaphore, #tpu.memory_space<semaphore_mem>>, %arg22: memref<!tpu.dma_semaphore, #tpu.memory_space<semaphore_mem>>, %arg23: memref<!tpu.dma_semaphore, #tpu.memory_space<semaphore_mem>>, %arg24: memref<!tpu.dma_semaphore, #tpu.memory_space<semaphore_mem>>, %arg25: memref<!tpu.dma_semaphore, #tpu.memory_space<semaphore_mem>>, %arg26: memref<!tpu.dma_semaphore, #tpu.memory_space<semaphore_mem>>) attributes {dimension_semantics = [#tpu.dimension_semantics<core_parallel>, #tpu.dimension_semantics<subcore_parallel>], iteration_bounds = array<i64: 2, 16>, scalar_prefetch = 0 : i64, scratch_operands = 18 : i64, tpu.core_type = #tpu.core_type<sc_vector_subcore>, window_params = [{transform_indices = #map}, {transform_indices = #map1}, {transform_indices = #map1}, {transform_indices = #map2}, {transform_indices = #map2}, {transform_indices = #map}, {transform_indices = #map}]} {
    %mul3A = arith.constant 16 : i32
    %mul3A_0 = arith.muli %arg0, %mul3A : i32
    %add3A = arith.addi %mul3A_0, %arg1 : i32
    %mul3A_1 = arith.constant 9984 : i32
    %mul3A_2 = arith.muli %add3A, %mul3A_1 : i32
    "tpu.region"() ({
      %run_scoped3A = tpu.sem_alloc : memref<!tpu.dma_semaphore, #tpu.memory_space<semaphore_mem>>
      %dma_start3A = arith.constant 0 : i32
      %dma_start3A_30 = arith.constant 0 : i32
      %dma_start3A_31 = tpu.memref_slice %arg3[%add3A, %dma_start3A, %dma_start3A_30] : memref<32x78x128xi32, #tpu.memory_space<hbm>> -> memref<1x78x128xi32, #tpu.memory_space<hbm>>
      %dma_start3A_32 = tpu.memref_squeeze %dma_start3A_31 : memref<1x78x128xi32, #tpu.memory_space<hbm>> -> memref<78x128xi32, #tpu.memory_space<hbm>>
      %dma_start3A_33 = arith.constant 0 : i32
      %dma_start3A_34 = arith.constant 0 : i32
      %dma_start3A_35 = tpu.memref_slice %arg3[%add3A, %dma_start3A_33, %dma_start3A_34] : memref<32x78x128xi32, #tpu.memory_space<hbm>> -> memref<1x78x128xi32, #tpu.memory_space<hbm>>
      %dma_start3A_36 = tpu.memref_squeeze %dma_start3A_35 : memref<1x78x128xi32, #tpu.memory_space<hbm>> -> memref<78x128xi32, #tpu.memory_space<hbm>>
      tpu.enqueue_dma source(%dma_start3A_36 : memref<78x128xi32, #tpu.memory_space<hbm>>) target(%arg9 : memref<78x128xi32, #tpu.memory_space<vmem>>) target_semaphore(%run_scoped3A : memref<!tpu.dma_semaphore, #tpu.memory_space<semaphore_mem>>)
      %dma_wait3A_37 = arith.constant 0 : i32
      %dma_wait3A_38 = arith.constant 0 : i32
      %dma_wait3A_39 = tpu.memref_slice %arg3[%add3A, %dma_wait3A_37, %dma_wait3A_38] : memref<32x78x128xi32, #tpu.memory_space<hbm>> -> memref<1x78x128xi32, #tpu.memory_space<hbm>>
      %dma_wait3A_40 = tpu.memref_squeeze %dma_wait3A_39 : memref<1x78x128xi32, #tpu.memory_space<hbm>> -> memref<78x128xi32, #tpu.memory_space<hbm>>
      %dma_wait3A_41 = arith.constant 0 : i32
      %dma_wait3A_42 = arith.constant 0 : i32
      %dma_wait3A_43 = tpu.memref_slice %arg3[%add3A, %dma_wait3A_41, %dma_wait3A_42] : memref<32x78x128xi32, #tpu.memory_space<hbm>> -> memref<1x78x128xi32, #tpu.memory_space<hbm>>
      %dma_wait3A_44 = tpu.memref_squeeze %dma_wait3A_43 : memref<1x78x128xi32, #tpu.memory_space<hbm>> -> memref<78x128xi32, #tpu.memory_space<hbm>>
      tpu.wait_dma2 semaphore(%run_scoped3A : memref<!tpu.dma_semaphore, #tpu.memory_space<semaphore_mem>>) src(%dma_wait3A_44 : memref<78x128xi32, #tpu.memory_space<hbm>>) dst(%arg9 : memref<78x128xi32, #tpu.memory_space<vmem>>)
      tpu.yield
    }) : () -> ()
    "tpu.region"() ({
      %run_scoped3A = tpu.sem_alloc : memref<!tpu.dma_semaphore, #tpu.memory_space<semaphore_mem>>
      %dma_start3A = arith.constant 0 : i32
      %dma_start3A_30 = arith.constant 0 : i32
      %dma_start3A_31 = tpu.memref_slice %arg4[%add3A, %dma_start3A, %dma_start3A_30] : memref<32x78x128xi32, #tpu.memory_space<hbm>> -> memref<1x78x128xi32, #tpu.memory_space<hbm>>
      %dma_start3A_32 = tpu.memref_squeeze %dma_start3A_31 : memref<1x78x128xi32, #tpu.memory_space<hbm>> -> memref<78x128xi32, #tpu.memory_space<hbm>>
      %dma_start3A_33 = arith.constant 0 : i32
      %dma_start3A_34 = arith.constant 0 : i32
      %dma_start3A_35 = tpu.memref_slice %arg4[%add3A, %dma_start3A_33, %dma_start3A_34] : memref<32x78x128xi32, #tpu.memory_space<hbm>> -> memref<1x78x128xi32, #tpu.memory_space<hbm>>
      %dma_start3A_36 = tpu.memref_squeeze %dma_start3A_35 : memref<1x78x128xi32, #tpu.memory_space<hbm>> -> memref<78x128xi32, #tpu.memory_space<hbm>>
      tpu.enqueue_dma source(%dma_start3A_36 : memref<78x128xi32, #tpu.memory_space<hbm>>) target(%arg10 : memref<78x128xi32, #tpu.memory_space<vmem>>) target_semaphore(%run_scoped3A : memref<!tpu.dma_semaphore, #tpu.memory_space<semaphore_mem>>)
      %dma_wait3A_37 = arith.constant 0 : i32
      %dma_wait3A_38 = arith.constant 0 : i32
      %dma_wait3A_39 = tpu.memref_slice %arg4[%add3A, %dma_wait3A_37, %dma_wait3A_38] : memref<32x78x128xi32, #tpu.memory_space<hbm>> -> memref<1x78x128xi32, #tpu.memory_space<hbm>>
      %dma_wait3A_40 = tpu.memref_squeeze %dma_wait3A_39 : memref<1x78x128xi32, #tpu.memory_space<hbm>> -> memref<78x128xi32, #tpu.memory_space<hbm>>
      %dma_wait3A_41 = arith.constant 0 : i32
      %dma_wait3A_42 = arith.constant 0 : i32
      %dma_wait3A_43 = tpu.memref_slice %arg4[%add3A, %dma_wait3A_41, %dma_wait3A_42] : memref<32x78x128xi32, #tpu.memory_space<hbm>> -> memref<1x78x128xi32, #tpu.memory_space<hbm>>
      %dma_wait3A_44 = tpu.memref_squeeze %dma_wait3A_43 : memref<1x78x128xi32, #tpu.memory_space<hbm>> -> memref<78x128xi32, #tpu.memory_space<hbm>>
      tpu.wait_dma2 semaphore(%run_scoped3A : memref<!tpu.dma_semaphore, #tpu.memory_space<semaphore_mem>>) src(%dma_wait3A_44 : memref<78x128xi32, #tpu.memory_space<hbm>>) dst(%arg10 : memref<78x128xi32, #tpu.memory_space<vmem>>)
      tpu.yield
    }) : () -> ()
    %scan3A = arith.constant 0 : i32
    %scan3A_3 = arith.constant 39 : i32
    %scan3A_4 = arith.addi %scan3A, %scan3A_3 : i32
    %scan3A_5 = arith.constant 1 : i32
    scf.for %scan3A_30 = %scan3A to %scan3A_4 step %scan3A_5  : i32 {
      %mul3A_31 = arith.constant 1 : i32
      %mul3A_32 = arith.muli %scan3A_30, %mul3A_31 : i32
      %add3A_33 = arith.constant 0 : i32
      %add3A_34 = arith.addi %add3A_33, %mul3A_32 : i32
      %mul3A_35 = arith.constant 2 : i32
      %mul3A_36 = arith.muli %mul3A_35, %add3A_34 : i32
      %add3A_37 = arith.constant 1 : i32
      %add3A_38 = arith.addi %mul3A_36, %add3A_37 : i32
      %mul3A_39 = arith.constant 128 : i32
      %mul3A_40 = arith.muli %mul3A_36, %mul3A_39 : i32
      %add3A_41 = arith.addi %mul3A_2, %mul3A_40 : i32
      %mul3A_42 = arith.constant 128 : i32
      %mul3A_43 = arith.muli %add3A_38, %mul3A_42 : i32
      %add3A_44 = arith.addi %mul3A_2, %mul3A_43 : i32
      %gt3A = arith.constant 0 : i32
      %gt3A_45 = arith.cmpi sgt, %add3A_34, %gt3A : i32
      %convert_element_type3A = arith.extui %gt3A_45 : i1 to i32
      %cond3A = arith.constant 0 : i32
      %cond3A_46 = arith.cmpi ne, %convert_element_type3A, %cond3A : i32
      scf.if %cond3A_46 {
        %sub3A = arith.constant 256 : i32
        %sub3A_115 = arith.subi %add3A_41, %sub3A : i32
        %dma_wait3A_116 = arith.constant 0 : i32
        %dma_wait3A_117 = tpu.memref_slice %arg7[%sub3A_115, %dma_wait3A_116] : memref<320000x128xf32, #tpu.memory_space<hbm>> -> memref<128x128xf32, #tpu.memory_space<hbm>>
        %dma_wait3A_118 = arith.constant 0 : i32
        %dma_wait3A_119 = tpu.memref_slice %arg7[%sub3A_115, %dma_wait3A_118] : memref<320000x128xf32, #tpu.memory_space<hbm>> -> memref<128x128xf32, #tpu.memory_space<hbm>>
        tpu.wait_dma2 semaphore(%arg23 : memref<!tpu.dma_semaphore, #tpu.memory_space<semaphore_mem>>) src(%arg11 : memref<128x128xf32, #tpu.memory_space<vmem>>) dst(%dma_wait3A_119 : memref<128x128xf32, #tpu.memory_space<hbm>>)
        %sub3A_120 = arith.constant 256 : i32
        %sub3A_121 = arith.subi %add3A_41, %sub3A_120 : i32
        %dma_wait3A_122 = arith.constant 0 : i32
        %dma_wait3A_123 = tpu.memref_slice %arg8[%sub3A_121, %dma_wait3A_122] : memref<320000x128xf32, #tpu.memory_space<hbm>> -> memref<128x128xf32, #tpu.memory_space<hbm>>
        %dma_wait3A_124 = arith.constant 0 : i32
        %dma_wait3A_125 = tpu.memref_slice %arg8[%sub3A_121, %dma_wait3A_124] : memref<320000x128xf32, #tpu.memory_space<hbm>> -> memref<128x128xf32, #tpu.memory_space<hbm>>
        tpu.wait_dma2 semaphore(%arg24 : memref<!tpu.dma_semaphore, #tpu.memory_space<semaphore_mem>>) src(%arg12 : memref<128x128xf32, #tpu.memory_space<vmem>>) dst(%dma_wait3A_125 : memref<128x128xf32, #tpu.memory_space<hbm>>)
      } else {
      }
      %dma_start3A = arith.constant 0 : i32
      %dma_start3A_47 = tpu.memref_slice %arg9[%mul3A_36, %dma_start3A] : memref<78x128xi32, #tpu.memory_space<vmem>> -> memref<1x128xi32, #tpu.memory_space<vmem>>
      %dma_start3A_48 = tpu.memref_squeeze %dma_start3A_47 : memref<1x128xi32, #tpu.memory_space<vmem>> -> memref<128xi32, #tpu.memory_space<vmem>>
      %dma_start3A_49 = arith.constant 0 : i32
      %dma_start3A_50 = arith.constant 0 : i32
      %dma_start3A_51 = tpu.memref_slice %arg2[%dma_start3A_49, %dma_start3A_50] : memref<10000x128xf32, #tpu.memory_space<hbm>> -> memref<10000x128xf32, #tpu.memory_space<hbm>>
      tpu.enqueue_indirect_dma source(%dma_start3A_51 : memref<10000x128xf32, #tpu.memory_space<hbm>>) target(%arg11 : memref<128x128xf32, #tpu.memory_space<vmem>>) offsets(%dma_start3A_48 : memref<128xi32, #tpu.memory_space<vmem>>) semaphore(%arg19 : memref<!tpu.dma_semaphore, #tpu.memory_space<semaphore_mem>>)
      %dma_start3A_52 = arith.constant 0 : i32
      %dma_start3A_53 = tpu.memref_slice %arg10[%mul3A_36, %dma_start3A_52] : memref<78x128xi32, #tpu.memory_space<vmem>> -> memref<1x128xi32, #tpu.memory_space<vmem>>
      %dma_start3A_54 = tpu.memref_squeeze %dma_start3A_53 : memref<1x128xi32, #tpu.memory_space<vmem>> -> memref<128xi32, #tpu.memory_space<vmem>>
      %dma_start3A_55 = arith.constant 0 : i32
      %dma_start3A_56 = arith.constant 0 : i32
      %dma_start3A_57 = tpu.memref_slice %arg2[%dma_start3A_55, %dma_start3A_56] : memref<10000x128xf32, #tpu.memory_space<hbm>> -> memref<10000x128xf32, #tpu.memory_space<hbm>>
      tpu.enqueue_indirect_dma source(%dma_start3A_57 : memref<10000x128xf32, #tpu.memory_space<hbm>>) target(%arg12 : memref<128x128xf32, #tpu.memory_space<vmem>>) offsets(%dma_start3A_54 : memref<128xi32, #tpu.memory_space<vmem>>) semaphore(%arg20 : memref<!tpu.dma_semaphore, #tpu.memory_space<semaphore_mem>>)
      %gt3A_58 = arith.constant 0 : i32
      %gt3A_59 = arith.cmpi sgt, %add3A_34, %gt3A_58 : i32
      %convert_element_type3A_60 = arith.extui %gt3A_59 : i1 to i32
      %cond3A_61 = arith.constant 0 : i32
      %cond3A_62 = arith.cmpi ne, %convert_element_type3A_60, %cond3A_61 : i32
      scf.if %cond3A_62 {
        %sub3A = arith.constant 256 : i32
        %sub3A_115 = arith.subi %add3A_44, %sub3A : i32
        %dma_wait3A_116 = arith.constant 0 : i32
        %dma_wait3A_117 = tpu.memref_slice %arg7[%sub3A_115, %dma_wait3A_116] : memref<320000x128xf32, #tpu.memory_space<hbm>> -> memref<128x128xf32, #tpu.memory_space<hbm>>
        %dma_wait3A_118 = arith.constant 0 : i32
        %dma_wait3A_119 = tpu.memref_slice %arg7[%sub3A_115, %dma_wait3A_118] : memref<320000x128xf32, #tpu.memory_space<hbm>> -> memref<128x128xf32, #tpu.memory_space<hbm>>
        tpu.wait_dma2 semaphore(%arg25 : memref<!tpu.dma_semaphore, #tpu.memory_space<semaphore_mem>>) src(%arg13 : memref<128x128xf32, #tpu.memory_space<vmem>>) dst(%dma_wait3A_119 : memref<128x128xf32, #tpu.memory_space<hbm>>)
        %sub3A_120 = arith.constant 256 : i32
        %sub3A_121 = arith.subi %add3A_44, %sub3A_120 : i32
        %dma_wait3A_122 = arith.constant 0 : i32
        %dma_wait3A_123 = tpu.memref_slice %arg8[%sub3A_121, %dma_wait3A_122] : memref<320000x128xf32, #tpu.memory_space<hbm>> -> memref<128x128xf32, #tpu.memory_space<hbm>>
        %dma_wait3A_124 = arith.constant 0 : i32
        %dma_wait3A_125 = tpu.memref_slice %arg8[%sub3A_121, %dma_wait3A_124] : memref<320000x128xf32, #tpu.memory_space<hbm>> -> memref<128x128xf32, #tpu.memory_space<hbm>>
        tpu.wait_dma2 semaphore(%arg26 : memref<!tpu.dma_semaphore, #tpu.memory_space<semaphore_mem>>) src(%arg14 : memref<128x128xf32, #tpu.memory_space<vmem>>) dst(%dma_wait3A_125 : memref<128x128xf32, #tpu.memory_space<hbm>>)
      } else {
      }
      %dma_start3A_63 = arith.constant 0 : i32
      %dma_start3A_64 = tpu.memref_slice %arg9[%add3A_38, %dma_start3A_63] : memref<78x128xi32, #tpu.memory_space<vmem>> -> memref<1x128xi32, #tpu.memory_space<vmem>>
      %dma_start3A_65 = tpu.memref_squeeze %dma_start3A_64 : memref<1x128xi32, #tpu.memory_space<vmem>> -> memref<128xi32, #tpu.memory_space<vmem>>
      %dma_start3A_66 = arith.constant 0 : i32
      %dma_start3A_67 = arith.constant 0 : i32
      %dma_start3A_68 = tpu.memref_slice %arg2[%dma_start3A_66, %dma_start3A_67] : memref<10000x128xf32, #tpu.memory_space<hbm>> -> memref<10000x128xf32, #tpu.memory_space<hbm>>
      tpu.enqueue_indirect_dma source(%dma_start3A_68 : memref<10000x128xf32, #tpu.memory_space<hbm>>) target(%arg13 : memref<128x128xf32, #tpu.memory_space<vmem>>) offsets(%dma_start3A_65 : memref<128xi32, #tpu.memory_space<vmem>>) semaphore(%arg21 : memref<!tpu.dma_semaphore, #tpu.memory_space<semaphore_mem>>)
      %dma_start3A_69 = arith.constant 0 : i32
      %dma_start3A_70 = tpu.memref_slice %arg10[%add3A_38, %dma_start3A_69] : memref<78x128xi32, #tpu.memory_space<vmem>> -> memref<1x128xi32, #tpu.memory_space<vmem>>
      %dma_start3A_71 = tpu.memref_squeeze %dma_start3A_70 : memref<1x128xi32, #tpu.memory_space<vmem>> -> memref<128xi32, #tpu.memory_space<vmem>>
      %dma_start3A_72 = arith.constant 0 : i32
      %dma_start3A_73 = arith.constant 0 : i32
      %dma_start3A_74 = tpu.memref_slice %arg2[%dma_start3A_72, %dma_start3A_73] : memref<10000x128xf32, #tpu.memory_space<hbm>> -> memref<10000x128xf32, #tpu.memory_space<hbm>>
      tpu.enqueue_indirect_dma source(%dma_start3A_74 : memref<10000x128xf32, #tpu.memory_space<hbm>>) target(%arg14 : memref<128x128xf32, #tpu.memory_space<vmem>>) offsets(%dma_start3A_71 : memref<128xi32, #tpu.memory_space<vmem>>) semaphore(%arg22 : memref<!tpu.dma_semaphore, #tpu.memory_space<semaphore_mem>>)
      %dma_wait3A_75 = arith.constant 0 : i32
      %dma_wait3A_76 = tpu.memref_slice %arg9[%mul3A_36, %dma_wait3A_75] : memref<78x128xi32, #tpu.memory_space<vmem>> -> memref<1x128xi32, #tpu.memory_space<vmem>>
      %dma_wait3A_77 = tpu.memref_squeeze %dma_wait3A_76 : memref<1x128xi32, #tpu.memory_space<vmem>> -> memref<128xi32, #tpu.memory_space<vmem>>
      %dma_wait3A_78 = arith.constant 0 : i32
      %dma_wait3A_79 = arith.constant 0 : i32
      %dma_wait3A_80 = tpu.memref_slice %arg2[%dma_wait3A_78, %dma_wait3A_79] : memref<10000x128xf32, #tpu.memory_space<hbm>> -> memref<10000x128xf32, #tpu.memory_space<hbm>>
      tpu.wait_indirect_dma semaphore(%arg19 : memref<!tpu.dma_semaphore, #tpu.memory_space<semaphore_mem>>) src(%dma_wait3A_80 : memref<10000x128xf32, #tpu.memory_space<hbm>>) dst(%arg11 : memref<128x128xf32, #tpu.memory_space<vmem>>)
      %dma_wait3A_81 = arith.constant 0 : i32
      %dma_wait3A_82 = tpu.memref_slice %arg10[%mul3A_36, %dma_wait3A_81] : memref<78x128xi32, #tpu.memory_space<vmem>> -> memref<1x128xi32, #tpu.memory_space<vmem>>
      %dma_wait3A_83 = tpu.memref_squeeze %dma_wait3A_82 : memref<1x128xi32, #tpu.memory_space<vmem>> -> memref<128xi32, #tpu.memory_space<vmem>>
      %dma_wait3A_84 = arith.constant 0 : i32
      %dma_wait3A_85 = arith.constant 0 : i32
      %dma_wait3A_86 = tpu.memref_slice %arg2[%dma_wait3A_84, %dma_wait3A_85] : memref<10000x128xf32, #tpu.memory_space<hbm>> -> memref<10000x128xf32, #tpu.memory_space<hbm>>
      tpu.wait_indirect_dma semaphore(%arg20 : memref<!tpu.dma_semaphore, #tpu.memory_space<semaphore_mem>>) src(%dma_wait3A_86 : memref<10000x128xf32, #tpu.memory_space<hbm>>) dst(%arg12 : memref<128x128xf32, #tpu.memory_space<vmem>>)
      %dma_start3A_87 = arith.constant 0 : i32
      %dma_start3A_88 = tpu.memref_slice %arg7[%add3A_41, %dma_start3A_87] : memref<320000x128xf32, #tpu.memory_space<hbm>> -> memref<128x128xf32, #tpu.memory_space<hbm>>
      %dma_start3A_89 = arith.constant 0 : i32
      %dma_start3A_90 = tpu.memref_slice %arg7[%add3A_41, %dma_start3A_89] : memref<320000x128xf32, #tpu.memory_space<hbm>> -> memref<128x128xf32, #tpu.memory_space<hbm>>
      tpu.enqueue_dma source(%arg11 : memref<128x128xf32, #tpu.memory_space<vmem>>) target(%dma_start3A_90 : memref<128x128xf32, #tpu.memory_space<hbm>>) target_semaphore(%arg23 : memref<!tpu.dma_semaphore, #tpu.memory_space<semaphore_mem>>)
      %dma_start3A_91 = arith.constant 0 : i32
      %dma_start3A_92 = tpu.memref_slice %arg8[%add3A_41, %dma_start3A_91] : memref<320000x128xf32, #tpu.memory_space<hbm>> -> memref<128x128xf32, #tpu.memory_space<hbm>>
      %dma_start3A_93 = arith.constant 0 : i32
      %dma_start3A_94 = tpu.memref_slice %arg8[%add3A_41, %dma_start3A_93] : memref<320000x128xf32, #tpu.memory_space<hbm>> -> memref<128x128xf32, #tpu.memory_space<hbm>>
      tpu.enqueue_dma source(%arg12 : memref<128x128xf32, #tpu.memory_space<vmem>>) target(%dma_start3A_94 : memref<128x128xf32, #tpu.memory_space<hbm>>) target_semaphore(%arg24 : memref<!tpu.dma_semaphore, #tpu.memory_space<semaphore_mem>>)
      %dma_wait3A_95 = arith.constant 0 : i32
      %dma_wait3A_96 = tpu.memref_slice %arg9[%add3A_38, %dma_wait3A_95] : memref<78x128xi32, #tpu.memory_space<vmem>> -> memref<1x128xi32, #tpu.memory_space<vmem>>
      %dma_wait3A_97 = tpu.memref_squeeze %dma_wait3A_96 : memref<1x128xi32, #tpu.memory_space<vmem>> -> memref<128xi32, #tpu.memory_space<vmem>>
      %dma_wait3A_98 = arith.constant 0 : i32
      %dma_wait3A_99 = arith.constant 0 : i32
      %dma_wait3A_100 = tpu.memref_slice %arg2[%dma_wait3A_98, %dma_wait3A_99] : memref<10000x128xf32, #tpu.memory_space<hbm>> -> memref<10000x128xf32, #tpu.memory_space<hbm>>
      tpu.wait_indirect_dma semaphore(%arg21 : memref<!tpu.dma_semaphore, #tpu.memory_space<semaphore_mem>>) src(%dma_wait3A_100 : memref<10000x128xf32, #tpu.memory_space<hbm>>) dst(%arg13 : memref<128x128xf32, #tpu.memory_space<vmem>>)
      %dma_wait3A_101 = arith.constant 0 : i32
      %dma_wait3A_102 = tpu.memref_slice %arg10[%add3A_38, %dma_wait3A_101] : memref<78x128xi32, #tpu.memory_space<vmem>> -> memref<1x128xi32, #tpu.memory_space<vmem>>
      %dma_wait3A_103 = tpu.memref_squeeze %dma_wait3A_102 : memref<1x128xi32, #tpu.memory_space<vmem>> -> memref<128xi32, #tpu.memory_space<vmem>>
      %dma_wait3A_104 = arith.constant 0 : i32
      %dma_wait3A_105 = arith.constant 0 : i32
      %dma_wait3A_106 = tpu.memref_slice %arg2[%dma_wait3A_104, %dma_wait3A_105] : memref<10000x128xf32, #tpu.memory_space<hbm>> -> memref<10000x128xf32, #tpu.memory_space<hbm>>
      tpu.wait_indirect_dma semaphore(%arg22 : memref<!tpu.dma_semaphore, #tpu.memory_space<semaphore_mem>>) src(%dma_wait3A_106 : memref<10000x128xf32, #tpu.memory_space<hbm>>) dst(%arg14 : memref<128x128xf32, #tpu.memory_space<vmem>>)
      %dma_start3A_107 = arith.constant 0 : i32
      %dma_start3A_108 = tpu.memref_slice %arg7[%add3A_44, %dma_start3A_107] : memref<320000x128xf32, #tpu.memory_space<hbm>> -> memref<128x128xf32, #tpu.memory_space<hbm>>
      %dma_start3A_109 = arith.constant 0 : i32
      %dma_start3A_110 = tpu.memref_slice %arg7[%add3A_44, %dma_start3A_109] : memref<320000x128xf32, #tpu.memory_space<hbm>> -> memref<128x128xf32, #tpu.memory_space<hbm>>
      tpu.enqueue_dma source(%arg13 : memref<128x128xf32, #tpu.memory_space<vmem>>) target(%dma_start3A_110 : memref<128x128xf32, #tpu.memory_space<hbm>>) target_semaphore(%arg25 : memref<!tpu.dma_semaphore, #tpu.memory_space<semaphore_mem>>)
      %dma_start3A_111 = arith.constant 0 : i32
      %dma_start3A_112 = tpu.memref_slice %arg8[%add3A_44, %dma_start3A_111] : memref<320000x128xf32, #tpu.memory_space<hbm>> -> memref<128x128xf32, #tpu.memory_space<hbm>>
      %dma_start3A_113 = arith.constant 0 : i32
      %dma_start3A_114 = tpu.memref_slice %arg8[%add3A_44, %dma_start3A_113] : memref<320000x128xf32, #tpu.memory_space<hbm>> -> memref<128x128xf32, #tpu.memory_space<hbm>>
      tpu.enqueue_dma source(%arg14 : memref<128x128xf32, #tpu.memory_space<vmem>>) target(%dma_start3A_114 : memref<128x128xf32, #tpu.memory_space<hbm>>) target_semaphore(%arg26 : memref<!tpu.dma_semaphore, #tpu.memory_space<semaphore_mem>>)
    }
    %scan3A_6 = arith.constant 39 : i32
    %add3A_7 = arith.constant 9728 : i32
    %add3A_8 = arith.addi %mul3A_2, %add3A_7 : i32
    %add3A_9 = arith.constant 9856 : i32
    %add3A_10 = arith.addi %mul3A_2, %add3A_9 : i32
    %dma_wait3A = arith.constant 0 : i32
    %dma_wait3A_11 = tpu.memref_slice %arg7[%add3A_8, %dma_wait3A] : memref<320000x128xf32, #tpu.memory_space<hbm>> -> memref<128x128xf32, #tpu.memory_space<hbm>>
    %dma_wait3A_12 = arith.constant 0 : i32
    %dma_wait3A_13 = tpu.memref_slice %arg7[%add3A_8, %dma_wait3A_12] : memref<320000x128xf32, #tpu.memory_space<hbm>> -> memref<128x128xf32, #tpu.memory_space<hbm>>
    tpu.wait_dma2 semaphore(%arg23 : memref<!tpu.dma_semaphore, #tpu.memory_space<semaphore_mem>>) src(%arg11 : memref<128x128xf32, #tpu.memory_space<vmem>>) dst(%dma_wait3A_13 : memref<128x128xf32, #tpu.memory_space<hbm>>)
    %dma_wait3A_14 = arith.constant 0 : i32
    %dma_wait3A_15 = tpu.memref_slice %arg8[%add3A_8, %dma_wait3A_14] : memref<320000x128xf32, #tpu.memory_space<hbm>> -> memref<128x128xf32, #tpu.memory_space<hbm>>
    %dma_wait3A_16 = arith.constant 0 : i32
    %dma_wait3A_17 = tpu.memref_slice %arg8[%add3A_8, %dma_wait3A_16] : memref<320000x128xf32, #tpu.memory_space<hbm>> -> memref<128x128xf32, #tpu.memory_space<hbm>>
    tpu.wait_dma2 semaphore(%arg24 : memref<!tpu.dma_semaphore, #tpu.memory_space<semaphore_mem>>) src(%arg12 : memref<128x128xf32, #tpu.memory_space<vmem>>) dst(%dma_wait3A_17 : memref<128x128xf32, #tpu.memory_space<hbm>>)
    %dma_wait3A_18 = arith.constant 0 : i32
    %dma_wait3A_19 = tpu.memref_slice %arg7[%add3A_10, %dma_wait3A_18] : memref<320000x128xf32, #tpu.memory_space<hbm>> -> memref<128x128xf32, #tpu.memory_space<hbm>>
    %dma_wait3A_20 = arith.constant 0 : i32
    %dma_wait3A_21 = tpu.memref_slice %arg7[%add3A_10, %dma_wait3A_20] : memref<320000x128xf32, #tpu.memory_space<hbm>> -> memref<128x128xf32, #tpu.memory_space<hbm>>
    tpu.wait_dma2 semaphore(%arg25 : memref<!tpu.dma_semaphore, #tpu.memory_space<semaphore_mem>>) src(%arg13 : memref<128x128xf32, #tpu.memory_space<vmem>>) dst(%dma_wait3A_21 : memref<128x128xf32, #tpu.memory_space<hbm>>)
    %dma_wait3A_22 = arith.constant 0 : i32
    %dma_wait3A_23 = tpu.memref_slice %arg8[%add3A_10, %dma_wait3A_22] : memref<320000x128xf32, #tpu.memory_space<hbm>> -> memref<128x128xf32, #tpu.memory_space<hbm>>
    %dma_wait3A_24 = arith.constant 0 : i32
    %dma_wait3A_25 = tpu.memref_slice %arg8[%add3A_10, %dma_wait3A_24] : memref<320000x128xf32, #tpu.memory_space<hbm>> -> memref<128x128xf32, #tpu.memory_space<hbm>>
    tpu.wait_dma2 semaphore(%arg26 : memref<!tpu.dma_semaphore, #tpu.memory_space<semaphore_mem>>) src(%arg14 : memref<128x128xf32, #tpu.memory_space<vmem>>) dst(%dma_wait3A_25 : memref<128x128xf32, #tpu.memory_space<hbm>>)
    %mul3A_26 = arith.constant 16 : i32
    %mul3A_27 = arith.muli %add3A, %mul3A_26 : i32
    %add3A_28 = arith.constant 319488 : i32
    %add3A_29 = arith.addi %add3A_28, %mul3A_27 : i32
    "tpu.region"() ({
      %run_scoped3A = tpu.sem_alloc : memref<!tpu.dma_semaphore, #tpu.memory_space<semaphore_mem>>
      %dma_start3A = tpu.memref_slice %arg5[%add3A_29] : memref<320000xi32, #tpu.memory_space<hbm>> -> memref<16xi32, #tpu.memory_space<hbm>>
      %dma_start3A_30 = tpu.memref_slice %arg5[%add3A_29] : memref<320000xi32, #tpu.memory_space<hbm>> -> memref<16xi32, #tpu.memory_space<hbm>>
      tpu.enqueue_dma source(%dma_start3A_30 : memref<16xi32, #tpu.memory_space<hbm>>) target(%arg15 : memref<16xi32, #tpu.memory_space<vmem>>) target_semaphore(%run_scoped3A : memref<!tpu.dma_semaphore, #tpu.memory_space<semaphore_mem>>)
      %dma_wait3A_31 = tpu.memref_slice %arg5[%add3A_29] : memref<320000xi32, #tpu.memory_space<hbm>> -> memref<16xi32, #tpu.memory_space<hbm>>
      %dma_wait3A_32 = tpu.memref_slice %arg5[%add3A_29] : memref<320000xi32, #tpu.memory_space<hbm>> -> memref<16xi32, #tpu.memory_space<hbm>>
      tpu.wait_dma2 semaphore(%run_scoped3A : memref<!tpu.dma_semaphore, #tpu.memory_space<semaphore_mem>>) src(%dma_wait3A_32 : memref<16xi32, #tpu.memory_space<hbm>>) dst(%arg15 : memref<16xi32, #tpu.memory_space<vmem>>)
      tpu.yield
    }) : () -> ()
    "tpu.region"() ({
      %run_scoped3A = tpu.sem_alloc : memref<!tpu.dma_semaphore, #tpu.memory_space<semaphore_mem>>
      %dma_start3A = tpu.memref_slice %arg6[%add3A_29] : memref<320000xi32, #tpu.memory_space<hbm>> -> memref<16xi32, #tpu.memory_space<hbm>>
      %dma_start3A_30 = tpu.memref_slice %arg6[%add3A_29] : memref<320000xi32, #tpu.memory_space<hbm>> -> memref<16xi32, #tpu.memory_space<hbm>>
      tpu.enqueue_dma source(%dma_start3A_30 : memref<16xi32, #tpu.memory_space<hbm>>) target(%arg16 : memref<16xi32, #tpu.memory_space<vmem>>) target_semaphore(%run_scoped3A : memref<!tpu.dma_semaphore, #tpu.memory_space<semaphore_mem>>)
      %dma_wait3A_31 = tpu.memref_slice %arg6[%add3A_29] : memref<320000xi32, #tpu.memory_space<hbm>> -> memref<16xi32, #tpu.memory_space<hbm>>
      %dma_wait3A_32 = tpu.memref_slice %arg6[%add3A_29] : memref<320000xi32, #tpu.memory_space<hbm>> -> memref<16xi32, #tpu.memory_space<hbm>>
      tpu.wait_dma2 semaphore(%run_scoped3A : memref<!tpu.dma_semaphore, #tpu.memory_space<semaphore_mem>>) src(%dma_wait3A_32 : memref<16xi32, #tpu.memory_space<hbm>>) dst(%arg16 : memref<16xi32, #tpu.memory_space<vmem>>)
      tpu.yield
    }) : () -> ()
    "tpu.region"() ({
      %run_scoped3A = tpu.sem_alloc : memref<!tpu.dma_semaphore, #tpu.memory_space<semaphore_mem>>
      %dma_start3A = arith.constant 0 : i32
      %dma_start3A_30 = arith.constant 0 : i32
      %dma_start3A_31 = tpu.memref_slice %arg2[%dma_start3A, %dma_start3A_30] : memref<10000x128xf32, #tpu.memory_space<hbm>> -> memref<10000x128xf32, #tpu.memory_space<hbm>>
      tpu.enqueue_indirect_dma source(%dma_start3A_31 : memref<10000x128xf32, #tpu.memory_space<hbm>>) target(%arg17 : memref<16x128xf32, #tpu.memory_space<vmem>>) offsets(%arg15 : memref<16xi32, #tpu.memory_space<vmem>>) semaphore(%run_scoped3A : memref<!tpu.dma_semaphore, #tpu.memory_space<semaphore_mem>>)
      %dma_wait3A_32 = arith.constant 0 : i32
      %dma_wait3A_33 = arith.constant 0 : i32
      %dma_wait3A_34 = tpu.memref_slice %arg2[%dma_wait3A_32, %dma_wait3A_33] : memref<10000x128xf32, #tpu.memory_space<hbm>> -> memref<10000x128xf32, #tpu.memory_space<hbm>>
      tpu.wait_indirect_dma semaphore(%run_scoped3A : memref<!tpu.dma_semaphore, #tpu.memory_space<semaphore_mem>>) src(%dma_wait3A_34 : memref<10000x128xf32, #tpu.memory_space<hbm>>) dst(%arg17 : memref<16x128xf32, #tpu.memory_space<vmem>>)
      tpu.yield
    }) : () -> ()
    "tpu.region"() ({
      %run_scoped3A = tpu.sem_alloc : memref<!tpu.dma_semaphore, #tpu.memory_space<semaphore_mem>>
      %dma_start3A = arith.constant 0 : i32
      %dma_start3A_30 = arith.constant 0 : i32
      %dma_start3A_31 = tpu.memref_slice %arg2[%dma_start3A, %dma_start3A_30] : memref<10000x128xf32, #tpu.memory_space<hbm>> -> memref<10000x128xf32, #tpu.memory_space<hbm>>
      tpu.enqueue_indirect_dma source(%dma_start3A_31 : memref<10000x128xf32, #tpu.memory_space<hbm>>) target(%arg18 : memref<16x128xf32, #tpu.memory_space<vmem>>) offsets(%arg16 : memref<16xi32, #tpu.memory_space<vmem>>) semaphore(%run_scoped3A : memref<!tpu.dma_semaphore, #tpu.memory_space<semaphore_mem>>)
      %dma_wait3A_32 = arith.constant 0 : i32
      %dma_wait3A_33 = arith.constant 0 : i32
      %dma_wait3A_34 = tpu.memref_slice %arg2[%dma_wait3A_32, %dma_wait3A_33] : memref<10000x128xf32, #tpu.memory_space<hbm>> -> memref<10000x128xf32, #tpu.memory_space<hbm>>
      tpu.wait_indirect_dma semaphore(%run_scoped3A : memref<!tpu.dma_semaphore, #tpu.memory_space<semaphore_mem>>) src(%dma_wait3A_34 : memref<10000x128xf32, #tpu.memory_space<hbm>>) dst(%arg18 : memref<16x128xf32, #tpu.memory_space<vmem>>)
      tpu.yield
    }) : () -> ()
    "tpu.region"() ({
      %run_scoped3A = tpu.sem_alloc : memref<!tpu.dma_semaphore, #tpu.memory_space<semaphore_mem>>
      %dma_start3A = arith.constant 0 : i32
      %dma_start3A_30 = tpu.memref_slice %arg7[%add3A_29, %dma_start3A] : memref<320000x128xf32, #tpu.memory_space<hbm>> -> memref<16x128xf32, #tpu.memory_space<hbm>>
      %dma_start3A_31 = arith.constant 0 : i32
      %dma_start3A_32 = tpu.memref_slice %arg7[%add3A_29, %dma_start3A_31] : memref<320000x128xf32, #tpu.memory_space<hbm>> -> memref<16x128xf32, #tpu.memory_space<hbm>>
      tpu.enqueue_dma source(%arg17 : memref<16x128xf32, #tpu.memory_space<vmem>>) target(%dma_start3A_32 : memref<16x128xf32, #tpu.memory_space<hbm>>) target_semaphore(%run_scoped3A : memref<!tpu.dma_semaphore, #tpu.memory_space<semaphore_mem>>)
      %dma_wait3A_33 = arith.constant 0 : i32
      %dma_wait3A_34 = tpu.memref_slice %arg7[%add3A_29, %dma_wait3A_33] : memref<320000x128xf32, #tpu.memory_space<hbm>> -> memref<16x128xf32, #tpu.memory_space<hbm>>
      %dma_wait3A_35 = arith.constant 0 : i32
      %dma_wait3A_36 = tpu.memref_slice %arg7[%add3A_29, %dma_wait3A_35] : memref<320000x128xf32, #tpu.memory_space<hbm>> -> memref<16x128xf32, #tpu.memory_space<hbm>>
      tpu.wait_dma2 semaphore(%run_scoped3A : memref<!tpu.dma_semaphore, #tpu.memory_space<semaphore_mem>>) src(%arg17 : memref<16x128xf32, #tpu.memory_space<vmem>>) dst(%dma_wait3A_36 : memref<16x128xf32, #tpu.memory_space<hbm>>)
      tpu.yield
    }) : () -> ()
    "tpu.region"() ({
      %run_scoped3A = tpu.sem_alloc : memref<!tpu.dma_semaphore, #tpu.memory_space<semaphore_mem>>
      %dma_start3A = arith.constant 0 : i32
      %dma_start3A_30 = tpu.memref_slice %arg8[%add3A_29, %dma_start3A] : memref<320000x128xf32, #tpu.memory_space<hbm>> -> memref<16x128xf32, #tpu.memory_space<hbm>>
      %dma_start3A_31 = arith.constant 0 : i32
      %dma_start3A_32 = tpu.memref_slice %arg8[%add3A_29, %dma_start3A_31] : memref<320000x128xf32, #tpu.memory_space<hbm>> -> memref<16x128xf32, #tpu.memory_space<hbm>>
      tpu.enqueue_dma source(%arg18 : memref<16x128xf32, #tpu.memory_space<vmem>>) target(%dma_start3A_32 : memref<16x128xf32, #tpu.memory_space<hbm>>) target_semaphore(%run_scoped3A : memref<!tpu.dma_semaphore, #tpu.memory_space<semaphore_mem>>)
      %dma_wait3A_33 = arith.constant 0 : i32
      %dma_wait3A_34 = tpu.memref_slice %arg8[%add3A_29, %dma_wait3A_33] : memref<320000x128xf32, #tpu.memory_space<hbm>> -> memref<16x128xf32, #tpu.memory_space<hbm>>
      %dma_wait3A_35 = arith.constant 0 : i32
      %dma_wait3A_36 = tpu.memref_slice %arg8[%add3A_29, %dma_wait3A_35] : memref<320000x128xf32, #tpu.memory_space<hbm>> -> memref<16x128xf32, #tpu.memory_space<hbm>>
      tpu.wait_dma2 semaphore(%run_scoped3A : memref<!tpu.dma_semaphore, #tpu.memory_space<semaphore_mem>>) src(%arg18 : memref<16x128xf32, #tpu.memory_space<vmem>>) dst(%dma_wait3A_36 : memref<16x128xf32, #tpu.memory_space<hbm>>)
      tpu.yield
    }) : () -> ()
    return
  }
}

#map = affine_map<(d0, d1) -> (0, 0)>
#map1 = affine_map<(d0, d1) -> (0, 0, 0)>
#map2 = affine_map<(d0, d1) -> (0)>
module attributes {stable_mosaic.version = 14 : i64} {
  func.func @k(%arg0: i32, %arg1: i32, %arg2: memref<320000x128xf32, #tpu.memory_space<hbm>>, %arg3: memref<32x78x128xi32, #tpu.memory_space<hbm>>, %arg4: memref<320000xi32, #tpu.memory_space<hbm>>, %arg5: memref<10000x128xf32, #tpu.memory_space<hbm>>, %arg6: memref<2x10000x128xf32, #tpu.memory_space<hbm>>, %arg7: memref<78x128xi32, #tpu.memory_space<vmem>>, %arg8: memref<128x128xf32, #tpu.memory_space<vmem>>, %arg9: memref<128x128xf32, #tpu.memory_space<vmem>>, %arg10: memref<16xi32, #tpu.memory_space<vmem>>, %arg11: memref<16x128xf32, #tpu.memory_space<vmem>>, %arg12: memref<10000x128xf32, #tpu.memory_space<vmem_shared>>, %arg13: memref<!tpu.dma_semaphore, #tpu.memory_space<semaphore_mem>>, %arg14: memref<!tpu.dma_semaphore, #tpu.memory_space<semaphore_mem>>) attributes {dimension_semantics = [#tpu.dimension_semantics<core_parallel>, #tpu.dimension_semantics<subcore_parallel>], iteration_bounds = array<i64: 2, 16>, scalar_prefetch = 0 : i64, scratch_operands = 8 : i64, tpu.core_type = #tpu.core_type<sc_vector_subcore>, window_params = [{transform_indices = #map}, {transform_indices = #map1}, {transform_indices = #map2}, {transform_indices = #map}, {transform_indices = #map1}]} {
    %mul3A = arith.constant 16 : i32
    %mul3A_0 = arith.muli %arg0, %mul3A : i32
    %add3A = arith.addi %mul3A_0, %arg1 : i32
    %mul3A_1 = arith.constant 624 : i32
    %mul3A_2 = arith.muli %arg1, %mul3A_1 : i32
    %lt3A = arith.constant 15 : i32
    %lt3A_3 = arith.cmpi slt, %arg1, %lt3A : i32
    %convert_element_type3A = arith.extui %lt3A_3 : i1 to i32
    %cond3A = arith.constant 0 : i32
    %cond3A_4 = arith.cmpi ne, %convert_element_type3A, %cond3A : i32
    scf.if %cond3A_4 {
      "tpu.region"() ({
        %run_scoped3A = tpu.sem_alloc : memref<!tpu.dma_semaphore, #tpu.memory_space<semaphore_mem>>
        %dma_start3A_36 = arith.constant 0 : i32
        %dma_start3A_37 = tpu.memref_slice %arg12[%mul3A_2, %dma_start3A_36] : memref<10000x128xf32, #tpu.memory_space<vmem_shared>> -> memref<624x128xf32, #tpu.memory_space<vmem_shared>>
        %dma_start3A_38 = arith.constant 0 : i32
        %dma_start3A_39 = tpu.memref_slice %arg5[%mul3A_2, %dma_start3A_38] : memref<10000x128xf32, #tpu.memory_space<hbm>> -> memref<624x128xf32, #tpu.memory_space<hbm>>
        tpu.enqueue_dma source(%dma_start3A_39 : memref<624x128xf32, #tpu.memory_space<hbm>>) target(%dma_start3A_37 : memref<624x128xf32, #tpu.memory_space<vmem_shared>>) target_semaphore(%run_scoped3A : memref<!tpu.dma_semaphore, #tpu.memory_space<semaphore_mem>>)
        %dma_wait3A_40 = arith.constant 0 : i32
        %dma_wait3A_41 = tpu.memref_slice %arg12[%mul3A_2, %dma_wait3A_40] : memref<10000x128xf32, #tpu.memory_space<vmem_shared>> -> memref<624x128xf32, #tpu.memory_space<vmem_shared>>
        %dma_wait3A_42 = arith.constant 0 : i32
        %dma_wait3A_43 = tpu.memref_slice %arg5[%mul3A_2, %dma_wait3A_42] : memref<10000x128xf32, #tpu.memory_space<hbm>> -> memref<624x128xf32, #tpu.memory_space<hbm>>
        tpu.wait_dma2 semaphore(%run_scoped3A : memref<!tpu.dma_semaphore, #tpu.memory_space<semaphore_mem>>) src(%dma_wait3A_43 : memref<624x128xf32, #tpu.memory_space<hbm>>) dst(%dma_wait3A_41 : memref<624x128xf32, #tpu.memory_space<vmem_shared>>)
        tpu.yield
      }) : () -> ()
    } else {
    }
    %eq3A = arith.constant 15 : i32
    %eq3A_5 = arith.cmpi eq, %arg1, %eq3A : i32
    %convert_element_type3A_6 = arith.extui %eq3A_5 : i1 to i32
    %cond3A_7 = arith.constant 0 : i32
    %cond3A_8 = arith.cmpi ne, %convert_element_type3A_6, %cond3A_7 : i32
    scf.if %cond3A_8 {
      "tpu.region"() ({
        %run_scoped3A = tpu.sem_alloc : memref<!tpu.dma_semaphore, #tpu.memory_space<semaphore_mem>>
        %dma_start3A_36 = arith.constant 9360 : i32
        %dma_start3A_37 = arith.constant 0 : i32
        %dma_start3A_38 = tpu.memref_slice %arg12[%dma_start3A_36, %dma_start3A_37] : memref<10000x128xf32, #tpu.memory_space<vmem_shared>> -> memref<640x128xf32, #tpu.memory_space<vmem_shared>>
        %dma_start3A_39 = arith.constant 9360 : i32
        %dma_start3A_40 = arith.constant 0 : i32
        %dma_start3A_41 = tpu.memref_slice %arg5[%dma_start3A_39, %dma_start3A_40] : memref<10000x128xf32, #tpu.memory_space<hbm>> -> memref<640x128xf32, #tpu.memory_space<hbm>>
        tpu.enqueue_dma source(%dma_start3A_41 : memref<640x128xf32, #tpu.memory_space<hbm>>) target(%dma_start3A_38 : memref<640x128xf32, #tpu.memory_space<vmem_shared>>) target_semaphore(%run_scoped3A : memref<!tpu.dma_semaphore, #tpu.memory_space<semaphore_mem>>)
        %dma_wait3A_42 = arith.constant 9360 : i32
        %dma_wait3A_43 = arith.constant 0 : i32
        %dma_wait3A_44 = tpu.memref_slice %arg12[%dma_wait3A_42, %dma_wait3A_43] : memref<10000x128xf32, #tpu.memory_space<vmem_shared>> -> memref<640x128xf32, #tpu.memory_space<vmem_shared>>
        %dma_wait3A_45 = arith.constant 9360 : i32
        %dma_wait3A_46 = arith.constant 0 : i32
        %dma_wait3A_47 = tpu.memref_slice %arg5[%dma_wait3A_45, %dma_wait3A_46] : memref<10000x128xf32, #tpu.memory_space<hbm>> -> memref<640x128xf32, #tpu.memory_space<hbm>>
        tpu.wait_dma2 semaphore(%run_scoped3A : memref<!tpu.dma_semaphore, #tpu.memory_space<semaphore_mem>>) src(%dma_wait3A_47 : memref<640x128xf32, #tpu.memory_space<hbm>>) dst(%dma_wait3A_44 : memref<640x128xf32, #tpu.memory_space<vmem_shared>>)
        tpu.yield
      }) : () -> ()
    } else {
    }
    "tpu.region"() ({
      %run_scoped3A = tpu.sem_alloc : memref<!tpu.dma_semaphore, #tpu.memory_space<semaphore_mem>>
      %dma_start3A_36 = arith.constant 0 : i32
      %dma_start3A_37 = arith.constant 0 : i32
      %dma_start3A_38 = tpu.memref_slice %arg3[%add3A, %dma_start3A_36, %dma_start3A_37] : memref<32x78x128xi32, #tpu.memory_space<hbm>> -> memref<1x78x128xi32, #tpu.memory_space<hbm>>
      %dma_start3A_39 = tpu.memref_squeeze %dma_start3A_38 : memref<1x78x128xi32, #tpu.memory_space<hbm>> -> memref<78x128xi32, #tpu.memory_space<hbm>>
      %dma_start3A_40 = arith.constant 0 : i32
      %dma_start3A_41 = arith.constant 0 : i32
      %dma_start3A_42 = tpu.memref_slice %arg3[%add3A, %dma_start3A_40, %dma_start3A_41] : memref<32x78x128xi32, #tpu.memory_space<hbm>> -> memref<1x78x128xi32, #tpu.memory_space<hbm>>
      %dma_start3A_43 = tpu.memref_squeeze %dma_start3A_42 : memref<1x78x128xi32, #tpu.memory_space<hbm>> -> memref<78x128xi32, #tpu.memory_space<hbm>>
      tpu.enqueue_dma source(%dma_start3A_43 : memref<78x128xi32, #tpu.memory_space<hbm>>) target(%arg7 : memref<78x128xi32, #tpu.memory_space<vmem>>) target_semaphore(%run_scoped3A : memref<!tpu.dma_semaphore, #tpu.memory_space<semaphore_mem>>)
      %dma_wait3A_44 = arith.constant 0 : i32
      %dma_wait3A_45 = arith.constant 0 : i32
      %dma_wait3A_46 = tpu.memref_slice %arg3[%add3A, %dma_wait3A_44, %dma_wait3A_45] : memref<32x78x128xi32, #tpu.memory_space<hbm>> -> memref<1x78x128xi32, #tpu.memory_space<hbm>>
      %dma_wait3A_47 = tpu.memref_squeeze %dma_wait3A_46 : memref<1x78x128xi32, #tpu.memory_space<hbm>> -> memref<78x128xi32, #tpu.memory_space<hbm>>
      %dma_wait3A_48 = arith.constant 0 : i32
      %dma_wait3A_49 = arith.constant 0 : i32
      %dma_wait3A_50 = tpu.memref_slice %arg3[%add3A, %dma_wait3A_48, %dma_wait3A_49] : memref<32x78x128xi32, #tpu.memory_space<hbm>> -> memref<1x78x128xi32, #tpu.memory_space<hbm>>
      %dma_wait3A_51 = tpu.memref_squeeze %dma_wait3A_50 : memref<1x78x128xi32, #tpu.memory_space<hbm>> -> memref<78x128xi32, #tpu.memory_space<hbm>>
      tpu.wait_dma2 semaphore(%run_scoped3A : memref<!tpu.dma_semaphore, #tpu.memory_space<semaphore_mem>>) src(%dma_wait3A_51 : memref<78x128xi32, #tpu.memory_space<hbm>>) dst(%arg7 : memref<78x128xi32, #tpu.memory_space<vmem>>)
      tpu.yield
    }) : () -> ()
    %barrier3A = arith.constant 0 : index
    tpu.barrier barrier_id(%barrier3A)
    %mul3A_9 = arith.constant 9984 : i32
    %mul3A_10 = arith.muli %add3A, %mul3A_9 : i32
    %dma_start3A = arith.constant 0 : i32
    %dma_start3A_11 = tpu.memref_slice %arg2[%mul3A_10, %dma_start3A] : memref<320000x128xf32, #tpu.memory_space<hbm>> -> memref<128x128xf32, #tpu.memory_space<hbm>>
    %dma_start3A_12 = arith.constant 0 : i32
    %dma_start3A_13 = tpu.memref_slice %arg2[%mul3A_10, %dma_start3A_12] : memref<320000x128xf32, #tpu.memory_space<hbm>> -> memref<128x128xf32, #tpu.memory_space<hbm>>
    tpu.enqueue_dma source(%dma_start3A_13 : memref<128x128xf32, #tpu.memory_space<hbm>>) target(%arg8 : memref<128x128xf32, #tpu.memory_space<vmem>>) target_semaphore(%arg13 : memref<!tpu.dma_semaphore, #tpu.memory_space<semaphore_mem>>)
    %dma_wait3A = arith.constant 0 : i32
    %dma_wait3A_14 = tpu.memref_slice %arg2[%mul3A_10, %dma_wait3A] : memref<320000x128xf32, #tpu.memory_space<hbm>> -> memref<128x128xf32, #tpu.memory_space<hbm>>
    %dma_wait3A_15 = arith.constant 0 : i32
    %dma_wait3A_16 = tpu.memref_slice %arg2[%mul3A_10, %dma_wait3A_15] : memref<320000x128xf32, #tpu.memory_space<hbm>> -> memref<128x128xf32, #tpu.memory_space<hbm>>
    tpu.wait_dma2 semaphore(%arg13 : memref<!tpu.dma_semaphore, #tpu.memory_space<semaphore_mem>>) src(%dma_wait3A_16 : memref<128x128xf32, #tpu.memory_space<hbm>>) dst(%arg8 : memref<128x128xf32, #tpu.memory_space<vmem>>)
    %scan3A = arith.constant 0 : i32
    %scan3A_17 = arith.constant 39 : i32
    %scan3A_18 = arith.addi %scan3A, %scan3A_17 : i32
    %scan3A_19 = arith.constant 1 : i32
    scf.for %scan3A_36 = %scan3A to %scan3A_18 step %scan3A_19  : i32 {
      %mul3A_37 = arith.constant 1 : i32
      %mul3A_38 = arith.muli %scan3A_36, %mul3A_37 : i32
      %add3A_39 = arith.constant 0 : i32
      %add3A_40 = arith.addi %add3A_39, %mul3A_38 : i32
      %mul3A_41 = arith.constant 2 : i32
      %mul3A_42 = arith.muli %mul3A_41, %add3A_40 : i32
      %add3A_43 = arith.constant 1 : i32
      %add3A_44 = arith.addi %mul3A_42, %add3A_43 : i32
      %mul3A_45 = arith.constant 128 : i32
      %mul3A_46 = arith.muli %add3A_44, %mul3A_45 : i32
      %add3A_47 = arith.addi %mul3A_10, %mul3A_46 : i32
      %dma_start3A_48 = arith.constant 0 : i32
      %dma_start3A_49 = tpu.memref_slice %arg2[%add3A_47, %dma_start3A_48] : memref<320000x128xf32, #tpu.memory_space<hbm>> -> memref<128x128xf32, #tpu.memory_space<hbm>>
      %dma_start3A_50 = arith.constant 0 : i32
      %dma_start3A_51 = tpu.memref_slice %arg2[%add3A_47, %dma_start3A_50] : memref<320000x128xf32, #tpu.memory_space<hbm>> -> memref<128x128xf32, #tpu.memory_space<hbm>>
      tpu.enqueue_dma source(%dma_start3A_51 : memref<128x128xf32, #tpu.memory_space<hbm>>) target(%arg9 : memref<128x128xf32, #tpu.memory_space<vmem>>) target_semaphore(%arg14 : memref<!tpu.dma_semaphore, #tpu.memory_space<semaphore_mem>>)
      "tpu.region"() ({
        %run_scoped3A = tpu.sem_alloc : memref<!tpu.dma_semaphore, #tpu.memory_space<semaphore_mem>>
        %dma_start3A_66 = arith.constant 0 : i32
        %dma_start3A_67 = tpu.memref_slice %arg7[%mul3A_42, %dma_start3A_66] : memref<78x128xi32, #tpu.memory_space<vmem>> -> memref<1x128xi32, #tpu.memory_space<vmem>>
        %dma_start3A_68 = tpu.memref_squeeze %dma_start3A_67 : memref<1x128xi32, #tpu.memory_space<vmem>> -> memref<128xi32, #tpu.memory_space<vmem>>
        %dma_start3A_69 = arith.constant 0 : i32
        %dma_start3A_70 = arith.constant 0 : i32
        %dma_start3A_71 = tpu.memref_slice %arg12[%dma_start3A_69, %dma_start3A_70] : memref<10000x128xf32, #tpu.memory_space<vmem_shared>> -> memref<10000x128xf32, #tpu.memory_space<vmem_shared>>
        tpu.enqueue_indirect_dma source(%arg8 : memref<128x128xf32, #tpu.memory_space<vmem>>) target(%dma_start3A_71 : memref<10000x128xf32, #tpu.memory_space<vmem_shared>>) offsets(%dma_start3A_68 : memref<128xi32, #tpu.memory_space<vmem>>) semaphore(%run_scoped3A : memref<!tpu.dma_semaphore, #tpu.memory_space<semaphore_mem>>) {add = true}
        %dma_wait3A_72 = arith.constant 0 : i32
        %dma_wait3A_73 = tpu.memref_slice %arg7[%mul3A_42, %dma_wait3A_72] : memref<78x128xi32, #tpu.memory_space<vmem>> -> memref<1x128xi32, #tpu.memory_space<vmem>>
        %dma_wait3A_74 = tpu.memref_squeeze %dma_wait3A_73 : memref<1x128xi32, #tpu.memory_space<vmem>> -> memref<128xi32, #tpu.memory_space<vmem>>
        %dma_wait3A_75 = arith.constant 0 : i32
        %dma_wait3A_76 = arith.constant 0 : i32
        %dma_wait3A_77 = tpu.memref_slice %arg12[%dma_wait3A_75, %dma_wait3A_76] : memref<10000x128xf32, #tpu.memory_space<vmem_shared>> -> memref<10000x128xf32, #tpu.memory_space<vmem_shared>>
        tpu.wait_indirect_dma semaphore(%run_scoped3A : memref<!tpu.dma_semaphore, #tpu.memory_space<semaphore_mem>>) src(%arg8 : memref<128x128xf32, #tpu.memory_space<vmem>>) dst(%dma_wait3A_77 : memref<10000x128xf32, #tpu.memory_space<vmem_shared>>)
        tpu.yield
      }) : () -> ()
      %dma_wait3A_52 = arith.constant 0 : i32
      %dma_wait3A_53 = tpu.memref_slice %arg2[%add3A_47, %dma_wait3A_52] : memref<320000x128xf32, #tpu.memory_space<hbm>> -> memref<128x128xf32, #tpu.memory_space<hbm>>
      %dma_wait3A_54 = arith.constant 0 : i32
      %dma_wait3A_55 = tpu.memref_slice %arg2[%add3A_47, %dma_wait3A_54] : memref<320000x128xf32, #tpu.memory_space<hbm>> -> memref<128x128xf32, #tpu.memory_space<hbm>>
      tpu.wait_dma2 semaphore(%arg14 : memref<!tpu.dma_semaphore, #tpu.memory_space<semaphore_mem>>) src(%dma_wait3A_55 : memref<128x128xf32, #tpu.memory_space<hbm>>) dst(%arg9 : memref<128x128xf32, #tpu.memory_space<vmem>>)
      %lt3A_56 = arith.constant 38 : i32
      %lt3A_57 = arith.cmpi slt, %add3A_40, %lt3A_56 : i32
      %convert_element_type3A_58 = arith.extui %lt3A_57 : i1 to i32
      %cond3A_59 = arith.constant 0 : i32
      %cond3A_60 = arith.cmpi ne, %convert_element_type3A_58, %cond3A_59 : i32
      scf.if %cond3A_60 {
        %add3A_66 = arith.constant 2 : i32
        %add3A_67 = arith.addi %mul3A_42, %add3A_66 : i32
        %mul3A_68 = arith.constant 128 : i32
        %mul3A_69 = arith.muli %add3A_67, %mul3A_68 : i32
        %add3A_70 = arith.addi %mul3A_10, %mul3A_69 : i32
        %dma_start3A_71 = arith.constant 0 : i32
        %dma_start3A_72 = tpu.memref_slice %arg2[%add3A_70, %dma_start3A_71] : memref<320000x128xf32, #tpu.memory_space<hbm>> -> memref<128x128xf32, #tpu.memory_space<hbm>>
        %dma_start3A_73 = arith.constant 0 : i32
        %dma_start3A_74 = tpu.memref_slice %arg2[%add3A_70, %dma_start3A_73] : memref<320000x128xf32, #tpu.memory_space<hbm>> -> memref<128x128xf32, #tpu.memory_space<hbm>>
        tpu.enqueue_dma source(%dma_start3A_74 : memref<128x128xf32, #tpu.memory_space<hbm>>) target(%arg8 : memref<128x128xf32, #tpu.memory_space<vmem>>) target_semaphore(%arg13 : memref<!tpu.dma_semaphore, #tpu.memory_space<semaphore_mem>>)
        %add3A_75 = arith.constant 1 : i32
        %add3A_76 = arith.addi %mul3A_42, %add3A_75 : i32
        "tpu.region"() ({
          %run_scoped3A = tpu.sem_alloc : memref<!tpu.dma_semaphore, #tpu.memory_space<semaphore_mem>>
          %dma_start3A_81 = arith.constant 0 : i32
          %dma_start3A_82 = tpu.memref_slice %arg7[%add3A_76, %dma_start3A_81] : memref<78x128xi32, #tpu.memory_space<vmem>> -> memref<1x128xi32, #tpu.memory_space<vmem>>
          %dma_start3A_83 = tpu.memref_squeeze %dma_start3A_82 : memref<1x128xi32, #tpu.memory_space<vmem>> -> memref<128xi32, #tpu.memory_space<vmem>>
          %dma_start3A_84 = arith.constant 0 : i32
          %dma_start3A_85 = arith.constant 0 : i32
          %dma_start3A_86 = tpu.memref_slice %arg12[%dma_start3A_84, %dma_start3A_85] : memref<10000x128xf32, #tpu.memory_space<vmem_shared>> -> memref<10000x128xf32, #tpu.memory_space<vmem_shared>>
          tpu.enqueue_indirect_dma source(%arg9 : memref<128x128xf32, #tpu.memory_space<vmem>>) target(%dma_start3A_86 : memref<10000x128xf32, #tpu.memory_space<vmem_shared>>) offsets(%dma_start3A_83 : memref<128xi32, #tpu.memory_space<vmem>>) semaphore(%run_scoped3A : memref<!tpu.dma_semaphore, #tpu.memory_space<semaphore_mem>>) {add = true}
          %dma_wait3A_87 = arith.constant 0 : i32
          %dma_wait3A_88 = tpu.memref_slice %arg7[%add3A_76, %dma_wait3A_87] : memref<78x128xi32, #tpu.memory_space<vmem>> -> memref<1x128xi32, #tpu.memory_space<vmem>>
          %dma_wait3A_89 = tpu.memref_squeeze %dma_wait3A_88 : memref<1x128xi32, #tpu.memory_space<vmem>> -> memref<128xi32, #tpu.memory_space<vmem>>
          %dma_wait3A_90 = arith.constant 0 : i32
          %dma_wait3A_91 = arith.constant 0 : i32
          %dma_wait3A_92 = tpu.memref_slice %arg12[%dma_wait3A_90, %dma_wait3A_91] : memref<10000x128xf32, #tpu.memory_space<vmem_shared>> -> memref<10000x128xf32, #tpu.memory_space<vmem_shared>>
          tpu.wait_indirect_dma semaphore(%run_scoped3A : memref<!tpu.dma_semaphore, #tpu.memory_space<semaphore_mem>>) src(%arg9 : memref<128x128xf32, #tpu.memory_space<vmem>>) dst(%dma_wait3A_92 : memref<10000x128xf32, #tpu.memory_space<vmem_shared>>)
          tpu.yield
        }) : () -> ()
        %dma_wait3A_77 = arith.constant 0 : i32
        %dma_wait3A_78 = tpu.memref_slice %arg2[%add3A_70, %dma_wait3A_77] : memref<320000x128xf32, #tpu.memory_space<hbm>> -> memref<128x128xf32, #tpu.memory_space<hbm>>
        %dma_wait3A_79 = arith.constant 0 : i32
        %dma_wait3A_80 = tpu.memref_slice %arg2[%add3A_70, %dma_wait3A_79] : memref<320000x128xf32, #tpu.memory_space<hbm>> -> memref<128x128xf32, #tpu.memory_space<hbm>>
        tpu.wait_dma2 semaphore(%arg13 : memref<!tpu.dma_semaphore, #tpu.memory_space<semaphore_mem>>) src(%dma_wait3A_80 : memref<128x128xf32, #tpu.memory_space<hbm>>) dst(%arg8 : memref<128x128xf32, #tpu.memory_space<vmem>>)
      } else {
      }
      %eq3A_61 = arith.constant 38 : i32
      %eq3A_62 = arith.cmpi eq, %add3A_40, %eq3A_61 : i32
      %convert_element_type3A_63 = arith.extui %eq3A_62 : i1 to i32
      %cond3A_64 = arith.constant 0 : i32
      %cond3A_65 = arith.cmpi ne, %convert_element_type3A_63, %cond3A_64 : i32
      scf.if %cond3A_65 {
        %add3A_66 = arith.constant 1 : i32
        %add3A_67 = arith.addi %mul3A_42, %add3A_66 : i32
        "tpu.region"() ({
          %run_scoped3A = tpu.sem_alloc : memref<!tpu.dma_semaphore, #tpu.memory_space<semaphore_mem>>
          %dma_start3A_68 = arith.constant 0 : i32
          %dma_start3A_69 = tpu.memref_slice %arg7[%add3A_67, %dma_start3A_68] : memref<78x128xi32, #tpu.memory_space<vmem>> -> memref<1x128xi32, #tpu.memory_space<vmem>>
          %dma_start3A_70 = tpu.memref_squeeze %dma_start3A_69 : memref<1x128xi32, #tpu.memory_space<vmem>> -> memref<128xi32, #tpu.memory_space<vmem>>
          %dma_start3A_71 = arith.constant 0 : i32
          %dma_start3A_72 = arith.constant 0 : i32
          %dma_start3A_73 = tpu.memref_slice %arg12[%dma_start3A_71, %dma_start3A_72] : memref<10000x128xf32, #tpu.memory_space<vmem_shared>> -> memref<10000x128xf32, #tpu.memory_space<vmem_shared>>
          tpu.enqueue_indirect_dma source(%arg9 : memref<128x128xf32, #tpu.memory_space<vmem>>) target(%dma_start3A_73 : memref<10000x128xf32, #tpu.memory_space<vmem_shared>>) offsets(%dma_start3A_70 : memref<128xi32, #tpu.memory_space<vmem>>) semaphore(%run_scoped3A : memref<!tpu.dma_semaphore, #tpu.memory_space<semaphore_mem>>) {add = true}
          %dma_wait3A_74 = arith.constant 0 : i32
          %dma_wait3A_75 = tpu.memref_slice %arg7[%add3A_67, %dma_wait3A_74] : memref<78x128xi32, #tpu.memory_space<vmem>> -> memref<1x128xi32, #tpu.memory_space<vmem>>
          %dma_wait3A_76 = tpu.memref_squeeze %dma_wait3A_75 : memref<1x128xi32, #tpu.memory_space<vmem>> -> memref<128xi32, #tpu.memory_space<vmem>>
          %dma_wait3A_77 = arith.constant 0 : i32
          %dma_wait3A_78 = arith.constant 0 : i32
          %dma_wait3A_79 = tpu.memref_slice %arg12[%dma_wait3A_77, %dma_wait3A_78] : memref<10000x128xf32, #tpu.memory_space<vmem_shared>> -> memref<10000x128xf32, #tpu.memory_space<vmem_shared>>
          tpu.wait_indirect_dma semaphore(%run_scoped3A : memref<!tpu.dma_semaphore, #tpu.memory_space<semaphore_mem>>) src(%arg9 : memref<128x128xf32, #tpu.memory_space<vmem>>) dst(%dma_wait3A_79 : memref<10000x128xf32, #tpu.memory_space<vmem_shared>>)
          tpu.yield
        }) : () -> ()
      } else {
      }
    }
    %scan3A_20 = arith.constant 39 : i32
    %mul3A_21 = arith.constant 16 : i32
    %mul3A_22 = arith.muli %add3A, %mul3A_21 : i32
    %add3A_23 = arith.constant 319488 : i32
    %add3A_24 = arith.addi %add3A_23, %mul3A_22 : i32
    "tpu.region"() ({
      %run_scoped3A = tpu.sem_alloc : memref<!tpu.dma_semaphore, #tpu.memory_space<semaphore_mem>>
      %dma_start3A_36 = tpu.memref_slice %arg4[%add3A_24] : memref<320000xi32, #tpu.memory_space<hbm>> -> memref<16xi32, #tpu.memory_space<hbm>>
      %dma_start3A_37 = tpu.memref_slice %arg4[%add3A_24] : memref<320000xi32, #tpu.memory_space<hbm>> -> memref<16xi32, #tpu.memory_space<hbm>>
      tpu.enqueue_dma source(%dma_start3A_37 : memref<16xi32, #tpu.memory_space<hbm>>) target(%arg10 : memref<16xi32, #tpu.memory_space<vmem>>) target_semaphore(%run_scoped3A : memref<!tpu.dma_semaphore, #tpu.memory_space<semaphore_mem>>)
      %dma_wait3A_38 = tpu.memref_slice %arg4[%add3A_24] : memref<320000xi32, #tpu.memory_space<hbm>> -> memref<16xi32, #tpu.memory_space<hbm>>
      %dma_wait3A_39 = tpu.memref_slice %arg4[%add3A_24] : memref<320000xi32, #tpu.memory_space<hbm>> -> memref<16xi32, #tpu.memory_space<hbm>>
      tpu.wait_dma2 semaphore(%run_scoped3A : memref<!tpu.dma_semaphore, #tpu.memory_space<semaphore_mem>>) src(%dma_wait3A_39 : memref<16xi32, #tpu.memory_space<hbm>>) dst(%arg10 : memref<16xi32, #tpu.memory_space<vmem>>)
      tpu.yield
    }) : () -> ()
    "tpu.region"() ({
      %run_scoped3A = tpu.sem_alloc : memref<!tpu.dma_semaphore, #tpu.memory_space<semaphore_mem>>
      %dma_start3A_36 = arith.constant 0 : i32
      %dma_start3A_37 = tpu.memref_slice %arg2[%add3A_24, %dma_start3A_36] : memref<320000x128xf32, #tpu.memory_space<hbm>> -> memref<16x128xf32, #tpu.memory_space<hbm>>
      %dma_start3A_38 = arith.constant 0 : i32
      %dma_start3A_39 = tpu.memref_slice %arg2[%add3A_24, %dma_start3A_38] : memref<320000x128xf32, #tpu.memory_space<hbm>> -> memref<16x128xf32, #tpu.memory_space<hbm>>
      tpu.enqueue_dma source(%dma_start3A_39 : memref<16x128xf32, #tpu.memory_space<hbm>>) target(%arg11 : memref<16x128xf32, #tpu.memory_space<vmem>>) target_semaphore(%run_scoped3A : memref<!tpu.dma_semaphore, #tpu.memory_space<semaphore_mem>>)
      %dma_wait3A_40 = arith.constant 0 : i32
      %dma_wait3A_41 = tpu.memref_slice %arg2[%add3A_24, %dma_wait3A_40] : memref<320000x128xf32, #tpu.memory_space<hbm>> -> memref<16x128xf32, #tpu.memory_space<hbm>>
      %dma_wait3A_42 = arith.constant 0 : i32
      %dma_wait3A_43 = tpu.memref_slice %arg2[%add3A_24, %dma_wait3A_42] : memref<320000x128xf32, #tpu.memory_space<hbm>> -> memref<16x128xf32, #tpu.memory_space<hbm>>
      tpu.wait_dma2 semaphore(%run_scoped3A : memref<!tpu.dma_semaphore, #tpu.memory_space<semaphore_mem>>) src(%dma_wait3A_43 : memref<16x128xf32, #tpu.memory_space<hbm>>) dst(%arg11 : memref<16x128xf32, #tpu.memory_space<vmem>>)
      tpu.yield
    }) : () -> ()
    "tpu.region"() ({
      %run_scoped3A = tpu.sem_alloc : memref<!tpu.dma_semaphore, #tpu.memory_space<semaphore_mem>>
      %dma_start3A_36 = arith.constant 0 : i32
      %dma_start3A_37 = arith.constant 0 : i32
      %dma_start3A_38 = tpu.memref_slice %arg12[%dma_start3A_36, %dma_start3A_37] : memref<10000x128xf32, #tpu.memory_space<vmem_shared>> -> memref<10000x128xf32, #tpu.memory_space<vmem_shared>>
      tpu.enqueue_indirect_dma source(%arg11 : memref<16x128xf32, #tpu.memory_space<vmem>>) target(%dma_start3A_38 : memref<10000x128xf32, #tpu.memory_space<vmem_shared>>) offsets(%arg10 : memref<16xi32, #tpu.memory_space<vmem>>) semaphore(%run_scoped3A : memref<!tpu.dma_semaphore, #tpu.memory_space<semaphore_mem>>) {add = true}
      %dma_wait3A_39 = arith.constant 0 : i32
      %dma_wait3A_40 = arith.constant 0 : i32
      %dma_wait3A_41 = tpu.memref_slice %arg12[%dma_wait3A_39, %dma_wait3A_40] : memref<10000x128xf32, #tpu.memory_space<vmem_shared>> -> memref<10000x128xf32, #tpu.memory_space<vmem_shared>>
      tpu.wait_indirect_dma semaphore(%run_scoped3A : memref<!tpu.dma_semaphore, #tpu.memory_space<semaphore_mem>>) src(%arg11 : memref<16x128xf32, #tpu.memory_space<vmem>>) dst(%dma_wait3A_41 : memref<10000x128xf32, #tpu.memory_space<vmem_shared>>)
      tpu.yield
    }) : () -> ()
    %barrier3A_25 = arith.constant 0 : index
    tpu.barrier barrier_id(%barrier3A_25)
    %lt3A_26 = arith.constant 15 : i32
    %lt3A_27 = arith.cmpi slt, %arg1, %lt3A_26 : i32
    %convert_element_type3A_28 = arith.extui %lt3A_27 : i1 to i32
    %cond3A_29 = arith.constant 0 : i32
    %cond3A_30 = arith.cmpi ne, %convert_element_type3A_28, %cond3A_29 : i32
    scf.if %cond3A_30 {
      "tpu.region"() ({
        %run_scoped3A = tpu.sem_alloc : memref<!tpu.dma_semaphore, #tpu.memory_space<semaphore_mem>>
        %dma_start3A_36 = arith.constant 0 : i32
        %dma_start3A_37 = tpu.memref_slice %arg6[%arg0, %mul3A_2, %dma_start3A_36] : memref<2x10000x128xf32, #tpu.memory_space<hbm>> -> memref<1x624x128xf32, #tpu.memory_space<hbm>>
        %dma_start3A_38 = tpu.memref_squeeze %dma_start3A_37 : memref<1x624x128xf32, #tpu.memory_space<hbm>> -> memref<624x128xf32, #tpu.memory_space<hbm>>
        %dma_start3A_39 = arith.constant 0 : i32
        %dma_start3A_40 = tpu.memref_slice %arg12[%mul3A_2, %dma_start3A_39] : memref<10000x128xf32, #tpu.memory_space<vmem_shared>> -> memref<624x128xf32, #tpu.memory_space<vmem_shared>>
        tpu.enqueue_dma source(%dma_start3A_40 : memref<624x128xf32, #tpu.memory_space<vmem_shared>>) target(%dma_start3A_38 : memref<624x128xf32, #tpu.memory_space<hbm>>) target_semaphore(%run_scoped3A : memref<!tpu.dma_semaphore, #tpu.memory_space<semaphore_mem>>)
        %dma_wait3A_41 = arith.constant 0 : i32
        %dma_wait3A_42 = tpu.memref_slice %arg6[%arg0, %mul3A_2, %dma_wait3A_41] : memref<2x10000x128xf32, #tpu.memory_space<hbm>> -> memref<1x624x128xf32, #tpu.memory_space<hbm>>
        %dma_wait3A_43 = tpu.memref_squeeze %dma_wait3A_42 : memref<1x624x128xf32, #tpu.memory_space<hbm>> -> memref<624x128xf32, #tpu.memory_space<hbm>>
        %dma_wait3A_44 = arith.constant 0 : i32
        %dma_wait3A_45 = tpu.memref_slice %arg12[%mul3A_2, %dma_wait3A_44] : memref<10000x128xf32, #tpu.memory_space<vmem_shared>> -> memref<624x128xf32, #tpu.memory_space<vmem_shared>>
        tpu.wait_dma2 semaphore(%run_scoped3A : memref<!tpu.dma_semaphore, #tpu.memory_space<semaphore_mem>>) src(%dma_wait3A_45 : memref<624x128xf32, #tpu.memory_space<vmem_shared>>) dst(%dma_wait3A_43 : memref<624x128xf32, #tpu.memory_space<hbm>>)
        tpu.yield
      }) : () -> ()
    } else {
    }
    %eq3A_31 = arith.constant 15 : i32
    %eq3A_32 = arith.cmpi eq, %arg1, %eq3A_31 : i32
    %convert_element_type3A_33 = arith.extui %eq3A_32 : i1 to i32
    %cond3A_34 = arith.constant 0 : i32
    %cond3A_35 = arith.cmpi ne, %convert_element_type3A_33, %cond3A_34 : i32
    scf.if %cond3A_35 {
      "tpu.region"() ({
        %run_scoped3A = tpu.sem_alloc : memref<!tpu.dma_semaphore, #tpu.memory_space<semaphore_mem>>
        %dma_start3A_36 = arith.constant 9360 : i32
        %dma_start3A_37 = arith.constant 0 : i32
        %dma_start3A_38 = tpu.memref_slice %arg6[%arg0, %dma_start3A_36, %dma_start3A_37] : memref<2x10000x128xf32, #tpu.memory_space<hbm>> -> memref<1x640x128xf32, #tpu.memory_space<hbm>>
        %dma_start3A_39 = tpu.memref_squeeze %dma_start3A_38 : memref<1x640x128xf32, #tpu.memory_space<hbm>> -> memref<640x128xf32, #tpu.memory_space<hbm>>
        %dma_start3A_40 = arith.constant 9360 : i32
        %dma_start3A_41 = arith.constant 0 : i32
        %dma_start3A_42 = tpu.memref_slice %arg12[%dma_start3A_40, %dma_start3A_41] : memref<10000x128xf32, #tpu.memory_space<vmem_shared>> -> memref<640x128xf32, #tpu.memory_space<vmem_shared>>
        tpu.enqueue_dma source(%dma_start3A_42 : memref<640x128xf32, #tpu.memory_space<vmem_shared>>) target(%dma_start3A_39 : memref<640x128xf32, #tpu.memory_space<hbm>>) target_semaphore(%run_scoped3A : memref<!tpu.dma_semaphore, #tpu.memory_space<semaphore_mem>>)
        %dma_wait3A_43 = arith.constant 9360 : i32
        %dma_wait3A_44 = arith.constant 0 : i32
        %dma_wait3A_45 = tpu.memref_slice %arg6[%arg0, %dma_wait3A_43, %dma_wait3A_44] : memref<2x10000x128xf32, #tpu.memory_space<hbm>> -> memref<1x640x128xf32, #tpu.memory_space<hbm>>
        %dma_wait3A_46 = tpu.memref_squeeze %dma_wait3A_45 : memref<1x640x128xf32, #tpu.memory_space<hbm>> -> memref<640x128xf32, #tpu.memory_space<hbm>>
        %dma_wait3A_47 = arith.constant 9360 : i32
        %dma_wait3A_48 = arith.constant 0 : i32
        %dma_wait3A_49 = tpu.memref_slice %arg12[%dma_wait3A_47, %dma_wait3A_48] : memref<10000x128xf32, #tpu.memory_space<vmem_shared>> -> memref<640x128xf32, #tpu.memory_space<vmem_shared>>
        tpu.wait_dma2 semaphore(%run_scoped3A : memref<!tpu.dma_semaphore, #tpu.memory_space<semaphore_mem>>) src(%dma_wait3A_49 : memref<640x128xf32, #tpu.memory_space<vmem_shared>>) dst(%dma_wait3A_46 : memref<640x128xf32, #tpu.memory_space<hbm>>)
        tpu.yield
      }) : () -> ()
    } else {
    }
    return
  }
}

module attributes {stable_mosaic.version = 14 : i64} {
  func.func @body(%arg0: i32, %arg1: memref<2000x8xf32, #tpu.memory_space<vmem>>, %arg2: memref<8x128xf32, #tpu.memory_space<vmem>>, %arg3: memref<1x128xf32, #tpu.memory_space<vmem>>, %arg4: memref<1x128xf32, #tpu.memory_space<vmem>>, %arg5: memref<1x128xf32, #tpu.memory_space<vmem>>, %arg6: memref<2000x128xf32, #tpu.memory_space<vmem>>) attributes {dimension_semantics = [#tpu.dimension_semantics<arbitrary>], iteration_bounds = array<i64: 5>, scalar_prefetch = 0 : i64, scratch_operands = 0 : i64, tpu.core_type = #tpu.core_type<tc>, window_params = [{transform_indices = @transform_0, window_bounds = array<i64: 2000, 8>}, {pipeline_mode = #tpu.pipeline_mode<synchronous>, transform_indices = @transform_1, window_bounds = array<i64: 8, 128>}, {pipeline_mode = #tpu.pipeline_mode<synchronous>, transform_indices = @transform_2, window_bounds = array<i64: 1, 128>}, {pipeline_mode = #tpu.pipeline_mode<synchronous>, transform_indices = @transform_3, window_bounds = array<i64: 1, 128>}, {pipeline_mode = #tpu.pipeline_mode<synchronous>, transform_indices = @transform_4, window_bounds = array<i64: 1, 128>}, {transform_indices = @transform_5, window_bounds = array<i64: 2000, 128>}]} {
    %get3A = arith.constant 0 : index
    %get3A_0 = arith.constant 0 : index
    %get3A_1 = vector.load %arg1[%get3A, %get3A_0] : memref<2000x8xf32, #tpu.memory_space<vmem>>, vector<2000x8xf32>
    %get3A_2 = arith.constant 0 : index
    %get3A_3 = arith.constant 0 : index
    %get3A_4 = vector.load %arg2[%get3A_2, %get3A_3] : memref<8x128xf32, #tpu.memory_space<vmem>>, vector<8x128xf32>
    %dot_general3A = arith.constant dense<0.000000e+00> : vector<2000x128xf32>
    %dot_general3A_5 = tpu.matmul %get3A_1, %get3A_4, %dot_general3A {dimension_numbers = #tpu.dot_dimension_numbers<[1], [0], [0], [1], [0, 0, 1, 1], [], []>, transpose_lhs_hint = false} : vector<2000x8xf32>, vector<8x128xf32>, vector<2000x128xf32> -> vector<2000x128xf32>
    %get3A_6 = arith.constant 0 : index
    %get3A_7 = arith.constant 0 : index
    %get3A_8 = vector.load %arg3[%get3A_6, %get3A_7] : memref<1x128xf32, #tpu.memory_space<vmem>>, vector<1x128xf32>
    %add3A = vector.broadcast %get3A_8 : vector<1x128xf32> to vector<2000x128xf32>
    %add3A_9 = arith.addf %dot_general3A_5, %add3A : vector<2000x128xf32>
    %get3A_10 = arith.constant 0 : index
    %get3A_11 = arith.constant 0 : index
    %get3A_12 = vector.load %arg4[%get3A_10, %get3A_11] : memref<1x128xf32, #tpu.memory_space<vmem>>, vector<1x128xf32>
    %get3A_13 = arith.constant 0 : index
    %get3A_14 = arith.constant 0 : index
    %get3A_15 = vector.load %arg5[%get3A_13, %get3A_14] : memref<1x128xf32, #tpu.memory_space<vmem>>, vector<1x128xf32>
    %reduce_sum3A = arith.constant dense<0.000000e+00> : vector<2000xf32>
    %reduce_sum3A_16 = vector.multi_reduction <add>, %add3A_9, %reduce_sum3A [1] : vector<2000x128xf32> to vector<2000xf32>
    %broadcast_in_dim3A = vector.shape_cast %reduce_sum3A_16 : vector<2000xf32> to vector<2000x1xf32>
    %div3A = arith.constant 1.280000e+02 : f32
    %div3A_17 = vector.broadcast %div3A : f32 to vector<2000x1xf32>
    %div3A_18 = arith.divf %broadcast_in_dim3A, %div3A_17 : vector<2000x1xf32>
    %sub3A = vector.broadcast %div3A_18 : vector<2000x1xf32> to vector<2000x128xf32>
    %sub3A_19 = arith.subf %add3A_9, %sub3A : vector<2000x128xf32>
    %integer_pow3A = arith.mulf %sub3A_19, %sub3A_19 : vector<2000x128xf32>
    %reduce_sum3A_20 = arith.constant dense<0.000000e+00> : vector<2000xf32>
    %reduce_sum3A_21 = vector.multi_reduction <add>, %integer_pow3A, %reduce_sum3A_20 [1] : vector<2000x128xf32> to vector<2000xf32>
    %broadcast_in_dim3A_22 = vector.shape_cast %reduce_sum3A_21 : vector<2000xf32> to vector<2000x1xf32>
    %div3A_23 = arith.constant 1.280000e+02 : f32
    %div3A_24 = vector.broadcast %div3A_23 : f32 to vector<2000x1xf32>
    %div3A_25 = arith.divf %broadcast_in_dim3A_22, %div3A_24 : vector<2000x1xf32>
    %sub3A_26 = vector.broadcast %div3A_18 : vector<2000x1xf32> to vector<2000x128xf32>
    %sub3A_27 = arith.subf %add3A_9, %sub3A_26 : vector<2000x128xf32>
    %add3A_28 = arith.constant 9.99999974E-6 : f32
    %add3A_29 = vector.broadcast %add3A_28 : f32 to vector<2000x1xf32>
    %add3A_30 = arith.addf %div3A_25, %add3A_29 : vector<2000x1xf32>
    %sqrt3A = math.sqrt %add3A_30 : vector<2000x1xf32>
    %div3A_31 = vector.broadcast %sqrt3A : vector<2000x1xf32> to vector<2000x128xf32>
    %div3A_32 = arith.divf %sub3A_27, %div3A_31 : vector<2000x128xf32>
    %mul3A = vector.broadcast %get3A_12 : vector<1x128xf32> to vector<2000x128xf32>
    %mul3A_33 = arith.mulf %div3A_32, %mul3A : vector<2000x128xf32>
    %add3A_34 = vector.broadcast %get3A_15 : vector<1x128xf32> to vector<2000x128xf32>
    %add3A_35 = arith.addf %mul3A_33, %add3A_34 : vector<2000x128xf32>
    %logistic3A = arith.negf %add3A_35 : vector<2000x128xf32>
    %logistic3A_36 = math.exp %logistic3A : vector<2000x128xf32>
    %logistic3A_37 = arith.constant 1.000000e+00 : f32
    %logistic3A_38 = vector.broadcast %logistic3A_37 : f32 to vector<2000x128xf32>
    %logistic3A_39 = arith.addf %logistic3A_38, %logistic3A_36 : vector<2000x128xf32>
    %logistic3A_40 = arith.divf %logistic3A_38, %logistic3A_39 : vector<2000x128xf32>
    %mul3A_41 = arith.mulf %add3A_35, %logistic3A_40 : vector<2000x128xf32>
    %swap3A = arith.constant 0 : index
    %swap3A_42 = arith.constant 0 : index
    %swap3A_43 = vector.load %arg6[%swap3A, %swap3A_42] : memref<2000x128xf32, #tpu.memory_space<vmem>>, vector<2000x128xf32>
    tpu.vector_store %arg6[%swap3A, %swap3A_42], %mul3A_41 {strides = array<i32>} : memref<2000x128xf32, #tpu.memory_space<vmem>>, vector<2000x128xf32>,
    return
  }
  func.func @transform_0(%arg0: i32) -> (i32, i32) {
    %c0_i32 = arith.constant 0 : i32
    %c0_i32_0 = arith.constant 0 : i32
    return %arg0, %c0_i32 : i32, i32
  }
  func.func @transform_1(%arg0: i32) -> (i32, i32) {
    %c0_i32 = arith.constant 0 : i32
    %c0_i32_0 = arith.constant 0 : i32
    %c0_i32_1 = arith.constant 0 : i32
    return %c0_i32, %c0_i32_0 : i32, i32
  }
  func.func @transform_2(%arg0: i32) -> (i32, i32) {
    %c0_i32 = arith.constant 0 : i32
    %c0_i32_0 = arith.constant 0 : i32
    %c0_i32_1 = arith.constant 0 : i32
    return %c0_i32, %c0_i32_0 : i32, i32
  }
  func.func @transform_3(%arg0: i32) -> (i32, i32) {
    %c0_i32 = arith.constant 0 : i32
    %c0_i32_0 = arith.constant 0 : i32
    %c0_i32_1 = arith.constant 0 : i32
    return %c0_i32, %c0_i32_0 : i32, i32
  }
  func.func @transform_4(%arg0: i32) -> (i32, i32) {
    %c0_i32 = arith.constant 0 : i32
    %c0_i32_0 = arith.constant 0 : i32
    %c0_i32_1 = arith.constant 0 : i32
    return %c0_i32, %c0_i32_0 : i32, i32
  }
  func.func @transform_5(%arg0: i32) -> (i32, i32) {
    %c0_i32 = arith.constant 0 : i32
    %c0_i32_0 = arith.constant 0 : i32
    return %arg0, %c0_i32 : i32, i32
  }
}

module attributes {stable_mosaic.version = 14 : i64} {
  func.func @body(%arg0: i32, %arg1: memref<2000x128xf32, #tpu.memory_space<vmem>>, %arg2: memref<2000x128xf32, #tpu.memory_space<vmem>>, %arg3: memref<2000x8xbf16, #tpu.memory_space<vmem>>, %arg4: memref<128x256xbf16, #tpu.memory_space<vmem>>, %arg5: memref<128x256xbf16, #tpu.memory_space<vmem>>, %arg6: memref<8x256xbf16, #tpu.memory_space<vmem>>, %arg7: memref<1x256xf32, #tpu.memory_space<vmem>>, %arg8: memref<256x128xbf16, #tpu.memory_space<vmem>>, %arg9: memref<1x128xf32, #tpu.memory_space<vmem>>, %arg10: memref<2000x128xf32, #tpu.memory_space<vmem>>) attributes {dimension_semantics = [#tpu.dimension_semantics<arbitrary>], iteration_bounds = array<i64: 160>, scalar_prefetch = 0 : i64, scratch_operands = 0 : i64, tpu.core_type = #tpu.core_type<tc>, window_params = [{transform_indices = @transform_0, window_bounds = array<i64: 2000, 128>}, {transform_indices = @transform_1, window_bounds = array<i64: 2000, 128>}, {transform_indices = @transform_2, window_bounds = array<i64: 2000, 8>}, {pipeline_mode = #tpu.pipeline_mode<synchronous>, transform_indices = @transform_3, window_bounds = array<i64: 128, 256>}, {pipeline_mode = #tpu.pipeline_mode<synchronous>, transform_indices = @transform_4, window_bounds = array<i64: 128, 256>}, {pipeline_mode = #tpu.pipeline_mode<synchronous>, transform_indices = @transform_5, window_bounds = array<i64: 8, 256>}, {pipeline_mode = #tpu.pipeline_mode<synchronous>, transform_indices = @transform_6, window_bounds = array<i64: 1, 256>}, {pipeline_mode = #tpu.pipeline_mode<synchronous>, transform_indices = @transform_7, window_bounds = array<i64: 256, 128>}, {pipeline_mode = #tpu.pipeline_mode<synchronous>, transform_indices = @transform_8, window_bounds = array<i64: 1, 128>}, {transform_indices = @transform_9, window_bounds = array<i64: 2000, 128>}]} {
    %get3A = arith.constant 0 : index
    %get3A_0 = arith.constant 0 : index
    %get3A_1 = vector.load %arg1[%get3A, %get3A_0] : memref<2000x128xf32, #tpu.memory_space<vmem>>, vector<2000x128xf32>
    %convert_element_type3A = arith.truncf %get3A_1 : vector<2000x128xf32> to vector<2000x128xbf16>
    %get3A_2 = arith.constant 0 : index
    %get3A_3 = arith.constant 0 : index
    %get3A_4 = vector.load %arg4[%get3A_2, %get3A_3] : memref<128x256xbf16, #tpu.memory_space<vmem>>, vector<128x256xbf16>
    %dot_general3A = arith.constant dense<0.000000e+00> : vector<2000x256xf32>
    %dot_general3A_5 = tpu.matmul %convert_element_type3A, %get3A_4, %dot_general3A {dimension_numbers = #tpu.dot_dimension_numbers<[1], [0], [0], [1], [0, 0, 1, 1], [], []>, transpose_lhs_hint = false} : vector<2000x128xbf16>, vector<128x256xbf16>, vector<2000x256xf32> -> vector<2000x256xf32>
    %get3A_6 = arith.constant 0 : index
    %get3A_7 = arith.constant 0 : index
    %get3A_8 = vector.load %arg2[%get3A_6, %get3A_7] : memref<2000x128xf32, #tpu.memory_space<vmem>>, vector<2000x128xf32>
    %convert_element_type3A_9 = arith.truncf %get3A_8 : vector<2000x128xf32> to vector<2000x128xbf16>
    %get3A_10 = arith.constant 0 : index
    %get3A_11 = arith.constant 0 : index
    %get3A_12 = vector.load %arg5[%get3A_10, %get3A_11] : memref<128x256xbf16, #tpu.memory_space<vmem>>, vector<128x256xbf16>
    %dot_general3A_13 = arith.constant dense<0.000000e+00> : vector<2000x256xf32>
    %dot_general3A_14 = tpu.matmul %convert_element_type3A_9, %get3A_12, %dot_general3A_13 {dimension_numbers = #tpu.dot_dimension_numbers<[1], [0], [0], [1], [0, 0, 1, 1], [], []>, transpose_lhs_hint = false} : vector<2000x128xbf16>, vector<128x256xbf16>, vector<2000x256xf32> -> vector<2000x256xf32>
    %add3A = arith.addf %dot_general3A_5, %dot_general3A_14 : vector<2000x256xf32>
    %get3A_15 = arith.constant 0 : index
    %get3A_16 = arith.constant 0 : index
    %get3A_17 = vector.load %arg3[%get3A_15, %get3A_16] : memref<2000x8xbf16, #tpu.memory_space<vmem>>, vector<2000x8xbf16>
    %get3A_18 = arith.constant 0 : index
    %get3A_19 = arith.constant 0 : index
    %get3A_20 = vector.load %arg6[%get3A_18, %get3A_19] : memref<8x256xbf16, #tpu.memory_space<vmem>>, vector<8x256xbf16>
    %dot_general3A_21 = arith.constant dense<0.000000e+00> : vector<2000x256xf32>
    %dot_general3A_22 = tpu.matmul %get3A_17, %get3A_20, %dot_general3A_21 {dimension_numbers = #tpu.dot_dimension_numbers<[1], [0], [0], [1], [0, 0, 1, 1], [], []>, transpose_lhs_hint = false} : vector<2000x8xbf16>, vector<8x256xbf16>, vector<2000x256xf32> -> vector<2000x256xf32>
    %add3A_23 = arith.addf %add3A, %dot_general3A_22 : vector<2000x256xf32>
    %get3A_24 = arith.constant 0 : index
    %get3A_25 = arith.constant 0 : index
    %get3A_26 = vector.load %arg7[%get3A_24, %get3A_25] : memref<1x256xf32, #tpu.memory_space<vmem>>, vector<1x256xf32>
    %add3A_27 = vector.broadcast %get3A_26 : vector<1x256xf32> to vector<2000x256xf32>
    %add3A_28 = arith.addf %add3A_23, %add3A_27 : vector<2000x256xf32>
    %logistic3A = arith.negf %add3A_28 : vector<2000x256xf32>
    %logistic3A_29 = math.exp %logistic3A : vector<2000x256xf32>
    %logistic3A_30 = arith.constant 1.000000e+00 : f32
    %logistic3A_31 = vector.broadcast %logistic3A_30 : f32 to vector<2000x256xf32>
    %logistic3A_32 = arith.addf %logistic3A_31, %logistic3A_29 : vector<2000x256xf32>
    %logistic3A_33 = arith.divf %logistic3A_31, %logistic3A_32 : vector<2000x256xf32>
    %mul3A = arith.mulf %add3A_28, %logistic3A_33 : vector<2000x256xf32>
    %convert_element_type3A_34 = arith.truncf %mul3A : vector<2000x256xf32> to vector<2000x256xbf16>
    %get3A_35 = arith.constant 0 : index
    %get3A_36 = arith.constant 0 : index
    %get3A_37 = vector.load %arg8[%get3A_35, %get3A_36] : memref<256x128xbf16, #tpu.memory_space<vmem>>, vector<256x128xbf16>
    %dot_general3A_38 = arith.constant dense<0.000000e+00> : vector<2000x128xf32>
    %dot_general3A_39 = tpu.matmul %convert_element_type3A_34, %get3A_37, %dot_general3A_38 {dimension_numbers = #tpu.dot_dimension_numbers<[1], [0], [0], [1], [0, 0, 1, 1], [], []>, transpose_lhs_hint = false} : vector<2000x256xbf16>, vector<256x128xbf16>, vector<2000x128xf32> -> vector<2000x128xf32>
    %get3A_40 = arith.constant 0 : index
    %get3A_41 = arith.constant 0 : index
    %get3A_42 = vector.load %arg9[%get3A_40, %get3A_41] : memref<1x128xf32, #tpu.memory_space<vmem>>, vector<1x128xf32>
    %add3A_43 = vector.broadcast %get3A_42 : vector<1x128xf32> to vector<2000x128xf32>
    %add3A_44 = arith.addf %dot_general3A_39, %add3A_43 : vector<2000x128xf32>
    %swap3A = arith.constant 0 : index
    %swap3A_45 = arith.constant 0 : index
    %swap3A_46 = vector.load %arg10[%swap3A, %swap3A_45] : memref<2000x128xf32, #tpu.memory_space<vmem>>, vector<2000x128xf32>
    tpu.vector_store %arg10[%swap3A, %swap3A_45], %add3A_44 {strides = array<i32>} : memref<2000x128xf32, #tpu.memory_space<vmem>>, vector<2000x128xf32>,
    return
  }
  func.func @transform_0(%arg0: i32) -> (i32, i32) {
    %c0_i32 = arith.constant 0 : i32
    %c0_i32_0 = arith.constant 0 : i32
    return %arg0, %c0_i32 : i32, i32
  }
  func.func @transform_1(%arg0: i32) -> (i32, i32) {
    %c0_i32 = arith.constant 0 : i32
    %c0_i32_0 = arith.constant 0 : i32
    return %arg0, %c0_i32 : i32, i32
  }
  func.func @transform_2(%arg0: i32) -> (i32, i32) {
    %c0_i32 = arith.constant 0 : i32
    %c0_i32_0 = arith.constant 0 : i32
    return %arg0, %c0_i32 : i32, i32
  }
  func.func @transform_3(%arg0: i32) -> (i32, i32) {
    %c0_i32 = arith.constant 0 : i32
    %c0_i32_0 = arith.constant 0 : i32
    %c0_i32_1 = arith.constant 0 : i32
    return %c0_i32, %c0_i32_0 : i32, i32
  }
  func.func @transform_4(%arg0: i32) -> (i32, i32) {
    %c0_i32 = arith.constant 0 : i32
    %c0_i32_0 = arith.constant 0 : i32
    %c0_i32_1 = arith.constant 0 : i32
    return %c0_i32, %c0_i32_0 : i32, i32
  }
  func.func @transform_5(%arg0: i32) -> (i32, i32) {
    %c0_i32 = arith.constant 0 : i32
    %c0_i32_0 = arith.constant 0 : i32
    %c0_i32_1 = arith.constant 0 : i32
    return %c0_i32, %c0_i32_0 : i32, i32
  }
  func.func @transform_6(%arg0: i32) -> (i32, i32) {
    %c0_i32 = arith.constant 0 : i32
    %c0_i32_0 = arith.constant 0 : i32
    %c0_i32_1 = arith.constant 0 : i32
    return %c0_i32, %c0_i32_0 : i32, i32
  }
  func.func @transform_7(%arg0: i32) -> (i32, i32) {
    %c0_i32 = arith.constant 0 : i32
    %c0_i32_0 = arith.constant 0 : i32
    %c0_i32_1 = arith.constant 0 : i32
    return %c0_i32, %c0_i32_0 : i32, i32
  }
  func.func @transform_8(%arg0: i32) -> (i32, i32) {
    %c0_i32 = arith.constant 0 : i32
    %c0_i32_0 = arith.constant 0 : i32
    %c0_i32_1 = arith.constant 0 : i32
    return %c0_i32, %c0_i32_0 : i32, i32
  }
  func.func @transform_9(%arg0: i32) -> (i32, i32) {
    %c0_i32 = arith.constant 0 : i32
    %c0_i32_0 = arith.constant 0 : i32
    return %arg0, %c0_i32 : i32, i32
  }
}

module attributes {stable_mosaic.version = 14 : i64} {
  func.func @body(%arg0: i32, %arg1: memref<2000x128xf32, #tpu.memory_space<vmem>>, %arg2: memref<2000x128xf32, #tpu.memory_space<vmem>>, %arg3: memref<2000x128xf32, #tpu.memory_space<vmem>>, %arg4: memref<128x128xf32, #tpu.memory_space<vmem>>, %arg5: memref<128x128xf32, #tpu.memory_space<vmem>>, %arg6: memref<1x128xf32, #tpu.memory_space<vmem>>, %arg7: memref<1x128xf32, #tpu.memory_space<vmem>>, %arg8: memref<1x128xf32, #tpu.memory_space<vmem>>, %arg9: memref<2000x128xf32, #tpu.memory_space<vmem>>) attributes {dimension_semantics = [#tpu.dimension_semantics<arbitrary>], iteration_bounds = array<i64: 5>, scalar_prefetch = 0 : i64, scratch_operands = 0 : i64, tpu.core_type = #tpu.core_type<tc>, window_params = [{transform_indices = @transform_0, window_bounds = array<i64: 2000, 128>}, {transform_indices = @transform_1, window_bounds = array<i64: 2000, 128>}, {transform_indices = @transform_2, window_bounds = array<i64: 2000, 128>}, {pipeline_mode = #tpu.pipeline_mode<synchronous>, transform_indices = @transform_3, window_bounds = array<i64: 128, 128>}, {pipeline_mode = #tpu.pipeline_mode<synchronous>, transform_indices = @transform_4, window_bounds = array<i64: 128, 128>}, {pipeline_mode = #tpu.pipeline_mode<synchronous>, transform_indices = @transform_5, window_bounds = array<i64: 1, 128>}, {pipeline_mode = #tpu.pipeline_mode<synchronous>, transform_indices = @transform_6, window_bounds = array<i64: 1, 128>}, {pipeline_mode = #tpu.pipeline_mode<synchronous>, transform_indices = @transform_7, window_bounds = array<i64: 1, 128>}, {transform_indices = @transform_8, window_bounds = array<i64: 2000, 128>}]} {
    %get3A = arith.constant 0 : index
    %get3A_0 = arith.constant 0 : index
    %get3A_1 = vector.load %arg1[%get3A, %get3A_0] : memref<2000x128xf32, #tpu.memory_space<vmem>>, vector<2000x128xf32>
    %get3A_2 = arith.constant 0 : index
    %get3A_3 = arith.constant 0 : index
    %get3A_4 = vector.load %arg2[%get3A_2, %get3A_3] : memref<2000x128xf32, #tpu.memory_space<vmem>>, vector<2000x128xf32>
    %get3A_5 = arith.constant 0 : index
    %get3A_6 = arith.constant 0 : index
    %get3A_7 = vector.load %arg3[%get3A_5, %get3A_6] : memref<2000x128xf32, #tpu.memory_space<vmem>>, vector<2000x128xf32>
    %add3A = arith.addf %get3A_4, %get3A_7 : vector<2000x128xf32>
    %get3A_8 = arith.constant 0 : index
    %get3A_9 = arith.constant 0 : index
    %get3A_10 = vector.load %arg4[%get3A_8, %get3A_9] : memref<128x128xf32, #tpu.memory_space<vmem>>, vector<128x128xf32>
    %dot_general3A = arith.constant dense<0.000000e+00> : vector<2000x128xf32>
    %dot_general3A_11 = tpu.matmul %get3A_1, %get3A_10, %dot_general3A {dimension_numbers = #tpu.dot_dimension_numbers<[1], [0], [0], [1], [0, 0, 1, 1], [], []>, transpose_lhs_hint = false} : vector<2000x128xf32>, vector<128x128xf32>, vector<2000x128xf32> -> vector<2000x128xf32>
    %get3A_12 = arith.constant 0 : index
    %get3A_13 = arith.constant 0 : index
    %get3A_14 = vector.load %arg5[%get3A_12, %get3A_13] : memref<128x128xf32, #tpu.memory_space<vmem>>, vector<128x128xf32>
    %dot_general3A_15 = arith.constant dense<0.000000e+00> : vector<2000x128xf32>
    %dot_general3A_16 = tpu.matmul %add3A, %get3A_14, %dot_general3A_15 {dimension_numbers = #tpu.dot_dimension_numbers<[1], [0], [0], [1], [0, 0, 1, 1], [], []>, transpose_lhs_hint = false} : vector<2000x128xf32>, vector<128x128xf32>, vector<2000x128xf32> -> vector<2000x128xf32>
    %add3A_17 = arith.addf %dot_general3A_11, %dot_general3A_16 : vector<2000x128xf32>
    %get3A_18 = arith.constant 0 : index
    %get3A_19 = arith.constant 0 : index
    %get3A_20 = vector.load %arg6[%get3A_18, %get3A_19] : memref<1x128xf32, #tpu.memory_space<vmem>>, vector<1x128xf32>
    %add3A_21 = vector.broadcast %get3A_20 : vector<1x128xf32> to vector<2000x128xf32>
    %add3A_22 = arith.addf %add3A_17, %add3A_21 : vector<2000x128xf32>
    %logistic3A = arith.negf %add3A_22 : vector<2000x128xf32>
    %logistic3A_23 = math.exp %logistic3A : vector<2000x128xf32>
    %logistic3A_24 = arith.constant 1.000000e+00 : f32
    %logistic3A_25 = vector.broadcast %logistic3A_24 : f32 to vector<2000x128xf32>
    %logistic3A_26 = arith.addf %logistic3A_25, %logistic3A_23 : vector<2000x128xf32>
    %logistic3A_27 = arith.divf %logistic3A_25, %logistic3A_26 : vector<2000x128xf32>
    %mul3A = arith.mulf %logistic3A_27, %add3A : vector<2000x128xf32>
    %sub3A = arith.constant 1.000000e+00 : f32
    %sub3A_28 = vector.broadcast %sub3A : f32 to vector<2000x128xf32>
    %sub3A_29 = arith.subf %sub3A_28, %logistic3A_27 : vector<2000x128xf32>
    %mul3A_30 = arith.mulf %sub3A_29, %get3A_1 : vector<2000x128xf32>
    %add3A_31 = arith.addf %mul3A, %mul3A_30 : vector<2000x128xf32>
    %add3A_32 = arith.addf %get3A_1, %add3A_31 : vector<2000x128xf32>
    %get3A_33 = arith.constant 0 : index
    %get3A_34 = arith.constant 0 : index
    %get3A_35 = vector.load %arg7[%get3A_33, %get3A_34] : memref<1x128xf32, #tpu.memory_space<vmem>>, vector<1x128xf32>
    %get3A_36 = arith.constant 0 : index
    %get3A_37 = arith.constant 0 : index
    %get3A_38 = vector.load %arg8[%get3A_36, %get3A_37] : memref<1x128xf32, #tpu.memory_space<vmem>>, vector<1x128xf32>
    %reduce_sum3A = arith.constant dense<0.000000e+00> : vector<2000xf32>
    %reduce_sum3A_39 = vector.multi_reduction <add>, %add3A_32, %reduce_sum3A [1] : vector<2000x128xf32> to vector<2000xf32>
    %broadcast_in_dim3A = vector.shape_cast %reduce_sum3A_39 : vector<2000xf32> to vector<2000x1xf32>
    %div3A = arith.constant 1.280000e+02 : f32
    %div3A_40 = vector.broadcast %div3A : f32 to vector<2000x1xf32>
    %div3A_41 = arith.divf %broadcast_in_dim3A, %div3A_40 : vector<2000x1xf32>
    %sub3A_42 = vector.broadcast %div3A_41 : vector<2000x1xf32> to vector<2000x128xf32>
    %sub3A_43 = arith.subf %add3A_32, %sub3A_42 : vector<2000x128xf32>
    %integer_pow3A = arith.mulf %sub3A_43, %sub3A_43 : vector<2000x128xf32>
    %reduce_sum3A_44 = arith.constant dense<0.000000e+00> : vector<2000xf32>
    %reduce_sum3A_45 = vector.multi_reduction <add>, %integer_pow3A, %reduce_sum3A_44 [1] : vector<2000x128xf32> to vector<2000xf32>
    %broadcast_in_dim3A_46 = vector.shape_cast %reduce_sum3A_45 : vector<2000xf32> to vector<2000x1xf32>
    %div3A_47 = arith.constant 1.280000e+02 : f32
    %div3A_48 = vector.broadcast %div3A_47 : f32 to vector<2000x1xf32>
    %div3A_49 = arith.divf %broadcast_in_dim3A_46, %div3A_48 : vector<2000x1xf32>
    %sub3A_50 = vector.broadcast %div3A_41 : vector<2000x1xf32> to vector<2000x128xf32>
    %sub3A_51 = arith.subf %add3A_32, %sub3A_50 : vector<2000x128xf32>
    %add3A_52 = arith.constant 9.99999974E-6 : f32
    %add3A_53 = vector.broadcast %add3A_52 : f32 to vector<2000x1xf32>
    %add3A_54 = arith.addf %div3A_49, %add3A_53 : vector<2000x1xf32>
    %sqrt3A = math.sqrt %add3A_54 : vector<2000x1xf32>
    %div3A_55 = vector.broadcast %sqrt3A : vector<2000x1xf32> to vector<2000x128xf32>
    %div3A_56 = arith.divf %sub3A_51, %div3A_55 : vector<2000x128xf32>
    %mul3A_57 = vector.broadcast %get3A_35 : vector<1x128xf32> to vector<2000x128xf32>
    %mul3A_58 = arith.mulf %div3A_56, %mul3A_57 : vector<2000x128xf32>
    %add3A_59 = vector.broadcast %get3A_38 : vector<1x128xf32> to vector<2000x128xf32>
    %add3A_60 = arith.addf %mul3A_58, %add3A_59 : vector<2000x128xf32>
    %swap3A = arith.constant 0 : index
    %swap3A_61 = arith.constant 0 : index
    %swap3A_62 = vector.load %arg9[%swap3A, %swap3A_61] : memref<2000x128xf32, #tpu.memory_space<vmem>>, vector<2000x128xf32>
    tpu.vector_store %arg9[%swap3A, %swap3A_61], %add3A_60 {strides = array<i32>} : memref<2000x128xf32, #tpu.memory_space<vmem>>, vector<2000x128xf32>,
    return
  }
  func.func @transform_0(%arg0: i32) -> (i32, i32) {
    %c0_i32 = arith.constant 0 : i32
    %c0_i32_0 = arith.constant 0 : i32
    return %arg0, %c0_i32 : i32, i32
  }
  func.func @transform_1(%arg0: i32) -> (i32, i32) {
    %c0_i32 = arith.constant 0 : i32
    %c0_i32_0 = arith.constant 0 : i32
    return %arg0, %c0_i32 : i32, i32
  }
  func.func @transform_2(%arg0: i32) -> (i32, i32) {
    %c0_i32 = arith.constant 0 : i32
    %c0_i32_0 = arith.constant 0 : i32
    return %arg0, %c0_i32 : i32, i32
  }
  func.func @transform_3(%arg0: i32) -> (i32, i32) {
    %c0_i32 = arith.constant 0 : i32
    %c0_i32_0 = arith.constant 0 : i32
    %c0_i32_1 = arith.constant 0 : i32
    return %c0_i32, %c0_i32_0 : i32, i32
  }
  func.func @transform_4(%arg0: i32) -> (i32, i32) {
    %c0_i32 = arith.constant 0 : i32
    %c0_i32_0 = arith.constant 0 : i32
    %c0_i32_1 = arith.constant 0 : i32
    return %c0_i32, %c0_i32_0 : i32, i32
  }
  func.func @transform_5(%arg0: i32) -> (i32, i32) {
    %c0_i32 = arith.constant 0 : i32
    %c0_i32_0 = arith.constant 0 : i32
    %c0_i32_1 = arith.constant 0 : i32
    return %c0_i32, %c0_i32_0 : i32, i32
  }
  func.func @transform_6(%arg0: i32) -> (i32, i32) {
    %c0_i32 = arith.constant 0 : i32
    %c0_i32_0 = arith.constant 0 : i32
    %c0_i32_1 = arith.constant 0 : i32
    return %c0_i32, %c0_i32_0 : i32, i32
  }
  func.func @transform_7(%arg0: i32) -> (i32, i32) {
    %c0_i32 = arith.constant 0 : i32
    %c0_i32_0 = arith.constant 0 : i32
    %c0_i32_1 = arith.constant 0 : i32
    return %c0_i32, %c0_i32_0 : i32, i32
  }
  func.func @transform_8(%arg0: i32) -> (i32, i32) {
    %c0_i32 = arith.constant 0 : i32
    %c0_i32_0 = arith.constant 0 : i32
    return %arg0, %c0_i32 : i32, i32
  }
}

module attributes {stable_mosaic.version = 14 : i64} {
  func.func @body(%arg0: i32, %arg1: memref<2000x128xf32, #tpu.memory_space<vmem>>, %arg2: memref<2000x128xf32, #tpu.memory_space<vmem>>, %arg3: memref<2000x128xf32, #tpu.memory_space<vmem>>, %arg4: memref<128x128xf32, #tpu.memory_space<vmem>>, %arg5: memref<128x128xf32, #tpu.memory_space<vmem>>, %arg6: memref<1x128xf32, #tpu.memory_space<vmem>>, %arg7: memref<1x128xf32, #tpu.memory_space<vmem>>, %arg8: memref<1x128xf32, #tpu.memory_space<vmem>>, %arg9: memref<1x1x2000xi32, #tpu.memory_space<vmem>>, %arg10: memref<128x128xf32, #tpu.memory_space<vmem>>, %arg11: memref<1x128xf32, #tpu.memory_space<vmem>>, %arg12: memref<1x128xf32, #tpu.memory_space<vmem>>, %arg13: memref<1x128xf32, #tpu.memory_space<vmem>>, %arg14: memref<128x64xf32, #tpu.memory_space<vmem>>, %arg15: memref<1x64xf32, #tpu.memory_space<vmem>>, %arg16: memref<1x64xf32, #tpu.memory_space<vmem>>, %arg17: memref<1x64xf32, #tpu.memory_space<vmem>>, %arg18: memref<64x64xf32, #tpu.memory_space<vmem>>, %arg19: memref<64x128xf32, #tpu.memory_space<vmem>>, %arg20: memref<64x128xf32, #tpu.memory_space<vmem>>, %arg21: memref<64x128xf32, #tpu.memory_space<vmem>>) attributes {dimension_semantics = [#tpu.dimension_semantics<arbitrary>], iteration_bounds = array<i64: 5>, scalar_prefetch = 0 : i64, scratch_operands = 2 : i64, tpu.core_type = #tpu.core_type<tc>, window_params = [{transform_indices = @transform_0, window_bounds = array<i64: 2000, 128>}, {transform_indices = @transform_1, window_bounds = array<i64: 2000, 128>}, {transform_indices = @transform_2, window_bounds = array<i64: 2000, 128>}, {pipeline_mode = #tpu.pipeline_mode<synchronous>, transform_indices = @transform_3, window_bounds = array<i64: 128, 128>}, {pipeline_mode = #tpu.pipeline_mode<synchronous>, transform_indices = @transform_4, window_bounds = array<i64: 128, 128>}, {pipeline_mode = #tpu.pipeline_mode<synchronous>, transform_indices = @transform_5, window_bounds = array<i64: 1, 128>}, {pipeline_mode = #tpu.pipeline_mode<synchronous>, transform_indices = @transform_6, window_bounds = array<i64: 1, 128>}, {pipeline_mode = #tpu.pipeline_mode<synchronous>, transform_indices = @transform_7, window_bounds = array<i64: 1, 128>}, {transform_indices = @transform_8, window_bounds = array<i64: 1, 1, 2000>}, {pipeline_mode = #tpu.pipeline_mode<synchronous>, transform_indices = @transform_9, window_bounds = array<i64: 128, 128>}, {pipeline_mode = #tpu.pipeline_mode<synchronous>, transform_indices = @transform_10, window_bounds = array<i64: 1, 128>}, {pipeline_mode = #tpu.pipeline_mode<synchronous>, transform_indices = @transform_11, window_bounds = array<i64: 1, 128>}, {pipeline_mode = #tpu.pipeline_mode<synchronous>, transform_indices = @transform_12, window_bounds = array<i64: 1, 128>}, {pipeline_mode = #tpu.pipeline_mode<synchronous>, transform_indices = @transform_13, window_bounds = array<i64: 128, 64>}, {pipeline_mode = #tpu.pipeline_mode<synchronous>, transform_indices = @transform_14, window_bounds = array<i64: 1, 64>}, {pipeline_mode = #tpu.pipeline_mode<synchronous>, transform_indices = @transform_15, window_bounds = array<i64: 1, 64>}, {pipeline_mode = #tpu.pipeline_mode<synchronous>, transform_indices = @transform_16, window_bounds = array<i64: 1, 64>}, {pipeline_mode = #tpu.pipeline_mode<synchronous>, transform_indices = @transform_17, window_bounds = array<i64: 64, 64>}, {pipeline_mode = #tpu.pipeline_mode<synchronous>, transform_indices = @transform_18, window_bounds = array<i64: 64, 128>}]} {
    %eq3A = arith.constant 0 : i32
    %eq3A_0 = arith.cmpi eq, %arg0, %eq3A : i32
    %convert_element_type3A = arith.extui %eq3A_0 : i1 to i32
    %cond3A = arith.constant 0 : i32
    %cond3A_1 = arith.cmpi ne, %convert_element_type3A, %cond3A : i32
    scf.if %cond3A_1 {
      %broadcast_in_dim3A_98 = arith.constant 0.000000e+00 : f32
      %broadcast_in_dim3A_99 = vector.broadcast %broadcast_in_dim3A_98 : f32 to vector<64x128xf32>
      %swap3A_100 = arith.constant 0 : index
      %swap3A_101 = arith.constant 0 : index
      %swap3A_102 = vector.load %arg20[%swap3A_100, %swap3A_101] : memref<64x128xf32, #tpu.memory_space<vmem>>, vector<64x128xf32>
      tpu.vector_store %arg20[%swap3A_100, %swap3A_101], %broadcast_in_dim3A_99 {strides = array<i32>} : memref<64x128xf32, #tpu.memory_space<vmem>>, vector<64x128xf32>,
      %broadcast_in_dim3A_103 = arith.constant 0.000000e+00 : f32
      %broadcast_in_dim3A_104 = vector.broadcast %broadcast_in_dim3A_103 : f32 to vector<64x128xf32>
      %swap3A_105 = arith.constant 0 : index
      %swap3A_106 = arith.constant 0 : index
      %swap3A_107 = vector.load %arg21[%swap3A_105, %swap3A_106] : memref<64x128xf32, #tpu.memory_space<vmem>>, vector<64x128xf32>
      tpu.vector_store %arg21[%swap3A_105, %swap3A_106], %broadcast_in_dim3A_104 {strides = array<i32>} : memref<64x128xf32, #tpu.memory_space<vmem>>, vector<64x128xf32>,
    } else {
    }
    %get3A = arith.constant 0 : index
    %get3A_2 = arith.constant 0 : index
    %get3A_3 = vector.load %arg1[%get3A, %get3A_2] : memref<2000x128xf32, #tpu.memory_space<vmem>>, vector<2000x128xf32>
    %get3A_4 = arith.constant 0 : index
    %get3A_5 = arith.constant 0 : index
    %get3A_6 = vector.load %arg2[%get3A_4, %get3A_5] : memref<2000x128xf32, #tpu.memory_space<vmem>>, vector<2000x128xf32>
    %get3A_7 = arith.constant 0 : index
    %get3A_8 = arith.constant 0 : index
    %get3A_9 = vector.load %arg3[%get3A_7, %get3A_8] : memref<2000x128xf32, #tpu.memory_space<vmem>>, vector<2000x128xf32>
    %add3A = arith.addf %get3A_6, %get3A_9 : vector<2000x128xf32>
    %get3A_10 = arith.constant 0 : index
    %get3A_11 = arith.constant 0 : index
    %get3A_12 = vector.load %arg4[%get3A_10, %get3A_11] : memref<128x128xf32, #tpu.memory_space<vmem>>, vector<128x128xf32>
    %dot_general3A = arith.constant dense<0.000000e+00> : vector<2000x128xf32>
    %dot_general3A_13 = tpu.matmul %get3A_3, %get3A_12, %dot_general3A {dimension_numbers = #tpu.dot_dimension_numbers<[1], [0], [0], [1], [0, 0, 1, 1], [], []>, transpose_lhs_hint = false} : vector<2000x128xf32>, vector<128x128xf32>, vector<2000x128xf32> -> vector<2000x128xf32>
    %get3A_14 = arith.constant 0 : index
    %get3A_15 = arith.constant 0 : index
    %get3A_16 = vector.load %arg5[%get3A_14, %get3A_15] : memref<128x128xf32, #tpu.memory_space<vmem>>, vector<128x128xf32>
    %dot_general3A_17 = arith.constant dense<0.000000e+00> : vector<2000x128xf32>
    %dot_general3A_18 = tpu.matmul %add3A, %get3A_16, %dot_general3A_17 {dimension_numbers = #tpu.dot_dimension_numbers<[1], [0], [0], [1], [0, 0, 1, 1], [], []>, transpose_lhs_hint = false} : vector<2000x128xf32>, vector<128x128xf32>, vector<2000x128xf32> -> vector<2000x128xf32>
    %add3A_19 = arith.addf %dot_general3A_13, %dot_general3A_18 : vector<2000x128xf32>
    %get3A_20 = arith.constant 0 : index
    %get3A_21 = arith.constant 0 : index
    %get3A_22 = vector.load %arg6[%get3A_20, %get3A_21] : memref<1x128xf32, #tpu.memory_space<vmem>>, vector<1x128xf32>
    %add3A_23 = vector.broadcast %get3A_22 : vector<1x128xf32> to vector<2000x128xf32>
    %add3A_24 = arith.addf %add3A_19, %add3A_23 : vector<2000x128xf32>
    %logistic3A = arith.negf %add3A_24 : vector<2000x128xf32>
    %logistic3A_25 = math.exp %logistic3A : vector<2000x128xf32>
    %logistic3A_26 = arith.constant 1.000000e+00 : f32
    %logistic3A_27 = vector.broadcast %logistic3A_26 : f32 to vector<2000x128xf32>
    %logistic3A_28 = arith.addf %logistic3A_27, %logistic3A_25 : vector<2000x128xf32>
    %logistic3A_29 = arith.divf %logistic3A_27, %logistic3A_28 : vector<2000x128xf32>
    %mul3A = arith.mulf %logistic3A_29, %add3A : vector<2000x128xf32>
    %sub3A = arith.constant 1.000000e+00 : f32
    %sub3A_30 = vector.broadcast %sub3A : f32 to vector<2000x128xf32>
    %sub3A_31 = arith.subf %sub3A_30, %logistic3A_29 : vector<2000x128xf32>
    %mul3A_32 = arith.mulf %sub3A_31, %get3A_3 : vector<2000x128xf32>
    %add3A_33 = arith.addf %mul3A, %mul3A_32 : vector<2000x128xf32>
    %add3A_34 = arith.addf %get3A_3, %add3A_33 : vector<2000x128xf32>
    %get3A_35 = arith.constant 0 : index
    %get3A_36 = arith.constant 0 : index
    %get3A_37 = vector.load %arg7[%get3A_35, %get3A_36] : memref<1x128xf32, #tpu.memory_space<vmem>>, vector<1x128xf32>
    %get3A_38 = arith.constant 0 : index
    %get3A_39 = arith.constant 0 : index
    %get3A_40 = vector.load %arg8[%get3A_38, %get3A_39] : memref<1x128xf32, #tpu.memory_space<vmem>>, vector<1x128xf32>
    %reduce_sum3A = arith.constant dense<0.000000e+00> : vector<2000xf32>
    %reduce_sum3A_41 = vector.multi_reduction <add>, %add3A_34, %reduce_sum3A [1] : vector<2000x128xf32> to vector<2000xf32>
    %broadcast_in_dim3A = vector.shape_cast %reduce_sum3A_41 : vector<2000xf32> to vector<2000x1xf32>
    %div3A = arith.constant 1.280000e+02 : f32
    %div3A_42 = vector.broadcast %div3A : f32 to vector<2000x1xf32>
    %div3A_43 = arith.divf %broadcast_in_dim3A, %div3A_42 : vector<2000x1xf32>
    %sub3A_44 = vector.broadcast %div3A_43 : vector<2000x1xf32> to vector<2000x128xf32>
    %sub3A_45 = arith.subf %add3A_34, %sub3A_44 : vector<2000x128xf32>
    %integer_pow3A = arith.mulf %sub3A_45, %sub3A_45 : vector<2000x128xf32>
    %reduce_sum3A_46 = arith.constant dense<0.000000e+00> : vector<2000xf32>
    %reduce_sum3A_47 = vector.multi_reduction <add>, %integer_pow3A, %reduce_sum3A_46 [1] : vector<2000x128xf32> to vector<2000xf32>
    %broadcast_in_dim3A_48 = vector.shape_cast %reduce_sum3A_47 : vector<2000xf32> to vector<2000x1xf32>
    %div3A_49 = arith.constant 1.280000e+02 : f32
    %div3A_50 = vector.broadcast %div3A_49 : f32 to vector<2000x1xf32>
    %div3A_51 = arith.divf %broadcast_in_dim3A_48, %div3A_50 : vector<2000x1xf32>
    %sub3A_52 = vector.broadcast %div3A_43 : vector<2000x1xf32> to vector<2000x128xf32>
    %sub3A_53 = arith.subf %add3A_34, %sub3A_52 : vector<2000x128xf32>
    %add3A_54 = arith.constant 9.99999974E-6 : f32
    %add3A_55 = vector.broadcast %add3A_54 : f32 to vector<2000x1xf32>
    %add3A_56 = arith.addf %div3A_51, %add3A_55 : vector<2000x1xf32>
    %sqrt3A = math.sqrt %add3A_56 : vector<2000x1xf32>
    %div3A_57 = vector.broadcast %sqrt3A : vector<2000x1xf32> to vector<2000x128xf32>
    %div3A_58 = arith.divf %sub3A_53, %div3A_57 : vector<2000x128xf32>
    %mul3A_59 = vector.broadcast %get3A_37 : vector<1x128xf32> to vector<2000x128xf32>
    %mul3A_60 = arith.mulf %div3A_58, %mul3A_59 : vector<2000x128xf32>
    %add3A_61 = vector.broadcast %get3A_40 : vector<1x128xf32> to vector<2000x128xf32>
    %add3A_62 = arith.addf %mul3A_60, %add3A_61 : vector<2000x128xf32>
    %get3A_63 = arith.constant 0 : index
    %get3A_64 = arith.constant 0 : index
    %get3A_65 = arith.constant 0 : index
    %get3A_66 = vector.load %arg9[%get3A_63, %get3A_64, %get3A_65] : memref<1x1x2000xi32, #tpu.memory_space<vmem>>, vector<1x1x2000xi32>
    %get3A_67 = vector.shape_cast %get3A_66 : vector<1x1x2000xi32> to vector<1x2000xi32>
    %iota3A = tpu.iota {dimensions = array<i32: 0>} : vector<64x2000xi32>
    %broadcast_in_dim3A_68 = vector.shape_cast %get3A_67 : vector<1x2000xi32> to vector<1x2000xi32>
    %broadcast_in_dim3A_69 = vector.broadcast %broadcast_in_dim3A_68 : vector<1x2000xi32> to vector<64x2000xi32>
    %eq3A_70 = arith.cmpi eq, %iota3A, %broadcast_in_dim3A_69 : vector<64x2000xi32>
    %convert_element_type3A_71 = arith.extui %eq3A_70 : vector<64x2000xi1> to vector<64x2000xi32>
    %convert_element_type3A_72 = arith.sitofp %convert_element_type3A_71 : vector<64x2000xi32> to vector<64x2000xf32>
    %get3A_73 = arith.constant 0 : index
    %get3A_74 = arith.constant 0 : index
    %get3A_75 = vector.load %arg20[%get3A_73, %get3A_74] : memref<64x128xf32, #tpu.memory_space<vmem>>, vector<64x128xf32>
    %dot_general3A_76 = arith.constant dense<0.000000e+00> : vector<64x128xf32>
    %dot_general3A_77 = tpu.matmul %convert_element_type3A_72, %add3A_62, %dot_general3A_76 {dimension_numbers = #tpu.dot_dimension_numbers<[1], [0], [0], [1], [0, 0, 1, 1], [], []>, transpose_lhs_hint = false} : vector<64x2000xf32>, vector<2000x128xf32>, vector<64x128xf32> -> vector<64x128xf32>
    %add3A_78 = arith.addf %get3A_75, %dot_general3A_77 : vector<64x128xf32>
    %swap3A = arith.constant 0 : index
    %swap3A_79 = arith.constant 0 : index
    %swap3A_80 = vector.load %arg20[%swap3A, %swap3A_79] : memref<64x128xf32, #tpu.memory_space<vmem>>, vector<64x128xf32>
    tpu.vector_store %arg20[%swap3A, %swap3A_79], %add3A_78 {strides = array<i32>} : memref<64x128xf32, #tpu.memory_space<vmem>>, vector<64x128xf32>,
    %get3A_81 = arith.constant 0 : index
    %get3A_82 = arith.constant 0 : index
    %get3A_83 = vector.load %arg21[%get3A_81, %get3A_82] : memref<64x128xf32, #tpu.memory_space<vmem>>, vector<64x128xf32>
    %reduce_sum3A_84 = arith.constant dense<0.000000e+00> : vector<64xf32>
    %reduce_sum3A_85 = vector.multi_reduction <add>, %convert_element_type3A_72, %reduce_sum3A_84 [1] : vector<64x2000xf32> to vector<64xf32>
    %broadcast_in_dim3A_86 = vector.shape_cast %reduce_sum3A_85 : vector<64xf32> to vector<64x1xf32>
    %broadcast_in_dim3A_87 = vector.shape_cast %broadcast_in_dim3A_86 : vector<64x1xf32> to vector<64x1xf32>
    %broadcast_in_dim3A_88 = vector.broadcast %broadcast_in_dim3A_87 : vector<64x1xf32> to vector<64x128xf32>
    %add3A_89 = arith.addf %get3A_83, %broadcast_in_dim3A_88 : vector<64x128xf32>
    %swap3A_90 = arith.constant 0 : index
    %swap3A_91 = arith.constant 0 : index
    %swap3A_92 = vector.load %arg21[%swap3A_90, %swap3A_91] : memref<64x128xf32, #tpu.memory_space<vmem>>, vector<64x128xf32>
    tpu.vector_store %arg21[%swap3A_90, %swap3A_91], %add3A_89 {strides = array<i32>} : memref<64x128xf32, #tpu.memory_space<vmem>>, vector<64x128xf32>,
    %eq3A_93 = arith.constant 4 : i32
    %eq3A_94 = arith.cmpi eq, %arg0, %eq3A_93 : i32
    %convert_element_type3A_95 = arith.extui %eq3A_94 : i1 to i32
    %cond3A_96 = arith.constant 0 : i32
    %cond3A_97 = arith.cmpi ne, %convert_element_type3A_95, %cond3A_96 : i32
    scf.if %cond3A_97 {
      %get3A_98 = arith.constant 0 : index
      %get3A_99 = arith.constant 0 : index
      %get3A_100 = vector.load %arg20[%get3A_98, %get3A_99] : memref<64x128xf32, #tpu.memory_space<vmem>>, vector<64x128xf32>
      %get3A_101 = arith.constant 0 : index
      %get3A_102 = arith.constant 0 : index
      %get3A_103 = vector.load %arg21[%get3A_101, %get3A_102] : memref<64x128xf32, #tpu.memory_space<vmem>>, vector<64x128xf32>
      %slice3A = vector.extract_strided_slice %get3A_103 {offsets = [0, 0], sizes = [64, 1], strides = [1, 1]} : vector<64x128xf32> to vector<64x1xf32>
      %max3A = arith.constant 1.000000e+00 : f32
      %max3A_104 = vector.broadcast %max3A : f32 to vector<64x1xf32>
      %max3A_105 = arith.maximumf %slice3A, %max3A_104 : vector<64x1xf32>
      %div3A_106 = vector.broadcast %max3A_105 : vector<64x1xf32> to vector<64x128xf32>
      %div3A_107 = arith.divf %get3A_100, %div3A_106 : vector<64x128xf32>
      %add3A_108 = arith.constant 9.99999997E-7 : f32
      %add3A_109 = vector.broadcast %add3A_108 : f32 to vector<64x1xf32>
      %add3A_110 = arith.addf %slice3A, %add3A_109 : vector<64x1xf32>
      %div3A_111 = vector.broadcast %add3A_110 : vector<64x1xf32> to vector<64x128xf32>
      %div3A_112 = arith.divf %get3A_100, %div3A_111 : vector<64x128xf32>
      %add3A_113 = arith.addf %div3A_107, %div3A_112 : vector<64x128xf32>
      %get3A_114 = arith.constant 0 : index
      %get3A_115 = arith.constant 0 : index
      %get3A_116 = vector.load %arg10[%get3A_114, %get3A_115] : memref<128x128xf32, #tpu.memory_space<vmem>>, vector<128x128xf32>
      %dot_general3A_117 = arith.constant dense<0.000000e+00> : vector<64x128xf32>
      %dot_general3A_118 = tpu.matmul %add3A_113, %get3A_116, %dot_general3A_117 {dimension_numbers = #tpu.dot_dimension_numbers<[1], [0], [0], [1], [0, 0, 1, 1], [], []>, transpose_lhs_hint = false} : vector<64x128xf32>, vector<128x128xf32>, vector<64x128xf32> -> vector<64x128xf32>
      %get3A_119 = arith.constant 0 : index
      %get3A_120 = arith.constant 0 : index
      %get3A_121 = vector.load %arg11[%get3A_119, %get3A_120] : memref<1x128xf32, #tpu.memory_space<vmem>>, vector<1x128xf32>
      %add3A_122 = vector.broadcast %get3A_121 : vector<1x128xf32> to vector<64x128xf32>
      %add3A_123 = arith.addf %dot_general3A_118, %add3A_122 : vector<64x128xf32>
      %get3A_124 = arith.constant 0 : index
      %get3A_125 = arith.constant 0 : index
      %get3A_126 = vector.load %arg12[%get3A_124, %get3A_125] : memref<1x128xf32, #tpu.memory_space<vmem>>, vector<1x128xf32>
      %get3A_127 = arith.constant 0 : index
      %get3A_128 = arith.constant 0 : index
      %get3A_129 = vector.load %arg13[%get3A_127, %get3A_128] : memref<1x128xf32, #tpu.memory_space<vmem>>, vector<1x128xf32>
      %reduce_sum3A_130 = arith.constant dense<0.000000e+00> : vector<64xf32>
      %reduce_sum3A_131 = vector.multi_reduction <add>, %add3A_123, %reduce_sum3A_130 [1] : vector<64x128xf32> to vector<64xf32>
      %broadcast_in_dim3A_132 = vector.shape_cast %reduce_sum3A_131 : vector<64xf32> to vector<64x1xf32>
      %div3A_133 = arith.constant 1.280000e+02 : f32
      %div3A_134 = vector.broadcast %div3A_133 : f32 to vector<64x1xf32>
      %div3A_135 = arith.divf %broadcast_in_dim3A_132, %div3A_134 : vector<64x1xf32>
      %sub3A_136 = vector.broadcast %div3A_135 : vector<64x1xf32> to vector<64x128xf32>
      %sub3A_137 = arith.subf %add3A_123, %sub3A_136 : vector<64x128xf32>
      %integer_pow3A_138 = arith.mulf %sub3A_137, %sub3A_137 : vector<64x128xf32>
      %reduce_sum3A_139 = arith.constant dense<0.000000e+00> : vector<64xf32>
      %reduce_sum3A_140 = vector.multi_reduction <add>, %integer_pow3A_138, %reduce_sum3A_139 [1] : vector<64x128xf32> to vector<64xf32>
      %broadcast_in_dim3A_141 = vector.shape_cast %reduce_sum3A_140 : vector<64xf32> to vector<64x1xf32>
      %div3A_142 = arith.constant 1.280000e+02 : f32
      %div3A_143 = vector.broadcast %div3A_142 : f32 to vector<64x1xf32>
      %div3A_144 = arith.divf %broadcast_in_dim3A_141, %div3A_143 : vector<64x1xf32>
      %sub3A_145 = vector.broadcast %div3A_135 : vector<64x1xf32> to vector<64x128xf32>
      %sub3A_146 = arith.subf %add3A_123, %sub3A_145 : vector<64x128xf32>
      %add3A_147 = arith.constant 9.99999974E-6 : f32
      %add3A_148 = vector.broadcast %add3A_147 : f32 to vector<64x1xf32>
      %add3A_149 = arith.addf %div3A_144, %add3A_148 : vector<64x1xf32>
      %sqrt3A_150 = math.sqrt %add3A_149 : vector<64x1xf32>
      %div3A_151 = vector.broadcast %sqrt3A_150 : vector<64x1xf32> to vector<64x128xf32>
      %div3A_152 = arith.divf %sub3A_146, %div3A_151 : vector<64x128xf32>
      %mul3A_153 = vector.broadcast %get3A_126 : vector<1x128xf32> to vector<64x128xf32>
      %mul3A_154 = arith.mulf %div3A_152, %mul3A_153 : vector<64x128xf32>
      %add3A_155 = vector.broadcast %get3A_129 : vector<1x128xf32> to vector<64x128xf32>
      %add3A_156 = arith.addf %mul3A_154, %add3A_155 : vector<64x128xf32>
      %logistic3A_157 = arith.negf %add3A_156 : vector<64x128xf32>
      %logistic3A_158 = math.exp %logistic3A_157 : vector<64x128xf32>
      %logistic3A_159 = arith.constant 1.000000e+00 : f32
      %logistic3A_160 = vector.broadcast %logistic3A_159 : f32 to vector<64x128xf32>
      %logistic3A_161 = arith.addf %logistic3A_160, %logistic3A_158 : vector<64x128xf32>
      %logistic3A_162 = arith.divf %logistic3A_160, %logistic3A_161 : vector<64x128xf32>
      %mul3A_163 = arith.mulf %add3A_156, %logistic3A_162 : vector<64x128xf32>
      %get3A_164 = arith.constant 0 : index
      %get3A_165 = arith.constant 0 : index
      %get3A_166 = vector.load %arg14[%get3A_164, %get3A_165] : memref<128x64xf32, #tpu.memory_space<vmem>>, vector<128x64xf32>
      %dot_general3A_167 = arith.constant dense<0.000000e+00> : vector<64x64xf32>
      %dot_general3A_168 = tpu.matmul %mul3A_163, %get3A_166, %dot_general3A_167 {dimension_numbers = #tpu.dot_dimension_numbers<[1], [0], [0], [1], [0, 0, 1, 1], [], []>, transpose_lhs_hint = false} : vector<64x128xf32>, vector<128x64xf32>, vector<64x64xf32> -> vector<64x64xf32>
      %get3A_169 = arith.constant 0 : index
      %get3A_170 = arith.constant 0 : index
      %get3A_171 = vector.load %arg15[%get3A_169, %get3A_170] : memref<1x64xf32, #tpu.memory_space<vmem>>, vector<1x64xf32>
      %add3A_172 = vector.broadcast %get3A_171 : vector<1x64xf32> to vector<64x64xf32>
      %add3A_173 = arith.addf %dot_general3A_168, %add3A_172 : vector<64x64xf32>
      %get3A_174 = arith.constant 0 : index
      %get3A_175 = arith.constant 0 : index
      %get3A_176 = vector.load %arg16[%get3A_174, %get3A_175] : memref<1x64xf32, #tpu.memory_space<vmem>>, vector<1x64xf32>
      %get3A_177 = arith.constant 0 : index
      %get3A_178 = arith.constant 0 : index
      %get3A_179 = vector.load %arg17[%get3A_177, %get3A_178] : memref<1x64xf32, #tpu.memory_space<vmem>>, vector<1x64xf32>
      %reduce_sum3A_180 = arith.constant dense<0.000000e+00> : vector<64xf32>
      %reduce_sum3A_181 = vector.multi_reduction <add>, %add3A_173, %reduce_sum3A_180 [1] : vector<64x64xf32> to vector<64xf32>
      %broadcast_in_dim3A_182 = vector.shape_cast %reduce_sum3A_181 : vector<64xf32> to vector<64x1xf32>
      %div3A_183 = arith.constant 6.400000e+01 : f32
      %div3A_184 = vector.broadcast %div3A_183 : f32 to vector<64x1xf32>
      %div3A_185 = arith.divf %broadcast_in_dim3A_182, %div3A_184 : vector<64x1xf32>
      %sub3A_186 = vector.broadcast %div3A_185 : vector<64x1xf32> to vector<64x64xf32>
      %sub3A_187 = arith.subf %add3A_173, %sub3A_186 : vector<64x64xf32>
      %integer_pow3A_188 = arith.mulf %sub3A_187, %sub3A_187 : vector<64x64xf32>
      %reduce_sum3A_189 = arith.constant dense<0.000000e+00> : vector<64xf32>
      %reduce_sum3A_190 = vector.multi_reduction <add>, %integer_pow3A_188, %reduce_sum3A_189 [1] : vector<64x64xf32> to vector<64xf32>
      %broadcast_in_dim3A_191 = vector.shape_cast %reduce_sum3A_190 : vector<64xf32> to vector<64x1xf32>
      %div3A_192 = arith.constant 6.400000e+01 : f32
      %div3A_193 = vector.broadcast %div3A_192 : f32 to vector<64x1xf32>
      %div3A_194 = arith.divf %broadcast_in_dim3A_191, %div3A_193 : vector<64x1xf32>
      %sub3A_195 = vector.broadcast %div3A_185 : vector<64x1xf32> to vector<64x64xf32>
      %sub3A_196 = arith.subf %add3A_173, %sub3A_195 : vector<64x64xf32>
      %add3A_197 = arith.constant 9.99999974E-6 : f32
      %add3A_198 = vector.broadcast %add3A_197 : f32 to vector<64x1xf32>
      %add3A_199 = arith.addf %div3A_194, %add3A_198 : vector<64x1xf32>
      %sqrt3A_200 = math.sqrt %add3A_199 : vector<64x1xf32>
      %div3A_201 = vector.broadcast %sqrt3A_200 : vector<64x1xf32> to vector<64x64xf32>
      %div3A_202 = arith.divf %sub3A_196, %div3A_201 : vector<64x64xf32>
      %mul3A_203 = vector.broadcast %get3A_176 : vector<1x64xf32> to vector<64x64xf32>
      %mul3A_204 = arith.mulf %div3A_202, %mul3A_203 : vector<64x64xf32>
      %add3A_205 = vector.broadcast %get3A_179 : vector<1x64xf32> to vector<64x64xf32>
      %add3A_206 = arith.addf %mul3A_204, %add3A_205 : vector<64x64xf32>
      %swap3A_207 = arith.constant 0 : index
      %swap3A_208 = arith.constant 0 : index
      %swap3A_209 = vector.load %arg18[%swap3A_207, %swap3A_208] : memref<64x64xf32, #tpu.memory_space<vmem>>, vector<64x64xf32>
      tpu.vector_store %arg18[%swap3A_207, %swap3A_208], %add3A_206 {strides = array<i32>} : memref<64x64xf32, #tpu.memory_space<vmem>>, vector<64x64xf32>,
      %swap3A_210 = arith.constant 0 : index
      %swap3A_211 = arith.constant 0 : index
      %swap3A_212 = vector.load %arg19[%swap3A_210, %swap3A_211] : memref<64x128xf32, #tpu.memory_space<vmem>>, vector<64x128xf32>
      tpu.vector_store %arg19[%swap3A_210, %swap3A_211], %add3A_113 {strides = array<i32>} : memref<64x128xf32, #tpu.memory_space<vmem>>, vector<64x128xf32>,
    } else {
    }
    return
  }
  func.func @transform_0(%arg0: i32) -> (i32, i32) {
    %c0_i32 = arith.constant 0 : i32
    %c0_i32_0 = arith.constant 0 : i32
    return %arg0, %c0_i32 : i32, i32
  }
  func.func @transform_1(%arg0: i32) -> (i32, i32) {
    %c0_i32 = arith.constant 0 : i32
    %c0_i32_0 = arith.constant 0 : i32
    return %arg0, %c0_i32 : i32, i32
  }
  func.func @transform_2(%arg0: i32) -> (i32, i32) {
    %c0_i32 = arith.constant 0 : i32
    %c0_i32_0 = arith.constant 0 : i32
    return %arg0, %c0_i32 : i32, i32
  }
  func.func @transform_3(%arg0: i32) -> (i32, i32) {
    %c0_i32 = arith.constant 0 : i32
    %c0_i32_0 = arith.constant 0 : i32
    %c0_i32_1 = arith.constant 0 : i32
    return %c0_i32, %c0_i32_0 : i32, i32
  }
  func.func @transform_4(%arg0: i32) -> (i32, i32) {
    %c0_i32 = arith.constant 0 : i32
    %c0_i32_0 = arith.constant 0 : i32
    %c0_i32_1 = arith.constant 0 : i32
    return %c0_i32, %c0_i32_0 : i32, i32
  }
  func.func @transform_5(%arg0: i32) -> (i32, i32) {
    %c0_i32 = arith.constant 0 : i32
    %c0_i32_0 = arith.constant 0 : i32
    %c0_i32_1 = arith.constant 0 : i32
    return %c0_i32, %c0_i32_0 : i32, i32
  }
  func.func @transform_6(%arg0: i32) -> (i32, i32) {
    %c0_i32 = arith.constant 0 : i32
    %c0_i32_0 = arith.constant 0 : i32
    %c0_i32_1 = arith.constant 0 : i32
    return %c0_i32, %c0_i32_0 : i32, i32
  }
  func.func @transform_7(%arg0: i32) -> (i32, i32) {
    %c0_i32 = arith.constant 0 : i32
    %c0_i32_0 = arith.constant 0 : i32
    %c0_i32_1 = arith.constant 0 : i32
    return %c0_i32, %c0_i32_0 : i32, i32
  }
  func.func @transform_8(%arg0: i32) -> (i32, i32, i32) {
    %c0_i32 = arith.constant 0 : i32
    %c0_i32_0 = arith.constant 0 : i32
    %c0_i32_1 = arith.constant 0 : i32
    return %arg0, %c0_i32, %c0_i32_0 : i32, i32, i32
  }
  func.func @transform_9(%arg0: i32) -> (i32, i32) {
    %c0_i32 = arith.constant 0 : i32
    %c0_i32_0 = arith.constant 0 : i32
    %c0_i32_1 = arith.constant 0 : i32
    return %c0_i32, %c0_i32_0 : i32, i32
  }
  func.func @transform_10(%arg0: i32) -> (i32, i32) {
    %c0_i32 = arith.constant 0 : i32
    %c0_i32_0 = arith.constant 0 : i32
    %c0_i32_1 = arith.constant 0 : i32
    return %c0_i32, %c0_i32_0 : i32, i32
  }
  func.func @transform_11(%arg0: i32) -> (i32, i32) {
    %c0_i32 = arith.constant 0 : i32
    %c0_i32_0 = arith.constant 0 : i32
    %c0_i32_1 = arith.constant 0 : i32
    return %c0_i32, %c0_i32_0 : i32, i32
  }
  func.func @transform_12(%arg0: i32) -> (i32, i32) {
    %c0_i32 = arith.constant 0 : i32
    %c0_i32_0 = arith.constant 0 : i32
    %c0_i32_1 = arith.constant 0 : i32
    return %c0_i32, %c0_i32_0 : i32, i32
  }
  func.func @transform_13(%arg0: i32) -> (i32, i32) {
    %c0_i32 = arith.constant 0 : i32
    %c0_i32_0 = arith.constant 0 : i32
    %c0_i32_1 = arith.constant 0 : i32
    return %c0_i32, %c0_i32_0 : i32, i32
  }
  func.func @transform_14(%arg0: i32) -> (i32, i32) {
    %c0_i32 = arith.constant 0 : i32
    %c0_i32_0 = arith.constant 0 : i32
    %c0_i32_1 = arith.constant 0 : i32
    return %c0_i32, %c0_i32_0 : i32, i32
  }
  func.func @transform_15(%arg0: i32) -> (i32, i32) {
    %c0_i32 = arith.constant 0 : i32
    %c0_i32_0 = arith.constant 0 : i32
    %c0_i32_1 = arith.constant 0 : i32
    return %c0_i32, %c0_i32_0 : i32, i32
  }
  func.func @transform_16(%arg0: i32) -> (i32, i32) {
    %c0_i32 = arith.constant 0 : i32
    %c0_i32_0 = arith.constant 0 : i32
    %c0_i32_1 = arith.constant 0 : i32
    return %c0_i32, %c0_i32_0 : i32, i32
  }
  func.func @transform_17(%arg0: i32) -> (i32, i32) {
    %c0_i32 = arith.constant 0 : i32
    %c0_i32_0 = arith.constant 0 : i32
    %c0_i32_1 = arith.constant 0 : i32
    return %c0_i32, %c0_i32_0 : i32, i32
  }
  func.func @transform_18(%arg0: i32) -> (i32, i32) {
    %c0_i32 = arith.constant 0 : i32
    %c0_i32_0 = arith.constant 0 : i32
    %c0_i32_1 = arith.constant 0 : i32
    return %c0_i32, %c0_i32_0 : i32, i32
  }
}

</mosaic_0001>

<sc_bundles>
// kernel: kernel.15.cloned.1.call-start
scs
__scs_entry_jumppad:
0x0: {  	(pc) =	sbr.rel $0x88, $3  }
0x1: {  	(tag) =	ssettag $0x0;
	lr =	simm.s32 $0x1  }
0x2: {  	[smem:$0x3F89] =	sst lr;
	_ =	strace $0xD0000000  }
0x3: {  	_ = 	snop  }
0x4: {  	_ = 	snop  }
0x5: {  	_ = 	snop  }
0x6: {  	_ = 	snop  }
0x7: {  	_ = 	snop  }
__scs_overlays_trampoline_lowered:
0x8: {  	[smem:$0x3F98] =	sst s0  }
0x9: {  	[smem:$0x3F99] =	sst s1  }
0xa: {  	[smem:$0x3F9A] =	sst s2  }
0xb: {  	[smem:$0x3F9B] =	sst s3  }
0xc: {  	[smem:$0x3F9C] =	sst s4  }
0xd: {  	[smem:$0x3F9D] =	sst s5  }
0xe: {  	[smem:$0x3F9E] =	sst s6  }
0xf: {  	[smem:$0x3F9F] =	sst s7  }
0x10: {  	[smem:$0x3FA0] =	sst s8  }
0x11: {  	[smem:$0x3FA1] =	sst s9;
	s0 =	simm.s32 @!p0 $0x0  }
0x12: {  	s1 =	sld [smem:$0x3F87];
	s0 =	simm.s32 @p0 $0x1  }
0x13: {  	[smem:$0x3FA2] =	sst s0;
	s0 =	simm.s32 @!p1 $0x0  }
0x14: {  	s2 =	sld [smem:$0x3F86];
	s0 =	simm.s32 @p1 $0x1  }
0x15: {  	[smem:$0x3FA3] =	sst s0;
	s0 =	simm.s32 @!p2 $0x0  }
0x16: {  	s3 =	sld [smem:$0x3FDB];
	s0 =	simm.s32 @p2 $0x1  }
0x17: {  	s4 =	simm.s32 $0x1BF5;
	[smem:$0x3FA5] =	sst s0  }
0x18: {  	s0 =	sld [smem:$0x3F88];
	_ =	swait.ge [sflag:s4], $0x0  }
0x19: {  	s7 =	sld [smem:$0x3F89]  }
0x1a: {  	s8 =	sadd.s32 $0xFFFFE003, lr  }
0x1b: {  	s9 =	sadd.s32 $0xFFFFFEF7, lr;
	s5 =	simm.s32 $0xFFFFFFFF;
	p2 =	slt.u32 s8, $0xFFFFF086  }
0x1c: {  	p1 =	slt.u32 s9, $0xF7A;
	s5 =	simm.s32 @!p2 $0x0  }
0x1d: {  	s5 =	simm.s32 @p1 $0x1;
	p0 =	seq.s32 s7, s2  }
0x1e: {  	s7 =	smul.u32 @!p0 $0xF7A, s2;
	p2 =	seq.s32 @!p0 s5, $0x0  }
0x1f: {  	s9 =	smul.u32 $0xF7A, s1;
	s8 =	simm.s32 @!p0 $0x1BF5;
	p2 =	por !p2, p0  }
0x20: {  	[sflag:s8] =	ssyncset.s32 @!p0 $0xFFFFF086;
	s6 =	sadd.s32 @!p0 s3, s7;
	s7 =	simm.s32 @!p0 $0x108  }
0x21: {  	s3 =	sadd.s32 s3, s9;
	s6 =	sadd.s32 @!p0 $0x88, s6;
	s7 =	simm.s32 @p2 $0x1082  }
0x22: {  	[simem:s7], [sflag:s8] =	dma.local @!p0 [hbm:s6], $0xF7A  }
0x23: {  	s9 =	sor.u32 $0xD0000000, s2;
	s6 =	simm.s32 $0x108;
	_ =	swait.ge @!p0 [sflag:s8], $0x0  }
0x24: {  	s3 =	sadd.s32 $0x88, s3;
	s6 =	simm.s32 @!p1 $0x1082;
	[sflag:s4] =	ssyncset.s32 $0xFFFFF086  }
0x25: {  	[simem:s6], [sflag:s4] =	dma.local [hbm:s3], $0xF7A  }
0x26: {  	[smem:$0x3F89] =	sst s1;
	(tag) =	ssettag s2;
	_ =	strace s9  }
0x27: {  	s1 =	sld [smem:$0x3F99]  }
0x28: {  	s2 =	sld [smem:$0x3F9A]  }
0x29: {  	s4 =	sld [smem:$0x3F9C]  }
0x2a: {  	p0 =	seq.s32 s5, $0x0;
	s5 =	sld [smem:$0x3F9D]  }
0x2b: {  	s6 =	sld [smem:$0x3F9E]  }
0x2c: {  	s7 =	sld [smem:$0x3F9F]  }
0x2d: {  	s3 =	simm.s32 $0x108;
	s8 =	sld [smem:$0x3FA0]  }
0x2e: {  	s3 =	simm.s32 @!p0 $0x1082;
	s9 =	sld [smem:$0x3FA1]  }
0x2f: {  	lr =	sadd.s32 s0, s3;
	s0 =	sld [smem:$0x3F98]  }
0x30: {  	s3 =	sld [smem:$0x3F9B]  }
0x31: {  	[smem:$0x3FA4] =	sst s10  }
0x32: {  	s10 =	sld [smem:$0x3FA2];
	_ =	sdelay $0x3  }
0x33: {  	p0 =	seq.s32 s10, $0x1;
	s10 =	sld [smem:$0x3FA4];
	_ =	sdelay $0x3  }
0x34: {  	[smem:$0x3FA4] =	sst s10  }
0x35: {  	s10 =	sld [smem:$0x3FA3];
	_ =	sdelay $0x3  }
0x36: {  	p1 =	seq.s32 s10, $0x1;
	s10 =	sld [smem:$0x3FA4];
	_ =	sdelay $0x3  }
0x37: {  	[smem:$0x3FA4] =	sst s10  }
0x38: {  	s10 =	sld [smem:$0x3FA5]  }
0x39: {  	_ = 	snop;
	(pc) =	sbr.ind lr, $3  }
0x3a: {  	_ = 	snop  }
0x3b: {  	_ = 	snop  }
0x3c: {  	p2 =	seq.s32 s10, $0x1;
	s10 =	sld [smem:$0x3FA4]  }
0x3d: {  	_ =	shalt  }
0x3e: {  	_ =	shalt  }
0x3f: {  	_ =	shalt  }
0x40: {  	_ =	shalt  }
0x41: {  	_ =	shalt  }
0x42: {  	_ =	shalt  }
0x43: {  	_ =	shalt  }
0x44: {  	_ =	shalt  }
0x45: {  	_ =	shalt  }
0x46: {  	_ =	shalt  }
0x47: {  	_ =	shalt  }
0x48: {  	_ =	shalt  }
0x49: {  	_ =	shalt  }
0x4a: {  	_ =	shalt  }
0x4b: {  	_ =	shalt  }
0x4c: {  	_ =	shalt  }
0x4d: {  	_ =	shalt  }
0x4e: {  	_ =	shalt  }
0x4f: {  	_ =	shalt  }
0x50: {  	_ =	shalt  }
0x51: {  	_ =	shalt  }
0x52: {  	_ =	shalt  }
0x53: {  	_ =	shalt  }
0x54: {  	_ =	shalt  }
0x55: {  	_ =	shalt  }
0x56: {  	_ =	shalt  }
0x57: {  	_ =	shalt  }
0x58: {  	_ =	shalt  }
0x59: {  	_ =	shalt  }
0x5a: {  	_ =	shalt  }
0x5b: {  	_ =	shalt  }
0x5c: {  	_ =	shalt  }
0x5d: {  	_ =	shalt  }
0x5e: {  	_ =	shalt  }
0x5f: {  	_ =	shalt  }
0x60: {  	_ =	shalt  }
0x61: {  	_ =	shalt  }
0x62: {  	_ =	shalt  }
0x63: {  	_ =	shalt  }
0x64: {  	_ =	shalt  }
0x65: {  	_ =	shalt  }
0x66: {  	_ =	shalt  }
0x67: {  	_ =	shalt  }
0x68: {  	_ =	shalt  }
0x69: {  	_ =	shalt  }
0x6a: {  	_ =	shalt  }
0x6b: {  	_ =	shalt  }
0x6c: {  	_ =	shalt  }
0x6d: {  	_ =	shalt  }
0x6e: {  	_ =	shalt  }
0x6f: {  	_ =	shalt  }
0x70: {  	_ =	shalt  }
0x71: {  	_ =	shalt  }
0x72: {  	_ =	shalt  }
0x73: {  	_ =	shalt  }
0x74: {  	_ =	shalt  }
0x75: {  	_ =	shalt  }
0x76: {  	_ =	shalt  }
0x77: {  	_ =	shalt  }
0x78: {  	_ =	shalt  }
0x79: {  	_ =	shalt  }
0x7a: {  	_ =	shalt  }
0x7b: {  	_ =	shalt  }
0x7c: {  	_ =	shalt  }
0x7d: {  	_ =	shalt  }
0x7e: {  	_ =	shalt  }
0x7f: {  	_ =	shalt  }
0x80: {  	_ =	shalt  }
0x81: {  	_ =	shalt  }
0x82: {  	_ =	shalt  }
0x83: {  	_ =	shalt  }
0x84: {  	_ =	shalt  }
0x85: {  	_ =	shalt  }
0x86: {  	_ =	shalt  }
0x87: {  	_ =	shalt  }
.Lfunc_end0:
.L_simem_size_0:
called_computation_lowered:
.L_overlay_start_0:
0x88: {  	s2 =	sld [smem:$0x3FD9]  }
0x89: {  	s3 =	sld [smem:$0x3FFE];
	_ =	sdelay $0x1  }
0x8a: {  	s1 =	srdreg.scid  }
0x8b: {  	s0 =	sand.u32 $0x1, s1  }
0x8c: {  	s16 =	sshll.u32 s0, $0xA;
	s2 =	sadd.s32 s3, s2  }
0x8d: {  	s2 =	sadd.s32 s2, s16  }
0x8e: {  	[smem:$0x3FB0] =	sst s2  }
0x8f: {  	_ = 	snop  }
0x90: {  	(tm) =	ssettm $0x1  }
0x91: {  	s17 =	sld [smem:$0x3FFB];
	_ =	sdelay $0x3  }
0x92: {  	_ =	strace s17  }
0x93: {  	s2 =	sld [smem:$0x3FFC];
	_ =	sdelay $0x3  }
0x94: {  	_ =	strace s2  }
0x95: {  	s2 =	sld [smem:$0x3FFD];
	_ =	sdelay $0x3  }
0x96: {  	_ =	strace s2  }
0x97: {  	_ =	strace $0x8FFFFFFF  }
0x98: {  	s18 =	sld [smem:$0x3FDB];
	_ =	sdelay $0x1  }
0x99: {  	s19 =	simm.s32 $_scs_section_size  }
0x9a: {  	s4 =	simm.s32 $_size__tile_overlayer_lowered;
	s5 =	simm.s32 $_tile_overlayer_lowered  }
0x9b: {  	s22 =	simm.s32 $0x1BFF;
	s21 =	sshll.u32 s5, $0x1;
	s2 =	sadd.s32 s19, s18  }
0x9c: {  	s6 =	simm.s32 $0x0;
	s20 =	sshll.u32 s4, $0x1;
	s4 =	sadd.s32 s21, s2  }
0x9d: {  	[timem:s6], [sflag:s22] =	dma.local [hbm:s4], s20  }
0x9e: {  	_ =	swait.ge [sflag:s22], s20  }
0x9f: {  	s3 =	ssub.s32 $0x0, s20;
	[sflag:s22] =	ssyncset.done $0x0  }
0xa0: {  	[sflag:s22] =	ssyncadd.s32 s3;
	_ =	sdelay $0x1  }
0xa1: {  	s23 =	simm.s32 $0x1B8B  }
0xa2: {  	_ =	swait.ge [sflag:s23], $0x1  }
0xa3: {  	[sflag:s23] =	ssyncset.done $0x0  }
0xa4: {  	s25 =	simm.s32 $0x1B8E;
	s24 =	sld [smem:$0x3FFE];
	[sflag:s23] =	ssyncadd.s32 $0xFFFFFFFF  }
0xa5: {  	s26 =	simm.s32 $execute0_lowered;
	[smem:$0x3FD2] =	sst s25  }
0xa6: {  	s4 =	sshll.u32 s26, $0x1;
	_ =	strace $0x80000046;
	[dreg:$0x1] =	wrdreg $0xFFFFFFFF  }
0xa7: {  	s28 =	simm.s32 $_size_execute0_lowered;
	s2 =	sadd.s32 s2, s4;
	[dreg:$0x0] =	wrdreg $0x0  }
0xa8: {  	s4 =	sshll.u32 s28, $0x1;
	[dreg:$0x2] =	wrdreg s2  }
0xa9: {  	[dreg:$0x3] =	wrdreg s4  }
0xaa: {  	[dreg:$0x4] =	wrdreg $0xC0  }
0xab: {  	_ =	task [dreg:s6], $0x5FFFF  }
0xac: {  	[dreg:$0x1] =	wrdreg $0xFFFFFFFF  }
0xad: {  	[dreg:$0x0] =	wrdreg $0x60  }
0xae: {  	[dreg:$0x2] =	wrdreg s24  }
0xaf: {  	[dreg:$0x3] =	wrdreg $0x9  }
0xb0: {  	_ =	task.clear_ibuf [dreg:s6], $0x4FFFF;
	_ =	strace $0x90000046  }
0xb1: {  	s29 =	simm.s32 $0x9;
	_ =	strace $0x80000048  }
0xb2: {  	_ =	swait.ge [sflag:s29], $0x1  }
0xb3: {  	[sflag:s29] =	ssyncadd.s32 $0xFFFFFFFF  }
0xb4: {  	_ =	strace $0x90000048  }
0xb5: {  	_ =	sfence  }
0xb6: {  	s30 =	sld [smem:$0x0];
	_ =	sdelay $0x2  }
0xb7: {  	s31 =	sshll.u32 s1, $0xD;
	s1 =	sshrl.u32 s1, $0x2  }
0xb8: {  	s3 =	sand.u32 $0x4000, s31;
	s1 =	sadd.s32 s1, s30  }
0xb9: {  	s0 =	sor.u32 s3, s0;
	s1 =	sshll.u32 s1, $0x11  }
0xba: {  	s0 =	sor.u32 s1, s0  }
0xbb: {  	s0 =	sadd.s32 $0x8F2B, s0  }
0xbc: {  	[sflag:s0] =	ssyncadd.remote.s32 $0x1  }
0xbd: {  	_ =	sfence.sel $0xFFFF  }
0xbe: {  	[dreg:$0x0] =	wrdreg $0xFFFFFFFF;
	(pc) =	sbr.abs _section_cstart, $3  }
0xbf: {  	[dreg:$0x1] =	wrdreg $0xFFFFFFFF  }
0xc0: {  	_ =	task.clear_ibuf [dreg:s6], $0x2FFFF;
	_ =	strace $0x9FFFFFFF  }
0xc1: {  	(tm) =	ssettm $0x7FFFFFFF  }
tec
execute0_lowered:
.L_overlay_start_1:
0x0: {  	(tag) =	ssettag $0x1  }
0x1: {  	s0 =	srdreg.scid;
	s11 =	stileid.u32  }
0x2: {  	s5 =	rddreg [dreg:$0x0];
	s2 =	simm.s32 $0x0;
	s28 =	simm.s32 $0x11000  }
0x3: {  	s29 =	simm.s32 $0x1;
	s30 =	simm.s32 $0x2;
	s21 =	smul.u32 $0x138000, s11  }
0x4: {  	s31 =	simm.s32 $0x3;
	s0 =	sand.u32 $0x1, s0;
	s23 =	smul.u32 $0x27000, s11  }
0x5: {  	[smem:$0x7FF] =	sst s2;
	s1 =	sshll.u32 s0, $0x4;
	s18 =	smul.u32 $0x1380000, s0  }
0x6: {  	s9 =	ssub.s32 $0x2, s0;
	s0 =	smul.u32 $0x270000, s0;
	s1 =	sor.u32 s11, s1  }
0x7: {  	s12 =	simm.s32 $0x15900;
	_ =	strace $0x80000047;
	s4 =	smul.u32 $0x500, s1  }
0x8: {  	s10 =	sshrl.u32 s9, $0x1;
	s11 =	simm.s32 $0x15100;
	s14 =	smul.u32 $0x138000, s1  }
0x9: {  	s3 =	sshll.u32 s1, $0x4;
	s9 =	ssub.s32 s9, s10;
	s1 =	smul.u32 $0x27000, s1  }
0xa: {  	s24 =	sadd.s32 s21, s18;
	s6 =	sor.u32 $0x4E000, s3;
	s3 =	sadd.s32 $0x32400, s5  }
0xb: {  	s19 =	smax.u32 s9, $0x1;
	s7 =	sshrl.u32 s6, $0x3;
	s8 =	sadd.s32 s4, s5  }
0xc: {  	s4 =	sadd.s32 $0x59600, s5;
	s6 =	sshll.u32 s6, $0x4;
	s17 =	sshrl.u32 s14, $0x3  }
0xd: {  	[dreg:$0x8] =	wrdreg s19;
	s1 =	sor.u32 $0x800, s1;
	s13 =	sadd.s32 $0x28400, s8  }
0xe: {  	s7 =	sadd.s32 s7, s5;
	s8 =	sadd.s32 $0x1E400, s8;
	[dreg:$0x2] =	wrdreg s13  }
0xf: {  	s5 =	sadd.s32 $0x53B600, s5;
	s16 =	sadd.s32 s4, s6;
	[dreg:$0x3] =	wrdreg s8  }
0x10: {  	s20 =	sadd.s32 s4, s17;
	s22 =	sadd.s32 s4, s1;
	[dreg:$0x6] =	wrdreg s16  }
0x11: {  	s25 =	sadd.s32 s0, s4;
	s15 =	sadd.s32 $0xA800, s7;
	[dreg:$0x9] =	wrdreg s20  }
0x12: {  	s7 =	sadd.s32 $0x14600, s7;
	s6 =	sadd.s32 s5, s6;
	[dreg:$0xb] =	wrdreg s22  }
0x13: {  	s1 =	sadd.s32 s5, s1;
	s0 =	sadd.s32 s0, s5;
	[dreg:$0x4] =	wrdreg s15  }
0x14: {  	s26 =	sadd.s32 s23, s25;
	s20 =	simm.s32 $0x9;
	[dreg:$0x5] =	wrdreg s7  }
0x15: {  	s22 =	simm.s32 $0x80;
	s25 =	simm.s32 $0xD000;
	[dreg:$0x7] =	wrdreg s6  }
0x16: {  	s13 =	simm.s32 $0x0;
	s6 =	sadd.s32 s5, s17;
	[dreg:$0xc] =	wrdreg s1  }
0x17: {  	s17 =	sadd.s32 $0x8000, s24;
	s0 =	sadd.s32 s23, s0;
	s18 =	sadd.s32 $0x1800, s26  }
0x18: {  	s23 =	simm.s32 $0x5000;
	s24 =	simm.s32 $0x9000;
	s1 =	simm.s32 $0x4  }
0x19: {  	s26 =	simm.s32 $0x6;
	s7 =	simm.s32 $0x8;
	[dreg:$0xa] =	wrdreg s6  }
0x1a: {  	s8 =	sadd.s32 $0x1800, s0;
	s0 =	simm.s32 $0x5;
	s6 =	simm.s32 $0x7  }
.LBB2_1:
0x1b: {  	s9 =	rddreg [dreg:$0x2]  }
0x1c: {  	[tilespmem:s2], [sflag:$0x9] =	stream.linear.gather [hbm4b:s9+s2], $0x2700, $0x38;
	[tilespmem:$0x16100] =	vst v63  }
0x1d: {  	_ =	swait.ge [sflag:s20], $0x2700  }
0x1e: {  	[sflag:s20] =	ssyncset.done $0x0  }
0x1f: {  	s10 =	simm.s32 $0x2800;
	s15 =	rddreg [dreg:$0x3];
	[sflag:s20] =	ssyncadd.s32 $0xFFFFD900  }
0x20: {  	[tilespmem:s10], [sflag:$0x9] =	stream.linear.gather [hbm4b:s15+s2], $0x2700, $0x38;
	[tilespmem:$0x16100] =	vst v63  }
0x21: {  	_ =	swait.ge [sflag:s20], $0x2700  }
0x22: {  	[sflag:s20] =	ssyncset.done $0x0  }
0x23: {  	[sflag:s20] =	ssyncadd.s32 $0xFFFFD900  }
0x24: {  	[tilespmem:s23], [sflag:$0x1] =	stream.indirect.gather [hbm4b:s3+s22], $0x80, s2, s22, $0xb8;
	[tilespmem:$0x16100] =	vst v63  }
0x25: {  	_ = 	snop  }
0x26: {  	[tilespmem:s24], [sflag:$0x2] =	stream.indirect.gather [hbm4b:s3+s22], $0x80, s10, s22, $0xb8;
	[tilespmem:$0x16100] =	vst v63  }
0x27: {  	_ = 	snop  }
0x28: {  	[tilespmem:s25], [sflag:$0x3] =	stream.indirect.gather [hbm4b:s3+s22], $0x80, s22, s22, $0xb8;
	[tilespmem:$0x16100] =	vst v63  }
0x29: {  	s16 =	simm.s32 $0x2880  }
0x2a: {  	[tilespmem:s28], [sflag:$0x4] =	stream.indirect.gather [hbm4b:s3+s22], $0x80, s16, s22, $0xb8;
	[tilespmem:$0x16100] =	vst v63  }
0x2b: {  	_ =	swait.ge [sflag:s29], $0x4000  }
0x2c: {  	[sflag:s29] =	ssyncset.done $0x0  }
0x2d: {  	[sflag:s29] =	ssyncadd.s32 $0xFFFFC000  }
0x2e: {  	_ =	swait.ge [sflag:s30], $0x4000  }
0x2f: {  	[sflag:s30] =	ssyncset.done $0x0  }
0x30: {  	s19 =	rddreg [dreg:$0x9];
	[sflag:s30] =	ssyncadd.s32 $0xFFFFC000  }
0x31: {  	[hbm4b:s19+s2] =	stream.linear.scatter [tilespmem:s23], [sflag:$0x5], $0x4000, $0x38;
	[tilespmem:$0x16100] =	vst v63  }
0x32: {  	s21 =	rddreg [dreg:$0xa]  }
0x33: {  	[hbm4b:s21+s2] =	stream.linear.scatter [tilespmem:s24], [sflag:$0x6], $0x4000, $0x38;
	[tilespmem:$0x16100] =	vst v63  }
0x34: {  	_ =	swait.ge [sflag:s31], $0x4000  }
0x35: {  	[sflag:s31] =	ssyncset.done $0x0  }
0x36: {  	[sflag:s31] =	ssyncadd.s32 $0xFFFFC000  }
0x37: {  	_ =	swait.ge [sflag:s1], $0x4000  }
0x38: {  	[sflag:s1] =	ssyncset.done $0x0  }
0x39: {  	s10 =	rddreg [dreg:$0xb];
	[sflag:s1] =	ssyncadd.s32 $0xFFFFC000  }
0x3a: {  	[hbm4b:s10+s2] =	stream.linear.scatter [tilespmem:s25], [sflag:$0x7], $0x4000, $0x38;
	[tilespmem:$0x16100] =	vst v63  }
0x3b: {  	s14 =	rddreg [dreg:$0xc]  }
0x3c: {  	[hbm4b:s14+s2] =	stream.linear.scatter [tilespmem:s28], [sflag:$0x8], $0x4000, $0x38;
	[tilespmem:$0x16100] =	vst v63  }
0x3d: {  	_ =	swait.ge [sflag:s0], $0x4000  }
0x3e: {  	[sflag:s0] =	ssyncset.done $0x0  }
0x3f: {  	[sflag:s0] =	ssyncadd.s32 $0xFFFFC000  }
0x40: {  	_ =	swait.ge [sflag:s26], $0x4000  }
0x41: {  	[sflag:s26] =	ssyncset.done $0x0  }
0x42: {  	s14 =	simm.s32 $0x100;
	[sflag:s26] =	ssyncadd.s32 $0xFFFFC000  }
0x43: {  	[tilespmem:s23], [sflag:$0x1] =	stream.indirect.gather [hbm4b:s3+s22], $0x80, s14, s22, $0xb8;
	[tilespmem:$0x16100] =	vst v63  }
0x44: {  	s15 =	simm.s32 $0x2900  }
0x45: {  	[tilespmem:s24], [sflag:$0x2] =	stream.indirect.gather [hbm4b:s3+s22], $0x80, s15, s22, $0xb8;
	[tilespmem:$0x16100] =	vst v63  }
0x46: {  	_ =	swait.ge [sflag:s6], $0x4000  }
0x47: {  	[sflag:s6] =	ssyncset.done $0x0  }
0x48: {  	[sflag:s6] =	ssyncadd.s32 $0xFFFFC000  }
0x49: {  	_ =	swait.ge [sflag:s7], $0x4000  }
0x4a: {  	[sflag:s7] =	ssyncset.done $0x0  }
0x4b: {  	s16 =	simm.s32 $0x180;
	[sflag:s7] =	ssyncadd.s32 $0xFFFFC000  }
0x4c: {  	[tilespmem:s25], [sflag:$0x3] =	stream.indirect.gather [hbm4b:s3+s22], $0x80, s16, s22, $0xb8;
	[tilespmem:$0x16100] =	vst v63  }
0x4d: {  	s19 =	simm.s32 $0x2980  }
0x4e: {  	[tilespmem:s28], [sflag:$0x4] =	stream.indirect.gather [hbm4b:s3+s22], $0x80, s19, s22, $0xb8;
	[tilespmem:$0x16100] =	vst v63  }
0x4f: {  	_ =	swait.ge [sflag:s29], $0x4000  }
0x50: {  	[sflag:s29] =	ssyncset.done $0x0  }
0x51: {  	[sflag:s29] =	ssyncadd.s32 $0xFFFFC000  }
0x52: {  	_ =	swait.ge [sflag:s30], $0x4000  }
0x53: {  	s21 =	sshrl.u32 s17, $0x3;
	[sflag:s30] =	ssyncset.done $0x0  }
0x54: {  	s15 =	sadd.s32 s4, s21;
	[sflag:s30] =	ssyncadd.s32 $0xFFFFC000  }
0x55: {  	[hbm4b:s15+s2] =	stream.linear.scatter [tilespmem:s23], [sflag:$0x5], $0x4000, $0x38;
	[tilespmem:$0x16100] =	vst v63  }
0x56: {  	s14 =	sadd.s32 s5, s21  }
0x57: {  	[hbm4b:s14+s2] =	stream.linear.scatter [tilespmem:s24], [sflag:$0x6], $0x4000, $0x38;
	[tilespmem:$0x16100] =	vst v63  }
0x58: {  	_ =	swait.ge [sflag:s31], $0x4000  }
0x59: {  	[sflag:s31] =	ssyncset.done $0x0  }
0x5a: {  	[sflag:s31] =	ssyncadd.s32 $0xFFFFC000  }
0x5b: {  	s21 =	sadd.s32 $0x1000, s8;
	_ =	swait.ge [sflag:s1], $0x4000  }
0x5c: {  	s16 =	sadd.s32 $0x1000, s18;
	s19 =	smov.u32 s8;
	[sflag:s1] =	ssyncset.done $0x0  }
0x5d: {  	s15 =	sadd.s32 $0x8000, s17;
	s14 =	simm.s32 $0x400;
	[sflag:s1] =	ssyncadd.s32 $0xFFFFC000  }
0x5e: {  	[hbm4b:s18+s2] =	stream.linear.scatter [tilespmem:s25], [sflag:$0x7], $0x4000, $0x38;
	[tilespmem:$0x16100] =	vst v63  }
.LBB2_2:
0x5f: {  	[hbm4b:s19+s2] =	stream.linear.scatter [tilespmem:s28], [sflag:$0x8], $0x4000, $0x38;
	[tilespmem:$0x16100] =	vst v63  }
0x60: {  	s9 =	smov.u32 s14;
	s19 =	smov.u32 s21  }
0x61: {  	p0 =	sne.s32 s14, $0x9400;
	s14 =	sadd.s32 $0x400, s14;
	_ =	swait.ge [sflag:s0], $0x4000  }
0x62: {  	[sflag:s0] =	ssyncset.done $0x0  }
0x63: {  	[sflag:s0] =	ssyncadd.s32 $0xFFFFC000  }
0x64: {  	_ =	swait.ge [sflag:s26], $0x4000  }
0x65: {  	s9 =	sshra.s32 s9, $0x2;
	[sflag:s26] =	ssyncset.done $0x0  }
0x66: {  	s10 =	sadd.s32 $0x100, s9;
	[sflag:s26] =	ssyncadd.s32 $0xFFFFC000  }
0x67: {  	[tilespmem:s23], [sflag:$0x1] =	stream.indirect.gather [hbm4b:s3+s22], $0x80, s10, s22, $0xb8;
	[tilespmem:$0x16100] =	vst v63  }
0x68: {  	s10 =	sadd.s32 $0x2900, s9  }
0x69: {  	[tilespmem:s24], [sflag:$0x2] =	stream.indirect.gather [hbm4b:s3+s22], $0x80, s10, s22, $0xb8;
	[tilespmem:$0x16100] =	vst v63  }
0x6a: {  	_ =	swait.ge [sflag:s6], $0x4000  }
0x6b: {  	[sflag:s6] =	ssyncset.done $0x0  }
0x6c: {  	[sflag:s6] =	ssyncadd.s32 $0xFFFFC000  }
0x6d: {  	_ =	swait.ge [sflag:s7], $0x4000  }
0x6e: {  	[sflag:s7] =	ssyncset.done $0x0  }
0x6f: {  	s10 =	sadd.s32 $0x180, s9;
	[sflag:s7] =	ssyncadd.s32 $0xFFFFC000  }
0x70: {  	[tilespmem:s25], [sflag:$0x3] =	stream.indirect.gather [hbm4b:s3+s22], $0x80, s10, s22, $0xb8;
	[tilespmem:$0x16100] =	vst v63  }
0x71: {  	s9 =	sadd.s32 $0x2980, s9  }
0x72: {  	[tilespmem:s28], [sflag:$0x4] =	stream.indirect.gather [hbm4b:s3+s22], $0x80, s9, s22, $0xb8;
	[tilespmem:$0x16100] =	vst v63  }
0x73: {  	_ =	swait.ge [sflag:s29], $0x4000  }
0x74: {  	[sflag:s29] =	ssyncset.done $0x0  }
0x75: {  	[sflag:s29] =	ssyncadd.s32 $0xFFFFC000  }
0x76: {  	_ =	swait.ge [sflag:s30], $0x4000  }
0x77: {  	s9 =	sshrl.u32 s15, $0x3;
	[sflag:s30] =	ssyncset.done $0x0  }
0x78: {  	s10 =	sadd.s32 s4, s9;
	[sflag:s30] =	ssyncadd.s32 $0xFFFFC000  }
0x79: {  	[hbm4b:s10+s2] =	stream.linear.scatter [tilespmem:s23], [sflag:$0x5], $0x4000, $0x38;
	[tilespmem:$0x16100] =	vst v63  }
0x7a: {  	s9 =	sadd.s32 s5, s9  }
0x7b: {  	[hbm4b:s9+s2] =	stream.linear.scatter [tilespmem:s24], [sflag:$0x6], $0x4000, $0x38;
	[tilespmem:$0x16100] =	vst v63  }
0x7c: {  	_ =	swait.ge [sflag:s31], $0x4000  }
0x7d: {  	[sflag:s31] =	ssyncset.done $0x0  }
0x7e: {  	[sflag:s31] =	ssyncadd.s32 $0xFFFFC000  }
.Ltmp0:
0x7f: {  	_ =	swait.ge [sflag:s1], $0x4000;
	(pc) =	sbr.rel @p0 .LBB2_2-.Ltmp0, $4  }
0x80: {  	[sflag:s1] =	ssyncset.done $0x0  }
0x81: {  	[sflag:s1] =	ssyncadd.s32 $0xFFFFC000  }
0x82: {  	[hbm4b:s16+s2] =	stream.linear.scatter [tilespmem:s25], [sflag:$0x7], $0x4000, $0x38;
	[tilespmem:$0x16100] =	vst v63  }
0x83: {  	s21 =	sadd.s32 $0x1000, s21;
	s15 =	sadd.s32 $0x8000, s15;
	s16 =	sadd.s32 $0x1000, s16  }
0x84: {  	[hbm4b:s19+s2] =	stream.linear.scatter [tilespmem:s28], [sflag:$0x8], $0x4000, $0x38;
	[tilespmem:$0x16100] =	vst v63  }
0x85: {  	_ =	swait.ge [sflag:s0], $0x4000  }
0x86: {  	[sflag:s0] =	ssyncset.done $0x0  }
0x87: {  	[sflag:s0] =	ssyncadd.s32 $0xFFFFC000  }
0x88: {  	_ =	swait.ge [sflag:s26], $0x4000  }
0x89: {  	[sflag:s26] =	ssyncset.done $0x0  }
0x8a: {  	[sflag:s26] =	ssyncadd.s32 $0xFFFFC000  }
0x8b: {  	_ =	swait.ge [sflag:s6], $0x4000  }
0x8c: {  	[sflag:s6] =	ssyncset.done $0x0  }
0x8d: {  	[sflag:s6] =	ssyncadd.s32 $0xFFFFC000  }
0x8e: {  	_ =	swait.ge [sflag:s7], $0x4000  }
0x8f: {  	[sflag:s7] =	ssyncset.done $0x0  }
0x90: {  	s10 =	simm.s32 $0x15000;
	s9 =	rddreg [dreg:$0x4];
	[sflag:s7] =	ssyncadd.s32 $0xFFFFC000  }
0x91: {  	[tilespmem:s10], [sflag:$0x9] =	stream.linear.gather [hbm4b:s9+s2], $0x10, $0x38;
	[tilespmem:$0x16100] =	vst v63  }
0x92: {  	_ =	swait.ge [sflag:s20], $0x10  }
0x93: {  	[sflag:s20] =	ssyncset.done $0x0  }
0x94: {  	s14 =	simm.s32 $0x15080;
	s21 =	rddreg [dreg:$0x5];
	[sflag:s20] =	ssyncadd.s32 $0xFFFFFFF0  }
0x95: {  	[tilespmem:s14], [sflag:$0x9] =	stream.linear.gather [hbm4b:s21+s2], $0x10, $0x38;
	[tilespmem:$0x16100] =	vst v63  }
0x96: {  	_ =	swait.ge [sflag:s20], $0x10  }
0x97: {  	[sflag:s20] =	ssyncset.done $0x0  }
0x98: {  	s15 =	simm.s32 $0x10;
	[sflag:s20] =	ssyncadd.s32 $0xFFFFFFF0  }
0x99: {  	[tilespmem:s11], [sflag:$0x9] =	stream.indirect.gather [hbm4b:s3+s15], $0x80, s10, s15, $0xb8;
	[tilespmem:$0x16100] =	vst v63  }
0x9a: {  	_ =	swait.ge [sflag:s20], $0x800  }
0x9b: {  	[sflag:s20] =	ssyncset.done $0x0  }
0x9c: {  	[sflag:s20] =	ssyncadd.s32 $0xFFFFF800  }
0x9d: {  	[tilespmem:s12], [sflag:$0x9] =	stream.indirect.gather [hbm4b:s3+s15], $0x80, s14, s15, $0xb8;
	[tilespmem:$0x16100] =	vst v63  }
0x9e: {  	_ =	swait.ge [sflag:s20], $0x800  }
0x9f: {  	[sflag:s20] =	ssyncset.done $0x0  }
0xa0: {  	s16 =	rddreg [dreg:$0x6];
	[sflag:s20] =	ssyncadd.s32 $0xFFFFF800  }
0xa1: {  	[hbm4b:s16+s2] =	stream.linear.scatter [tilespmem:s11], [sflag:$0x9], $0x800, $0x38;
	[tilespmem:$0x16100] =	vst v63  }
0xa2: {  	_ =	swait.ge [sflag:s20], $0x800  }
0xa3: {  	[sflag:s20] =	ssyncset.done $0x0  }
0xa4: {  	s19 =	rddreg [dreg:$0x7];
	[sflag:s20] =	ssyncadd.s32 $0xFFFFF800  }
0xa5: {  	[hbm4b:s19+s2] =	stream.linear.scatter [tilespmem:s12], [sflag:$0x9], $0x800, $0x38;
	[tilespmem:$0x16100] =	vst v63  }
0xa6: {  	_ =	swait.ge [sflag:s20], $0x800  }
0xa7: {  	s13 =	sadd.s32 $0x1, s13;
	s21 =	rddreg [dreg:$0x8]  }
0xa8: {  	p0 =	sne.s32 s13, s21  }
.Ltmp1:
0xa9: {  	_ = 	snop;
	(pc) =	sbr.rel @p0 .LBB2_1-.Ltmp1, $3  }
0xaa: {  	_ =	sdelay $0x1  }
0xab: {  	[sflag:s20] =	ssyncset.done $0x0  }
0xac: {  	[sflag:s20] =	ssyncadd.s32 $0xFFFFF800  }
0xad: {  	_ =	sfence.sel $0x180000  }
0xae: {  	[bflag:$0x0] =	sbarrier.arrive $0xFFFF  }
0xaf: {  	_ =	strace $0x90000047  }
0xb0: {  	s0 =	stileid.u32;
	[bflag:$0x2] =	sbarrier.arrive $0xFFFF  }
0xb1: {  	p0 =	sne.s32 s0, $0x0;
	s0 =	rddreg [dreg:$0x1]  }
0xb2: {  	s0 =	sadd.s32 @!p0 $0x100000, s0  }
0xb3: {  	[sflag:s0] =	ssyncadd.tile.s32 @!p0 $0x1;
	_ =	shalt  }
.Lfunc_end2:
_tile_overlayer_lowered:
.L_overlay_start_2:
0xb4: {  	(tag) =	ssettag $0x2  }
0xb5: {  	s0 =	rddreg [dreg:$0x0];
	s2 =	stileid.u32  }
0xb6: {  	s1 =	rddreg [dreg:$0x1];
	p0 =	sne.s32 s2, $0x0  }
0xb7: {  	s3 =	rddreg [dreg:$0x2];
	[bflag:$0x3] =	sbarrier.arrive $0xFFFF;
	s2 =	simm.s32 @!p0 $0x1C09  }
0xb8: {  	[timem:s3], [sflag:s2] =	dma.local @!p0 [hbm:s0], s1  }
0xb9: {  	s0 =	simm.s32 @!p0 $0x9  }
0xba: {  	_ =	swait.ge @!p0 [sflag:s0], s1  }
0xbb: {  	s1 =	ssub.s32 @!p0 $0x0, s1;
	[sflag:s0] =	ssyncset.done @!p0 $0x0  }
0xbc: {  	[sflag:s0] =	ssyncadd.s32 @!p0 s1  }
0xbd: {  	[bflag:$0x3] =	sbarrier.arrive $0xFFFF  }
0xbe: {  	_ =	shalt  }

// kernel: kernel.18.cloned.1.call-start
scs
__scs_entry_jumppad:
0x0: {  	(pc) =	sbr.rel $0x88, $3  }
0x1: {  	(tag) =	ssettag $0x0;
	lr =	simm.s32 $0x1  }
0x2: {  	[smem:$0x3F89] =	sst lr;
	_ =	strace $0xD0000000  }
0x3: {  	_ = 	snop  }
0x4: {  	_ = 	snop  }
0x5: {  	_ = 	snop  }
0x6: {  	_ = 	snop  }
0x7: {  	_ = 	snop  }
__scs_overlays_trampoline_lowered:
0x8: {  	[smem:$0x3F98] =	sst s0  }
0x9: {  	[smem:$0x3F99] =	sst s1  }
0xa: {  	[smem:$0x3F9A] =	sst s2  }
0xb: {  	[smem:$0x3F9B] =	sst s3  }
0xc: {  	[smem:$0x3F9C] =	sst s4  }
0xd: {  	[smem:$0x3F9D] =	sst s5  }
0xe: {  	[smem:$0x3F9E] =	sst s6  }
0xf: {  	[smem:$0x3F9F] =	sst s7  }
0x10: {  	[smem:$0x3FA0] =	sst s8  }
0x11: {  	[smem:$0x3FA1] =	sst s9;
	s0 =	simm.s32 @!p0 $0x0  }
0x12: {  	s1 =	sld [smem:$0x3F87];
	s0 =	simm.s32 @p0 $0x1  }
0x13: {  	[smem:$0x3FA2] =	sst s0;
	s0 =	simm.s32 @!p1 $0x0  }
0x14: {  	s2 =	sld [smem:$0x3F86];
	s0 =	simm.s32 @p1 $0x1  }
0x15: {  	[smem:$0x3FA3] =	sst s0;
	s0 =	simm.s32 @!p2 $0x0  }
0x16: {  	s3 =	sld [smem:$0x3FDB];
	s0 =	simm.s32 @p2 $0x1  }
0x17: {  	s4 =	simm.s32 $0x1BF5;
	[smem:$0x3FA5] =	sst s0  }
0x18: {  	s0 =	sld [smem:$0x3F88];
	_ =	swait.ge [sflag:s4], $0x0  }
0x19: {  	s7 =	sld [smem:$0x3F89]  }
0x1a: {  	s8 =	sadd.s32 $0xFFFFE003, lr  }
0x1b: {  	s9 =	sadd.s32 $0xFFFFFEF7, lr;
	s5 =	simm.s32 $0xFFFFFFFF;
	p2 =	slt.u32 s8, $0xFFFFF086  }
0x1c: {  	p1 =	slt.u32 s9, $0xF7A;
	s5 =	simm.s32 @!p2 $0x0  }
0x1d: {  	s5 =	simm.s32 @p1 $0x1;
	p0 =	seq.s32 s7, s2  }
0x1e: {  	s7 =	smul.u32 @!p0 $0xF7A, s2;
	p2 =	seq.s32 @!p0 s5, $0x0  }
0x1f: {  	s9 =	smul.u32 $0xF7A, s1;
	s8 =	simm.s32 @!p0 $0x1BF5;
	p2 =	por !p2, p0  }
0x20: {  	[sflag:s8] =	ssyncset.s32 @!p0 $0xFFFFF086;
	s6 =	sadd.s32 @!p0 s3, s7;
	s7 =	simm.s32 @!p0 $0x108  }
0x21: {  	s3 =	sadd.s32 s3, s9;
	s6 =	sadd.s32 @!p0 $0x88, s6;
	s7 =	simm.s32 @p2 $0x1082  }
0x22: {  	[simem:s7], [sflag:s8] =	dma.local @!p0 [hbm:s6], $0xF7A  }
0x23: {  	s9 =	sor.u32 $0xD0000000, s2;
	s6 =	simm.s32 $0x108;
	_ =	swait.ge @!p0 [sflag:s8], $0x0  }
0x24: {  	s3 =	sadd.s32 $0x88, s3;
	s6 =	simm.s32 @!p1 $0x1082;
	[sflag:s4] =	ssyncset.s32 $0xFFFFF086  }
0x25: {  	[simem:s6], [sflag:s4] =	dma.local [hbm:s3], $0xF7A  }
0x26: {  	[smem:$0x3F89] =	sst s1;
	(tag) =	ssettag s2;
	_ =	strace s9  }
0x27: {  	s1 =	sld [smem:$0x3F99]  }
0x28: {  	s2 =	sld [smem:$0x3F9A]  }
0x29: {  	s4 =	sld [smem:$0x3F9C]  }
0x2a: {  	p0 =	seq.s32 s5, $0x0;
	s5 =	sld [smem:$0x3F9D]  }
0x2b: {  	s6 =	sld [smem:$0x3F9E]  }
0x2c: {  	s7 =	sld [smem:$0x3F9F]  }
0x2d: {  	s3 =	simm.s32 $0x108;
	s8 =	sld [smem:$0x3FA0]  }
0x2e: {  	s3 =	simm.s32 @!p0 $0x1082;
	s9 =	sld [smem:$0x3FA1]  }
0x2f: {  	lr =	sadd.s32 s0, s3;
	s0 =	sld [smem:$0x3F98]  }
0x30: {  	s3 =	sld [smem:$0x3F9B]  }
0x31: {  	[smem:$0x3FA4] =	sst s10  }
0x32: {  	s10 =	sld [smem:$0x3FA2];
	_ =	sdelay $0x3  }
0x33: {  	p0 =	seq.s32 s10, $0x1;
	s10 =	sld [smem:$0x3FA4];
	_ =	sdelay $0x3  }
0x34: {  	[smem:$0x3FA4] =	sst s10  }
0x35: {  	s10 =	sld [smem:$0x3FA3];
	_ =	sdelay $0x3  }
0x36: {  	p1 =	seq.s32 s10, $0x1;
	s10 =	sld [smem:$0x3FA4];
	_ =	sdelay $0x3  }
0x37: {  	[smem:$0x3FA4] =	sst s10  }
0x38: {  	s10 =	sld [smem:$0x3FA5]  }
0x39: {  	_ = 	snop;
	(pc) =	sbr.ind lr, $3  }
0x3a: {  	_ = 	snop  }
0x3b: {  	_ = 	snop  }
0x3c: {  	p2 =	seq.s32 s10, $0x1;
	s10 =	sld [smem:$0x3FA4]  }
0x3d: {  	_ =	shalt  }
0x3e: {  	_ =	shalt  }
0x3f: {  	_ =	shalt  }
0x40: {  	_ =	shalt  }
0x41: {  	_ =	shalt  }
0x42: {  	_ =	shalt  }
0x43: {  	_ =	shalt  }
0x44: {  	_ =	shalt  }
0x45: {  	_ =	shalt  }
0x46: {  	_ =	shalt  }
0x47: {  	_ =	shalt  }
0x48: {  	_ =	shalt  }
0x49: {  	_ =	shalt  }
0x4a: {  	_ =	shalt  }
0x4b: {  	_ =	shalt  }
0x4c: {  	_ =	shalt  }
0x4d: {  	_ =	shalt  }
0x4e: {  	_ =	shalt  }
0x4f: {  	_ =	shalt  }
0x50: {  	_ =	shalt  }
0x51: {  	_ =	shalt  }
0x52: {  	_ =	shalt  }
0x53: {  	_ =	shalt  }
0x54: {  	_ =	shalt  }
0x55: {  	_ =	shalt  }
0x56: {  	_ =	shalt  }
0x57: {  	_ =	shalt  }
0x58: {  	_ =	shalt  }
0x59: {  	_ =	shalt  }
0x5a: {  	_ =	shalt  }
0x5b: {  	_ =	shalt  }
0x5c: {  	_ =	shalt  }
0x5d: {  	_ =	shalt  }
0x5e: {  	_ =	shalt  }
0x5f: {  	_ =	shalt  }
0x60: {  	_ =	shalt  }
0x61: {  	_ =	shalt  }
0x62: {  	_ =	shalt  }
0x63: {  	_ =	shalt  }
0x64: {  	_ =	shalt  }
0x65: {  	_ =	shalt  }
0x66: {  	_ =	shalt  }
0x67: {  	_ =	shalt  }
0x68: {  	_ =	shalt  }
0x69: {  	_ =	shalt  }
0x6a: {  	_ =	shalt  }
0x6b: {  	_ =	shalt  }
0x6c: {  	_ =	shalt  }
0x6d: {  	_ =	shalt  }
0x6e: {  	_ =	shalt  }
0x6f: {  	_ =	shalt  }
0x70: {  	_ =	shalt  }
0x71: {  	_ =	shalt  }
0x72: {  	_ =	shalt  }
0x73: {  	_ =	shalt  }
0x74: {  	_ =	shalt  }
0x75: {  	_ =	shalt  }
0x76: {  	_ =	shalt  }
0x77: {  	_ =	shalt  }
0x78: {  	_ =	shalt  }
0x79: {  	_ =	shalt  }
0x7a: {  	_ =	shalt  }
0x7b: {  	_ =	shalt  }
0x7c: {  	_ =	shalt  }
0x7d: {  	_ =	shalt  }
0x7e: {  	_ =	shalt  }
0x7f: {  	_ =	shalt  }
0x80: {  	_ =	shalt  }
0x81: {  	_ =	shalt  }
0x82: {  	_ =	shalt  }
0x83: {  	_ =	shalt  }
0x84: {  	_ =	shalt  }
0x85: {  	_ =	shalt  }
0x86: {  	_ =	shalt  }
0x87: {  	_ =	shalt  }
.Lfunc_end0:
.L_simem_size_0:
called_computation.1_lowered:
.L_overlay_start_0:
0x88: {  	s2 =	sld [smem:$0x3FD9]  }
0x89: {  	s3 =	sld [smem:$0x3FFE];
	_ =	sdelay $0x1  }
0x8a: {  	s1 =	srdreg.scid  }
0x8b: {  	s0 =	sand.u32 $0x1, s1  }
0x8c: {  	s16 =	sshll.u32 s0, $0xA;
	s2 =	sadd.s32 s3, s2  }
0x8d: {  	s2 =	sadd.s32 s2, s16  }
0x8e: {  	[smem:$0x3FB0] =	sst s2  }
0x8f: {  	_ = 	snop  }
0x90: {  	(tm) =	ssettm $0x1  }
0x91: {  	s17 =	sld [smem:$0x3FFB];
	_ =	sdelay $0x3  }
0x92: {  	_ =	strace s17  }
0x93: {  	s2 =	sld [smem:$0x3FFC];
	_ =	sdelay $0x3  }
0x94: {  	_ =	strace s2  }
0x95: {  	s2 =	sld [smem:$0x3FFD];
	_ =	sdelay $0x3  }
0x96: {  	_ =	strace s2  }
0x97: {  	_ =	strace $0x8FFFFFFF  }
0x98: {  	s18 =	sld [smem:$0x3FDB];
	_ =	sdelay $0x1  }
0x99: {  	s19 =	simm.s32 $_scs_section_size  }
0x9a: {  	s4 =	simm.s32 $_size__tile_overlayer_lowered;
	s5 =	simm.s32 $_tile_overlayer_lowered  }
0x9b: {  	s22 =	simm.s32 $0x1BFF;
	s21 =	sshll.u32 s5, $0x1;
	s2 =	sadd.s32 s19, s18  }
0x9c: {  	s6 =	simm.s32 $0x0;
	s20 =	sshll.u32 s4, $0x1;
	s4 =	sadd.s32 s21, s2  }
0x9d: {  	[timem:s6], [sflag:s22] =	dma.local [hbm:s4], s20  }
0x9e: {  	_ =	swait.ge [sflag:s22], s20  }
0x9f: {  	s3 =	ssub.s32 $0x0, s20;
	[sflag:s22] =	ssyncset.done $0x0  }
0xa0: {  	[sflag:s22] =	ssyncadd.s32 s3;
	_ =	sdelay $0x1  }
0xa1: {  	s23 =	simm.s32 $0x1B8B  }
0xa2: {  	_ =	swait.ge [sflag:s23], $0x1  }
0xa3: {  	[sflag:s23] =	ssyncset.done $0x0  }
0xa4: {  	s25 =	simm.s32 $0x1B8E;
	s24 =	sld [smem:$0x3FFE];
	[sflag:s23] =	ssyncadd.s32 $0xFFFFFFFF  }
0xa5: {  	s26 =	simm.s32 $execute0_lowered;
	[smem:$0x3FD2] =	sst s25  }
0xa6: {  	s4 =	sshll.u32 s26, $0x1;
	_ =	strace $0x80000049;
	[dreg:$0x1] =	wrdreg $0xFFFFFFFF  }
0xa7: {  	s28 =	simm.s32 $_size_execute0_lowered;
	s2 =	sadd.s32 s2, s4;
	[dreg:$0x0] =	wrdreg $0x0  }
0xa8: {  	s4 =	sshll.u32 s28, $0x1;
	[dreg:$0x2] =	wrdreg s2  }
0xa9: {  	[dreg:$0x3] =	wrdreg s4  }
0xaa: {  	[dreg:$0x4] =	wrdreg $0xC0  }
0xab: {  	_ =	task [dreg:s6], $0x5FFFF  }
0xac: {  	[dreg:$0x1] =	wrdreg $0xFFFFFFFF  }
0xad: {  	[dreg:$0x0] =	wrdreg $0x60  }
0xae: {  	[dreg:$0x2] =	wrdreg s24  }
0xaf: {  	[dreg:$0x3] =	wrdreg $0xB0800  }
0xb0: {  	[dreg:$0x4] =	wrdreg $0x9  }
0xb1: {  	_ =	task.clear_ibuf [dreg:s6], $0x5FFFF;
	_ =	strace $0x90000049  }
0xb2: {  	s29 =	simm.s32 $0x9;
	_ =	strace $0x8000004B  }
0xb3: {  	_ =	swait.ge [sflag:s29], $0x1  }
0xb4: {  	[sflag:s29] =	ssyncadd.s32 $0xFFFFFFFF  }
0xb5: {  	_ =	strace $0x9000004B  }
0xb6: {  	_ =	sfence  }
0xb7: {  	s30 =	sld [smem:$0x0];
	_ =	sdelay $0x2  }
0xb8: {  	s31 =	sshll.u32 s1, $0xD;
	s1 =	sshrl.u32 s1, $0x2  }
0xb9: {  	s3 =	sand.u32 $0x4000, s31;
	s1 =	sadd.s32 s1, s30  }
0xba: {  	s0 =	sor.u32 s3, s0;
	s1 =	sshll.u32 s1, $0x11  }
0xbb: {  	s0 =	sor.u32 s1, s0  }
0xbc: {  	s0 =	sadd.s32 $0x8F2B, s0  }
0xbd: {  	[sflag:s0] =	ssyncadd.remote.s32 $0x1  }
0xbe: {  	_ =	sfence.sel $0xFFFF  }
0xbf: {  	[dreg:$0x0] =	wrdreg $0xFFFFFFFF;
	(pc) =	sbr.abs _section_cstart, $3  }
0xc0: {  	[dreg:$0x1] =	wrdreg $0xFFFFFFFF  }
0xc1: {  	_ =	task.clear_ibuf [dreg:s6], $0x2FFFF;
	_ =	strace $0x9FFFFFFF  }
0xc2: {  	(tm) =	ssettm $0x7FFFFFFF  }
0xc3: {  	_ =	shalt  }
tec
execute0_lowered:
.L_overlay_start_1:
0x0: {  	(tag) =	ssettag $0x1  }
0x1: {  	s1 =	rddreg [dreg:$0x0]  }
0x2: {  	s0 =	srdreg.scid;
	s2 =	rddreg [dreg:$0x1]  }
0x3: {  	s18 =	stileid.u32;
	s3 =	simm.s32 $0x0;
	s28 =	simm.s32 $0xA800  }
0x4: {  	s29 =	simm.s32 $0xA880;
	s30 =	simm.s32 $0x10;
	s31 =	simm.s32 $0x0  }
0x5: {  	s0 =	sand.u32 $0x1, s0;
	[smem:$0x7FF] =	sst s3;
	s16 =	smul.u32 $0x2700, s18  }
0x6: {  	s13 =	sadd.s32 $0xEFF600, s1;
	s11 =	sadd.s32 $0xA48000, s1;
	s12 =	smul.u32 $0x4E000, s18  }
0x7: {  	s15 =	sadd.s32 $0x124800, s2;
	s24 =	smul.u32 $0x13800, s18;
	p0 =	seq.s32 s18, $0xF  }
0x8: {  	s4 =	sshll.u32 s0, $0x4;
	_ =	strace $0x8000004A;
	s23 =	smul.u32 $0x138800, s0  }
0x9: {  	s20 =	ssub.s32 $0x2, s0;
	s0 =	smul.u32 $0x270000, s0;
	s15 =	sshrl.u32 @p0 s15, $0x3  }
0xa: {  	s5 =	sor.u32 s18, s4;
	s19 =	sadd.s32 s16, s1;
	s16 =	smul.u32 $0x27000, s18  }
0xb: {  	s10 =	sshrl.u32 s20, $0x1;
	s22 =	sshrl.u32 s12, $0x2;
	s4 =	smul.u32 $0x500, s5  }
0xc: {  	s6 =	sshll.u32 s5, $0x4;
	s14 =	ssub.s32 s20, s10;
	s21 =	smul.u32 $0x27000, s5  }
0xd: {  	s5 =	sadd.s32 $0xA45700, s1;
	s12 =	sshrl.u32 s23, $0x3;
	s0 =	sadd.s32 s0, s13  }
0xe: {  	s20 =	simm.s32 $0x1;
	s8 =	sor.u32 $0x4E000, s6;
	s26 =	sadd.s32 s11, s12  }
0xf: {  	s12 =	smax.u32 s14, $0x1;
	s0 =	sadd.s32 s16, s0;
	s7 =	sadd.s32 s4, s1  }
0x10: {  	s17 =	sshrl.u32 s8, $0x3;
	s4 =	sadd.s32 $0xA20E00, s19;
	s25 =	sshll.u32 s8, $0x4  }
0x11: {  	s14 =	sadd.s32 $0x1000, s0;
	s0 =	sshll.u32 @!p0 s18, $0x6;
	s18 =	simm.s32 $0x3  }
0x12: {  	s19 =	simm.s32 $0x2800;
	s9 =	sadd.s32 s17, s1;
	s17 =	sadd.s32 s22, s2  }
0x13: {  	s6 =	sadd.s32 $0x1E400, s7;
	s7 =	sadd.s32 s13, s21;
	s1 =	sadd.s32 s24, s23  }
0x14: {  	s16 =	sor.u32 @!p0 $0x1C03, s0;
	s21 =	simm.s32 $0x6800;
	s22 =	simm.s32 $0x80  }
0x15: {  	s23 =	simm.s32 $0x4;
	s24 =	simm.s32 $0x2;
	s8 =	sadd.s32 $0x14600, s9  }
0x16: {  	s9 =	sadd.s32 s13, s25;
	s1 =	sshrl.u32 s1, $0x3;
	s13 =	sadd.s32 $0x26800, s7  }
0x17: {  	s17 =	sshrl.u32 @!p0 s17, $0x3;
	s10 =	sadd.s32 s11, s1;
	s11 =	sadd.s32 $0x24900, s26  }
.LBB2_1:
0x18: {  	s0 =	simm.s32 @p0 $0x1FC3  }
0x19: {  	[spmem:s15], [sflag:s0] =	dma.local @p0 [hbm:s5], $0x2800  }
0x1a: {  	s0 =	simm.s32 @p0 $0x3  }
0x1b: {  	_ =	swait.ge @p0 [sflag:s0], $0x2800  }
0x1c: {  	[sflag:s0] =	ssyncset.done @p0 $0x0  }
0x1d: {  	[sflag:s0] =	ssyncadd.s32 @p0 $0xFFFFD800;
	s0 =	simm.s32 @!p0 $0x3  }
0x1e: {  	[spmem:s17], [sflag:s16] =	dma.local @!p0 [hbm:s4], $0x2700  }
0x1f: {  	_ =	swait.ge @!p0 [sflag:s0], $0x2700  }
0x20: {  	[sflag:s0] =	ssyncset.done @!p0 $0x0  }
0x21: {  	[sflag:s0] =	ssyncadd.s32 @!p0 $0xFFFFD900  }
0x22: {  	[tilespmem:s3], [sflag:$0x3] =	stream.linear.gather [hbm4b:s6+s3], $0x2700, $0x38;
	[tilespmem:$0x1E900] =	vst v63  }
0x23: {  	_ =	swait.ge [sflag:s18], $0x2700  }
0x24: {  	[sflag:s18] =	ssyncset.done $0x0  }
0x25: {  	[sflag:s18] =	ssyncadd.s32 $0xFFFFD900  }
0x26: {  	[bflag:$0x0] =	sbarrier.arrive $0xFFFF  }
0x27: {  	[tilespmem:s19], [sflag:$0x1] =	stream.linear.gather [hbm4b:s7+s3], $0x4000, $0x38;
	[tilespmem:$0x1E900] =	vst v63  }
0x28: {  	_ =	swait.ge [sflag:s20], $0x4000  }
0x29: {  	[sflag:s20] =	ssyncset.done $0x0  }
0x2a: {  	s1 =	sadd.s32 $0xFFFFF800, s14;
	[sflag:s20] =	ssyncadd.s32 $0xFFFFC000  }
0x2b: {  	[tilespmem:s21], [sflag:$0x2] =	stream.linear.gather [hbm4b:s1+s3], $0x4000, $0x38;
	[tilespmem:$0x1E900] =	vst v63  }
0x2c: {  	s25 =	simm.s32 $0x0  }
0x2d: {  	[spmem:s2] =	stream.indirect.scatter.add.f32 [tilespmem:s19], [sflag:$0x4], $0x80, s25, s22, $0xb8;
	[tilespmem:$0x1E900] =	vst v63  }
0x2e: {  	_ =	swait.ge [sflag:s23], $0x4000  }
0x2f: {  	[sflag:s23] =	ssyncset.done $0x0  }
0x30: {  	[sflag:s23] =	ssyncadd.s32 $0xFFFFC000  }
0x31: {  	_ =	swait.ge [sflag:s24], $0x4000  }
0x32: {  	[sflag:s24] =	ssyncset.done $0x0  }
0x33: {  	[sflag:s24] =	ssyncadd.s32 $0xFFFFC000  }
0x34: {  	[tilespmem:s19], [sflag:$0x1] =	stream.linear.gather [hbm4b:s14+s3], $0x4000, $0x38;
	[tilespmem:$0x1E900] =	vst v63  }
0x35: {  	s26 =	simm.s32 $0x80  }
0x36: {  	[spmem:s2] =	stream.indirect.scatter.add.f32 [tilespmem:s21], [sflag:$0x4], $0x80, s26, s22, $0xb8;
	[tilespmem:$0x1E900] =	vst v63  }
0x37: {  	_ =	swait.ge [sflag:s23], $0x4000  }
0x38: {  	[sflag:s23] =	ssyncset.done $0x0  }
0x39: {  	[sflag:s23] =	ssyncadd.s32 $0xFFFFC000  }
0x3a: {  	s0 =	sadd.s32 $0x1000, s14;
	_ =	swait.ge [sflag:s20], $0x4000  }
0x3b: {  	s1 =	simm.s32 $0x400;
	s25 =	simm.s32 $0x800;
	[sflag:s20] =	ssyncset.done $0x0  }
.LBB2_2:
0x3c: {  	p1 =	sne.s32 s25, $0x9400;
	s26 =	sadd.s32 $0xFFFFF800, s0;
	[sflag:s20] =	ssyncadd.s32 $0xFFFFC000  }
0x3d: {  	[tilespmem:s21], [sflag:$0x2] =	stream.linear.gather [hbm4b:s26+s3], $0x4000, $0x38;
	[tilespmem:$0x1E900] =	vst v63  }
0x3e: {  	s26 =	sshra.s32 s1, $0x2;
	s1 =	smov.u32 s25;
	s25 =	sadd.s32 $0x400, s25  }
0x3f: {  	[spmem:s2] =	stream.indirect.scatter.add.f32 [tilespmem:s19], [sflag:$0x4], $0x80, s26, s22, $0xb8;
	[tilespmem:$0x1E900] =	vst v63  }
0x40: {  	_ =	swait.ge [sflag:s23], $0x4000  }
0x41: {  	[sflag:s23] =	ssyncset.done $0x0  }
0x42: {  	[sflag:s23] =	ssyncadd.s32 $0xFFFFC000  }
0x43: {  	_ =	swait.ge [sflag:s24], $0x4000  }
0x44: {  	[sflag:s24] =	ssyncset.done $0x0  }
0x45: {  	[sflag:s24] =	ssyncadd.s32 $0xFFFFC000  }
0x46: {  	[tilespmem:s19], [sflag:$0x1] =	stream.linear.gather [hbm4b:s0+s3], $0x4000, $0x38;
	[tilespmem:$0x1E900] =	vst v63  }
0x47: {  	s26 =	sadd.s32 $0x80, s26  }
0x48: {  	[spmem:s2] =	stream.indirect.scatter.add.f32 [tilespmem:s21], [sflag:$0x4], $0x80, s26, s22, $0xb8;
	[tilespmem:$0x1E900] =	vst v63  }
.Ltmp0:
0x49: {  	_ =	swait.ge [sflag:s23], $0x4000;
	(pc) =	sbr.rel @p1 .LBB2_2-.Ltmp0, $4  }
0x4a: {  	[sflag:s23] =	ssyncset.done $0x0  }
0x4b: {  	[sflag:s23] =	ssyncadd.s32 $0xFFFFC000  }
0x4c: {  	_ =	swait.ge [sflag:s20], $0x4000  }
0x4d: {  	s0 =	sadd.s32 $0x1000, s0;
	[sflag:s20] =	ssyncset.done $0x0  }
0x4e: {  	s25 =	sadd.s32 $0xFFFFF800, s0;
	[sflag:s20] =	ssyncadd.s32 $0xFFFFC000  }
0x4f: {  	[tilespmem:s21], [sflag:$0x2] =	stream.linear.gather [hbm4b:s25+s3], $0x4000, $0x38;
	[tilespmem:$0x1E900] =	vst v63  }
0x50: {  	s1 =	sshra.s32 s1, $0x2  }
0x51: {  	[spmem:s2] =	stream.indirect.scatter.add.f32 [tilespmem:s19], [sflag:$0x4], $0x80, s1, s22, $0xb8;
	[tilespmem:$0x1E900] =	vst v63  }
0x52: {  	_ =	swait.ge [sflag:s23], $0x4000  }
0x53: {  	[sflag:s23] =	ssyncset.done $0x0  }
0x54: {  	[sflag:s23] =	ssyncadd.s32 $0xFFFFC000  }
0x55: {  	_ =	swait.ge [sflag:s24], $0x4000  }
0x56: {  	[sflag:s24] =	ssyncset.done $0x0  }
0x57: {  	[sflag:s24] =	ssyncadd.s32 $0xFFFFC000  }
0x58: {  	[tilespmem:s19], [sflag:$0x1] =	stream.linear.gather [hbm4b:s0+s3], $0x4000, $0x38;
	[tilespmem:$0x1E900] =	vst v63  }
0x59: {  	s1 =	sadd.s32 $0x80, s1  }
0x5a: {  	[spmem:s2] =	stream.indirect.scatter.add.f32 [tilespmem:s21], [sflag:$0x4], $0x80, s1, s22, $0xb8;
	[tilespmem:$0x1E900] =	vst v63  }
0x5b: {  	_ =	swait.ge [sflag:s23], $0x4000  }
0x5c: {  	[sflag:s23] =	ssyncset.done $0x0  }
0x5d: {  	[sflag:s23] =	ssyncadd.s32 $0xFFFFC000  }
0x5e: {  	_ =	swait.ge [sflag:s20], $0x4000  }
0x5f: {  	[sflag:s20] =	ssyncset.done $0x0  }
0x60: {  	[sflag:s20] =	ssyncadd.s32 $0xFFFFC000  }
0x61: {  	[tilespmem:s21], [sflag:$0x2] =	stream.linear.gather [hbm4b:s13+s3], $0x4000, $0x38;
	[tilespmem:$0x1E900] =	vst v63  }
0x62: {  	s25 =	simm.s32 $0x2600  }
0x63: {  	[spmem:s2] =	stream.indirect.scatter.add.f32 [tilespmem:s19], [sflag:$0x4], $0x80, s25, s22, $0xb8;
	[tilespmem:$0x1E900] =	vst v63  }
0x64: {  	_ =	swait.ge [sflag:s23], $0x4000  }
0x65: {  	[sflag:s23] =	ssyncset.done $0x0  }
0x66: {  	[sflag:s23] =	ssyncadd.s32 $0xFFFFC000  }
0x67: {  	_ =	swait.ge [sflag:s24], $0x4000  }
0x68: {  	[sflag:s24] =	ssyncset.done $0x0  }
0x69: {  	s26 =	simm.s32 $0x2680;
	[sflag:s24] =	ssyncadd.s32 $0xFFFFC000  }
0x6a: {  	[spmem:s2] =	stream.indirect.scatter.add.f32 [tilespmem:s21], [sflag:$0x3], $0x80, s26, s22, $0xb8;
	[tilespmem:$0x1E900] =	vst v63  }
0x6b: {  	_ =	swait.ge [sflag:s18], $0x4000  }
0x6c: {  	[sflag:s18] =	ssyncset.done $0x0  }
0x6d: {  	[sflag:s18] =	ssyncadd.s32 $0xFFFFC000  }
0x6e: {  	[tilespmem:s28], [sflag:$0x3] =	stream.linear.gather [hbm4b:s8+s3], $0x10, $0x38;
	[tilespmem:$0x1E900] =	vst v63  }
0x6f: {  	_ =	swait.ge [sflag:s18], $0x10  }
0x70: {  	[sflag:s18] =	ssyncset.done $0x0  }
0x71: {  	[sflag:s18] =	ssyncadd.s32 $0xFFFFFFF0  }
0x72: {  	[tilespmem:s29], [sflag:$0x3] =	stream.linear.gather [hbm4b:s9+s3], $0x800, $0x38;
	[tilespmem:$0x1E900] =	vst v63  }
0x73: {  	_ =	swait.ge [sflag:s18], $0x800  }
0x74: {  	[sflag:s18] =	ssyncset.done $0x0  }
0x75: {  	[sflag:s18] =	ssyncadd.s32 $0xFFFFF800  }
0x76: {  	[spmem:s2] =	stream.indirect.scatter.add.f32 [tilespmem:s29], [sflag:$0x3], $0x80, s28, s30, $0xb8;
	[tilespmem:$0x1E900] =	vst v63  }
0x77: {  	_ =	swait.ge [sflag:s18], $0x800  }
0x78: {  	[sflag:s18] =	ssyncset.done $0x0  }
0x79: {  	[sflag:s18] =	ssyncadd.s32 $0xFFFFF800  }
0x7a: {  	s0 =	simm.s32 @p0 $0x1FC3;
	[bflag:$0x0] =	sbarrier.arrive $0xFFFF  }
0x7b: {  	[hbm:s11], [sflag:s0] =	dma.local @p0 [spmem:s15], $0x2800  }
0x7c: {  	s0 =	simm.s32 @p0 $0x3  }
0x7d: {  	s31 =	sadd.s32 $0x1, s31;
	_ =	swait.ge @p0 [sflag:s0], $0x2800  }
0x7e: {  	p1 =	sne.s32 s31, s12;
	[sflag:s0] =	ssyncset.done @p0 $0x0  }
.Ltmp1:
0x7f: {  	[sflag:s0] =	ssyncadd.s32 @p0 $0xFFFFD800;
	s0 =	simm.s32 @!p0 $0x3;
	(pc) =	sbr.rel @p1 .LBB2_1-.Ltmp1, $4  }
0x80: {  	[hbm:s10], [sflag:s16] =	dma.local @!p0 [spmem:s17], $0x2700  }
0x81: {  	_ =	swait.ge @!p0 [sflag:s0], $0x2700  }
0x82: {  	[sflag:s0] =	ssyncset.done @!p0 $0x0  }
0x83: {  	[sflag:s0] =	ssyncadd.s32 @!p0 $0xFFFFD900  }
0x84: {  	_ =	sfence.sel $0x180000  }
0x85: {  	[bflag:$0x0] =	sbarrier.arrive $0xFFFF  }
0x86: {  	_ =	strace $0x9000004A  }
0x87: {  	s0 =	stileid.u32;
	[bflag:$0x2] =	sbarrier.arrive $0xFFFF  }
0x88: {  	p0 =	sne.s32 s0, $0x0;
	s0 =	rddreg [dreg:$0x2]  }
0x89: {  	s0 =	sadd.s32 @!p0 $0x100000, s0  }
0x8a: {  	[sflag:s0] =	ssyncadd.tile.s32 @!p0 $0x1;
	_ =	shalt  }
.Lfunc_end2:
_tile_overlayer_lowered:
.L_overlay_start_2:
0x8b: {  	(tag) =	ssettag $0x2  }
0x8c: {  	s0 =	rddreg [dreg:$0x0];
	s2 =	stileid.u32  }
0x8d: {  	s1 =	rddreg [dreg:$0x1];
	p0 =	sne.s32 s2, $0x0  }
0x8e: {  	s3 =	rddreg [dreg:$0x2];
	[bflag:$0x3] =	sbarrier.arrive $0xFFFF;
	s2 =	simm.s32 @!p0 $0x1C03  }
0x8f: {  	[timem:s3], [sflag:s2] =	dma.local @!p0 [hbm:s0], s1  }
0x90: {  	s0 =	simm.s32 @!p0 $0x3  }
0x91: {  	_ =	swait.ge @!p0 [sflag:s0], s1  }
0x92: {  	s1 =	ssub.s32 @!p0 $0x0, s1;
	[sflag:s0] =	ssyncset.done @!p0 $0x0  }
0x93: {  	[sflag:s0] =	ssyncadd.s32 @!p0 s1  }
0x94: {  	[bflag:$0x3] =	sbarrier.arrive $0xFFFF  }
0x95: {  	_ =	shalt  }

// kernel: kernel.21.cloned.1.call-start
scs
__scs_entry_jumppad:
0x0: {  	(pc) =	sbr.rel $0x88, $3  }
0x1: {  	(tag) =	ssettag $0x0;
	lr =	simm.s32 $0x1  }
0x2: {  	[smem:$0x3F89] =	sst lr;
	_ =	strace $0xD0000000  }
0x3: {  	_ = 	snop  }
0x4: {  	_ = 	snop  }
0x5: {  	_ = 	snop  }
0x6: {  	_ = 	snop  }
0x7: {  	_ = 	snop  }
__scs_overlays_trampoline_lowered:
0x8: {  	[smem:$0x3F98] =	sst s0  }
0x9: {  	[smem:$0x3F99] =	sst s1  }
0xa: {  	[smem:$0x3F9A] =	sst s2  }
0xb: {  	[smem:$0x3F9B] =	sst s3  }
0xc: {  	[smem:$0x3F9C] =	sst s4  }
0xd: {  	[smem:$0x3F9D] =	sst s5  }
0xe: {  	[smem:$0x3F9E] =	sst s6  }
0xf: {  	[smem:$0x3F9F] =	sst s7  }
0x10: {  	[smem:$0x3FA0] =	sst s8  }
0x11: {  	[smem:$0x3FA1] =	sst s9;
	s0 =	simm.s32 @!p0 $0x0  }
0x12: {  	s1 =	sld [smem:$0x3F87];
	s0 =	simm.s32 @p0 $0x1  }
0x13: {  	[smem:$0x3FA2] =	sst s0;
	s0 =	simm.s32 @!p1 $0x0  }
0x14: {  	s2 =	sld [smem:$0x3F86];
	s0 =	simm.s32 @p1 $0x1  }
0x15: {  	[smem:$0x3FA3] =	sst s0;
	s0 =	simm.s32 @!p2 $0x0  }
0x16: {  	s3 =	sld [smem:$0x3FDB];
	s0 =	simm.s32 @p2 $0x1  }
0x17: {  	s4 =	simm.s32 $0x1BF5;
	[smem:$0x3FA5] =	sst s0  }
0x18: {  	s0 =	sld [smem:$0x3F88];
	_ =	swait.ge [sflag:s4], $0x0  }
0x19: {  	s7 =	sld [smem:$0x3F89]  }
0x1a: {  	s8 =	sadd.s32 $0xFFFFE003, lr  }
0x1b: {  	s9 =	sadd.s32 $0xFFFFFEF7, lr;
	s5 =	simm.s32 $0xFFFFFFFF;
	p2 =	slt.u32 s8, $0xFFFFF086  }
0x1c: {  	p1 =	slt.u32 s9, $0xF7A;
	s5 =	simm.s32 @!p2 $0x0  }
0x1d: {  	s5 =	simm.s32 @p1 $0x1;
	p0 =	seq.s32 s7, s2  }
0x1e: {  	s7 =	smul.u32 @!p0 $0xF7A, s2;
	p2 =	seq.s32 @!p0 s5, $0x0  }
0x1f: {  	s9 =	smul.u32 $0xF7A, s1;
	s8 =	simm.s32 @!p0 $0x1BF5;
	p2 =	por !p2, p0  }
0x20: {  	[sflag:s8] =	ssyncset.s32 @!p0 $0xFFFFF086;
	s6 =	sadd.s32 @!p0 s3, s7;
	s7 =	simm.s32 @!p0 $0x108  }
0x21: {  	s3 =	sadd.s32 s3, s9;
	s6 =	sadd.s32 @!p0 $0x88, s6;
	s7 =	simm.s32 @p2 $0x1082  }
0x22: {  	[simem:s7], [sflag:s8] =	dma.local @!p0 [hbm:s6], $0xF7A  }
0x23: {  	s9 =	sor.u32 $0xD0000000, s2;
	s6 =	simm.s32 $0x108;
	_ =	swait.ge @!p0 [sflag:s8], $0x0  }
0x24: {  	s3 =	sadd.s32 $0x88, s3;
	s6 =	simm.s32 @!p1 $0x1082;
	[sflag:s4] =	ssyncset.s32 $0xFFFFF086  }
0x25: {  	[simem:s6], [sflag:s4] =	dma.local [hbm:s3], $0xF7A  }
0x26: {  	[smem:$0x3F89] =	sst s1;
	(tag) =	ssettag s2;
	_ =	strace s9  }
0x27: {  	s1 =	sld [smem:$0x3F99]  }
0x28: {  	s2 =	sld [smem:$0x3F9A]  }
0x29: {  	s4 =	sld [smem:$0x3F9C]  }
0x2a: {  	p0 =	seq.s32 s5, $0x0;
	s5 =	sld [smem:$0x3F9D]  }
0x2b: {  	s6 =	sld [smem:$0x3F9E]  }
0x2c: {  	s7 =	sld [smem:$0x3F9F]  }
0x2d: {  	s3 =	simm.s32 $0x108;
	s8 =	sld [smem:$0x3FA0]  }
0x2e: {  	s3 =	simm.s32 @!p0 $0x1082;
	s9 =	sld [smem:$0x3FA1]  }
0x2f: {  	lr =	sadd.s32 s0, s3;
	s0 =	sld [smem:$0x3F98]  }
0x30: {  	s3 =	sld [smem:$0x3F9B]  }
0x31: {  	[smem:$0x3FA4] =	sst s10  }
0x32: {  	s10 =	sld [smem:$0x3FA2];
	_ =	sdelay $0x3  }
0x33: {  	p0 =	seq.s32 s10, $0x1;
	s10 =	sld [smem:$0x3FA4];
	_ =	sdelay $0x3  }
0x34: {  	[smem:$0x3FA4] =	sst s10  }
0x35: {  	s10 =	sld [smem:$0x3FA3];
	_ =	sdelay $0x3  }
0x36: {  	p1 =	seq.s32 s10, $0x1;
	s10 =	sld [smem:$0x3FA4];
	_ =	sdelay $0x3  }
0x37: {  	[smem:$0x3FA4] =	sst s10  }
0x38: {  	s10 =	sld [smem:$0x3FA5]  }
0x39: {  	_ = 	snop;
	(pc) =	sbr.ind lr, $3  }
0x3a: {  	_ = 	snop  }
0x3b: {  	_ = 	snop  }
0x3c: {  	p2 =	seq.s32 s10, $0x1;
	s10 =	sld [smem:$0x3FA4]  }
0x3d: {  	_ =	shalt  }
0x3e: {  	_ =	shalt  }
0x3f: {  	_ =	shalt  }
0x40: {  	_ =	shalt  }
0x41: {  	_ =	shalt  }
0x42: {  	_ =	shalt  }
0x43: {  	_ =	shalt  }
0x44: {  	_ =	shalt  }
0x45: {  	_ =	shalt  }
0x46: {  	_ =	shalt  }
0x47: {  	_ =	shalt  }
0x48: {  	_ =	shalt  }
0x49: {  	_ =	shalt  }
0x4a: {  	_ =	shalt  }
0x4b: {  	_ =	shalt  }
0x4c: {  	_ =	shalt  }
0x4d: {  	_ =	shalt  }
0x4e: {  	_ =	shalt  }
0x4f: {  	_ =	shalt  }
0x50: {  	_ =	shalt  }
0x51: {  	_ =	shalt  }
0x52: {  	_ =	shalt  }
0x53: {  	_ =	shalt  }
0x54: {  	_ =	shalt  }
0x55: {  	_ =	shalt  }
0x56: {  	_ =	shalt  }
0x57: {  	_ =	shalt  }
0x58: {  	_ =	shalt  }
0x59: {  	_ =	shalt  }
0x5a: {  	_ =	shalt  }
0x5b: {  	_ =	shalt  }
0x5c: {  	_ =	shalt  }
0x5d: {  	_ =	shalt  }
0x5e: {  	_ =	shalt  }
0x5f: {  	_ =	shalt  }
0x60: {  	_ =	shalt  }
0x61: {  	_ =	shalt  }
0x62: {  	_ =	shalt  }
0x63: {  	_ =	shalt  }
0x64: {  	_ =	shalt  }
0x65: {  	_ =	shalt  }
0x66: {  	_ =	shalt  }
0x67: {  	_ =	shalt  }
0x68: {  	_ =	shalt  }
0x69: {  	_ =	shalt  }
0x6a: {  	_ =	shalt  }
0x6b: {  	_ =	shalt  }
0x6c: {  	_ =	shalt  }
0x6d: {  	_ =	shalt  }
0x6e: {  	_ =	shalt  }
0x6f: {  	_ =	shalt  }
0x70: {  	_ =	shalt  }
0x71: {  	_ =	shalt  }
0x72: {  	_ =	shalt  }
0x73: {  	_ =	shalt  }
0x74: {  	_ =	shalt  }
0x75: {  	_ =	shalt  }
0x76: {  	_ =	shalt  }
0x77: {  	_ =	shalt  }
0x78: {  	_ =	shalt  }
0x79: {  	_ =	shalt  }
0x7a: {  	_ =	shalt  }
0x7b: {  	_ =	shalt  }
0x7c: {  	_ =	shalt  }
0x7d: {  	_ =	shalt  }
0x7e: {  	_ =	shalt  }
0x7f: {  	_ =	shalt  }
0x80: {  	_ =	shalt  }
0x81: {  	_ =	shalt  }
0x82: {  	_ =	shalt  }
0x83: {  	_ =	shalt  }
0x84: {  	_ =	shalt  }
0x85: {  	_ =	shalt  }
0x86: {  	_ =	shalt  }
0x87: {  	_ =	shalt  }
.Lfunc_end0:
.L_simem_size_0:
called_computation.2_lowered:
.L_overlay_start_0:
0x88: {  	s2 =	sld [smem:$0x3FD9]  }
0x89: {  	s3 =	sld [smem:$0x3FFE];
	_ =	sdelay $0x1  }
0x8a: {  	s1 =	srdreg.scid  }
0x8b: {  	s0 =	sand.u32 $0x1, s1  }
0x8c: {  	s16 =	sshll.u32 s0, $0xA;
	s2 =	sadd.s32 s3, s2  }
0x8d: {  	s2 =	sadd.s32 s2, s16  }
0x8e: {  	[smem:$0x3FB0] =	sst s2  }
0x8f: {  	_ = 	snop  }
0x90: {  	(tm) =	ssettm $0x1  }
0x91: {  	s17 =	sld [smem:$0x3FFB];
	_ =	sdelay $0x3  }
0x92: {  	_ =	strace s17  }
0x93: {  	s2 =	sld [smem:$0x3FFC];
	_ =	sdelay $0x3  }
0x94: {  	_ =	strace s2  }
0x95: {  	s2 =	sld [smem:$0x3FFD];
	_ =	sdelay $0x3  }
0x96: {  	_ =	strace s2  }
0x97: {  	_ =	strace $0x8FFFFFFF  }
0x98: {  	s18 =	sld [smem:$0x3FDB];
	_ =	sdelay $0x1  }
0x99: {  	s19 =	simm.s32 $_scs_section_size  }
0x9a: {  	s4 =	simm.s32 $_size__tile_overlayer_lowered;
	s5 =	simm.s32 $_tile_overlayer_lowered  }
0x9b: {  	s22 =	simm.s32 $0x1BFF;
	s21 =	sshll.u32 s5, $0x1;
	s2 =	sadd.s32 s19, s18  }
0x9c: {  	s6 =	simm.s32 $0x0;
	s20 =	sshll.u32 s4, $0x1;
	s4 =	sadd.s32 s21, s2  }
0x9d: {  	[timem:s6], [sflag:s22] =	dma.local [hbm:s4], s20  }
0x9e: {  	_ =	swait.ge [sflag:s22], s20  }
0x9f: {  	s3 =	ssub.s32 $0x0, s20;
	[sflag:s22] =	ssyncset.done $0x0  }
0xa0: {  	[sflag:s22] =	ssyncadd.s32 s3;
	_ =	sdelay $0x1  }
0xa1: {  	s23 =	simm.s32 $0x1B8B  }
0xa2: {  	_ =	swait.ge [sflag:s23], $0x1  }
0xa3: {  	[sflag:s23] =	ssyncset.done $0x0  }
0xa4: {  	s25 =	simm.s32 $0x1B8E;
	s24 =	sld [smem:$0x3FFE];
	[sflag:s23] =	ssyncadd.s32 $0xFFFFFFFF  }
0xa5: {  	s26 =	simm.s32 $execute0_lowered;
	[smem:$0x3FD2] =	sst s25  }
0xa6: {  	s4 =	sshll.u32 s26, $0x1;
	_ =	strace $0x8000004C;
	[dreg:$0x1] =	wrdreg $0xFFFFFFFF  }
0xa7: {  	s28 =	simm.s32 $_size_execute0_lowered;
	s2 =	sadd.s32 s2, s4;
	[dreg:$0x0] =	wrdreg $0x0  }
0xa8: {  	s4 =	sshll.u32 s28, $0x1;
	[dreg:$0x2] =	wrdreg s2  }
0xa9: {  	[dreg:$0x3] =	wrdreg s4  }
0xaa: {  	[dreg:$0x4] =	wrdreg $0xC0  }
0xab: {  	_ =	task [dreg:s6], $0x5FFFF  }
0xac: {  	[dreg:$0x1] =	wrdreg $0xFFFFFFFF  }
0xad: {  	[dreg:$0x0] =	wrdreg $0x60  }
0xae: {  	[dreg:$0x2] =	wrdreg s24  }
0xaf: {  	[dreg:$0x3] =	wrdreg $0x9  }
0xb0: {  	_ =	task.clear_ibuf [dreg:s6], $0x4FFFF;
	_ =	strace $0x9000004C  }
0xb1: {  	s29 =	simm.s32 $0x9;
	_ =	strace $0x8000004E  }
0xb2: {  	_ =	swait.ge [sflag:s29], $0x1  }
0xb3: {  	[sflag:s29] =	ssyncadd.s32 $0xFFFFFFFF  }
0xb4: {  	_ =	strace $0x9000004E  }
0xb5: {  	_ =	sfence  }
0xb6: {  	s30 =	sld [smem:$0x0];
	_ =	sdelay $0x2  }
0xb7: {  	s31 =	sshll.u32 s1, $0xD;
	s1 =	sshrl.u32 s1, $0x2  }
0xb8: {  	s3 =	sand.u32 $0x4000, s31;
	s1 =	sadd.s32 s1, s30  }
0xb9: {  	s0 =	sor.u32 s3, s0;
	s1 =	sshll.u32 s1, $0x11  }
0xba: {  	s0 =	sor.u32 s1, s0  }
0xbb: {  	s0 =	sadd.s32 $0x8F2B, s0  }
0xbc: {  	[sflag:s0] =	ssyncadd.remote.s32 $0x1  }
0xbd: {  	_ =	sfence.sel $0xFFFF  }
0xbe: {  	[dreg:$0x0] =	wrdreg $0xFFFFFFFF;
	(pc) =	sbr.abs _section_cstart, $3  }
0xbf: {  	[dreg:$0x1] =	wrdreg $0xFFFFFFFF  }
0xc0: {  	_ =	task.clear_ibuf [dreg:s6], $0x2FFFF;
	_ =	strace $0x9FFFFFFF  }
0xc1: {  	(tm) =	ssettm $0x7FFFFFFF  }
tec
execute0_lowered:
.L_overlay_start_1:
0x0: {  	(tag) =	ssettag $0x1  }
0x1: {  	s0 =	srdreg.scid;
	s11 =	stileid.u32  }
0x2: {  	s5 =	rddreg [dreg:$0x0];
	s2 =	simm.s32 $0x0;
	s28 =	simm.s32 $0x11000  }
0x3: {  	s29 =	simm.s32 $0x1;
	s30 =	simm.s32 $0x2;
	s21 =	smul.u32 $0x138000, s11  }
0x4: {  	s31 =	simm.s32 $0x3;
	s0 =	sand.u32 $0x1, s0;
	s23 =	smul.u32 $0x27000, s11  }
0x5: {  	[smem:$0x7FF] =	sst s2;
	s1 =	sshll.u32 s0, $0x4;
	s18 =	smul.u32 $0x1380000, s0  }
0x6: {  	s9 =	ssub.s32 $0x2, s0;
	s0 =	smul.u32 $0x270000, s0;
	s1 =	sor.u32 s11, s1  }
0x7: {  	s12 =	simm.s32 $0x15900;
	_ =	strace $0x8000004D;
	s4 =	smul.u32 $0x500, s1  }
0x8: {  	s10 =	sshrl.u32 s9, $0x1;
	s11 =	simm.s32 $0x15100;
	s14 =	smul.u32 $0x138000, s1  }
0x9: {  	s3 =	sshll.u32 s1, $0x4;
	s9 =	ssub.s32 s9, s10;
	s1 =	smul.u32 $0x27000, s1  }
0xa: {  	s24 =	sadd.s32 s21, s18;
	s6 =	sor.u32 $0x4E000, s3;
	s3 =	sadd.s32 $0xA48000, s5  }
0xb: {  	s19 =	smax.u32 s9, $0x1;
	s7 =	sshrl.u32 s6, $0x3;
	s8 =	sadd.s32 s4, s5  }
0xc: {  	s4 =	sadd.s32 $0x32400, s5;
	s6 =	sshll.u32 s6, $0x4;
	s17 =	sshrl.u32 s14, $0x3  }
0xd: {  	[dreg:$0x8] =	wrdreg s19;
	s1 =	sor.u32 $0x800, s1;
	s13 =	sadd.s32 $0x28400, s8  }
0xe: {  	s7 =	sadd.s32 s7, s5;
	s8 =	sadd.s32 $0x1E400, s8;
	[dreg:$0x2] =	wrdreg s13  }
0xf: {  	s5 =	sadd.s32 $0x514400, s5;
	s16 =	sadd.s32 s4, s6;
	[dreg:$0x3] =	wrdreg s8  }
0x10: {  	s20 =	sadd.s32 s4, s17;
	s22 =	sadd.s32 s4, s1;
	[dreg:$0x6] =	wrdreg s16  }
0x11: {  	s25 =	sadd.s32 s0, s4;
	s15 =	sadd.s32 $0xA800, s7;
	[dreg:$0x9] =	wrdreg s20  }
0x12: {  	s7 =	sadd.s32 $0x14600, s7;
	s6 =	sadd.s32 s5, s6;
	[dreg:$0xb] =	wrdreg s22  }
0x13: {  	s1 =	sadd.s32 s5, s1;
	s0 =	sadd.s32 s0, s5;
	[dreg:$0x4] =	wrdreg s15  }
0x14: {  	s26 =	sadd.s32 s23, s25;
	s20 =	simm.s32 $0x9;
	[dreg:$0x5] =	wrdreg s7  }
0x15: {  	s22 =	simm.s32 $0x80;
	s25 =	simm.s32 $0xD000;
	[dreg:$0x7] =	wrdreg s6  }
0x16: {  	s13 =	simm.s32 $0x0;
	s6 =	sadd.s32 s5, s17;
	[dreg:$0xc] =	wrdreg s1  }
0x17: {  	s17 =	sadd.s32 $0x8000, s24;
	s0 =	sadd.s32 s23, s0;
	s18 =	sadd.s32 $0x1800, s26  }
0x18: {  	s23 =	simm.s32 $0x5000;
	s24 =	simm.s32 $0x9000;
	s1 =	simm.s32 $0x4  }
0x19: {  	s26 =	simm.s32 $0x6;
	s7 =	simm.s32 $0x8;
	[dreg:$0xa] =	wrdreg s6  }
0x1a: {  	s8 =	sadd.s32 $0x1800, s0;
	s0 =	simm.s32 $0x5;
	s6 =	simm.s32 $0x7  }
.LBB2_1:
0x1b: {  	s9 =	rddreg [dreg:$0x2]  }
0x1c: {  	[tilespmem:s2], [sflag:$0x9] =	stream.linear.gather [hbm4b:s9+s2], $0x2700, $0x38;
	[tilespmem:$0x16100] =	vst v63  }
0x1d: {  	_ =	swait.ge [sflag:s20], $0x2700  }
0x1e: {  	[sflag:s20] =	ssyncset.done $0x0  }
0x1f: {  	s10 =	simm.s32 $0x2800;
	s15 =	rddreg [dreg:$0x3];
	[sflag:s20] =	ssyncadd.s32 $0xFFFFD900  }
0x20: {  	[tilespmem:s10], [sflag:$0x9] =	stream.linear.gather [hbm4b:s15+s2], $0x2700, $0x38;
	[tilespmem:$0x16100] =	vst v63  }
0x21: {  	_ =	swait.ge [sflag:s20], $0x2700  }
0x22: {  	[sflag:s20] =	ssyncset.done $0x0  }
0x23: {  	[sflag:s20] =	ssyncadd.s32 $0xFFFFD900  }
0x24: {  	[tilespmem:s23], [sflag:$0x1] =	stream.indirect.gather [hbm4b:s3+s22], $0x80, s2, s22, $0xb8;
	[tilespmem:$0x16100] =	vst v63  }
0x25: {  	_ = 	snop  }
0x26: {  	[tilespmem:s24], [sflag:$0x2] =	stream.indirect.gather [hbm4b:s3+s22], $0x80, s10, s22, $0xb8;
	[tilespmem:$0x16100] =	vst v63  }
0x27: {  	_ = 	snop  }
0x28: {  	[tilespmem:s25], [sflag:$0x3] =	stream.indirect.gather [hbm4b:s3+s22], $0x80, s22, s22, $0xb8;
	[tilespmem:$0x16100] =	vst v63  }
0x29: {  	s16 =	simm.s32 $0x2880  }
0x2a: {  	[tilespmem:s28], [sflag:$0x4] =	stream.indirect.gather [hbm4b:s3+s22], $0x80, s16, s22, $0xb8;
	[tilespmem:$0x16100] =	vst v63  }
0x2b: {  	_ =	swait.ge [sflag:s29], $0x4000  }
0x2c: {  	[sflag:s29] =	ssyncset.done $0x0  }
0x2d: {  	[sflag:s29] =	ssyncadd.s32 $0xFFFFC000  }
0x2e: {  	_ =	swait.ge [sflag:s30], $0x4000  }
0x2f: {  	[sflag:s30] =	ssyncset.done $0x0  }
0x30: {  	s19 =	rddreg [dreg:$0x9];
	[sflag:s30] =	ssyncadd.s32 $0xFFFFC000  }
0x31: {  	[hbm4b:s19+s2] =	stream.linear.scatter [tilespmem:s23], [sflag:$0x5], $0x4000, $0x38;
	[tilespmem:$0x16100] =	vst v63  }
0x32: {  	s21 =	rddreg [dreg:$0xa]  }
0x33: {  	[hbm4b:s21+s2] =	stream.linear.scatter [tilespmem:s24], [sflag:$0x6], $0x4000, $0x38;
	[tilespmem:$0x16100] =	vst v63  }
0x34: {  	_ =	swait.ge [sflag:s31], $0x4000  }
0x35: {  	[sflag:s31] =	ssyncset.done $0x0  }
0x36: {  	[sflag:s31] =	ssyncadd.s32 $0xFFFFC000  }
0x37: {  	_ =	swait.ge [sflag:s1], $0x4000  }
0x38: {  	[sflag:s1] =	ssyncset.done $0x0  }
0x39: {  	s10 =	rddreg [dreg:$0xb];
	[sflag:s1] =	ssyncadd.s32 $0xFFFFC000  }
0x3a: {  	[hbm4b:s10+s2] =	stream.linear.scatter [tilespmem:s25], [sflag:$0x7], $0x4000, $0x38;
	[tilespmem:$0x16100] =	vst v63  }
0x3b: {  	s14 =	rddreg [dreg:$0xc]  }
0x3c: {  	[hbm4b:s14+s2] =	stream.linear.scatter [tilespmem:s28], [sflag:$0x8], $0x4000, $0x38;
	[tilespmem:$0x16100] =	vst v63  }
0x3d: {  	_ =	swait.ge [sflag:s0], $0x4000  }
0x3e: {  	[sflag:s0] =	ssyncset.done $0x0  }
0x3f: {  	[sflag:s0] =	ssyncadd.s32 $0xFFFFC000  }
0x40: {  	_ =	swait.ge [sflag:s26], $0x4000  }
0x41: {  	[sflag:s26] =	ssyncset.done $0x0  }
0x42: {  	s14 =	simm.s32 $0x100;
	[sflag:s26] =	ssyncadd.s32 $0xFFFFC000  }
0x43: {  	[tilespmem:s23], [sflag:$0x1] =	stream.indirect.gather [hbm4b:s3+s22], $0x80, s14, s22, $0xb8;
	[tilespmem:$0x16100] =	vst v63  }
0x44: {  	s15 =	simm.s32 $0x2900  }
0x45: {  	[tilespmem:s24], [sflag:$0x2] =	stream.indirect.gather [hbm4b:s3+s22], $0x80, s15, s22, $0xb8;
	[tilespmem:$0x16100] =	vst v63  }
0x46: {  	_ =	swait.ge [sflag:s6], $0x4000  }
0x47: {  	[sflag:s6] =	ssyncset.done $0x0  }
0x48: {  	[sflag:s6] =	ssyncadd.s32 $0xFFFFC000  }
0x49: {  	_ =	swait.ge [sflag:s7], $0x4000  }
0x4a: {  	[sflag:s7] =	ssyncset.done $0x0  }
0x4b: {  	s16 =	simm.s32 $0x180;
	[sflag:s7] =	ssyncadd.s32 $0xFFFFC000  }
0x4c: {  	[tilespmem:s25], [sflag:$0x3] =	stream.indirect.gather [hbm4b:s3+s22], $0x80, s16, s22, $0xb8;
	[tilespmem:$0x16100] =	vst v63  }
0x4d: {  	s19 =	simm.s32 $0x2980  }
0x4e: {  	[tilespmem:s28], [sflag:$0x4] =	stream.indirect.gather [hbm4b:s3+s22], $0x80, s19, s22, $0xb8;
	[tilespmem:$0x16100] =	vst v63  }
0x4f: {  	_ =	swait.ge [sflag:s29], $0x4000  }
0x50: {  	[sflag:s29] =	ssyncset.done $0x0  }
0x51: {  	[sflag:s29] =	ssyncadd.s32 $0xFFFFC000  }
0x52: {  	_ =	swait.ge [sflag:s30], $0x4000  }
0x53: {  	s21 =	sshrl.u32 s17, $0x3;
	[sflag:s30] =	ssyncset.done $0x0  }
0x54: {  	s15 =	sadd.s32 s4, s21;
	[sflag:s30] =	ssyncadd.s32 $0xFFFFC000  }
0x55: {  	[hbm4b:s15+s2] =	stream.linear.scatter [tilespmem:s23], [sflag:$0x5], $0x4000, $0x38;
	[tilespmem:$0x16100] =	vst v63  }
0x56: {  	s14 =	sadd.s32 s5, s21  }
0x57: {  	[hbm4b:s14+s2] =	stream.linear.scatter [tilespmem:s24], [sflag:$0x6], $0x4000, $0x38;
	[tilespmem:$0x16100] =	vst v63  }
0x58: {  	_ =	swait.ge [sflag:s31], $0x4000  }
0x59: {  	[sflag:s31] =	ssyncset.done $0x0  }
0x5a: {  	[sflag:s31] =	ssyncadd.s32 $0xFFFFC000  }
0x5b: {  	s21 =	sadd.s32 $0x1000, s8;
	_ =	swait.ge [sflag:s1], $0x4000  }
0x5c: {  	s16 =	sadd.s32 $0x1000, s18;
	s19 =	smov.u32 s8;
	[sflag:s1] =	ssyncset.done $0x0  }
0x5d: {  	s15 =	sadd.s32 $0x8000, s17;
	s14 =	simm.s32 $0x400;
	[sflag:s1] =	ssyncadd.s32 $0xFFFFC000  }
0x5e: {  	[hbm4b:s18+s2] =	stream.linear.scatter [tilespmem:s25], [sflag:$0x7], $0x4000, $0x38;
	[tilespmem:$0x16100] =	vst v63  }
.LBB2_2:
0x5f: {  	[hbm4b:s19+s2] =	stream.linear.scatter [tilespmem:s28], [sflag:$0x8], $0x4000, $0x38;
	[tilespmem:$0x16100] =	vst v63  }
0x60: {  	s9 =	smov.u32 s14;
	s19 =	smov.u32 s21  }
0x61: {  	p0 =	sne.s32 s14, $0x9400;
	s14 =	sadd.s32 $0x400, s14;
	_ =	swait.ge [sflag:s0], $0x4000  }
0x62: {  	[sflag:s0] =	ssyncset.done $0x0  }
0x63: {  	[sflag:s0] =	ssyncadd.s32 $0xFFFFC000  }
0x64: {  	_ =	swait.ge [sflag:s26], $0x4000  }
0x65: {  	s9 =	sshra.s32 s9, $0x2;
	[sflag:s26] =	ssyncset.done $0x0  }
0x66: {  	s10 =	sadd.s32 $0x100, s9;
	[sflag:s26] =	ssyncadd.s32 $0xFFFFC000  }
0x67: {  	[tilespmem:s23], [sflag:$0x1] =	stream.indirect.gather [hbm4b:s3+s22], $0x80, s10, s22, $0xb8;
	[tilespmem:$0x16100] =	vst v63  }
0x68: {  	s10 =	sadd.s32 $0x2900, s9  }
0x69: {  	[tilespmem:s24], [sflag:$0x2] =	stream.indirect.gather [hbm4b:s3+s22], $0x80, s10, s22, $0xb8;
	[tilespmem:$0x16100] =	vst v63  }
0x6a: {  	_ =	swait.ge [sflag:s6], $0x4000  }
0x6b: {  	[sflag:s6] =	ssyncset.done $0x0  }
0x6c: {  	[sflag:s6] =	ssyncadd.s32 $0xFFFFC000  }
0x6d: {  	_ =	swait.ge [sflag:s7], $0x4000  }
0x6e: {  	[sflag:s7] =	ssyncset.done $0x0  }
0x6f: {  	s10 =	sadd.s32 $0x180, s9;
	[sflag:s7] =	ssyncadd.s32 $0xFFFFC000  }
0x70: {  	[tilespmem:s25], [sflag:$0x3] =	stream.indirect.gather [hbm4b:s3+s22], $0x80, s10, s22, $0xb8;
	[tilespmem:$0x16100] =	vst v63  }
0x71: {  	s9 =	sadd.s32 $0x2980, s9  }
0x72: {  	[tilespmem:s28], [sflag:$0x4] =	stream.indirect.gather [hbm4b:s3+s22], $0x80, s9, s22, $0xb8;
	[tilespmem:$0x16100] =	vst v63  }
0x73: {  	_ =	swait.ge [sflag:s29], $0x4000  }
0x74: {  	[sflag:s29] =	ssyncset.done $0x0  }
0x75: {  	[sflag:s29] =	ssyncadd.s32 $0xFFFFC000  }
0x76: {  	_ =	swait.ge [sflag:s30], $0x4000  }
0x77: {  	s9 =	sshrl.u32 s15, $0x3;
	[sflag:s30] =	ssyncset.done $0x0  }
0x78: {  	s10 =	sadd.s32 s4, s9;
	[sflag:s30] =	ssyncadd.s32 $0xFFFFC000  }
0x79: {  	[hbm4b:s10+s2] =	stream.linear.scatter [tilespmem:s23], [sflag:$0x5], $0x4000, $0x38;
	[tilespmem:$0x16100] =	vst v63  }
0x7a: {  	s9 =	sadd.s32 s5, s9  }
0x7b: {  	[hbm4b:s9+s2] =	stream.linear.scatter [tilespmem:s24], [sflag:$0x6], $0x4000, $0x38;
	[tilespmem:$0x16100] =	vst v63  }
0x7c: {  	_ =	swait.ge [sflag:s31], $0x4000  }
0x7d: {  	[sflag:s31] =	ssyncset.done $0x0  }
0x7e: {  	[sflag:s31] =	ssyncadd.s32 $0xFFFFC000  }
.Ltmp0:
0x7f: {  	_ =	swait.ge [sflag:s1], $0x4000;
	(pc) =	sbr.rel @p0 .LBB2_2-.Ltmp0, $4  }
0x80: {  	[sflag:s1] =	ssyncset.done $0x0  }
0x81: {  	[sflag:s1] =	ssyncadd.s32 $0xFFFFC000  }
0x82: {  	[hbm4b:s16+s2] =	stream.linear.scatter [tilespmem:s25], [sflag:$0x7], $0x4000, $0x38;
	[tilespmem:$0x16100] =	vst v63  }
0x83: {  	s21 =	sadd.s32 $0x1000, s21;
	s15 =	sadd.s32 $0x8000, s15;
	s16 =	sadd.s32 $0x1000, s16  }
0x84: {  	[hbm4b:s19+s2] =	stream.linear.scatter [tilespmem:s28], [sflag:$0x8], $0x4000, $0x38;
	[tilespmem:$0x16100] =	vst v63  }
0x85: {  	_ =	swait.ge [sflag:s0], $0x4000  }
0x86: {  	[sflag:s0] =	ssyncset.done $0x0  }
0x87: {  	[sflag:s0] =	ssyncadd.s32 $0xFFFFC000  }
0x88: {  	_ =	swait.ge [sflag:s26], $0x4000  }
0x89: {  	[sflag:s26] =	ssyncset.done $0x0  }
0x8a: {  	[sflag:s26] =	ssyncadd.s32 $0xFFFFC000  }
0x8b: {  	_ =	swait.ge [sflag:s6], $0x4000  }
0x8c: {  	[sflag:s6] =	ssyncset.done $0x0  }
0x8d: {  	[sflag:s6] =	ssyncadd.s32 $0xFFFFC000  }
0x8e: {  	_ =	swait.ge [sflag:s7], $0x4000  }
0x8f: {  	[sflag:s7] =	ssyncset.done $0x0  }
0x90: {  	s10 =	simm.s32 $0x15000;
	s9 =	rddreg [dreg:$0x4];
	[sflag:s7] =	ssyncadd.s32 $0xFFFFC000  }
0x91: {  	[tilespmem:s10], [sflag:$0x9] =	stream.linear.gather [hbm4b:s9+s2], $0x10, $0x38;
	[tilespmem:$0x16100] =	vst v63  }
0x92: {  	_ =	swait.ge [sflag:s20], $0x10  }
0x93: {  	[sflag:s20] =	ssyncset.done $0x0  }
0x94: {  	s14 =	simm.s32 $0x15080;
	s21 =	rddreg [dreg:$0x5];
	[sflag:s20] =	ssyncadd.s32 $0xFFFFFFF0  }
0x95: {  	[tilespmem:s14], [sflag:$0x9] =	stream.linear.gather [hbm4b:s21+s2], $0x10, $0x38;
	[tilespmem:$0x16100] =	vst v63  }
0x96: {  	_ =	swait.ge [sflag:s20], $0x10  }
0x97: {  	[sflag:s20] =	ssyncset.done $0x0  }
0x98: {  	s15 =	simm.s32 $0x10;
	[sflag:s20] =	ssyncadd.s32 $0xFFFFFFF0  }
0x99: {  	[tilespmem:s11], [sflag:$0x9] =	stream.indirect.gather [hbm4b:s3+s15], $0x80, s10, s15, $0xb8;
	[tilespmem:$0x16100] =	vst v63  }
0x9a: {  	_ =	swait.ge [sflag:s20], $0x800  }
0x9b: {  	[sflag:s20] =	ssyncset.done $0x0  }
0x9c: {  	[sflag:s20] =	ssyncadd.s32 $0xFFFFF800  }
0x9d: {  	[tilespmem:s12], [sflag:$0x9] =	stream.indirect.gather [hbm4b:s3+s15], $0x80, s14, s15, $0xb8;
	[tilespmem:$0x16100] =	vst v63  }
0x9e: {  	_ =	swait.ge [sflag:s20], $0x800  }
0x9f: {  	[sflag:s20] =	ssyncset.done $0x0  }
0xa0: {  	s16 =	rddreg [dreg:$0x6];
	[sflag:s20] =	ssyncadd.s32 $0xFFFFF800  }
0xa1: {  	[hbm4b:s16+s2] =	stream.linear.scatter [tilespmem:s11], [sflag:$0x9], $0x800, $0x38;
	[tilespmem:$0x16100] =	vst v63  }
0xa2: {  	_ =	swait.ge [sflag:s20], $0x800  }
0xa3: {  	[sflag:s20] =	ssyncset.done $0x0  }
0xa4: {  	s19 =	rddreg [dreg:$0x7];
	[sflag:s20] =	ssyncadd.s32 $0xFFFFF800  }
0xa5: {  	[hbm4b:s19+s2] =	stream.linear.scatter [tilespmem:s12], [sflag:$0x9], $0x800, $0x38;
	[tilespmem:$0x16100] =	vst v63  }
0xa6: {  	_ =	swait.ge [sflag:s20], $0x800  }
0xa7: {  	s13 =	sadd.s32 $0x1, s13;
	s21 =	rddreg [dreg:$0x8]  }
0xa8: {  	p0 =	sne.s32 s13, s21  }
.Ltmp1:
0xa9: {  	_ = 	snop;
	(pc) =	sbr.rel @p0 .LBB2_1-.Ltmp1, $3  }
0xaa: {  	_ =	sdelay $0x1  }
0xab: {  	[sflag:s20] =	ssyncset.done $0x0  }
0xac: {  	[sflag:s20] =	ssyncadd.s32 $0xFFFFF800  }
0xad: {  	_ =	sfence.sel $0x180000  }
0xae: {  	[bflag:$0x0] =	sbarrier.arrive $0xFFFF  }
0xaf: {  	_ =	strace $0x9000004D  }
0xb0: {  	s0 =	stileid.u32;
	[bflag:$0x2] =	sbarrier.arrive $0xFFFF  }
0xb1: {  	p0 =	sne.s32 s0, $0x0;
	s0 =	rddreg [dreg:$0x1]  }
0xb2: {  	s0 =	sadd.s32 @!p0 $0x100000, s0  }
0xb3: {  	[sflag:s0] =	ssyncadd.tile.s32 @!p0 $0x1;
	_ =	shalt  }
.Lfunc_end2:
_tile_overlayer_lowered:
.L_overlay_start_2:
0xb4: {  	(tag) =	ssettag $0x2  }
0xb5: {  	s0 =	rddreg [dreg:$0x0];
	s2 =	stileid.u32  }
0xb6: {  	s1 =	rddreg [dreg:$0x1];
	p0 =	sne.s32 s2, $0x0  }
0xb7: {  	s3 =	rddreg [dreg:$0x2];
	[bflag:$0x3] =	sbarrier.arrive $0xFFFF;
	s2 =	simm.s32 @!p0 $0x1C09  }
0xb8: {  	[timem:s3], [sflag:s2] =	dma.local @!p0 [hbm:s0], s1  }
0xb9: {  	s0 =	simm.s32 @!p0 $0x9  }
0xba: {  	_ =	swait.ge @!p0 [sflag:s0], s1  }
0xbb: {  	s1 =	ssub.s32 @!p0 $0x0, s1;
	[sflag:s0] =	ssyncset.done @!p0 $0x0  }
0xbc: {  	[sflag:s0] =	ssyncadd.s32 @!p0 s1  }
0xbd: {  	[bflag:$0x3] =	sbarrier.arrive $0xFFFF  }
0xbe: {  	_ =	shalt  }

// kernel: kernel.24.cloned.1.call-start
scs
__scs_entry_jumppad:
0x0: {  	(pc) =	sbr.rel $0x88, $3  }
0x1: {  	(tag) =	ssettag $0x0;
	lr =	simm.s32 $0x1  }
0x2: {  	[smem:$0x3F89] =	sst lr;
	_ =	strace $0xD0000000  }
0x3: {  	_ = 	snop  }
0x4: {  	_ = 	snop  }
0x5: {  	_ = 	snop  }
0x6: {  	_ = 	snop  }
0x7: {  	_ = 	snop  }
__scs_overlays_trampoline_lowered:
0x8: {  	[smem:$0x3F98] =	sst s0  }
0x9: {  	[smem:$0x3F99] =	sst s1  }
0xa: {  	[smem:$0x3F9A] =	sst s2  }
0xb: {  	[smem:$0x3F9B] =	sst s3  }
0xc: {  	[smem:$0x3F9C] =	sst s4  }
0xd: {  	[smem:$0x3F9D] =	sst s5  }
0xe: {  	[smem:$0x3F9E] =	sst s6  }
0xf: {  	[smem:$0x3F9F] =	sst s7  }
0x10: {  	[smem:$0x3FA0] =	sst s8  }
0x11: {  	[smem:$0x3FA1] =	sst s9;
	s0 =	simm.s32 @!p0 $0x0  }
0x12: {  	s1 =	sld [smem:$0x3F87];
	s0 =	simm.s32 @p0 $0x1  }
0x13: {  	[smem:$0x3FA2] =	sst s0;
	s0 =	simm.s32 @!p1 $0x0  }
0x14: {  	s2 =	sld [smem:$0x3F86];
	s0 =	simm.s32 @p1 $0x1  }
0x15: {  	[smem:$0x3FA3] =	sst s0;
	s0 =	simm.s32 @!p2 $0x0  }
0x16: {  	s3 =	sld [smem:$0x3FDB];
	s0 =	simm.s32 @p2 $0x1  }
0x17: {  	s4 =	simm.s32 $0x1BF5;
	[smem:$0x3FA5] =	sst s0  }
0x18: {  	s0 =	sld [smem:$0x3F88];
	_ =	swait.ge [sflag:s4], $0x0  }
0x19: {  	s7 =	sld [smem:$0x3F89]  }
0x1a: {  	s8 =	sadd.s32 $0xFFFFE003, lr  }
0x1b: {  	s9 =	sadd.s32 $0xFFFFFEF7, lr;
	s5 =	simm.s32 $0xFFFFFFFF;
	p2 =	slt.u32 s8, $0xFFFFF086  }
0x1c: {  	p1 =	slt.u32 s9, $0xF7A;
	s5 =	simm.s32 @!p2 $0x0  }
0x1d: {  	s5 =	simm.s32 @p1 $0x1;
	p0 =	seq.s32 s7, s2  }
0x1e: {  	s7 =	smul.u32 @!p0 $0xF7A, s2;
	p2 =	seq.s32 @!p0 s5, $0x0  }
0x1f: {  	s9 =	smul.u32 $0xF7A, s1;
	s8 =	simm.s32 @!p0 $0x1BF5;
	p2 =	por !p2, p0  }
0x20: {  	[sflag:s8] =	ssyncset.s32 @!p0 $0xFFFFF086;
	s6 =	sadd.s32 @!p0 s3, s7;
	s7 =	simm.s32 @!p0 $0x108  }
0x21: {  	s3 =	sadd.s32 s3, s9;
	s6 =	sadd.s32 @!p0 $0x88, s6;
	s7 =	simm.s32 @p2 $0x1082  }
0x22: {  	[simem:s7], [sflag:s8] =	dma.local @!p0 [hbm:s6], $0xF7A  }
0x23: {  	s9 =	sor.u32 $0xD0000000, s2;
	s6 =	simm.s32 $0x108;
	_ =	swait.ge @!p0 [sflag:s8], $0x0  }
0x24: {  	s3 =	sadd.s32 $0x88, s3;
	s6 =	simm.s32 @!p1 $0x1082;
	[sflag:s4] =	ssyncset.s32 $0xFFFFF086  }
0x25: {  	[simem:s6], [sflag:s4] =	dma.local [hbm:s3], $0xF7A  }
0x26: {  	[smem:$0x3F89] =	sst s1;
	(tag) =	ssettag s2;
	_ =	strace s9  }
0x27: {  	s1 =	sld [smem:$0x3F99]  }
0x28: {  	s2 =	sld [smem:$0x3F9A]  }
0x29: {  	s4 =	sld [smem:$0x3F9C]  }
0x2a: {  	p0 =	seq.s32 s5, $0x0;
	s5 =	sld [smem:$0x3F9D]  }
0x2b: {  	s6 =	sld [smem:$0x3F9E]  }
0x2c: {  	s7 =	sld [smem:$0x3F9F]  }
0x2d: {  	s3 =	simm.s32 $0x108;
	s8 =	sld [smem:$0x3FA0]  }
0x2e: {  	s3 =	simm.s32 @!p0 $0x1082;
	s9 =	sld [smem:$0x3FA1]  }
0x2f: {  	lr =	sadd.s32 s0, s3;
	s0 =	sld [smem:$0x3F98]  }
0x30: {  	s3 =	sld [smem:$0x3F9B]  }
0x31: {  	[smem:$0x3FA4] =	sst s10  }
0x32: {  	s10 =	sld [smem:$0x3FA2];
	_ =	sdelay $0x3  }
0x33: {  	p0 =	seq.s32 s10, $0x1;
	s10 =	sld [smem:$0x3FA4];
	_ =	sdelay $0x3  }
0x34: {  	[smem:$0x3FA4] =	sst s10  }
0x35: {  	s10 =	sld [smem:$0x3FA3];
	_ =	sdelay $0x3  }
0x36: {  	p1 =	seq.s32 s10, $0x1;
	s10 =	sld [smem:$0x3FA4];
	_ =	sdelay $0x3  }
0x37: {  	[smem:$0x3FA4] =	sst s10  }
0x38: {  	s10 =	sld [smem:$0x3FA5]  }
0x39: {  	_ = 	snop;
	(pc) =	sbr.ind lr, $3  }
0x3a: {  	_ = 	snop  }
0x3b: {  	_ = 	snop  }
0x3c: {  	p2 =	seq.s32 s10, $0x1;
	s10 =	sld [smem:$0x3FA4]  }
0x3d: {  	_ =	shalt  }
0x3e: {  	_ =	shalt  }
0x3f: {  	_ =	shalt  }
0x40: {  	_ =	shalt  }
0x41: {  	_ =	shalt  }
0x42: {  	_ =	shalt  }
0x43: {  	_ =	shalt  }
0x44: {  	_ =	shalt  }
0x45: {  	_ =	shalt  }
0x46: {  	_ =	shalt  }
0x47: {  	_ =	shalt  }
0x48: {  	_ =	shalt  }
0x49: {  	_ =	shalt  }
0x4a: {  	_ =	shalt  }
0x4b: {  	_ =	shalt  }
0x4c: {  	_ =	shalt  }
0x4d: {  	_ =	shalt  }
0x4e: {  	_ =	shalt  }
0x4f: {  	_ =	shalt  }
0x50: {  	_ =	shalt  }
0x51: {  	_ =	shalt  }
0x52: {  	_ =	shalt  }
0x53: {  	_ =	shalt  }
0x54: {  	_ =	shalt  }
0x55: {  	_ =	shalt  }
0x56: {  	_ =	shalt  }
0x57: {  	_ =	shalt  }
0x58: {  	_ =	shalt  }
0x59: {  	_ =	shalt  }
0x5a: {  	_ =	shalt  }
0x5b: {  	_ =	shalt  }
0x5c: {  	_ =	shalt  }
0x5d: {  	_ =	shalt  }
0x5e: {  	_ =	shalt  }
0x5f: {  	_ =	shalt  }
0x60: {  	_ =	shalt  }
0x61: {  	_ =	shalt  }
0x62: {  	_ =	shalt  }
0x63: {  	_ =	shalt  }
0x64: {  	_ =	shalt  }
0x65: {  	_ =	shalt  }
0x66: {  	_ =	shalt  }
0x67: {  	_ =	shalt  }
0x68: {  	_ =	shalt  }
0x69: {  	_ =	shalt  }
0x6a: {  	_ =	shalt  }
0x6b: {  	_ =	shalt  }
0x6c: {  	_ =	shalt  }
0x6d: {  	_ =	shalt  }
0x6e: {  	_ =	shalt  }
0x6f: {  	_ =	shalt  }
0x70: {  	_ =	shalt  }
0x71: {  	_ =	shalt  }
0x72: {  	_ =	shalt  }
0x73: {  	_ =	shalt  }
0x74: {  	_ =	shalt  }
0x75: {  	_ =	shalt  }
0x76: {  	_ =	shalt  }
0x77: {  	_ =	shalt  }
0x78: {  	_ =	shalt  }
0x79: {  	_ =	shalt  }
0x7a: {  	_ =	shalt  }
0x7b: {  	_ =	shalt  }
0x7c: {  	_ =	shalt  }
0x7d: {  	_ =	shalt  }
0x7e: {  	_ =	shalt  }
0x7f: {  	_ =	shalt  }
0x80: {  	_ =	shalt  }
0x81: {  	_ =	shalt  }
0x82: {  	_ =	shalt  }
0x83: {  	_ =	shalt  }
0x84: {  	_ =	shalt  }
0x85: {  	_ =	shalt  }
0x86: {  	_ =	shalt  }
0x87: {  	_ =	shalt  }
.Lfunc_end0:
.L_simem_size_0:
called_computation.3_lowered:
.L_overlay_start_0:
0x88: {  	s2 =	sld [smem:$0x3FD9]  }
0x89: {  	s3 =	sld [smem:$0x3FFE];
	_ =	sdelay $0x1  }
0x8a: {  	s1 =	srdreg.scid  }
0x8b: {  	s0 =	sand.u32 $0x1, s1  }
0x8c: {  	s16 =	sshll.u32 s0, $0xA;
	s2 =	sadd.s32 s3, s2  }
0x8d: {  	s2 =	sadd.s32 s2, s16  }
0x8e: {  	[smem:$0x3FB0] =	sst s2  }
0x8f: {  	_ = 	snop  }
0x90: {  	(tm) =	ssettm $0x1  }
0x91: {  	s17 =	sld [smem:$0x3FFB];
	_ =	sdelay $0x3  }
0x92: {  	_ =	strace s17  }
0x93: {  	s2 =	sld [smem:$0x3FFC];
	_ =	sdelay $0x3  }
0x94: {  	_ =	strace s2  }
0x95: {  	s2 =	sld [smem:$0x3FFD];
	_ =	sdelay $0x3  }
0x96: {  	_ =	strace s2  }
0x97: {  	_ =	strace $0x8FFFFFFF  }
0x98: {  	s18 =	sld [smem:$0x3FDB];
	_ =	sdelay $0x1  }
0x99: {  	s19 =	simm.s32 $_scs_section_size  }
0x9a: {  	s4 =	simm.s32 $_size__tile_overlayer_lowered;
	s5 =	simm.s32 $_tile_overlayer_lowered  }
0x9b: {  	s22 =	simm.s32 $0x1BFF;
	s21 =	sshll.u32 s5, $0x1;
	s2 =	sadd.s32 s19, s18  }
0x9c: {  	s6 =	simm.s32 $0x0;
	s20 =	sshll.u32 s4, $0x1;
	s4 =	sadd.s32 s21, s2  }
0x9d: {  	[timem:s6], [sflag:s22] =	dma.local [hbm:s4], s20  }
0x9e: {  	_ =	swait.ge [sflag:s22], s20  }
0x9f: {  	s3 =	ssub.s32 $0x0, s20;
	[sflag:s22] =	ssyncset.done $0x0  }
0xa0: {  	[sflag:s22] =	ssyncadd.s32 s3;
	_ =	sdelay $0x1  }
0xa1: {  	s23 =	simm.s32 $0x1B8B  }
0xa2: {  	_ =	swait.ge [sflag:s23], $0x1  }
0xa3: {  	[sflag:s23] =	ssyncset.done $0x0  }
0xa4: {  	s25 =	simm.s32 $0x1B8E;
	s24 =	sld [smem:$0x3FFE];
	[sflag:s23] =	ssyncadd.s32 $0xFFFFFFFF  }
0xa5: {  	s26 =	simm.s32 $execute0_lowered;
	[smem:$0x3FD2] =	sst s25  }
0xa6: {  	s4 =	sshll.u32 s26, $0x1;
	_ =	strace $0x8000004F;
	[dreg:$0x1] =	wrdreg $0xFFFFFFFF  }
0xa7: {  	s28 =	simm.s32 $_size_execute0_lowered;
	s2 =	sadd.s32 s2, s4;
	[dreg:$0x0] =	wrdreg $0x0  }
0xa8: {  	s4 =	sshll.u32 s28, $0x1;
	[dreg:$0x2] =	wrdreg s2  }
0xa9: {  	[dreg:$0x3] =	wrdreg s4  }
0xaa: {  	[dreg:$0x4] =	wrdreg $0xC0  }
0xab: {  	_ =	task [dreg:s6], $0x5FFFF  }
0xac: {  	[dreg:$0x1] =	wrdreg $0xFFFFFFFF  }
0xad: {  	[dreg:$0x0] =	wrdreg $0x60  }
0xae: {  	[dreg:$0x2] =	wrdreg s24  }
0xaf: {  	[dreg:$0x3] =	wrdreg $0xB0800  }
0xb0: {  	[dreg:$0x4] =	wrdreg $0x9  }
0xb1: {  	_ =	task.clear_ibuf [dreg:s6], $0x5FFFF;
	_ =	strace $0x9000004F  }
0xb2: {  	s29 =	simm.s32 $0x9;
	_ =	strace $0x80000051  }
0xb3: {  	_ =	swait.ge [sflag:s29], $0x1  }
0xb4: {  	[sflag:s29] =	ssyncadd.s32 $0xFFFFFFFF  }
0xb5: {  	_ =	strace $0x90000051  }
0xb6: {  	_ =	sfence  }
0xb7: {  	s30 =	sld [smem:$0x0];
	_ =	sdelay $0x2  }
0xb8: {  	s31 =	sshll.u32 s1, $0xD;
	s1 =	sshrl.u32 s1, $0x2  }
0xb9: {  	s3 =	sand.u32 $0x4000, s31;
	s1 =	sadd.s32 s1, s30  }
0xba: {  	s0 =	sor.u32 s3, s0;
	s1 =	sshll.u32 s1, $0x11  }
0xbb: {  	s0 =	sor.u32 s1, s0  }
0xbc: {  	s0 =	sadd.s32 $0x8F2B, s0  }
0xbd: {  	[sflag:s0] =	ssyncadd.remote.s32 $0x1  }
0xbe: {  	_ =	sfence.sel $0xFFFF  }
0xbf: {  	[dreg:$0x0] =	wrdreg $0xFFFFFFFF;
	(pc) =	sbr.abs _section_cstart, $3  }
0xc0: {  	[dreg:$0x1] =	wrdreg $0xFFFFFFFF  }
0xc1: {  	_ =	task.clear_ibuf [dreg:s6], $0x2FFFF;
	_ =	strace $0x9FFFFFFF  }
0xc2: {  	(tm) =	ssettm $0x7FFFFFFF  }
0xc3: {  	_ =	shalt  }
tec
execute0_lowered:
.L_overlay_start_1:
0x0: {  	(tag) =	ssettag $0x1  }
0x1: {  	s1 =	rddreg [dreg:$0x0]  }
0x2: {  	s0 =	srdreg.scid;
	s2 =	rddreg [dreg:$0x1]  }
0x3: {  	s18 =	stileid.u32;
	s3 =	simm.s32 $0x0;
	s28 =	simm.s32 $0xA800  }
0x4: {  	s29 =	simm.s32 $0xA880;
	s30 =	simm.s32 $0x10;
	s31 =	simm.s32 $0x0  }
0x5: {  	s0 =	sand.u32 $0x1, s0;
	s16 =	smul.u32 $0x2700, s18;
	s13 =	sadd.s32 $0xEFF600, s1  }
0x6: {  	[smem:$0x7FF] =	sst s3;
	s11 =	sadd.s32 $0xA98E00, s1;
	s12 =	smul.u32 $0x4E000, s18  }
0x7: {  	s15 =	sadd.s32 $0x124800, s2;
	s24 =	smul.u32 $0x13800, s18;
	p0 =	seq.s32 s18, $0xF  }
0x8: {  	s4 =	sshll.u32 s0, $0x4;
	_ =	strace $0x80000050;
	s23 =	smul.u32 $0x138800, s0  }
0x9: {  	s20 =	ssub.s32 $0x2, s0;
	s0 =	smul.u32 $0x270000, s0;
	s15 =	sshrl.u32 @p0 s15, $0x3  }
0xa: {  	s5 =	sor.u32 s18, s4;
	s19 =	sadd.s32 s16, s1;
	s16 =	smul.u32 $0x27000, s18  }
0xb: {  	s10 =	sshrl.u32 s20, $0x1;
	s22 =	sshrl.u32 s12, $0x2;
	s4 =	smul.u32 $0x500, s5  }
0xc: {  	s6 =	sshll.u32 s5, $0x4;
	s14 =	ssub.s32 s20, s10;
	s21 =	smul.u32 $0x27000, s5  }
0xd: {  	s5 =	sadd.s32 $0xA45700, s1;
	s12 =	sshrl.u32 s23, $0x3;
	s0 =	sadd.s32 s0, s13  }
0xe: {  	s20 =	simm.s32 $0x1;
	s8 =	sor.u32 $0x4E000, s6;
	s26 =	sadd.s32 s11, s12  }
0xf: {  	s12 =	smax.u32 s14, $0x1;
	s0 =	sadd.s32 s16, s0;
	s7 =	sadd.s32 s4, s1  }
0x10: {  	s17 =	sshrl.u32 s8, $0x3;
	s4 =	sadd.s32 $0xA20E00, s19;
	s25 =	sshll.u32 s8, $0x4  }
0x11: {  	s14 =	sadd.s32 $0x1000, s0;
	s0 =	sshll.u32 @!p0 s18, $0x6;
	s18 =	simm.s32 $0x3  }
0x12: {  	s19 =	simm.s32 $0x2800;
	s9 =	sadd.s32 s17, s1;
	s17 =	sadd.s32 s22, s2  }
0x13: {  	s6 =	sadd.s32 $0x1E400, s7;
	s7 =	sadd.s32 s13, s21;
	s1 =	sadd.s32 s24, s23  }
0x14: {  	s16 =	sor.u32 @!p0 $0x1C03, s0;
	s21 =	simm.s32 $0x6800;
	s22 =	simm.s32 $0x80  }
0x15: {  	s23 =	simm.s32 $0x4;
	s24 =	simm.s32 $0x2;
	s8 =	sadd.s32 $0x14600, s9  }
0x16: {  	s9 =	sadd.s32 s13, s25;
	s1 =	sshrl.u32 s1, $0x3;
	s13 =	sadd.s32 $0x26800, s7  }
0x17: {  	s17 =	sshrl.u32 @!p0 s17, $0x3;
	s10 =	sadd.s32 s11, s1;
	s11 =	sadd.s32 $0x24900, s26  }
.LBB2_1:
0x18: {  	s0 =	simm.s32 @p0 $0x1FC3  }
0x19: {  	[spmem:s15], [sflag:s0] =	dma.local @p0 [hbm:s5], $0x2800  }
0x1a: {  	s0 =	simm.s32 @p0 $0x3  }
0x1b: {  	_ =	swait.ge @p0 [sflag:s0], $0x2800  }
0x1c: {  	[sflag:s0] =	ssyncset.done @p0 $0x0  }
0x1d: {  	[sflag:s0] =	ssyncadd.s32 @p0 $0xFFFFD800;
	s0 =	simm.s32 @!p0 $0x3  }
0x1e: {  	[spmem:s17], [sflag:s16] =	dma.local @!p0 [hbm:s4], $0x2700  }
0x1f: {  	_ =	swait.ge @!p0 [sflag:s0], $0x2700  }
0x20: {  	[sflag:s0] =	ssyncset.done @!p0 $0x0  }
0x21: {  	[sflag:s0] =	ssyncadd.s32 @!p0 $0xFFFFD900  }
0x22: {  	[tilespmem:s3], [sflag:$0x3] =	stream.linear.gather [hbm4b:s6+s3], $0x2700, $0x38;
	[tilespmem:$0x1E900] =	vst v63  }
0x23: {  	_ =	swait.ge [sflag:s18], $0x2700  }
0x24: {  	[sflag:s18] =	ssyncset.done $0x0  }
0x25: {  	[sflag:s18] =	ssyncadd.s32 $0xFFFFD900  }
0x26: {  	[bflag:$0x0] =	sbarrier.arrive $0xFFFF  }
0x27: {  	[tilespmem:s19], [sflag:$0x1] =	stream.linear.gather [hbm4b:s7+s3], $0x4000, $0x38;
	[tilespmem:$0x1E900] =	vst v63  }
0x28: {  	_ =	swait.ge [sflag:s20], $0x4000  }
0x29: {  	[sflag:s20] =	ssyncset.done $0x0  }
0x2a: {  	s1 =	sadd.s32 $0xFFFFF800, s14;
	[sflag:s20] =	ssyncadd.s32 $0xFFFFC000  }
0x2b: {  	[tilespmem:s21], [sflag:$0x2] =	stream.linear.gather [hbm4b:s1+s3], $0x4000, $0x38;
	[tilespmem:$0x1E900] =	vst v63  }
0x2c: {  	s25 =	simm.s32 $0x0  }
0x2d: {  	[spmem:s2] =	stream.indirect.scatter.add.f32 [tilespmem:s19], [sflag:$0x4], $0x80, s25, s22, $0xb8;
	[tilespmem:$0x1E900] =	vst v63  }
0x2e: {  	_ =	swait.ge [sflag:s23], $0x4000  }
0x2f: {  	[sflag:s23] =	ssyncset.done $0x0  }
0x30: {  	[sflag:s23] =	ssyncadd.s32 $0xFFFFC000  }
0x31: {  	_ =	swait.ge [sflag:s24], $0x4000  }
0x32: {  	[sflag:s24] =	ssyncset.done $0x0  }
0x33: {  	[sflag:s24] =	ssyncadd.s32 $0xFFFFC000  }
0x34: {  	[tilespmem:s19], [sflag:$0x1] =	stream.linear.gather [hbm4b:s14+s3], $0x4000, $0x38;
	[tilespmem:$0x1E900] =	vst v63  }
0x35: {  	s26 =	simm.s32 $0x80  }
0x36: {  	[spmem:s2] =	stream.indirect.scatter.add.f32 [tilespmem:s21], [sflag:$0x4], $0x80, s26, s22, $0xb8;
	[tilespmem:$0x1E900] =	vst v63  }
0x37: {  	_ =	swait.ge [sflag:s23], $0x4000  }
0x38: {  	[sflag:s23] =	ssyncset.done $0x0  }
0x39: {  	[sflag:s23] =	ssyncadd.s32 $0xFFFFC000  }
0x3a: {  	s0 =	sadd.s32 $0x1000, s14;
	_ =	swait.ge [sflag:s20], $0x4000  }
0x3b: {  	s1 =	simm.s32 $0x400;
	s25 =	simm.s32 $0x800;
	[sflag:s20] =	ssyncset.done $0x0  }
.LBB2_2:
0x3c: {  	p1 =	sne.s32 s25, $0x9400;
	s26 =	sadd.s32 $0xFFFFF800, s0;
	[sflag:s20] =	ssyncadd.s32 $0xFFFFC000  }
0x3d: {  	[tilespmem:s21], [sflag:$0x2] =	stream.linear.gather [hbm4b:s26+s3], $0x4000, $0x38;
	[tilespmem:$0x1E900] =	vst v63  }
0x3e: {  	s26 =	sshra.s32 s1, $0x2;
	s1 =	smov.u32 s25;
	s25 =	sadd.s32 $0x400, s25  }
0x3f: {  	[spmem:s2] =	stream.indirect.scatter.add.f32 [tilespmem:s19], [sflag:$0x4], $0x80, s26, s22, $0xb8;
	[tilespmem:$0x1E900] =	vst v63  }
0x40: {  	_ =	swait.ge [sflag:s23], $0x4000  }
0x41: {  	[sflag:s23] =	ssyncset.done $0x0  }
0x42: {  	[sflag:s23] =	ssyncadd.s32 $0xFFFFC000  }
0x43: {  	_ =	swait.ge [sflag:s24], $0x4000  }
0x44: {  	[sflag:s24] =	ssyncset.done $0x0  }
0x45: {  	[sflag:s24] =	ssyncadd.s32 $0xFFFFC000  }
0x46: {  	[tilespmem:s19], [sflag:$0x1] =	stream.linear.gather [hbm4b:s0+s3], $0x4000, $0x38;
	[tilespmem:$0x1E900] =	vst v63  }
0x47: {  	s26 =	sadd.s32 $0x80, s26  }
0x48: {  	[spmem:s2] =	stream.indirect.scatter.add.f32 [tilespmem:s21], [sflag:$0x4], $0x80, s26, s22, $0xb8;
	[tilespmem:$0x1E900] =	vst v63  }
.Ltmp0:
0x49: {  	_ =	swait.ge [sflag:s23], $0x4000;
	(pc) =	sbr.rel @p1 .LBB2_2-.Ltmp0, $4  }
0x4a: {  	[sflag:s23] =	ssyncset.done $0x0  }
0x4b: {  	[sflag:s23] =	ssyncadd.s32 $0xFFFFC000  }
0x4c: {  	_ =	swait.ge [sflag:s20], $0x4000  }
0x4d: {  	s0 =	sadd.s32 $0x1000, s0;
	[sflag:s20] =	ssyncset.done $0x0  }
0x4e: {  	s25 =	sadd.s32 $0xFFFFF800, s0;
	[sflag:s20] =	ssyncadd.s32 $0xFFFFC000  }
0x4f: {  	[tilespmem:s21], [sflag:$0x2] =	stream.linear.gather [hbm4b:s25+s3], $0x4000, $0x38;
	[tilespmem:$0x1E900] =	vst v63  }
0x50: {  	s1 =	sshra.s32 s1, $0x2  }
0x51: {  	[spmem:s2] =	stream.indirect.scatter.add.f32 [tilespmem:s19], [sflag:$0x4], $0x80, s1, s22, $0xb8;
	[tilespmem:$0x1E900] =	vst v63  }
0x52: {  	_ =	swait.ge [sflag:s23], $0x4000  }
0x53: {  	[sflag:s23] =	ssyncset.done $0x0  }
0x54: {  	[sflag:s23] =	ssyncadd.s32 $0xFFFFC000  }
0x55: {  	_ =	swait.ge [sflag:s24], $0x4000  }
0x56: {  	[sflag:s24] =	ssyncset.done $0x0  }
0x57: {  	[sflag:s24] =	ssyncadd.s32 $0xFFFFC000  }
0x58: {  	[tilespmem:s19], [sflag:$0x1] =	stream.linear.gather [hbm4b:s0+s3], $0x4000, $0x38;
	[tilespmem:$0x1E900] =	vst v63  }
0x59: {  	s1 =	sadd.s32 $0x80, s1  }
0x5a: {  	[spmem:s2] =	stream.indirect.scatter.add.f32 [tilespmem:s21], [sflag:$0x4], $0x80, s1, s22, $0xb8;
	[tilespmem:$0x1E900] =	vst v63  }
0x5b: {  	_ =	swait.ge [sflag:s23], $0x4000  }
0x5c: {  	[sflag:s23] =	ssyncset.done $0x0  }
0x5d: {  	[sflag:s23] =	ssyncadd.s32 $0xFFFFC000  }
0x5e: {  	_ =	swait.ge [sflag:s20], $0x4000  }
0x5f: {  	[sflag:s20] =	ssyncset.done $0x0  }
0x60: {  	[sflag:s20] =	ssyncadd.s32 $0xFFFFC000  }
0x61: {  	[tilespmem:s21], [sflag:$0x2] =	stream.linear.gather [hbm4b:s13+s3], $0x4000, $0x38;
	[tilespmem:$0x1E900] =	vst v63  }
0x62: {  	s25 =	simm.s32 $0x2600  }
0x63: {  	[spmem:s2] =	stream.indirect.scatter.add.f32 [tilespmem:s19], [sflag:$0x4], $0x80, s25, s22, $0xb8;
	[tilespmem:$0x1E900] =	vst v63  }
0x64: {  	_ =	swait.ge [sflag:s23], $0x4000  }
0x65: {  	[sflag:s23] =	ssyncset.done $0x0  }
0x66: {  	[sflag:s23] =	ssyncadd.s32 $0xFFFFC000  }
0x67: {  	_ =	swait.ge [sflag:s24], $0x4000  }
0x68: {  	[sflag:s24] =	ssyncset.done $0x0  }
0x69: {  	s26 =	simm.s32 $0x2680;
	[sflag:s24] =	ssyncadd.s32 $0xFFFFC000  }
0x6a: {  	[spmem:s2] =	stream.indirect.scatter.add.f32 [tilespmem:s21], [sflag:$0x3], $0x80, s26, s22, $0xb8;
	[tilespmem:$0x1E900] =	vst v63  }
0x6b: {  	_ =	swait.ge [sflag:s18], $0x4000  }
0x6c: {  	[sflag:s18] =	ssyncset.done $0x0  }
0x6d: {  	[sflag:s18] =	ssyncadd.s32 $0xFFFFC000  }
0x6e: {  	[tilespmem:s28], [sflag:$0x3] =	stream.linear.gather [hbm4b:s8+s3], $0x10, $0x38;
	[tilespmem:$0x1E900] =	vst v63  }
0x6f: {  	_ =	swait.ge [sflag:s18], $0x10  }
0x70: {  	[sflag:s18] =	ssyncset.done $0x0  }
0x71: {  	[sflag:s18] =	ssyncadd.s32 $0xFFFFFFF0  }
0x72: {  	[tilespmem:s29], [sflag:$0x3] =	stream.linear.gather [hbm4b:s9+s3], $0x800, $0x38;
	[tilespmem:$0x1E900] =	vst v63  }
0x73: {  	_ =	swait.ge [sflag:s18], $0x800  }
0x74: {  	[sflag:s18] =	ssyncset.done $0x0  }
0x75: {  	[sflag:s18] =	ssyncadd.s32 $0xFFFFF800  }
0x76: {  	[spmem:s2] =	stream.indirect.scatter.add.f32 [tilespmem:s29], [sflag:$0x3], $0x80, s28, s30, $0xb8;
	[tilespmem:$0x1E900] =	vst v63  }
0x77: {  	_ =	swait.ge [sflag:s18], $0x800  }
0x78: {  	[sflag:s18] =	ssyncset.done $0x0  }
0x79: {  	[sflag:s18] =	ssyncadd.s32 $0xFFFFF800  }
0x7a: {  	s0 =	simm.s32 @p0 $0x1FC3;
	[bflag:$0x0] =	sbarrier.arrive $0xFFFF  }
0x7b: {  	[hbm:s11], [sflag:s0] =	dma.local @p0 [spmem:s15], $0x2800  }
0x7c: {  	s0 =	simm.s32 @p0 $0x3  }
0x7d: {  	s31 =	sadd.s32 $0x1, s31;
	_ =	swait.ge @p0 [sflag:s0], $0x2800  }
0x7e: {  	p1 =	sne.s32 s31, s12;
	[sflag:s0] =	ssyncset.done @p0 $0x0  }
.Ltmp1:
0x7f: {  	[sflag:s0] =	ssyncadd.s32 @p0 $0xFFFFD800;
	s0 =	simm.s32 @!p0 $0x3;
	(pc) =	sbr.rel @p1 .LBB2_1-.Ltmp1, $4  }
0x80: {  	[hbm:s10], [sflag:s16] =	dma.local @!p0 [spmem:s17], $0x2700  }
0x81: {  	_ =	swait.ge @!p0 [sflag:s0], $0x2700  }
0x82: {  	[sflag:s0] =	ssyncset.done @!p0 $0x0  }
0x83: {  	[sflag:s0] =	ssyncadd.s32 @!p0 $0xFFFFD900  }
0x84: {  	_ =	sfence.sel $0x180000  }
0x85: {  	[bflag:$0x0] =	sbarrier.arrive $0xFFFF  }
0x86: {  	_ =	strace $0x90000050  }
0x87: {  	s0 =	stileid.u32;
	[bflag:$0x2] =	sbarrier.arrive $0xFFFF  }
0x88: {  	p0 =	sne.s32 s0, $0x0;
	s0 =	rddreg [dreg:$0x2]  }
0x89: {  	s0 =	sadd.s32 @!p0 $0x100000, s0  }
0x8a: {  	[sflag:s0] =	ssyncadd.tile.s32 @!p0 $0x1;
	_ =	shalt  }
.Lfunc_end2:
_tile_overlayer_lowered:
.L_overlay_start_2:
0x8b: {  	(tag) =	ssettag $0x2  }
0x8c: {  	s0 =	rddreg [dreg:$0x0];
	s2 =	stileid.u32  }
0x8d: {  	s1 =	rddreg [dreg:$0x1];
	p0 =	sne.s32 s2, $0x0  }
0x8e: {  	s3 =	rddreg [dreg:$0x2];
	[bflag:$0x3] =	sbarrier.arrive $0xFFFF;
	s2 =	simm.s32 @!p0 $0x1C03  }
0x8f: {  	[timem:s3], [sflag:s2] =	dma.local @!p0 [hbm:s0], s1  }
0x90: {  	s0 =	simm.s32 @!p0 $0x3  }
0x91: {  	_ =	swait.ge @!p0 [sflag:s0], s1  }
0x92: {  	s1 =	ssub.s32 @!p0 $0x0, s1;
	[sflag:s0] =	ssyncset.done @!p0 $0x0  }
0x93: {  	[sflag:s0] =	ssyncadd.s32 @!p0 s1  }
0x94: {  	[bflag:$0x3] =	sbarrier.arrive $0xFFFF  }
0x95: {  	_ =	shalt  }

// kernel: kernel.27.cloned.1.call-start
scs
__scs_entry_jumppad:
0x0: {  	(pc) =	sbr.rel $0x88, $3  }
0x1: {  	(tag) =	ssettag $0x0;
	lr =	simm.s32 $0x1  }
0x2: {  	[smem:$0x3F89] =	sst lr;
	_ =	strace $0xD0000000  }
0x3: {  	_ = 	snop  }
0x4: {  	_ = 	snop  }
0x5: {  	_ = 	snop  }
0x6: {  	_ = 	snop  }
0x7: {  	_ = 	snop  }
__scs_overlays_trampoline_lowered:
0x8: {  	[smem:$0x3F98] =	sst s0  }
0x9: {  	[smem:$0x3F99] =	sst s1  }
0xa: {  	[smem:$0x3F9A] =	sst s2  }
0xb: {  	[smem:$0x3F9B] =	sst s3  }
0xc: {  	[smem:$0x3F9C] =	sst s4  }
0xd: {  	[smem:$0x3F9D] =	sst s5  }
0xe: {  	[smem:$0x3F9E] =	sst s6  }
0xf: {  	[smem:$0x3F9F] =	sst s7  }
0x10: {  	[smem:$0x3FA0] =	sst s8  }
0x11: {  	[smem:$0x3FA1] =	sst s9;
	s0 =	simm.s32 @!p0 $0x0  }
0x12: {  	s1 =	sld [smem:$0x3F87];
	s0 =	simm.s32 @p0 $0x1  }
0x13: {  	[smem:$0x3FA2] =	sst s0;
	s0 =	simm.s32 @!p1 $0x0  }
0x14: {  	s2 =	sld [smem:$0x3F86];
	s0 =	simm.s32 @p1 $0x1  }
0x15: {  	[smem:$0x3FA3] =	sst s0;
	s0 =	simm.s32 @!p2 $0x0  }
0x16: {  	s3 =	sld [smem:$0x3FDB];
	s0 =	simm.s32 @p2 $0x1  }
0x17: {  	s4 =	simm.s32 $0x1BF5;
	[smem:$0x3FA5] =	sst s0  }
0x18: {  	s0 =	sld [smem:$0x3F88];
	_ =	swait.ge [sflag:s4], $0x0  }
0x19: {  	s7 =	sld [smem:$0x3F89]  }
0x1a: {  	s8 =	sadd.s32 $0xFFFFE003, lr  }
0x1b: {  	s9 =	sadd.s32 $0xFFFFFEF7, lr;
	s5 =	simm.s32 $0xFFFFFFFF;
	p2 =	slt.u32 s8, $0xFFFFF086  }
0x1c: {  	p1 =	slt.u32 s9, $0xF7A;
	s5 =	simm.s32 @!p2 $0x0  }
0x1d: {  	s5 =	simm.s32 @p1 $0x1;
	p0 =	seq.s32 s7, s2  }
0x1e: {  	s7 =	smul.u32 @!p0 $0xF7A, s2;
	p2 =	seq.s32 @!p0 s5, $0x0  }
0x1f: {  	s9 =	smul.u32 $0xF7A, s1;
	s8 =	simm.s32 @!p0 $0x1BF5;
	p2 =	por !p2, p0  }
0x20: {  	[sflag:s8] =	ssyncset.s32 @!p0 $0xFFFFF086;
	s6 =	sadd.s32 @!p0 s3, s7;
	s7 =	simm.s32 @!p0 $0x108  }
0x21: {  	s3 =	sadd.s32 s3, s9;
	s6 =	sadd.s32 @!p0 $0x88, s6;
	s7 =	simm.s32 @p2 $0x1082  }
0x22: {  	[simem:s7], [sflag:s8] =	dma.local @!p0 [hbm:s6], $0xF7A  }
0x23: {  	s9 =	sor.u32 $0xD0000000, s2;
	s6 =	simm.s32 $0x108;
	_ =	swait.ge @!p0 [sflag:s8], $0x0  }
0x24: {  	s3 =	sadd.s32 $0x88, s3;
	s6 =	simm.s32 @!p1 $0x1082;
	[sflag:s4] =	ssyncset.s32 $0xFFFFF086  }
0x25: {  	[simem:s6], [sflag:s4] =	dma.local [hbm:s3], $0xF7A  }
0x26: {  	[smem:$0x3F89] =	sst s1;
	(tag) =	ssettag s2;
	_ =	strace s9  }
0x27: {  	s1 =	sld [smem:$0x3F99]  }
0x28: {  	s2 =	sld [smem:$0x3F9A]  }
0x29: {  	s4 =	sld [smem:$0x3F9C]  }
0x2a: {  	p0 =	seq.s32 s5, $0x0;
	s5 =	sld [smem:$0x3F9D]  }
0x2b: {  	s6 =	sld [smem:$0x3F9E]  }
0x2c: {  	s7 =	sld [smem:$0x3F9F]  }
0x2d: {  	s3 =	simm.s32 $0x108;
	s8 =	sld [smem:$0x3FA0]  }
0x2e: {  	s3 =	simm.s32 @!p0 $0x1082;
	s9 =	sld [smem:$0x3FA1]  }
0x2f: {  	lr =	sadd.s32 s0, s3;
	s0 =	sld [smem:$0x3F98]  }
0x30: {  	s3 =	sld [smem:$0x3F9B]  }
0x31: {  	[smem:$0x3FA4] =	sst s10  }
0x32: {  	s10 =	sld [smem:$0x3FA2];
	_ =	sdelay $0x3  }
0x33: {  	p0 =	seq.s32 s10, $0x1;
	s10 =	sld [smem:$0x3FA4];
	_ =	sdelay $0x3  }
0x34: {  	[smem:$0x3FA4] =	sst s10  }
0x35: {  	s10 =	sld [smem:$0x3FA3];
	_ =	sdelay $0x3  }
0x36: {  	p1 =	seq.s32 s10, $0x1;
	s10 =	sld [smem:$0x3FA4];
	_ =	sdelay $0x3  }
0x37: {  	[smem:$0x3FA4] =	sst s10  }
0x38: {  	s10 =	sld [smem:$0x3FA5]  }
0x39: {  	_ = 	snop;
	(pc) =	sbr.ind lr, $3  }
0x3a: {  	_ = 	snop  }
0x3b: {  	_ = 	snop  }
0x3c: {  	p2 =	seq.s32 s10, $0x1;
	s10 =	sld [smem:$0x3FA4]  }
0x3d: {  	_ =	shalt  }
0x3e: {  	_ =	shalt  }
0x3f: {  	_ =	shalt  }
0x40: {  	_ =	shalt  }
0x41: {  	_ =	shalt  }
0x42: {  	_ =	shalt  }
0x43: {  	_ =	shalt  }
0x44: {  	_ =	shalt  }
0x45: {  	_ =	shalt  }
0x46: {  	_ =	shalt  }
0x47: {  	_ =	shalt  }
0x48: {  	_ =	shalt  }
0x49: {  	_ =	shalt  }
0x4a: {  	_ =	shalt  }
0x4b: {  	_ =	shalt  }
0x4c: {  	_ =	shalt  }
0x4d: {  	_ =	shalt  }
0x4e: {  	_ =	shalt  }
0x4f: {  	_ =	shalt  }
0x50: {  	_ =	shalt  }
0x51: {  	_ =	shalt  }
0x52: {  	_ =	shalt  }
0x53: {  	_ =	shalt  }
0x54: {  	_ =	shalt  }
0x55: {  	_ =	shalt  }
0x56: {  	_ =	shalt  }
0x57: {  	_ =	shalt  }
0x58: {  	_ =	shalt  }
0x59: {  	_ =	shalt  }
0x5a: {  	_ =	shalt  }
0x5b: {  	_ =	shalt  }
0x5c: {  	_ =	shalt  }
0x5d: {  	_ =	shalt  }
0x5e: {  	_ =	shalt  }
0x5f: {  	_ =	shalt  }
0x60: {  	_ =	shalt  }
0x61: {  	_ =	shalt  }
0x62: {  	_ =	shalt  }
0x63: {  	_ =	shalt  }
0x64: {  	_ =	shalt  }
0x65: {  	_ =	shalt  }
0x66: {  	_ =	shalt  }
0x67: {  	_ =	shalt  }
0x68: {  	_ =	shalt  }
0x69: {  	_ =	shalt  }
0x6a: {  	_ =	shalt  }
0x6b: {  	_ =	shalt  }
0x6c: {  	_ =	shalt  }
0x6d: {  	_ =	shalt  }
0x6e: {  	_ =	shalt  }
0x6f: {  	_ =	shalt  }
0x70: {  	_ =	shalt  }
0x71: {  	_ =	shalt  }
0x72: {  	_ =	shalt  }
0x73: {  	_ =	shalt  }
0x74: {  	_ =	shalt  }
0x75: {  	_ =	shalt  }
0x76: {  	_ =	shalt  }
0x77: {  	_ =	shalt  }
0x78: {  	_ =	shalt  }
0x79: {  	_ =	shalt  }
0x7a: {  	_ =	shalt  }
0x7b: {  	_ =	shalt  }
0x7c: {  	_ =	shalt  }
0x7d: {  	_ =	shalt  }
0x7e: {  	_ =	shalt  }
0x7f: {  	_ =	shalt  }
0x80: {  	_ =	shalt  }
0x81: {  	_ =	shalt  }
0x82: {  	_ =	shalt  }
0x83: {  	_ =	shalt  }
0x84: {  	_ =	shalt  }
0x85: {  	_ =	shalt  }
0x86: {  	_ =	shalt  }
0x87: {  	_ =	shalt  }
.Lfunc_end0:
.L_simem_size_0:
called_computation.4_lowered:
.L_overlay_start_0:
0x88: {  	s2 =	sld [smem:$0x3FD9]  }
0x89: {  	s3 =	sld [smem:$0x3FFE];
	_ =	sdelay $0x1  }
0x8a: {  	s1 =	srdreg.scid  }
0x8b: {  	s0 =	sand.u32 $0x1, s1  }
0x8c: {  	s16 =	sshll.u32 s0, $0xA;
	s2 =	sadd.s32 s3, s2  }
0x8d: {  	s2 =	sadd.s32 s2, s16  }
0x8e: {  	[smem:$0x3FB0] =	sst s2  }
0x8f: {  	_ = 	snop  }
0x90: {  	(tm) =	ssettm $0x1  }
0x91: {  	s17 =	sld [smem:$0x3FFB];
	_ =	sdelay $0x3  }
0x92: {  	_ =	strace s17  }
0x93: {  	s2 =	sld [smem:$0x3FFC];
	_ =	sdelay $0x3  }
0x94: {  	_ =	strace s2  }
0x95: {  	s2 =	sld [smem:$0x3FFD];
	_ =	sdelay $0x3  }
0x96: {  	_ =	strace s2  }
0x97: {  	_ =	strace $0x8FFFFFFF  }
0x98: {  	s18 =	sld [smem:$0x3FDB];
	_ =	sdelay $0x1  }
0x99: {  	s19 =	simm.s32 $_scs_section_size  }
0x9a: {  	s4 =	simm.s32 $_size__tile_overlayer_lowered;
	s5 =	simm.s32 $_tile_overlayer_lowered  }
0x9b: {  	s22 =	simm.s32 $0x1BFF;
	s21 =	sshll.u32 s5, $0x1;
	s2 =	sadd.s32 s19, s18  }
0x9c: {  	s6 =	simm.s32 $0x0;
	s20 =	sshll.u32 s4, $0x1;
	s4 =	sadd.s32 s21, s2  }
0x9d: {  	[timem:s6], [sflag:s22] =	dma.local [hbm:s4], s20  }
0x9e: {  	_ =	swait.ge [sflag:s22], s20  }
0x9f: {  	s3 =	ssub.s32 $0x0, s20;
	[sflag:s22] =	ssyncset.done $0x0  }
0xa0: {  	[sflag:s22] =	ssyncadd.s32 s3;
	_ =	sdelay $0x1  }
0xa1: {  	s23 =	simm.s32 $0x1B8B  }
0xa2: {  	_ =	swait.ge [sflag:s23], $0x1  }
0xa3: {  	[sflag:s23] =	ssyncset.done $0x0  }
0xa4: {  	s25 =	simm.s32 $0x1B8E;
	s24 =	sld [smem:$0x3FFE];
	[sflag:s23] =	ssyncadd.s32 $0xFFFFFFFF  }
0xa5: {  	s26 =	simm.s32 $execute0_lowered;
	[smem:$0x3FD2] =	sst s25  }
0xa6: {  	s4 =	sshll.u32 s26, $0x1;
	_ =	strace $0x80000052;
	[dreg:$0x1] =	wrdreg $0xFFFFFFFF  }
0xa7: {  	s28 =	simm.s32 $_size_execute0_lowered;
	s2 =	sadd.s32 s2, s4;
	[dreg:$0x0] =	wrdreg $0x0  }
0xa8: {  	s4 =	sshll.u32 s28, $0x1;
	[dreg:$0x2] =	wrdreg s2  }
0xa9: {  	[dreg:$0x3] =	wrdreg s4  }
0xaa: {  	[dreg:$0x4] =	wrdreg $0xC0  }
0xab: {  	_ =	task [dreg:s6], $0x5FFFF  }
0xac: {  	[dreg:$0x1] =	wrdreg $0xFFFFFFFF  }
0xad: {  	[dreg:$0x0] =	wrdreg $0x60  }
0xae: {  	[dreg:$0x2] =	wrdreg s24  }
0xaf: {  	[dreg:$0x3] =	wrdreg $0x9  }
0xb0: {  	_ =	task.clear_ibuf [dreg:s6], $0x4FFFF;
	_ =	strace $0x90000052  }
0xb1: {  	s29 =	simm.s32 $0x9;
	_ =	strace $0x80000054  }
0xb2: {  	_ =	swait.ge [sflag:s29], $0x1  }
0xb3: {  	[sflag:s29] =	ssyncadd.s32 $0xFFFFFFFF  }
0xb4: {  	_ =	strace $0x90000054  }
0xb5: {  	_ =	sfence  }
0xb6: {  	s30 =	sld [smem:$0x0];
	_ =	sdelay $0x2  }
0xb7: {  	s31 =	sshll.u32 s1, $0xD;
	s1 =	sshrl.u32 s1, $0x2  }
0xb8: {  	s3 =	sand.u32 $0x4000, s31;
	s1 =	sadd.s32 s1, s30  }
0xb9: {  	s0 =	sor.u32 s3, s0;
	s1 =	sshll.u32 s1, $0x11  }
0xba: {  	s0 =	sor.u32 s1, s0  }
0xbb: {  	s0 =	sadd.s32 $0x8F2B, s0  }
0xbc: {  	[sflag:s0] =	ssyncadd.remote.s32 $0x1  }
0xbd: {  	_ =	sfence.sel $0xFFFF  }
0xbe: {  	[dreg:$0x0] =	wrdreg $0xFFFFFFFF;
	(pc) =	sbr.abs _section_cstart, $3  }
0xbf: {  	[dreg:$0x1] =	wrdreg $0xFFFFFFFF  }
0xc0: {  	_ =	task.clear_ibuf [dreg:s6], $0x2FFFF;
	_ =	strace $0x9FFFFFFF  }
0xc1: {  	(tm) =	ssettm $0x7FFFFFFF  }
tec
execute0_lowered:
.L_overlay_start_1:
0x0: {  	(tag) =	ssettag $0x1  }
0x1: {  	s0 =	srdreg.scid;
	s11 =	stileid.u32  }
0x2: {  	s5 =	rddreg [dreg:$0x0];
	s2 =	simm.s32 $0x0;
	s28 =	simm.s32 $0x11000  }
0x3: {  	s29 =	simm.s32 $0x1;
	s30 =	simm.s32 $0x2;
	s21 =	smul.u32 $0x138000, s11  }
0x4: {  	s31 =	simm.s32 $0x3;
	s0 =	sand.u32 $0x1, s0;
	s23 =	smul.u32 $0x27000, s11  }
0x5: {  	[smem:$0x7FF] =	sst s2;
	s1 =	sshll.u32 s0, $0x4;
	s18 =	smul.u32 $0x1380000, s0  }
0x6: {  	s9 =	ssub.s32 $0x2, s0;
	s0 =	smul.u32 $0x270000, s0;
	s1 =	sor.u32 s11, s1  }
0x7: {  	s12 =	simm.s32 $0x15900;
	_ =	strace $0x80000053;
	s4 =	smul.u32 $0x500, s1  }
0x8: {  	s10 =	sshrl.u32 s9, $0x1;
	s11 =	simm.s32 $0x15100;
	s14 =	smul.u32 $0x138000, s1  }
0x9: {  	s3 =	sshll.u32 s1, $0x4;
	s9 =	ssub.s32 s9, s10;
	s1 =	smul.u32 $0x27000, s1  }
0xa: {  	s24 =	sadd.s32 s21, s18;
	s6 =	sor.u32 $0x4E000, s3;
	s3 =	sadd.s32 $0xA48000, s5  }
0xb: {  	s19 =	smax.u32 s9, $0x1;
	s7 =	sshrl.u32 s6, $0x3;
	s8 =	sadd.s32 s4, s5  }
0xc: {  	s4 =	sadd.s32 $0x32400, s5;
	s6 =	sshll.u32 s6, $0x4;
	s17 =	sshrl.u32 s14, $0x3  }
0xd: {  	[dreg:$0x8] =	wrdreg s19;
	s1 =	sor.u32 $0x800, s1;
	s13 =	sadd.s32 $0x28400, s8  }
0xe: {  	s7 =	sadd.s32 s7, s5;
	s8 =	sadd.s32 $0x1E400, s8;
	[dreg:$0x2] =	wrdreg s13  }
0xf: {  	s5 =	sadd.s32 $0x514400, s5;
	s16 =	sadd.s32 s4, s6;
	[dreg:$0x3] =	wrdreg s8  }
0x10: {  	s20 =	sadd.s32 s4, s17;
	s22 =	sadd.s32 s4, s1;
	[dreg:$0x6] =	wrdreg s16  }
0x11: {  	s25 =	sadd.s32 s0, s4;
	s15 =	sadd.s32 $0xA800, s7;
	[dreg:$0x9] =	wrdreg s20  }
0x12: {  	s7 =	sadd.s32 $0x14600, s7;
	s6 =	sadd.s32 s5, s6;
	[dreg:$0xb] =	wrdreg s22  }
0x13: {  	s1 =	sadd.s32 s5, s1;
	s0 =	sadd.s32 s0, s5;
	[dreg:$0x4] =	wrdreg s15  }
0x14: {  	s26 =	sadd.s32 s23, s25;
	s20 =	simm.s32 $0x9;
	[dreg:$0x5] =	wrdreg s7  }
0x15: {  	s22 =	simm.s32 $0x80;
	s25 =	simm.s32 $0xD000;
	[dreg:$0x7] =	wrdreg s6  }
0x16: {  	s13 =	simm.s32 $0x0;
	s6 =	sadd.s32 s5, s17;
	[dreg:$0xc] =	wrdreg s1  }
0x17: {  	s17 =	sadd.s32 $0x8000, s24;
	s0 =	sadd.s32 s23, s0;
	s18 =	sadd.s32 $0x1800, s26  }
0x18: {  	s23 =	simm.s32 $0x5000;
	s24 =	simm.s32 $0x9000;
	s1 =	simm.s32 $0x4  }
0x19: {  	s26 =	simm.s32 $0x6;
	s7 =	simm.s32 $0x8;
	[dreg:$0xa] =	wrdreg s6  }
0x1a: {  	s8 =	sadd.s32 $0x1800, s0;
	s0 =	simm.s32 $0x5;
	s6 =	simm.s32 $0x7  }
.LBB2_1:
0x1b: {  	s9 =	rddreg [dreg:$0x2]  }
0x1c: {  	[tilespmem:s2], [sflag:$0x9] =	stream.linear.gather [hbm4b:s9+s2], $0x2700, $0x38;
	[tilespmem:$0x16100] =	vst v63  }
0x1d: {  	_ =	swait.ge [sflag:s20], $0x2700  }
0x1e: {  	[sflag:s20] =	ssyncset.done $0x0  }
0x1f: {  	s10 =	simm.s32 $0x2800;
	s15 =	rddreg [dreg:$0x3];
	[sflag:s20] =	ssyncadd.s32 $0xFFFFD900  }
0x20: {  	[tilespmem:s10], [sflag:$0x9] =	stream.linear.gather [hbm4b:s15+s2], $0x2700, $0x38;
	[tilespmem:$0x16100] =	vst v63  }
0x21: {  	_ =	swait.ge [sflag:s20], $0x2700  }
0x22: {  	[sflag:s20] =	ssyncset.done $0x0  }
0x23: {  	[sflag:s20] =	ssyncadd.s32 $0xFFFFD900  }
0x24: {  	[tilespmem:s23], [sflag:$0x1] =	stream.indirect.gather [hbm4b:s3+s22], $0x80, s2, s22, $0xb8;
	[tilespmem:$0x16100] =	vst v63  }
0x25: {  	_ = 	snop  }
0x26: {  	[tilespmem:s24], [sflag:$0x2] =	stream.indirect.gather [hbm4b:s3+s22], $0x80, s10, s22, $0xb8;
	[tilespmem:$0x16100] =	vst v63  }
0x27: {  	_ = 	snop  }
0x28: {  	[tilespmem:s25], [sflag:$0x3] =	stream.indirect.gather [hbm4b:s3+s22], $0x80, s22, s22, $0xb8;
	[tilespmem:$0x16100] =	vst v63  }
0x29: {  	s16 =	simm.s32 $0x2880  }
0x2a: {  	[tilespmem:s28], [sflag:$0x4] =	stream.indirect.gather [hbm4b:s3+s22], $0x80, s16, s22, $0xb8;
	[tilespmem:$0x16100] =	vst v63  }
0x2b: {  	_ =	swait.ge [sflag:s29], $0x4000  }
0x2c: {  	[sflag:s29] =	ssyncset.done $0x0  }
0x2d: {  	[sflag:s29] =	ssyncadd.s32 $0xFFFFC000  }
0x2e: {  	_ =	swait.ge [sflag:s30], $0x4000  }
0x2f: {  	[sflag:s30] =	ssyncset.done $0x0  }
0x30: {  	s19 =	rddreg [dreg:$0x9];
	[sflag:s30] =	ssyncadd.s32 $0xFFFFC000  }
0x31: {  	[hbm4b:s19+s2] =	stream.linear.scatter [tilespmem:s23], [sflag:$0x5], $0x4000, $0x38;
	[tilespmem:$0x16100] =	vst v63  }
0x32: {  	s21 =	rddreg [dreg:$0xa]  }
0x33: {  	[hbm4b:s21+s2] =	stream.linear.scatter [tilespmem:s24], [sflag:$0x6], $0x4000, $0x38;
	[tilespmem:$0x16100] =	vst v63  }
0x34: {  	_ =	swait.ge [sflag:s31], $0x4000  }
0x35: {  	[sflag:s31] =	ssyncset.done $0x0  }
0x36: {  	[sflag:s31] =	ssyncadd.s32 $0xFFFFC000  }
0x37: {  	_ =	swait.ge [sflag:s1], $0x4000  }
0x38: {  	[sflag:s1] =	ssyncset.done $0x0  }
0x39: {  	s10 =	rddreg [dreg:$0xb];
	[sflag:s1] =	ssyncadd.s32 $0xFFFFC000  }
0x3a: {  	[hbm4b:s10+s2] =	stream.linear.scatter [tilespmem:s25], [sflag:$0x7], $0x4000, $0x38;
	[tilespmem:$0x16100] =	vst v63  }
0x3b: {  	s14 =	rddreg [dreg:$0xc]  }
0x3c: {  	[hbm4b:s14+s2] =	stream.linear.scatter [tilespmem:s28], [sflag:$0x8], $0x4000, $0x38;
	[tilespmem:$0x16100] =	vst v63  }
0x3d: {  	_ =	swait.ge [sflag:s0], $0x4000  }
0x3e: {  	[sflag:s0] =	ssyncset.done $0x0  }
0x3f: {  	[sflag:s0] =	ssyncadd.s32 $0xFFFFC000  }
0x40: {  	_ =	swait.ge [sflag:s26], $0x4000  }
0x41: {  	[sflag:s26] =	ssyncset.done $0x0  }
0x42: {  	s14 =	simm.s32 $0x100;
	[sflag:s26] =	ssyncadd.s32 $0xFFFFC000  }
0x43: {  	[tilespmem:s23], [sflag:$0x1] =	stream.indirect.gather [hbm4b:s3+s22], $0x80, s14, s22, $0xb8;
	[tilespmem:$0x16100] =	vst v63  }
0x44: {  	s15 =	simm.s32 $0x2900  }
0x45: {  	[tilespmem:s24], [sflag:$0x2] =	stream.indirect.gather [hbm4b:s3+s22], $0x80, s15, s22, $0xb8;
	[tilespmem:$0x16100] =	vst v63  }
0x46: {  	_ =	swait.ge [sflag:s6], $0x4000  }
0x47: {  	[sflag:s6] =	ssyncset.done $0x0  }
0x48: {  	[sflag:s6] =	ssyncadd.s32 $0xFFFFC000  }
0x49: {  	_ =	swait.ge [sflag:s7], $0x4000  }
0x4a: {  	[sflag:s7] =	ssyncset.done $0x0  }
0x4b: {  	s16 =	simm.s32 $0x180;
	[sflag:s7] =	ssyncadd.s32 $0xFFFFC000  }
0x4c: {  	[tilespmem:s25], [sflag:$0x3] =	stream.indirect.gather [hbm4b:s3+s22], $0x80, s16, s22, $0xb8;
	[tilespmem:$0x16100] =	vst v63  }
0x4d: {  	s19 =	simm.s32 $0x2980  }
0x4e: {  	[tilespmem:s28], [sflag:$0x4] =	stream.indirect.gather [hbm4b:s3+s22], $0x80, s19, s22, $0xb8;
	[tilespmem:$0x16100] =	vst v63  }
0x4f: {  	_ =	swait.ge [sflag:s29], $0x4000  }
0x50: {  	[sflag:s29] =	ssyncset.done $0x0  }
0x51: {  	[sflag:s29] =	ssyncadd.s32 $0xFFFFC000  }
0x52: {  	_ =	swait.ge [sflag:s30], $0x4000  }
0x53: {  	s21 =	sshrl.u32 s17, $0x3;
	[sflag:s30] =	ssyncset.done $0x0  }
0x54: {  	s15 =	sadd.s32 s4, s21;
	[sflag:s30] =	ssyncadd.s32 $0xFFFFC000  }
0x55: {  	[hbm4b:s15+s2] =	stream.linear.scatter [tilespmem:s23], [sflag:$0x5], $0x4000, $0x38;
	[tilespmem:$0x16100] =	vst v63  }
0x56: {  	s14 =	sadd.s32 s5, s21  }
0x57: {  	[hbm4b:s14+s2] =	stream.linear.scatter [tilespmem:s24], [sflag:$0x6], $0x4000, $0x38;
	[tilespmem:$0x16100] =	vst v63  }
0x58: {  	_ =	swait.ge [sflag:s31], $0x4000  }
0x59: {  	[sflag:s31] =	ssyncset.done $0x0  }
0x5a: {  	[sflag:s31] =	ssyncadd.s32 $0xFFFFC000  }
0x5b: {  	s21 =	sadd.s32 $0x1000, s8;
	_ =	swait.ge [sflag:s1], $0x4000  }
0x5c: {  	s16 =	sadd.s32 $0x1000, s18;
	s19 =	smov.u32 s8;
	[sflag:s1] =	ssyncset.done $0x0  }
0x5d: {  	s15 =	sadd.s32 $0x8000, s17;
	s14 =	simm.s32 $0x400;
	[sflag:s1] =	ssyncadd.s32 $0xFFFFC000  }
0x5e: {  	[hbm4b:s18+s2] =	stream.linear.scatter [tilespmem:s25], [sflag:$0x7], $0x4000, $0x38;
	[tilespmem:$0x16100] =	vst v63  }
.LBB2_2:
0x5f: {  	[hbm4b:s19+s2] =	stream.linear.scatter [tilespmem:s28], [sflag:$0x8], $0x4000, $0x38;
	[tilespmem:$0x16100] =	vst v63  }
0x60: {  	s9 =	smov.u32 s14;
	s19 =	smov.u32 s21  }
0x61: {  	p0 =	sne.s32 s14, $0x9400;
	s14 =	sadd.s32 $0x400, s14;
	_ =	swait.ge [sflag:s0], $0x4000  }
0x62: {  	[sflag:s0] =	ssyncset.done $0x0  }
0x63: {  	[sflag:s0] =	ssyncadd.s32 $0xFFFFC000  }
0x64: {  	_ =	swait.ge [sflag:s26], $0x4000  }
0x65: {  	s9 =	sshra.s32 s9, $0x2;
	[sflag:s26] =	ssyncset.done $0x0  }
0x66: {  	s10 =	sadd.s32 $0x100, s9;
	[sflag:s26] =	ssyncadd.s32 $0xFFFFC000  }
0x67: {  	[tilespmem:s23], [sflag:$0x1] =	stream.indirect.gather [hbm4b:s3+s22], $0x80, s10, s22, $0xb8;
	[tilespmem:$0x16100] =	vst v63  }
0x68: {  	s10 =	sadd.s32 $0x2900, s9  }
0x69: {  	[tilespmem:s24], [sflag:$0x2] =	stream.indirect.gather [hbm4b:s3+s22], $0x80, s10, s22, $0xb8;
	[tilespmem:$0x16100] =	vst v63  }
0x6a: {  	_ =	swait.ge [sflag:s6], $0x4000  }
0x6b: {  	[sflag:s6] =	ssyncset.done $0x0  }
0x6c: {  	[sflag:s6] =	ssyncadd.s32 $0xFFFFC000  }
0x6d: {  	_ =	swait.ge [sflag:s7], $0x4000  }
0x6e: {  	[sflag:s7] =	ssyncset.done $0x0  }
0x6f: {  	s10 =	sadd.s32 $0x180, s9;
	[sflag:s7] =	ssyncadd.s32 $0xFFFFC000  }
0x70: {  	[tilespmem:s25], [sflag:$0x3] =	stream.indirect.gather [hbm4b:s3+s22], $0x80, s10, s22, $0xb8;
	[tilespmem:$0x16100] =	vst v63  }
0x71: {  	s9 =	sadd.s32 $0x2980, s9  }
0x72: {  	[tilespmem:s28], [sflag:$0x4] =	stream.indirect.gather [hbm4b:s3+s22], $0x80, s9, s22, $0xb8;
	[tilespmem:$0x16100] =	vst v63  }
0x73: {  	_ =	swait.ge [sflag:s29], $0x4000  }
0x74: {  	[sflag:s29] =	ssyncset.done $0x0  }
0x75: {  	[sflag:s29] =	ssyncadd.s32 $0xFFFFC000  }
0x76: {  	_ =	swait.ge [sflag:s30], $0x4000  }
0x77: {  	s9 =	sshrl.u32 s15, $0x3;
	[sflag:s30] =	ssyncset.done $0x0  }
0x78: {  	s10 =	sadd.s32 s4, s9;
	[sflag:s30] =	ssyncadd.s32 $0xFFFFC000  }
0x79: {  	[hbm4b:s10+s2] =	stream.linear.scatter [tilespmem:s23], [sflag:$0x5], $0x4000, $0x38;
	[tilespmem:$0x16100] =	vst v63  }
0x7a: {  	s9 =	sadd.s32 s5, s9  }
0x7b: {  	[hbm4b:s9+s2] =	stream.linear.scatter [tilespmem:s24], [sflag:$0x6], $0x4000, $0x38;
	[tilespmem:$0x16100] =	vst v63  }
0x7c: {  	_ =	swait.ge [sflag:s31], $0x4000  }
0x7d: {  	[sflag:s31] =	ssyncset.done $0x0  }
0x7e: {  	[sflag:s31] =	ssyncadd.s32 $0xFFFFC000  }
.Ltmp0:
0x7f: {  	_ =	swait.ge [sflag:s1], $0x4000;
	(pc) =	sbr.rel @p0 .LBB2_2-.Ltmp0, $4  }
0x80: {  	[sflag:s1] =	ssyncset.done $0x0  }
0x81: {  	[sflag:s1] =	ssyncadd.s32 $0xFFFFC000  }
0x82: {  	[hbm4b:s16+s2] =	stream.linear.scatter [tilespmem:s25], [sflag:$0x7], $0x4000, $0x38;
	[tilespmem:$0x16100] =	vst v63  }
0x83: {  	s21 =	sadd.s32 $0x1000, s21;
	s15 =	sadd.s32 $0x8000, s15;
	s16 =	sadd.s32 $0x1000, s16  }
0x84: {  	[hbm4b:s19+s2] =	stream.linear.scatter [tilespmem:s28], [sflag:$0x8], $0x4000, $0x38;
	[tilespmem:$0x16100] =	vst v63  }
0x85: {  	_ =	swait.ge [sflag:s0], $0x4000  }
0x86: {  	[sflag:s0] =	ssyncset.done $0x0  }
0x87: {  	[sflag:s0] =	ssyncadd.s32 $0xFFFFC000  }
0x88: {  	_ =	swait.ge [sflag:s26], $0x4000  }
0x89: {  	[sflag:s26] =	ssyncset.done $0x0  }
0x8a: {  	[sflag:s26] =	ssyncadd.s32 $0xFFFFC000  }
0x8b: {  	_ =	swait.ge [sflag:s6], $0x4000  }
0x8c: {  	[sflag:s6] =	ssyncset.done $0x0  }
0x8d: {  	[sflag:s6] =	ssyncadd.s32 $0xFFFFC000  }
0x8e: {  	_ =	swait.ge [sflag:s7], $0x4000  }
0x8f: {  	[sflag:s7] =	ssyncset.done $0x0  }
0x90: {  	s10 =	simm.s32 $0x15000;
	s9 =	rddreg [dreg:$0x4];
	[sflag:s7] =	ssyncadd.s32 $0xFFFFC000  }
0x91: {  	[tilespmem:s10], [sflag:$0x9] =	stream.linear.gather [hbm4b:s9+s2], $0x10, $0x38;
	[tilespmem:$0x16100] =	vst v63  }
0x92: {  	_ =	swait.ge [sflag:s20], $0x10  }
0x93: {  	[sflag:s20] =	ssyncset.done $0x0  }
0x94: {  	s14 =	simm.s32 $0x15080;
	s21 =	rddreg [dreg:$0x5];
	[sflag:s20] =	ssyncadd.s32 $0xFFFFFFF0  }
0x95: {  	[tilespmem:s14], [sflag:$0x9] =	stream.linear.gather [hbm4b:s21+s2], $0x10, $0x38;
	[tilespmem:$0x16100] =	vst v63  }
0x96: {  	_ =	swait.ge [sflag:s20], $0x10  }
0x97: {  	[sflag:s20] =	ssyncset.done $0x0  }
0x98: {  	s15 =	simm.s32 $0x10;
	[sflag:s20] =	ssyncadd.s32 $0xFFFFFFF0  }
0x99: {  	[tilespmem:s11], [sflag:$0x9] =	stream.indirect.gather [hbm4b:s3+s15], $0x80, s10, s15, $0xb8;
	[tilespmem:$0x16100] =	vst v63  }
0x9a: {  	_ =	swait.ge [sflag:s20], $0x800  }
0x9b: {  	[sflag:s20] =	ssyncset.done $0x0  }
0x9c: {  	[sflag:s20] =	ssyncadd.s32 $0xFFFFF800  }
0x9d: {  	[tilespmem:s12], [sflag:$0x9] =	stream.indirect.gather [hbm4b:s3+s15], $0x80, s14, s15, $0xb8;
	[tilespmem:$0x16100] =	vst v63  }
0x9e: {  	_ =	swait.ge [sflag:s20], $0x800  }
0x9f: {  	[sflag:s20] =	ssyncset.done $0x0  }
0xa0: {  	s16 =	rddreg [dreg:$0x6];
	[sflag:s20] =	ssyncadd.s32 $0xFFFFF800  }
0xa1: {  	[hbm4b:s16+s2] =	stream.linear.scatter [tilespmem:s11], [sflag:$0x9], $0x800, $0x38;
	[tilespmem:$0x16100] =	vst v63  }
0xa2: {  	_ =	swait.ge [sflag:s20], $0x800  }
0xa3: {  	[sflag:s20] =	ssyncset.done $0x0  }
0xa4: {  	s19 =	rddreg [dreg:$0x7];
	[sflag:s20] =	ssyncadd.s32 $0xFFFFF800  }
0xa5: {  	[hbm4b:s19+s2] =	stream.linear.scatter [tilespmem:s12], [sflag:$0x9], $0x800, $0x38;
	[tilespmem:$0x16100] =	vst v63  }
0xa6: {  	_ =	swait.ge [sflag:s20], $0x800  }
0xa7: {  	s13 =	sadd.s32 $0x1, s13;
	s21 =	rddreg [dreg:$0x8]  }
0xa8: {  	p0 =	sne.s32 s13, s21  }
.Ltmp1:
0xa9: {  	_ = 	snop;
	(pc) =	sbr.rel @p0 .LBB2_1-.Ltmp1, $3  }
0xaa: {  	_ =	sdelay $0x1  }
0xab: {  	[sflag:s20] =	ssyncset.done $0x0  }
0xac: {  	[sflag:s20] =	ssyncadd.s32 $0xFFFFF800  }
0xad: {  	_ =	sfence.sel $0x180000  }
0xae: {  	[bflag:$0x0] =	sbarrier.arrive $0xFFFF  }
0xaf: {  	_ =	strace $0x90000053  }
0xb0: {  	s0 =	stileid.u32;
	[bflag:$0x2] =	sbarrier.arrive $0xFFFF  }
0xb1: {  	p0 =	sne.s32 s0, $0x0;
	s0 =	rddreg [dreg:$0x1]  }
0xb2: {  	s0 =	sadd.s32 @!p0 $0x100000, s0  }
0xb3: {  	[sflag:s0] =	ssyncadd.tile.s32 @!p0 $0x1;
	_ =	shalt  }
.Lfunc_end2:
_tile_overlayer_lowered:
.L_overlay_start_2:
0xb4: {  	(tag) =	ssettag $0x2  }
0xb5: {  	s0 =	rddreg [dreg:$0x0];
	s2 =	stileid.u32  }
0xb6: {  	s1 =	rddreg [dreg:$0x1];
	p0 =	sne.s32 s2, $0x0  }
0xb7: {  	s3 =	rddreg [dreg:$0x2];
	[bflag:$0x3] =	sbarrier.arrive $0xFFFF;
	s2 =	simm.s32 @!p0 $0x1C09  }
0xb8: {  	[timem:s3], [sflag:s2] =	dma.local @!p0 [hbm:s0], s1  }
0xb9: {  	s0 =	simm.s32 @!p0 $0x9  }
0xba: {  	_ =	swait.ge @!p0 [sflag:s0], s1  }
0xbb: {  	s1 =	ssub.s32 @!p0 $0x0, s1;
	[sflag:s0] =	ssyncset.done @!p0 $0x0  }
0xbc: {  	[sflag:s0] =	ssyncadd.s32 @!p0 s1  }
0xbd: {  	[bflag:$0x3] =	sbarrier.arrive $0xFFFF  }
0xbe: {  	_ =	shalt  }

// kernel: kernel.30.cloned.1.call-start
scs
__scs_entry_jumppad:
0x0: {  	(pc) =	sbr.rel $0x88, $3  }
0x1: {  	(tag) =	ssettag $0x0;
	lr =	simm.s32 $0x1  }
0x2: {  	[smem:$0x3F89] =	sst lr;
	_ =	strace $0xD0000000  }
0x3: {  	_ = 	snop  }
0x4: {  	_ = 	snop  }
0x5: {  	_ = 	snop  }
0x6: {  	_ = 	snop  }
0x7: {  	_ = 	snop  }
__scs_overlays_trampoline_lowered:
0x8: {  	[smem:$0x3F98] =	sst s0  }
0x9: {  	[smem:$0x3F99] =	sst s1  }
0xa: {  	[smem:$0x3F9A] =	sst s2  }
0xb: {  	[smem:$0x3F9B] =	sst s3  }
0xc: {  	[smem:$0x3F9C] =	sst s4  }
0xd: {  	[smem:$0x3F9D] =	sst s5  }
0xe: {  	[smem:$0x3F9E] =	sst s6  }
0xf: {  	[smem:$0x3F9F] =	sst s7  }
0x10: {  	[smem:$0x3FA0] =	sst s8  }
0x11: {  	[smem:$0x3FA1] =	sst s9;
	s0 =	simm.s32 @!p0 $0x0  }
0x12: {  	s1 =	sld [smem:$0x3F87];
	s0 =	simm.s32 @p0 $0x1  }
0x13: {  	[smem:$0x3FA2] =	sst s0;
	s0 =	simm.s32 @!p1 $0x0  }
0x14: {  	s2 =	sld [smem:$0x3F86];
	s0 =	simm.s32 @p1 $0x1  }
0x15: {  	[smem:$0x3FA3] =	sst s0;
	s0 =	simm.s32 @!p2 $0x0  }
0x16: {  	s3 =	sld [smem:$0x3FDB];
	s0 =	simm.s32 @p2 $0x1  }
0x17: {  	s4 =	simm.s32 $0x1BF5;
	[smem:$0x3FA5] =	sst s0  }
0x18: {  	s0 =	sld [smem:$0x3F88];
	_ =	swait.ge [sflag:s4], $0x0  }
0x19: {  	s7 =	sld [smem:$0x3F89]  }
0x1a: {  	s8 =	sadd.s32 $0xFFFFE003, lr  }
0x1b: {  	s9 =	sadd.s32 $0xFFFFFEF7, lr;
	s5 =	simm.s32 $0xFFFFFFFF;
	p2 =	slt.u32 s8, $0xFFFFF086  }
0x1c: {  	p1 =	slt.u32 s9, $0xF7A;
	s5 =	simm.s32 @!p2 $0x0  }
0x1d: {  	s5 =	simm.s32 @p1 $0x1;
	p0 =	seq.s32 s7, s2  }
0x1e: {  	s7 =	smul.u32 @!p0 $0xF7A, s2;
	p2 =	seq.s32 @!p0 s5, $0x0  }
0x1f: {  	s9 =	smul.u32 $0xF7A, s1;
	s8 =	simm.s32 @!p0 $0x1BF5;
	p2 =	por !p2, p0  }
0x20: {  	[sflag:s8] =	ssyncset.s32 @!p0 $0xFFFFF086;
	s6 =	sadd.s32 @!p0 s3, s7;
	s7 =	simm.s32 @!p0 $0x108  }
0x21: {  	s3 =	sadd.s32 s3, s9;
	s6 =	sadd.s32 @!p0 $0x88, s6;
	s7 =	simm.s32 @p2 $0x1082  }
0x22: {  	[simem:s7], [sflag:s8] =	dma.local @!p0 [hbm:s6], $0xF7A  }
0x23: {  	s9 =	sor.u32 $0xD0000000, s2;
	s6 =	simm.s32 $0x108;
	_ =	swait.ge @!p0 [sflag:s8], $0x0  }
0x24: {  	s3 =	sadd.s32 $0x88, s3;
	s6 =	simm.s32 @!p1 $0x1082;
	[sflag:s4] =	ssyncset.s32 $0xFFFFF086  }
0x25: {  	[simem:s6], [sflag:s4] =	dma.local [hbm:s3], $0xF7A  }
0x26: {  	[smem:$0x3F89] =	sst s1;
	(tag) =	ssettag s2;
	_ =	strace s9  }
0x27: {  	s1 =	sld [smem:$0x3F99]  }
0x28: {  	s2 =	sld [smem:$0x3F9A]  }
0x29: {  	s4 =	sld [smem:$0x3F9C]  }
0x2a: {  	p0 =	seq.s32 s5, $0x0;
	s5 =	sld [smem:$0x3F9D]  }
0x2b: {  	s6 =	sld [smem:$0x3F9E]  }
0x2c: {  	s7 =	sld [smem:$0x3F9F]  }
0x2d: {  	s3 =	simm.s32 $0x108;
	s8 =	sld [smem:$0x3FA0]  }
0x2e: {  	s3 =	simm.s32 @!p0 $0x1082;
	s9 =	sld [smem:$0x3FA1]  }
0x2f: {  	lr =	sadd.s32 s0, s3;
	s0 =	sld [smem:$0x3F98]  }
0x30: {  	s3 =	sld [smem:$0x3F9B]  }
0x31: {  	[smem:$0x3FA4] =	sst s10  }
0x32: {  	s10 =	sld [smem:$0x3FA2];
	_ =	sdelay $0x3  }
0x33: {  	p0 =	seq.s32 s10, $0x1;
	s10 =	sld [smem:$0x3FA4];
	_ =	sdelay $0x3  }
0x34: {  	[smem:$0x3FA4] =	sst s10  }
0x35: {  	s10 =	sld [smem:$0x3FA3];
	_ =	sdelay $0x3  }
0x36: {  	p1 =	seq.s32 s10, $0x1;
	s10 =	sld [smem:$0x3FA4];
	_ =	sdelay $0x3  }
0x37: {  	[smem:$0x3FA4] =	sst s10  }
0x38: {  	s10 =	sld [smem:$0x3FA5]  }
0x39: {  	_ = 	snop;
	(pc) =	sbr.ind lr, $3  }
0x3a: {  	_ = 	snop  }
0x3b: {  	_ = 	snop  }
0x3c: {  	p2 =	seq.s32 s10, $0x1;
	s10 =	sld [smem:$0x3FA4]  }
0x3d: {  	_ =	shalt  }
0x3e: {  	_ =	shalt  }
0x3f: {  	_ =	shalt  }
0x40: {  	_ =	shalt  }
0x41: {  	_ =	shalt  }
0x42: {  	_ =	shalt  }
0x43: {  	_ =	shalt  }
0x44: {  	_ =	shalt  }
0x45: {  	_ =	shalt  }
0x46: {  	_ =	shalt  }
0x47: {  	_ =	shalt  }
0x48: {  	_ =	shalt  }
0x49: {  	_ =	shalt  }
0x4a: {  	_ =	shalt  }
0x4b: {  	_ =	shalt  }
0x4c: {  	_ =	shalt  }
0x4d: {  	_ =	shalt  }
0x4e: {  	_ =	shalt  }
0x4f: {  	_ =	shalt  }
0x50: {  	_ =	shalt  }
0x51: {  	_ =	shalt  }
0x52: {  	_ =	shalt  }
0x53: {  	_ =	shalt  }
0x54: {  	_ =	shalt  }
0x55: {  	_ =	shalt  }
0x56: {  	_ =	shalt  }
0x57: {  	_ =	shalt  }
0x58: {  	_ =	shalt  }
0x59: {  	_ =	shalt  }
0x5a: {  	_ =	shalt  }
0x5b: {  	_ =	shalt  }
0x5c: {  	_ =	shalt  }
0x5d: {  	_ =	shalt  }
0x5e: {  	_ =	shalt  }
0x5f: {  	_ =	shalt  }
0x60: {  	_ =	shalt  }
0x61: {  	_ =	shalt  }
0x62: {  	_ =	shalt  }
0x63: {  	_ =	shalt  }
0x64: {  	_ =	shalt  }
0x65: {  	_ =	shalt  }
0x66: {  	_ =	shalt  }
0x67: {  	_ =	shalt  }
0x68: {  	_ =	shalt  }
0x69: {  	_ =	shalt  }
0x6a: {  	_ =	shalt  }
0x6b: {  	_ =	shalt  }
0x6c: {  	_ =	shalt  }
0x6d: {  	_ =	shalt  }
0x6e: {  	_ =	shalt  }
0x6f: {  	_ =	shalt  }
0x70: {  	_ =	shalt  }
0x71: {  	_ =	shalt  }
0x72: {  	_ =	shalt  }
0x73: {  	_ =	shalt  }
0x74: {  	_ =	shalt  }
0x75: {  	_ =	shalt  }
0x76: {  	_ =	shalt  }
0x77: {  	_ =	shalt  }
0x78: {  	_ =	shalt  }
0x79: {  	_ =	shalt  }
0x7a: {  	_ =	shalt  }
0x7b: {  	_ =	shalt  }
0x7c: {  	_ =	shalt  }
0x7d: {  	_ =	shalt  }
0x7e: {  	_ =	shalt  }
0x7f: {  	_ =	shalt  }
0x80: {  	_ =	shalt  }
0x81: {  	_ =	shalt  }
0x82: {  	_ =	shalt  }
0x83: {  	_ =	shalt  }
0x84: {  	_ =	shalt  }
0x85: {  	_ =	shalt  }
0x86: {  	_ =	shalt  }
0x87: {  	_ =	shalt  }
.Lfunc_end0:
.L_simem_size_0:
called_computation.5_lowered:
.L_overlay_start_0:
0x88: {  	s2 =	sld [smem:$0x3FD9]  }
0x89: {  	s3 =	sld [smem:$0x3FFE];
	_ =	sdelay $0x1  }
0x8a: {  	s1 =	srdreg.scid  }
0x8b: {  	s0 =	sand.u32 $0x1, s1  }
0x8c: {  	s16 =	sshll.u32 s0, $0xA;
	s2 =	sadd.s32 s3, s2  }
0x8d: {  	s2 =	sadd.s32 s2, s16  }
0x8e: {  	[smem:$0x3FB0] =	sst s2  }
0x8f: {  	_ = 	snop  }
0x90: {  	(tm) =	ssettm $0x1  }
0x91: {  	s17 =	sld [smem:$0x3FFB];
	_ =	sdelay $0x3  }
0x92: {  	_ =	strace s17  }
0x93: {  	s2 =	sld [smem:$0x3FFC];
	_ =	sdelay $0x3  }
0x94: {  	_ =	strace s2  }
0x95: {  	s2 =	sld [smem:$0x3FFD];
	_ =	sdelay $0x3  }
0x96: {  	_ =	strace s2  }
0x97: {  	_ =	strace $0x8FFFFFFF  }
0x98: {  	s18 =	sld [smem:$0x3FDB];
	_ =	sdelay $0x1  }
0x99: {  	s19 =	simm.s32 $_scs_section_size  }
0x9a: {  	s4 =	simm.s32 $_size__tile_overlayer_lowered;
	s5 =	simm.s32 $_tile_overlayer_lowered  }
0x9b: {  	s22 =	simm.s32 $0x1BFF;
	s21 =	sshll.u32 s5, $0x1;
	s2 =	sadd.s32 s19, s18  }
0x9c: {  	s6 =	simm.s32 $0x0;
	s20 =	sshll.u32 s4, $0x1;
	s4 =	sadd.s32 s21, s2  }
0x9d: {  	[timem:s6], [sflag:s22] =	dma.local [hbm:s4], s20  }
0x9e: {  	_ =	swait.ge [sflag:s22], s20  }
0x9f: {  	s3 =	ssub.s32 $0x0, s20;
	[sflag:s22] =	ssyncset.done $0x0  }
0xa0: {  	[sflag:s22] =	ssyncadd.s32 s3;
	_ =	sdelay $0x1  }
0xa1: {  	s23 =	simm.s32 $0x1B8B  }
0xa2: {  	_ =	swait.ge [sflag:s23], $0x1  }
0xa3: {  	[sflag:s23] =	ssyncset.done $0x0  }
0xa4: {  	s25 =	simm.s32 $0x1B8E;
	s24 =	sld [smem:$0x3FFE];
	[sflag:s23] =	ssyncadd.s32 $0xFFFFFFFF  }
0xa5: {  	s26 =	simm.s32 $execute0_lowered;
	[smem:$0x3FD2] =	sst s25  }
0xa6: {  	s4 =	sshll.u32 s26, $0x1;
	_ =	strace $0x80000055;
	[dreg:$0x1] =	wrdreg $0xFFFFFFFF  }
0xa7: {  	s28 =	simm.s32 $_size_execute0_lowered;
	s2 =	sadd.s32 s2, s4;
	[dreg:$0x0] =	wrdreg $0x0  }
0xa8: {  	s4 =	sshll.u32 s28, $0x1;
	[dreg:$0x2] =	wrdreg s2  }
0xa9: {  	[dreg:$0x3] =	wrdreg s4  }
0xaa: {  	[dreg:$0x4] =	wrdreg $0xC0  }
0xab: {  	_ =	task [dreg:s6], $0x5FFFF  }
0xac: {  	[dreg:$0x1] =	wrdreg $0xFFFFFFFF  }
0xad: {  	[dreg:$0x0] =	wrdreg $0x60  }
0xae: {  	[dreg:$0x2] =	wrdreg s24  }
0xaf: {  	[dreg:$0x3] =	wrdreg $0xB0800  }
0xb0: {  	[dreg:$0x4] =	wrdreg $0x9  }
0xb1: {  	_ =	task.clear_ibuf [dreg:s6], $0x5FFFF;
	_ =	strace $0x90000055  }
0xb2: {  	s29 =	simm.s32 $0x9;
	_ =	strace $0x80000057  }
0xb3: {  	_ =	swait.ge [sflag:s29], $0x1  }
0xb4: {  	[sflag:s29] =	ssyncadd.s32 $0xFFFFFFFF  }
0xb5: {  	_ =	strace $0x90000057  }
0xb6: {  	_ =	sfence  }
0xb7: {  	s30 =	sld [smem:$0x0];
	_ =	sdelay $0x2  }
0xb8: {  	s31 =	sshll.u32 s1, $0xD;
	s1 =	sshrl.u32 s1, $0x2  }
0xb9: {  	s3 =	sand.u32 $0x4000, s31;
	s1 =	sadd.s32 s1, s30  }
0xba: {  	s0 =	sor.u32 s3, s0;
	s1 =	sshll.u32 s1, $0x11  }
0xbb: {  	s0 =	sor.u32 s1, s0  }
0xbc: {  	s0 =	sadd.s32 $0x8F2B, s0  }
0xbd: {  	[sflag:s0] =	ssyncadd.remote.s32 $0x1  }
0xbe: {  	_ =	sfence.sel $0xFFFF  }
0xbf: {  	[dreg:$0x0] =	wrdreg $0xFFFFFFFF;
	(pc) =	sbr.abs _section_cstart, $3  }
0xc0: {  	[dreg:$0x1] =	wrdreg $0xFFFFFFFF  }
0xc1: {  	_ =	task.clear_ibuf [dreg:s6], $0x2FFFF;
	_ =	strace $0x9FFFFFFF  }
0xc2: {  	(tm) =	ssettm $0x7FFFFFFF  }
0xc3: {  	_ =	shalt  }
tec
execute0_lowered:
.L_overlay_start_1:
0x0: {  	(tag) =	ssettag $0x1  }
0x1: {  	s1 =	rddreg [dreg:$0x0]  }
0x2: {  	s0 =	srdreg.scid;
	s2 =	rddreg [dreg:$0x1]  }
0x3: {  	s18 =	stileid.u32;
	s3 =	simm.s32 $0x0;
	s28 =	simm.s32 $0xA800  }
0x4: {  	s29 =	simm.s32 $0xA880;
	s30 =	simm.s32 $0x10;
	s31 =	simm.s32 $0x0  }
0x5: {  	s0 =	sand.u32 $0x1, s0;
	s16 =	smul.u32 $0x2700, s18;
	s13 =	sadd.s32 $0xEFF600, s1  }
0x6: {  	[smem:$0x7FF] =	sst s3;
	s11 =	sadd.s32 $0xA98E00, s1;
	s12 =	smul.u32 $0x4E000, s18  }
0x7: {  	s15 =	sadd.s32 $0x124800, s2;
	s24 =	smul.u32 $0x13800, s18;
	p0 =	seq.s32 s18, $0xF  }
0x8: {  	s4 =	sshll.u32 s0, $0x4;
	_ =	strace $0x80000056;
	s23 =	smul.u32 $0x138800, s0  }
0x9: {  	s20 =	ssub.s32 $0x2, s0;
	s0 =	smul.u32 $0x270000, s0;
	s15 =	sshrl.u32 @p0 s15, $0x3  }
0xa: {  	s5 =	sor.u32 s18, s4;
	s19 =	sadd.s32 s16, s1;
	s16 =	smul.u32 $0x27000, s18  }
0xb: {  	s10 =	sshrl.u32 s20, $0x1;
	s22 =	sshrl.u32 s12, $0x2;
	s4 =	smul.u32 $0x500, s5  }
0xc: {  	s6 =	sshll.u32 s5, $0x4;
	s14 =	ssub.s32 s20, s10;
	s21 =	smul.u32 $0x27000, s5  }
0xd: {  	s5 =	sadd.s32 $0xA45700, s1;
	s12 =	sshrl.u32 s23, $0x3;
	s0 =	sadd.s32 s0, s13  }
0xe: {  	s20 =	simm.s32 $0x1;
	s8 =	sor.u32 $0x4E000, s6;
	s26 =	sadd.s32 s11, s12  }
0xf: {  	s12 =	smax.u32 s14, $0x1;
	s0 =	sadd.s32 s16, s0;
	s7 =	sadd.s32 s4, s1  }
0x10: {  	s17 =	sshrl.u32 s8, $0x3;
	s4 =	sadd.s32 $0xA20E00, s19;
	s25 =	sshll.u32 s8, $0x4  }
0x11: {  	s14 =	sadd.s32 $0x1000, s0;
	s0 =	sshll.u32 @!p0 s18, $0x6;
	s18 =	simm.s32 $0x3  }
0x12: {  	s19 =	simm.s32 $0x2800;
	s9 =	sadd.s32 s17, s1;
	s17 =	sadd.s32 s22, s2  }
0x13: {  	s6 =	sadd.s32 $0x1E400, s7;
	s7 =	sadd.s32 s13, s21;
	s1 =	sadd.s32 s24, s23  }
0x14: {  	s16 =	sor.u32 @!p0 $0x1C03, s0;
	s21 =	simm.s32 $0x6800;
	s22 =	simm.s32 $0x80  }
0x15: {  	s23 =	simm.s32 $0x4;
	s24 =	simm.s32 $0x2;
	s8 =	sadd.s32 $0x14600, s9  }
0x16: {  	s9 =	sadd.s32 s13, s25;
	s1 =	sshrl.u32 s1, $0x3;
	s13 =	sadd.s32 $0x26800, s7  }
0x17: {  	s17 =	sshrl.u32 @!p0 s17, $0x3;
	s10 =	sadd.s32 s11, s1;
	s11 =	sadd.s32 $0x24900, s26  }
.LBB2_1:
0x18: {  	s0 =	simm.s32 @p0 $0x1FC3  }
0x19: {  	[spmem:s15], [sflag:s0] =	dma.local @p0 [hbm:s5], $0x2800  }
0x1a: {  	s0 =	simm.s32 @p0 $0x3  }
0x1b: {  	_ =	swait.ge @p0 [sflag:s0], $0x2800  }
0x1c: {  	[sflag:s0] =	ssyncset.done @p0 $0x0  }
0x1d: {  	[sflag:s0] =	ssyncadd.s32 @p0 $0xFFFFD800;
	s0 =	simm.s32 @!p0 $0x3  }
0x1e: {  	[spmem:s17], [sflag:s16] =	dma.local @!p0 [hbm:s4], $0x2700  }
0x1f: {  	_ =	swait.ge @!p0 [sflag:s0], $0x2700  }
0x20: {  	[sflag:s0] =	ssyncset.done @!p0 $0x0  }
0x21: {  	[sflag:s0] =	ssyncadd.s32 @!p0 $0xFFFFD900  }
0x22: {  	[tilespmem:s3], [sflag:$0x3] =	stream.linear.gather [hbm4b:s6+s3], $0x2700, $0x38;
	[tilespmem:$0x1E900] =	vst v63  }
0x23: {  	_ =	swait.ge [sflag:s18], $0x2700  }
0x24: {  	[sflag:s18] =	ssyncset.done $0x0  }
0x25: {  	[sflag:s18] =	ssyncadd.s32 $0xFFFFD900  }
0x26: {  	[bflag:$0x0] =	sbarrier.arrive $0xFFFF  }
0x27: {  	[tilespmem:s19], [sflag:$0x1] =	stream.linear.gather [hbm4b:s7+s3], $0x4000, $0x38;
	[tilespmem:$0x1E900] =	vst v63  }
0x28: {  	_ =	swait.ge [sflag:s20], $0x4000  }
0x29: {  	[sflag:s20] =	ssyncset.done $0x0  }
0x2a: {  	s1 =	sadd.s32 $0xFFFFF800, s14;
	[sflag:s20] =	ssyncadd.s32 $0xFFFFC000  }
0x2b: {  	[tilespmem:s21], [sflag:$0x2] =	stream.linear.gather [hbm4b:s1+s3], $0x4000, $0x38;
	[tilespmem:$0x1E900] =	vst v63  }
0x2c: {  	s25 =	simm.s32 $0x0  }
0x2d: {  	[spmem:s2] =	stream.indirect.scatter.add.f32 [tilespmem:s19], [sflag:$0x4], $0x80, s25, s22, $0xb8;
	[tilespmem:$0x1E900] =	vst v63  }
0x2e: {  	_ =	swait.ge [sflag:s23], $0x4000  }
0x2f: {  	[sflag:s23] =	ssyncset.done $0x0  }
0x30: {  	[sflag:s23] =	ssyncadd.s32 $0xFFFFC000  }
0x31: {  	_ =	swait.ge [sflag:s24], $0x4000  }
0x32: {  	[sflag:s24] =	ssyncset.done $0x0  }
0x33: {  	[sflag:s24] =	ssyncadd.s32 $0xFFFFC000  }
0x34: {  	[tilespmem:s19], [sflag:$0x1] =	stream.linear.gather [hbm4b:s14+s3], $0x4000, $0x38;
	[tilespmem:$0x1E900] =	vst v63  }
0x35: {  	s26 =	simm.s32 $0x80  }
0x36: {  	[spmem:s2] =	stream.indirect.scatter.add.f32 [tilespmem:s21], [sflag:$0x4], $0x80, s26, s22, $0xb8;
	[tilespmem:$0x1E900] =	vst v63  }
0x37: {  	_ =	swait.ge [sflag:s23], $0x4000  }
0x38: {  	[sflag:s23] =	ssyncset.done $0x0  }
0x39: {  	[sflag:s23] =	ssyncadd.s32 $0xFFFFC000  }
0x3a: {  	s0 =	sadd.s32 $0x1000, s14;
	_ =	swait.ge [sflag:s20], $0x4000  }
0x3b: {  	s1 =	simm.s32 $0x400;
	s25 =	simm.s32 $0x800;
	[sflag:s20] =	ssyncset.done $0x0  }
.LBB2_2:
0x3c: {  	p1 =	sne.s32 s25, $0x9400;
	s26 =	sadd.s32 $0xFFFFF800, s0;
	[sflag:s20] =	ssyncadd.s32 $0xFFFFC000  }
0x3d: {  	[tilespmem:s21], [sflag:$0x2] =	stream.linear.gather [hbm4b:s26+s3], $0x4000, $0x38;
	[tilespmem:$0x1E900] =	vst v63  }
0x3e: {  	s26 =	sshra.s32 s1, $0x2;
	s1 =	smov.u32 s25;
	s25 =	sadd.s32 $0x400, s25  }
0x3f: {  	[spmem:s2] =	stream.indirect.scatter.add.f32 [tilespmem:s19], [sflag:$0x4], $0x80, s26, s22, $0xb8;
	[tilespmem:$0x1E900] =	vst v63  }
0x40: {  	_ =	swait.ge [sflag:s23], $0x4000  }
0x41: {  	[sflag:s23] =	ssyncset.done $0x0  }
0x42: {  	[sflag:s23] =	ssyncadd.s32 $0xFFFFC000  }
0x43: {  	_ =	swait.ge [sflag:s24], $0x4000  }
0x44: {  	[sflag:s24] =	ssyncset.done $0x0  }
0x45: {  	[sflag:s24] =	ssyncadd.s32 $0xFFFFC000  }
0x46: {  	[tilespmem:s19], [sflag:$0x1] =	stream.linear.gather [hbm4b:s0+s3], $0x4000, $0x38;
	[tilespmem:$0x1E900] =	vst v63  }
0x47: {  	s26 =	sadd.s32 $0x80, s26  }
0x48: {  	[spmem:s2] =	stream.indirect.scatter.add.f32 [tilespmem:s21], [sflag:$0x4], $0x80, s26, s22, $0xb8;
	[tilespmem:$0x1E900] =	vst v63  }
.Ltmp0:
0x49: {  	_ =	swait.ge [sflag:s23], $0x4000;
	(pc) =	sbr.rel @p1 .LBB2_2-.Ltmp0, $4  }
0x4a: {  	[sflag:s23] =	ssyncset.done $0x0  }
0x4b: {  	[sflag:s23] =	ssyncadd.s32 $0xFFFFC000  }
0x4c: {  	_ =	swait.ge [sflag:s20], $0x4000  }
0x4d: {  	s0 =	sadd.s32 $0x1000, s0;
	[sflag:s20] =	ssyncset.done $0x0  }
0x4e: {  	s25 =	sadd.s32 $0xFFFFF800, s0;
	[sflag:s20] =	ssyncadd.s32 $0xFFFFC000  }
0x4f: {  	[tilespmem:s21], [sflag:$0x2] =	stream.linear.gather [hbm4b:s25+s3], $0x4000, $0x38;
	[tilespmem:$0x1E900] =	vst v63  }
0x50: {  	s1 =	sshra.s32 s1, $0x2  }
0x51: {  	[spmem:s2] =	stream.indirect.scatter.add.f32 [tilespmem:s19], [sflag:$0x4], $0x80, s1, s22, $0xb8;
	[tilespmem:$0x1E900] =	vst v63  }
0x52: {  	_ =	swait.ge [sflag:s23], $0x4000  }
0x53: {  	[sflag:s23] =	ssyncset.done $0x0  }
0x54: {  	[sflag:s23] =	ssyncadd.s32 $0xFFFFC000  }
0x55: {  	_ =	swait.ge [sflag:s24], $0x4000  }
0x56: {  	[sflag:s24] =	ssyncset.done $0x0  }
0x57: {  	[sflag:s24] =	ssyncadd.s32 $0xFFFFC000  }
0x58: {  	[tilespmem:s19], [sflag:$0x1] =	stream.linear.gather [hbm4b:s0+s3], $0x4000, $0x38;
	[tilespmem:$0x1E900] =	vst v63  }
0x59: {  	s1 =	sadd.s32 $0x80, s1  }
0x5a: {  	[spmem:s2] =	stream.indirect.scatter.add.f32 [tilespmem:s21], [sflag:$0x4], $0x80, s1, s22, $0xb8;
	[tilespmem:$0x1E900] =	vst v63  }
0x5b: {  	_ =	swait.ge [sflag:s23], $0x4000  }
0x5c: {  	[sflag:s23] =	ssyncset.done $0x0  }
0x5d: {  	[sflag:s23] =	ssyncadd.s32 $0xFFFFC000  }
0x5e: {  	_ =	swait.ge [sflag:s20], $0x4000  }
0x5f: {  	[sflag:s20] =	ssyncset.done $0x0  }
0x60: {  	[sflag:s20] =	ssyncadd.s32 $0xFFFFC000  }
0x61: {  	[tilespmem:s21], [sflag:$0x2] =	stream.linear.gather [hbm4b:s13+s3], $0x4000, $0x38;
	[tilespmem:$0x1E900] =	vst v63  }
0x62: {  	s25 =	simm.s32 $0x2600  }
0x63: {  	[spmem:s2] =	stream.indirect.scatter.add.f32 [tilespmem:s19], [sflag:$0x4], $0x80, s25, s22, $0xb8;
	[tilespmem:$0x1E900] =	vst v63  }
0x64: {  	_ =	swait.ge [sflag:s23], $0x4000  }
0x65: {  	[sflag:s23] =	ssyncset.done $0x0  }
0x66: {  	[sflag:s23] =	ssyncadd.s32 $0xFFFFC000  }
0x67: {  	_ =	swait.ge [sflag:s24], $0x4000  }
0x68: {  	[sflag:s24] =	ssyncset.done $0x0  }
0x69: {  	s26 =	simm.s32 $0x2680;
	[sflag:s24] =	ssyncadd.s32 $0xFFFFC000  }
0x6a: {  	[spmem:s2] =	stream.indirect.scatter.add.f32 [tilespmem:s21], [sflag:$0x3], $0x80, s26, s22, $0xb8;
	[tilespmem:$0x1E900] =	vst v63  }
0x6b: {  	_ =	swait.ge [sflag:s18], $0x4000  }
0x6c: {  	[sflag:s18] =	ssyncset.done $0x0  }
0x6d: {  	[sflag:s18] =	ssyncadd.s32 $0xFFFFC000  }
0x6e: {  	[tilespmem:s28], [sflag:$0x3] =	stream.linear.gather [hbm4b:s8+s3], $0x10, $0x38;
	[tilespmem:$0x1E900] =	vst v63  }
0x6f: {  	_ =	swait.ge [sflag:s18], $0x10  }
0x70: {  	[sflag:s18] =	ssyncset.done $0x0  }
0x71: {  	[sflag:s18] =	ssyncadd.s32 $0xFFFFFFF0  }
0x72: {  	[tilespmem:s29], [sflag:$0x3] =	stream.linear.gather [hbm4b:s9+s3], $0x800, $0x38;
	[tilespmem:$0x1E900] =	vst v63  }
0x73: {  	_ =	swait.ge [sflag:s18], $0x800  }
0x74: {  	[sflag:s18] =	ssyncset.done $0x0  }
0x75: {  	[sflag:s18] =	ssyncadd.s32 $0xFFFFF800  }
0x76: {  	[spmem:s2] =	stream.indirect.scatter.add.f32 [tilespmem:s29], [sflag:$0x3], $0x80, s28, s30, $0xb8;
	[tilespmem:$0x1E900] =	vst v63  }
0x77: {  	_ =	swait.ge [sflag:s18], $0x800  }
0x78: {  	[sflag:s18] =	ssyncset.done $0x0  }
0x79: {  	[sflag:s18] =	ssyncadd.s32 $0xFFFFF800  }
0x7a: {  	s0 =	simm.s32 @p0 $0x1FC3;
	[bflag:$0x0] =	sbarrier.arrive $0xFFFF  }
0x7b: {  	[hbm:s11], [sflag:s0] =	dma.local @p0 [spmem:s15], $0x2800  }
0x7c: {  	s0 =	simm.s32 @p0 $0x3  }
0x7d: {  	s31 =	sadd.s32 $0x1, s31;
	_ =	swait.ge @p0 [sflag:s0], $0x2800  }
0x7e: {  	p1 =	sne.s32 s31, s12;
	[sflag:s0] =	ssyncset.done @p0 $0x0  }
.Ltmp1:
0x7f: {  	[sflag:s0] =	ssyncadd.s32 @p0 $0xFFFFD800;
	s0 =	simm.s32 @!p0 $0x3;
	(pc) =	sbr.rel @p1 .LBB2_1-.Ltmp1, $4  }
0x80: {  	[hbm:s10], [sflag:s16] =	dma.local @!p0 [spmem:s17], $0x2700  }
0x81: {  	_ =	swait.ge @!p0 [sflag:s0], $0x2700  }
0x82: {  	[sflag:s0] =	ssyncset.done @!p0 $0x0  }
0x83: {  	[sflag:s0] =	ssyncadd.s32 @!p0 $0xFFFFD900  }
0x84: {  	_ =	sfence.sel $0x180000  }
0x85: {  	[bflag:$0x0] =	sbarrier.arrive $0xFFFF  }
0x86: {  	_ =	strace $0x90000056  }
0x87: {  	s0 =	stileid.u32;
	[bflag:$0x2] =	sbarrier.arrive $0xFFFF  }
0x88: {  	p0 =	sne.s32 s0, $0x0;
	s0 =	rddreg [dreg:$0x2]  }
0x89: {  	s0 =	sadd.s32 @!p0 $0x100000, s0  }
0x8a: {  	[sflag:s0] =	ssyncadd.tile.s32 @!p0 $0x1;
	_ =	shalt  }
.Lfunc_end2:
_tile_overlayer_lowered:
.L_overlay_start_2:
0x8b: {  	(tag) =	ssettag $0x2  }
0x8c: {  	s0 =	rddreg [dreg:$0x0];
	s2 =	stileid.u32  }
0x8d: {  	s1 =	rddreg [dreg:$0x1];
	p0 =	sne.s32 s2, $0x0  }
0x8e: {  	s3 =	rddreg [dreg:$0x2];
	[bflag:$0x3] =	sbarrier.arrive $0xFFFF;
	s2 =	simm.s32 @!p0 $0x1C03  }
0x8f: {  	[timem:s3], [sflag:s2] =	dma.local @!p0 [hbm:s0], s1  }
0x90: {  	s0 =	simm.s32 @!p0 $0x3  }
0x91: {  	_ =	swait.ge @!p0 [sflag:s0], s1  }
0x92: {  	s1 =	ssub.s32 @!p0 $0x0, s1;
	[sflag:s0] =	ssyncset.done @!p0 $0x0  }
0x93: {  	[sflag:s0] =	ssyncadd.s32 @!p0 s1  }
0x94: {  	[bflag:$0x3] =	sbarrier.arrive $0xFFFF  }
0x95: {  	_ =	shalt  }

</sc_bundles>
